<compile_context>
chip_gen: v7x
topology: tpu7x:2x2x1
jax: 0.10.2.dev20260603
libtpu: 0.0.44.dev20260713+nightly
codegen_flags: <defaults>
</compile_context>

<pallas_src>
import functools
import math

import jax
import jax.numpy as jnp
from jax import lax
from jax.experimental import pallas as pl
from jax.experimental.pallas import tpu as pltpu
from jax.experimental.pallas import tpu_sc as plsc

DIM = 768
H = 8
KVH = 2
HD = DIM // H
WIN = 64
E = 16
TOPK = 2
HID = 512
S = 2048
EPS = 1e-6
FP16_MIN = -65504.0

QBLK = 256
RBLK = 256
BLK = 64
PT = TOPK * S + E * BLK
NB = PT // BLK
NW = 32
TPW = S // NW
CHUNK = 32


def _qkv_body(x_ref, w_ref, b_ref, n1_ref, q_ref, k_ref, v_ref):
    x = x_ref[...]
    h = x * lax.rsqrt(jnp.mean(x * x, axis=-1, keepdims=True) + EPS) * n1_ref[...]
    qkv = jnp.dot(h.astype(jnp.bfloat16), w_ref[...],
                  preferred_element_type=jnp.float32) + b_ref[...]
    q_ref[...] = qkv[:, :DIM].astype(jnp.bfloat16)
    k_ref[...] = qkv[:, DIM:DIM + KVH * HD].astype(jnp.bfloat16)
    v_ref[...] = qkv[:, DIM + KVH * HD:].astype(jnp.bfloat16)


def _qkv_call(x, wqkv, bqkv, n1):
    nblk = S // 256
    return pl.pallas_call(
        _qkv_body,
        grid=(nblk,),
        in_specs=[
            pl.BlockSpec((256, DIM), lambda i: (i, 0)),
            pl.BlockSpec((DIM, DIM + 2 * KVH * HD), lambda i: (0, 0)),
            pl.BlockSpec((1, DIM + 2 * KVH * HD), lambda i: (0, 0)),
            pl.BlockSpec((1, DIM), lambda i: (0, 0)),
        ],
        out_specs=[
            pl.BlockSpec((256, DIM), lambda i: (i, 0)),
            pl.BlockSpec((256, KVH * HD), lambda i: (i, 0)),
            pl.BlockSpec((256, KVH * HD), lambda i: (i, 0)),
        ],
        out_shape=[
            jax.ShapeDtypeStruct((S, DIM), jnp.bfloat16),
            jax.ShapeDtypeStruct((S, KVH * HD), jnp.bfloat16),
            jax.ShapeDtypeStruct((S, KVH * HD), jnp.bfloat16),
        ],
    )(x, wqkv, bqkv, n1)


def _attn_body(sink_ref, q_ref, kp_ref, kc_ref, vp_ref, vc_ref, o_ref):
    i = pl.program_id(0)
    sink = sink_ref[0, 0]
    r = lax.broadcasted_iota(jnp.int32, (QBLK, 2 * QBLK), 0)
    c = lax.broadcasted_iota(jnp.int32, (QBLK, 2 * QBLK), 1)
    d = QBLK + r - c
    valid = (d >= 0) & (d < WIN)
    valid = valid & ((i >= 1) | (c >= QBLK))
    scale = 1.0 / math.sqrt(HD)
    for h in range(H):
        g = h // (H // KVH)
        qh = q_ref[:, HD * h:HD * (h + 1)]
        kh = jnp.concatenate(
            [kp_ref[:, HD * g:HD * (g + 1)], kc_ref[:, HD * g:HD * (g + 1)]], axis=0)
        vh = jnp.concatenate(
            [vp_ref[:, HD * g:HD * (g + 1)], vc_ref[:, HD * g:HD * (g + 1)]], axis=0)
        s = lax.dot_general(qh, kh, (((1,), (1,)), ((), ())),
                            preferred_element_type=jnp.float32) * scale
        s = jnp.where(valid, s, FP16_MIN)
        m = jnp.maximum(jnp.max(s, axis=-1, keepdims=True), sink)
        p = jnp.exp(s - m)
        denom = jnp.sum(p, axis=-1, keepdims=True) + jnp.exp(sink - m)
        o = jnp.dot(p.astype(jnp.bfloat16), vh,
                    preferred_element_type=jnp.float32) / denom
        o_ref[:, HD * h:HD * (h + 1)] = o.astype(jnp.bfloat16)


def _attn_call(sink, q, k, v):
    nblk = S // QBLK
    prev_map = lambda i: (jnp.maximum(i - 1, 0), 0)
    cur_map = lambda i: (i, 0)
    return pl.pallas_call(
        _attn_body,
        grid=(nblk,),
        in_specs=[
            pl.BlockSpec((1, 1), lambda i: (0, 0)),
            pl.BlockSpec((QBLK, DIM), cur_map),
            pl.BlockSpec((QBLK, KVH * HD), prev_map),
            pl.BlockSpec((QBLK, KVH * HD), cur_map),
            pl.BlockSpec((QBLK, KVH * HD), prev_map),
            pl.BlockSpec((QBLK, KVH * HD), cur_map),
        ],
        out_specs=pl.BlockSpec((QBLK, DIM), cur_map),
        out_shape=jax.ShapeDtypeStruct((S, DIM), jnp.bfloat16),
    )(sink, q, k, k, v, v)


def _post_body(x_ref, a_ref, ow_ref, ob_ref, n2_ref, rw_ref, rb_ref,
               x2_ref, h2_ref, e1_ref, e2_ref, r1_ref, r2_ref, w1_ref, w2_ref,
               g_ref, rps_ref):
    i = pl.program_id(0)

    @pl.when(i == 0)
    def _():
        g_ref[...] = jnp.zeros_like(g_ref)
        rps_ref[...] = jnp.zeros_like(rps_ref)

    x2 = (jnp.dot(a_ref[...], ow_ref[...], preferred_element_type=jnp.float32)
          + ob_ref[...] + x_ref[...])
    x2_ref[...] = x2
    h2 = x2 * lax.rsqrt(jnp.mean(x2 * x2, axis=-1, keepdims=True) + EPS) * n2_ref[...]
    h2_ref[...] = h2
    logits = (jnp.dot(h2, rw_ref[...], preferred_element_type=jnp.float32)
              + rb_ref[...]) * 10.0
    idx = lax.broadcasted_iota(jnp.int32, (RBLK, E), 1)
    m1 = jnp.max(logits, axis=-1, keepdims=True)
    i1 = jnp.min(jnp.where(logits == m1, idx, E + 1), axis=-1, keepdims=True)
    l2 = jnp.where(idx == i1, -jnp.inf, logits)
    m2 = jnp.max(l2, axis=-1, keepdims=True)
    i2 = jnp.min(jnp.where(l2 == m2, idx, E + 1), axis=-1, keepdims=True)
    b = jnp.exp(m2 - m1)
    w1 = 1.0 / (1.0 + b)
    w2 = b * w1
    p = jnp.exp(logits - m1)
    rp = p / jnp.sum(p, axis=-1, keepdims=True)
    rps_ref[0, 0, :] += jnp.sum(rp, axis=0)
    hot = (idx == i1).astype(jnp.float32) + (idx == i2).astype(jnp.float32)
    ri = lax.broadcasted_iota(jnp.int32, (RBLK, RBLK), 0)
    ci = lax.broadcasted_iota(jnp.int32, (RBLK, RBLK), 1)
    lt = (ci < ri).astype(jnp.float32)
    prev = g_ref[0, 0, :]
    cnt = prev[None, :] + jnp.dot(lt, hot, preferred_element_type=jnp.float32)
    g_ref[0, 0, :] = prev + jnp.sum(hot, axis=0)
    r1 = jnp.sum(jnp.where(idx == i1, cnt, 0.0), axis=-1)
    r2 = jnp.sum(jnp.where(idx == i2, cnt, 0.0), axis=-1)
    e1_ref[...] = i1[:, 0].reshape(1, 1, RBLK)
    e2_ref[...] = i2[:, 0].reshape(1, 1, RBLK)
    r1_ref[...] = r1.astype(jnp.int32).reshape(1, 1, RBLK)
    r2_ref[...] = r2.astype(jnp.int32).reshape(1, 1, RBLK)
    w1_ref[...] = w1[:, 0].reshape(1, 1, RBLK)
    w2_ref[...] = w2[:, 0].reshape(1, 1, RBLK)


def _post_call(x, attn, ow, ob, n2, rw, rb):
    nblk = S // RBLK
    small = lambda dt: jax.ShapeDtypeStruct((nblk, 1, RBLK), dt)
    small_spec = pl.BlockSpec((1, 1, RBLK), lambda i: (i, 0, 0))
    return pl.pallas_call(
        _post_body,
        grid=(nblk,),
        in_specs=[
            pl.BlockSpec((RBLK, DIM), lambda i: (i, 0)),
            pl.BlockSpec((RBLK, DIM), lambda i: (i, 0)),
            pl.BlockSpec((DIM, DIM), lambda i: (0, 0)),
            pl.BlockSpec((1, DIM), lambda i: (0, 0)),
            pl.BlockSpec((1, DIM), lambda i: (0, 0)),
            pl.BlockSpec((DIM, E), lambda i: (0, 0)),
            pl.BlockSpec((1, E), lambda i: (0, 0)),
        ],
        out_specs=[
            pl.BlockSpec((RBLK, DIM), lambda i: (i, 0)),
            pl.BlockSpec((RBLK, DIM), lambda i: (i, 0)),
            small_spec, small_spec, small_spec, small_spec, small_spec, small_spec,
            pl.BlockSpec((1, 1, E), lambda i: (0, 0, 0)),
            pl.BlockSpec((1, 1, E), lambda i: (0, 0, 0)),
        ],
        out_shape=[
            jax.ShapeDtypeStruct((S, DIM), jnp.float32),
            jax.ShapeDtypeStruct((S, DIM), jnp.float32),
            small(jnp.int32), small(jnp.int32), small(jnp.int32), small(jnp.int32),
            small(jnp.float32), small(jnp.float32),
            jax.ShapeDtypeStruct((1, 1, E), jnp.float32),
            jax.ShapeDtypeStruct((1, 1, E), jnp.float32),
        ],
    )(x, attn, ow, ob, n2, rw, rb)


def _sc_dispatch_call(h2, e1, r1, e2, r2, g):
    mesh = plsc.VectorSubcoreMesh(core_axis_name="c", subcore_axis_name="s")

    @functools.partial(
        pl.kernel, mesh=mesh,
        compiler_params=pltpu.CompilerParams(needs_layout_passes=False),
        out_type=[
            jax.ShapeDtypeStruct((PT, DIM), jnp.float32),
            jax.ShapeDtypeStruct((S,), jnp.int32),
            jax.ShapeDtypeStruct((S,), jnp.int32),
            jax.ShapeDtypeStruct((NB,), jnp.int32),
        ],
        scratch_types=[
            pltpu.VMEM((E,), jnp.int32),
            pltpu.VMEM((E,), jnp.int32),
            pltpu.VMEM((TPW,), jnp.int32),
            pltpu.VMEM((TPW,), jnp.int32),
            pltpu.VMEM((TPW,), jnp.int32),
            pltpu.VMEM((TPW,), jnp.int32),
            pltpu.VMEM((TPW,), jnp.int32),
            pltpu.VMEM((TPW,), jnp.int32),
            pltpu.VMEM((TPW, DIM), jnp.float32),
            pltpu.VMEM((NB,), jnp.int32),
            pltpu.SemaphoreType.DMA,
            pltpu.SemaphoreType.DMA,
        ],
    )
    def disp(h2_hbm, e1_hbm, r1_hbm, e2_hbm, r2_hbm, g_hbm,
             a_hbm, p1_hbm, p2_hbm, be_hbm,
             g_v, po_v, e1_v, r1_v, e2_v, r2_v, p1_v, p2_v, rows_v, be_v,
             sem1, sem2):
        wid = lax.axis_index("s") * 2 + lax.axis_index("c")
        base = wid * TPW
        pltpu.sync_copy(g_hbm, g_v)
        gv = g_v[...]
        rounded = ((gv + (BLK - 1)) >> 6) << 6
        lane = lax.iota(jnp.int32, 16)
        po_v[...] = rounded
        for sft in (1, 2, 4, 8):
            cur = po_v[...]
            shifted = plsc.load_gather(po_v, [jnp.maximum(lane - sft, 0)])
            po_v[...] = cur + jnp.where(lane >= sft, shifted, 0)
        po_v[...] = po_v[...] - rounded
        pltpu.sync_copy(e1_hbm.at[pl.ds(base, TPW)], e1_v)
        pltpu.sync_copy(r1_hbm.at[pl.ds(base, TPW)], r1_v)
        pltpu.sync_copy(e2_hbm.at[pl.ds(base, TPW)], e2_v)
        pltpu.sync_copy(r2_hbm.at[pl.ds(base, TPW)], r2_v)
        for j in range(TPW // 16):
            sl = pl.ds(j * 16, 16)
            p1_v[sl] = plsc.load_gather(po_v, [e1_v[sl]]) + r1_v[sl]
            p2_v[sl] = plsc.load_gather(po_v, [e2_v[sl]]) + r2_v[sl]
        pltpu.sync_copy(p1_v, p1_hbm.at[pl.ds(base, TPW)])
        pltpu.sync_copy(p2_v, p2_hbm.at[pl.ds(base, TPW)])
        pltpu.sync_copy(h2_hbm.at[pl.ds(base, TPW)], rows_v)
        cp1 = pltpu.async_copy(rows_v, a_hbm.at[p1_v], sem1)
        cp2 = pltpu.async_copy(rows_v, a_hbm.at[p2_v], sem2)

        @pl.when(wid == 0)
        def _():
            for bv in range(NB // 16):
                bidx = (lax.iota(jnp.int32, 16) + bv * 16) * BLK
                acc = jnp.zeros((16,), jnp.int32)
                for e in range(E):
                    poe = plsc.load_gather(po_v, [jnp.full((16,), e, jnp.int32)])
                    acc += jnp.where(bidx >= poe, 1, 0)
                be_v[pl.ds(bv * 16, 16)] = acc - 1
            pltpu.sync_copy(be_v, be_hbm)

        cp1.wait()
        cp2.wait()

    return disp(h2, e1, r1, e2, r2, g)


def _ffn_body(be_ref, a_ref, w1_ref, b1_ref, w2_ref, b2_ref, y_ref,
              w1c_ref, w2c_ref):
    b = pl.program_id(0)
    changed = (b == 0) | (be_ref[b] != be_ref[jnp.maximum(b - 1, 0)])

    @pl.when(changed)
    def _():
        w1c_ref[...] = w1_ref[0].astype(jnp.bfloat16)
        w2c_ref[...] = w2_ref[0].astype(jnp.bfloat16)

    a = a_ref[...].astype(jnp.bfloat16)
    hm = jnp.dot(a, w1c_ref[...], preferred_element_type=jnp.float32) + b1_ref[0]
    hm = hm * jax.nn.sigmoid(hm)
    y_ref[...] = jnp.dot(hm.astype(jnp.bfloat16), w2c_ref[...],
                         preferred_element_type=jnp.float32) + b2_ref[0]


def _ffn_call(be, a, w1, b1, w2, b2):
    grid_spec = pltpu.PrefetchScalarGridSpec(
        num_scalar_prefetch=1,
        grid=(NB,),
        in_specs=[
            pl.BlockSpec((BLK, DIM), lambda b, be: (b, 0)),
            pl.BlockSpec((1, DIM, HID), lambda b, be: (be[b], 0, 0)),
            pl.BlockSpec((1, 1, HID), lambda b, be: (be[b], 0, 0)),
            pl.BlockSpec((1, HID, DIM), lambda b, be: (be[b], 0, 0)),
            pl.BlockSpec((1, 1, DIM), lambda b, be: (be[b], 0, 0)),
        ],
        out_specs=pl.BlockSpec((BLK, DIM), lambda b, be: (b, 0)),
        scratch_shapes=[
            pltpu.VMEM((DIM, HID), jnp.bfloat16),
            pltpu.VMEM((HID, DIM), jnp.bfloat16),
        ],
    )
    return pl.pallas_call(
        _ffn_body,
        grid_spec=grid_spec,
        out_shape=jax.ShapeDtypeStruct((PT, DIM), jnp.float32),
    )(be, a, w1, b1.reshape(E, 1, HID), w2, b2.reshape(E, 1, DIM))


def _sc_combine_call(x2, y, p1, p2, w1, w2):
    mesh = plsc.VectorSubcoreMesh(core_axis_name="c", subcore_axis_name="s")

    @functools.partial(
        pl.kernel, mesh=mesh,
        compiler_params=pltpu.CompilerParams(needs_layout_passes=False),
        out_type=jax.ShapeDtypeStruct((S, DIM), jnp.float32),
        scratch_types=[
            pltpu.VMEM((CHUNK,), jnp.int32),
            pltpu.VMEM((CHUNK,), jnp.int32),
            pltpu.VMEM((CHUNK,), jnp.float32),
            pltpu.VMEM((CHUNK,), jnp.float32),
            pltpu.VMEM((CHUNK, DIM), jnp.float32),
            pltpu.VMEM((CHUNK, DIM), jnp.float32),
            pltpu.VMEM((CHUNK, DIM), jnp.float32),
            pltpu.SemaphoreType.DMA,
            pltpu.SemaphoreType.DMA,
        ],
    )
    def comb(x2_hbm, y_hbm, p1_hbm, p2_hbm, w1_hbm, w2_hbm, out_hbm,
             p1_v, p2_v, w1_v, w2_v, y1_v, y2_v, xr_v, sem1, sem2):
        wid = lax.axis_index("s") * 2 + lax.axis_index("c")
        for ci in range(TPW // CHUNK):
            cbase = wid * TPW + ci * CHUNK
            pltpu.sync_copy(p1_hbm.at[pl.ds(cbase, CHUNK)], p1_v)
            pltpu.sync_copy(p2_hbm.at[pl.ds(cbase, CHUNK)], p2_v)
            pltpu.sync_copy(w1_hbm.at[pl.ds(cbase, CHUNK)], w1_v)
            pltpu.sync_copy(w2_hbm.at[pl.ds(cbase, CHUNK)], w2_v)
            cp1 = pltpu.async_copy(y_hbm.at[p1_v], y1_v, sem1)
            cp2 = pltpu.async_copy(y_hbm.at[p2_v], y2_v, sem2)
            pltpu.sync_copy(x2_hbm.at[pl.ds(cbase, CHUNK)], xr_v)
            cp1.wait()
            cp2.wait()

            def row_fn(i, _):
                s1 = plsc.load_gather(w1_v, [jnp.full((16,), i, jnp.int32)])
                s2 = plsc.load_gather(w2_v, [jnp.full((16,), i, jnp.int32)])
                for cc in range(DIM // 16):
                    sl = pl.ds(cc * 16, 16)
                    xr_v[i, sl] = (xr_v[i, sl] + y1_v[i, sl] * s1
                                   + y2_v[i, sl] * s2)
                return 0

            lax.fori_loop(0, CHUNK, row_fn, 0)
            pltpu.sync_copy(xr_v, out_hbm.at[pl.ds(cbase, CHUNK)])

    return comb(x2, y, p1, p2, w1, w2)


def kernel(x, norm1_w, q_w, q_b, k_w, k_b, v_w, v_b, o_w, o_b, sink_bias,
           norm2_w, router_w, router_b, W1, b1, W2, b2):
    xf = x.reshape(S, DIM)
    wqkv = jnp.concatenate([q_w, k_w, v_w], axis=1).astype(jnp.bfloat16)
    bqkv = jnp.concatenate([q_b, k_b, v_b]).reshape(1, -1)
    q, k, v = _qkv_call(xf, wqkv, bqkv, norm1_w.reshape(1, DIM))
    attn = _attn_call(jnp.reshape(sink_bias, (1, 1)), q, k, v)
    (x2, h2, e1, e2, r1, r2, w1t, w2t, g, rps) = _post_call(
        xf, attn, o_w.astype(jnp.bfloat16), o_b.reshape(1, DIM),
        norm2_w.reshape(1, DIM), router_w, router_b.reshape(1, E))
    e1 = e1.reshape(S)
    e2 = e2.reshape(S)
    r1 = r1.reshape(S)
    r2 = r2.reshape(S)
    w1t = w1t.reshape(S)
    w2t = w2t.reshape(S)
    gi = g.reshape(E).astype(jnp.int32)
    a, p1, p2, be = _sc_dispatch_call(h2, e1, r1, e2, r2, gi)
    y = _ffn_call(be, a, W1, b1, W2, b2)
    out = _sc_combine_call(x2, y, p1, p2, w1t, w2t)
    rpsf = rps.reshape(E)
    aux = jnp.sum(rpsf * rpsf) / E * 1e-05
    return out.reshape(1, S, DIM), aux

# --- scband reference (transcript-rebuilt; emitter-appended) ---
"""Pipeline reference for scband-swablock-2164663517571 (READ-ONLY COPY).

The authoritative reference and input builder live on the scoring server;
editing this copy changes nothing except your own understanding.
"""

import jax, jax.numpy as jnp
import numpy as np

DIM = 768; H = 8; KVH = 2; HD = DIM // H; WIN = 64
E = 16; TOPK = 2; HID = 512; B = 1; S = 2048
EPS = 1e-6; FP16_MIN = -65504.0


def _rmsnorm(x, w):
    return x * jax.lax.rsqrt(jnp.mean(x * x, axis=-1, keepdims=True) + EPS) * w


def setup_inputs(seed: int = 0) -> dict:
    key = jax.random.key(seed)
    ks = jax.random.split(key, 8)
    def w(k, shape, scale=0.02):
        return jax.random.normal(k, shape, dtype=jnp.float32) * scale
    return {
        "x": jax.random.normal(ks[0], (B, S, DIM), dtype=jnp.float32),
        "norm1_w": jnp.ones((DIM,), jnp.float32),
        "q_w": w(ks[1], (DIM, H * HD)), "q_b": jnp.zeros((H * HD,), jnp.float32),
        "k_w": w(ks[2], (DIM, KVH * HD)), "k_b": jnp.zeros((KVH * HD,), jnp.float32),
        "v_w": w(ks[3], (DIM, KVH * HD)), "v_b": jnp.zeros((KVH * HD,), jnp.float32),
        "o_w": w(ks[4], (H * HD, DIM)), "o_b": jnp.zeros((DIM,), jnp.float32),
        "sink_bias": jnp.zeros((), jnp.float32),
        "norm2_w": jnp.ones((DIM,), jnp.float32),
        "router_w": w(ks[5], (DIM, E)), "router_b": jnp.zeros((E,), jnp.float32),
        "W1": w(ks[6], (E, DIM, HID)), "b1": jnp.zeros((E, HID), jnp.float32),
        "W2": w(ks[7], (E, HID, DIM)), "b2": jnp.zeros((E, DIM), jnp.float32),
    }


def _forward(x, norm1_w, q_w, q_b, k_w, k_b, v_w, v_b, o_w, o_b, sink_bias,
             norm2_w, router_w, router_b, W1, b1, W2, b2):
    b, s, d = x.shape
    # Sliding window attention with attention sink
    h = _rmsnorm(x, norm1_w)
    q = (h @ q_w + q_b).reshape(b, s, H, HD).transpose(0, 2, 1, 3)
    k = (h @ k_w + k_b).reshape(b, s, KVH, HD).transpose(0, 2, 1, 3)
    v = (h @ v_w + v_b).reshape(b, s, KVH, HD).transpose(0, 2, 1, 3)
    k = jnp.repeat(k, H // KVH, axis=1)
    v = jnp.repeat(v, H // KVH, axis=1)
    aw = jnp.matmul(q, k.transpose(0, 1, 3, 2)) / np.sqrt(HD)
    ones = jnp.ones((s, s), dtype=bool)
    mask = jnp.triu(ones, k=-(WIN - 1)) & jnp.tril(ones, k=0)
    aw = jnp.where(mask, aw, FP16_MIN)
    m = jnp.maximum(jnp.max(aw, axis=-1, keepdims=True), sink_bias)
    aw = jnp.exp(aw - m)
    sink = jnp.exp(sink_bias - m)
    aw = aw / (jnp.sum(aw, axis=-1, keepdims=True) + sink)
    attn_out = jnp.matmul(aw, v).transpose(0, 2, 1, 3).reshape(b, s, d)
    x = x + attn_out @ o_w + o_b
    # MoE FFN
    h2 = _rmsnorm(x, norm2_w)
    xf = h2.reshape(-1, d)
    logits = (xf @ router_w + router_b) / 0.1
    tv, ti = jax.lax.top_k(logits, TOPK)
    tw = jax.nn.softmax(tv, axis=-1)
    rp = jax.nn.softmax(logits, axis=-1)
    aux = jnp.sum(jnp.sum(rp, axis=0) ** 2) / E * 1e-05
    # combine weights [N, E]; equivalent to masked dispatch + scatter_add in torch
    combine = jnp.sum(jax.nn.one_hot(ti, E, dtype=xf.dtype) * tw[..., None], axis=1)
    hmid = jax.nn.silu(jnp.einsum('nd,edh->neh', xf, W1) + b1[None])
    eout = jnp.einsum('neh,ehd->ned', hmid, W2) + b2[None]
    ffn = jnp.einsum('ned,ne->nd', eout, combine)
    x = x + ffn.reshape(b, s, d)
    return x, aux


def reference(x, norm1_w, q_w, q_b, k_w, k_b, v_w, v_b, o_w, o_b, sink_bias,
              norm2_w, router_w, router_b, W1, b1, W2, b2):
    return _forward(x, norm1_w, q_w, q_b, k_w, k_b, v_w, v_b, o_w, o_b, sink_bias,
                    norm2_w, router_w, router_b, W1, b1, W2, b2)

if __name__ == "__main__":
    import jax
    _d = setup_inputs()
    print(jax.jit(kernel)(*tuple(_d.values())))

</pallas_src>

<mosaic_0001>
#map = affine_map<(d0, d1) -> (0, 0)>
#map1 = affine_map<(d0, d1) -> (0)>
module attributes {stable_mosaic.version = 14 : i64} {
  func.func @disp(%arg0: i32, %arg1: i32, %arg2: memref<2048x768xf32, #tpu.memory_space<hbm>>, %arg3: memref<2048xi32, #tpu.memory_space<hbm>>, %arg4: memref<2048xi32, #tpu.memory_space<hbm>>, %arg5: memref<2048xi32, #tpu.memory_space<hbm>>, %arg6: memref<2048xi32, #tpu.memory_space<hbm>>, %arg7: memref<16xi32, #tpu.memory_space<hbm>>, %arg8: memref<5120x768xf32, #tpu.memory_space<hbm>>, %arg9: memref<2048xi32, #tpu.memory_space<hbm>>, %arg10: memref<2048xi32, #tpu.memory_space<hbm>>, %arg11: memref<80xi32, #tpu.memory_space<hbm>>, %arg12: memref<16xi32, #tpu.memory_space<vmem>>, %arg13: memref<16xi32, #tpu.memory_space<vmem>>, %arg14: memref<64xi32, #tpu.memory_space<vmem>>, %arg15: memref<64xi32, #tpu.memory_space<vmem>>, %arg16: memref<64xi32, #tpu.memory_space<vmem>>, %arg17: memref<64xi32, #tpu.memory_space<vmem>>, %arg18: memref<64xi32, #tpu.memory_space<vmem>>, %arg19: memref<64xi32, #tpu.memory_space<vmem>>, %arg20: memref<64x768xf32, #tpu.memory_space<vmem>>, %arg21: memref<80xi32, #tpu.memory_space<vmem>>, %arg22: memref<!tpu.dma_semaphore, #tpu.memory_space<semaphore_mem>>, %arg23: memref<!tpu.dma_semaphore, #tpu.memory_space<semaphore_mem>>) attributes {dimension_semantics = [#tpu.dimension_semantics<core_parallel>, #tpu.dimension_semantics<subcore_parallel>], iteration_bounds = array<i64: 2, 16>, scalar_prefetch = 0 : i64, scratch_operands = 12 : i64, tpu.core_type = #tpu.core_type<sc_vector_subcore>, window_params = [{transform_indices = #map}, {transform_indices = #map1}, {transform_indices = #map1}, {transform_indices = #map1}, {transform_indices = #map1}, {transform_indices = #map1}, {transform_indices = #map}, {transform_indices = #map1}, {transform_indices = #map1}, {transform_indices = #map1}]} {
    %mul3A = arith.constant 2 : i32
    %mul3A_0 = arith.muli %arg1, %mul3A : i32
    %add3A = arith.addi %mul3A_0, %arg0 : i32
    %mul3A_1 = arith.constant 64 : i32
    %mul3A_2 = arith.muli %add3A, %mul3A_1 : i32
    "tpu.region"() ({
      %run_scoped3A = tpu.sem_alloc : memref<!tpu.dma_semaphore, #tpu.memory_space<semaphore_mem>>
      tpu.enqueue_dma source(%arg7 : memref<16xi32, #tpu.memory_space<hbm>>) target(%arg12 : memref<16xi32, #tpu.memory_space<vmem>>) target_semaphore(%run_scoped3A : memref<!tpu.dma_semaphore, #tpu.memory_space<semaphore_mem>>)
      tpu.wait_dma2 semaphore(%run_scoped3A : memref<!tpu.dma_semaphore, #tpu.memory_space<semaphore_mem>>) src(%arg7 : memref<16xi32, #tpu.memory_space<hbm>>) dst(%arg12 : memref<16xi32, #tpu.memory_space<vmem>>)
      tpu.yield
    }) : () -> ()
    %get3A = arith.constant 0 : index
    %get3A_3 = tpu.vector_load %arg12[%get3A] {strides = array<i32>} : memref<16xi32, #tpu.memory_space<vmem>>, vector<16xi32>,
    %add3A_4 = arith.constant 63 : i32
    %add3A_5 = vector.broadcast %add3A_4 : i32 to vector<16xi32>
    %add3A_6 = arith.addi %get3A_3, %add3A_5 : vector<16xi32>
    %shift_right_arithmetic3A = arith.constant 6 : i32
    %shift_right_arithmetic3A_7 = vector.broadcast %shift_right_arithmetic3A : i32 to vector<16xi32>
    %shift_right_arithmetic3A_8 = arith.shrsi %add3A_6, %shift_right_arithmetic3A_7 : vector<16xi32>
    %shift_left3A = arith.constant 6 : i32
    %shift_left3A_9 = vector.broadcast %shift_left3A : i32 to vector<16xi32>
    %shift_left3A_10 = arith.shli %shift_right_arithmetic3A_8, %shift_left3A_9 : vector<16xi32>
    %iota3A = tpu.iota {dimensions = array<i32: 0>} : vector<16xi32>
    %swap3A = arith.constant 0 : index
    %swap3A_11 = tpu.vector_load %arg13[%swap3A] {strides = array<i32>} : memref<16xi32, #tpu.memory_space<vmem>>, vector<16xi32>,
    tpu.vector_store %arg13[%swap3A], %shift_left3A_10 {strides = array<i32>} : memref<16xi32, #tpu.memory_space<vmem>>, vector<16xi32>,
    %get3A_12 = arith.constant 0 : index
    %get3A_13 = tpu.vector_load %arg13[%get3A_12] {strides = array<i32>} : memref<16xi32, #tpu.memory_space<vmem>>, vector<16xi32>,
    %sub3A = arith.constant 1 : i32
    %sub3A_14 = vector.broadcast %sub3A : i32 to vector<16xi32>
    %sub3A_15 = arith.subi %iota3A, %sub3A_14 : vector<16xi32>
    %max3A = arith.constant 0 : i32
    %max3A_16 = vector.broadcast %max3A : i32 to vector<16xi32>
    %max3A_17 = arith.maxsi %sub3A_15, %max3A_16 : vector<16xi32>
    %gather3A = tpu.vector_load_idx %arg13[%max3A_17] : memref<16xi32, #tpu.memory_space<vmem>>[vector<16xi32>], vector<16xi32>,
    %ge3A = arith.constant 1 : i32
    %ge3A_18 = vector.broadcast %ge3A : i32 to vector<16xi32>
    %ge3A_19 = arith.cmpi sge, %iota3A, %ge3A_18 : vector<16xi32>
    %jit3A = arith.constant 0 : i32
    %broadcast_in_dim3A = vector.broadcast %jit3A : i32 to vector<16xi32>
    %select_n3A = arith.select %ge3A_19, %gather3A, %broadcast_in_dim3A : vector<16xi1>, vector<16xi32>
    %add3A_20 = arith.addi %get3A_13, %select_n3A : vector<16xi32>
    %swap3A_21 = arith.constant 0 : index
    %swap3A_22 = tpu.vector_load %arg13[%swap3A_21] {strides = array<i32>} : memref<16xi32, #tpu.memory_space<vmem>>, vector<16xi32>,
    tpu.vector_store %arg13[%swap3A_21], %add3A_20 {strides = array<i32>} : memref<16xi32, #tpu.memory_space<vmem>>, vector<16xi32>,
    %get3A_23 = arith.constant 0 : index
    %get3A_24 = tpu.vector_load %arg13[%get3A_23] {strides = array<i32>} : memref<16xi32, #tpu.memory_space<vmem>>, vector<16xi32>,
    %sub3A_25 = arith.constant 2 : i32
    %sub3A_26 = vector.broadcast %sub3A_25 : i32 to vector<16xi32>
    %sub3A_27 = arith.subi %iota3A, %sub3A_26 : vector<16xi32>
    %max3A_28 = arith.constant 0 : i32
    %max3A_29 = vector.broadcast %max3A_28 : i32 to vector<16xi32>
    %max3A_30 = arith.maxsi %sub3A_27, %max3A_29 : vector<16xi32>
    %gather3A_31 = tpu.vector_load_idx %arg13[%max3A_30] : memref<16xi32, #tpu.memory_space<vmem>>[vector<16xi32>], vector<16xi32>,
    %ge3A_32 = arith.constant 2 : i32
    %ge3A_33 = vector.broadcast %ge3A_32 : i32 to vector<16xi32>
    %ge3A_34 = arith.cmpi sge, %iota3A, %ge3A_33 : vector<16xi32>
    %jit3A_35 = arith.constant 0 : i32
    %broadcast_in_dim3A_36 = vector.broadcast %jit3A_35 : i32 to vector<16xi32>
    %select_n3A_37 = arith.select %ge3A_34, %gather3A_31, %broadcast_in_dim3A_36 : vector<16xi1>, vector<16xi32>
    %add3A_38 = arith.addi %get3A_24, %select_n3A_37 : vector<16xi32>
    %swap3A_39 = arith.constant 0 : index
    %swap3A_40 = tpu.vector_load %arg13[%swap3A_39] {strides = array<i32>} : memref<16xi32, #tpu.memory_space<vmem>>, vector<16xi32>,
    tpu.vector_store %arg13[%swap3A_39], %add3A_38 {strides = array<i32>} : memref<16xi32, #tpu.memory_space<vmem>>, vector<16xi32>,
    %get3A_41 = arith.constant 0 : index
    %get3A_42 = tpu.vector_load %arg13[%get3A_41] {strides = array<i32>} : memref<16xi32, #tpu.memory_space<vmem>>, vector<16xi32>,
    %sub3A_43 = arith.constant 4 : i32
    %sub3A_44 = vector.broadcast %sub3A_43 : i32 to vector<16xi32>
    %sub3A_45 = arith.subi %iota3A, %sub3A_44 : vector<16xi32>
    %max3A_46 = arith.constant 0 : i32
    %max3A_47 = vector.broadcast %max3A_46 : i32 to vector<16xi32>
    %max3A_48 = arith.maxsi %sub3A_45, %max3A_47 : vector<16xi32>
    %gather3A_49 = tpu.vector_load_idx %arg13[%max3A_48] : memref<16xi32, #tpu.memory_space<vmem>>[vector<16xi32>], vector<16xi32>,
    %ge3A_50 = arith.constant 4 : i32
    %ge3A_51 = vector.broadcast %ge3A_50 : i32 to vector<16xi32>
    %ge3A_52 = arith.cmpi sge, %iota3A, %ge3A_51 : vector<16xi32>
    %jit3A_53 = arith.constant 0 : i32
    %broadcast_in_dim3A_54 = vector.broadcast %jit3A_53 : i32 to vector<16xi32>
    %select_n3A_55 = arith.select %ge3A_52, %gather3A_49, %broadcast_in_dim3A_54 : vector<16xi1>, vector<16xi32>
    %add3A_56 = arith.addi %get3A_42, %select_n3A_55 : vector<16xi32>
    %swap3A_57 = arith.constant 0 : index
    %swap3A_58 = tpu.vector_load %arg13[%swap3A_57] {strides = array<i32>} : memref<16xi32, #tpu.memory_space<vmem>>, vector<16xi32>,
    tpu.vector_store %arg13[%swap3A_57], %add3A_56 {strides = array<i32>} : memref<16xi32, #tpu.memory_space<vmem>>, vector<16xi32>,
    %get3A_59 = arith.constant 0 : index
    %get3A_60 = tpu.vector_load %arg13[%get3A_59] {strides = array<i32>} : memref<16xi32, #tpu.memory_space<vmem>>, vector<16xi32>,
    %sub3A_61 = arith.constant 8 : i32
    %sub3A_62 = vector.broadcast %sub3A_61 : i32 to vector<16xi32>
    %sub3A_63 = arith.subi %iota3A, %sub3A_62 : vector<16xi32>
    %max3A_64 = arith.constant 0 : i32
    %max3A_65 = vector.broadcast %max3A_64 : i32 to vector<16xi32>
    %max3A_66 = arith.maxsi %sub3A_63, %max3A_65 : vector<16xi32>
    %gather3A_67 = tpu.vector_load_idx %arg13[%max3A_66] : memref<16xi32, #tpu.memory_space<vmem>>[vector<16xi32>], vector<16xi32>,
    %ge3A_68 = arith.constant 8 : i32
    %ge3A_69 = vector.broadcast %ge3A_68 : i32 to vector<16xi32>
    %ge3A_70 = arith.cmpi sge, %iota3A, %ge3A_69 : vector<16xi32>
    %jit3A_71 = arith.constant 0 : i32
    %broadcast_in_dim3A_72 = vector.broadcast %jit3A_71 : i32 to vector<16xi32>
    %select_n3A_73 = arith.select %ge3A_70, %gather3A_67, %broadcast_in_dim3A_72 : vector<16xi1>, vector<16xi32>
    %add3A_74 = arith.addi %get3A_60, %select_n3A_73 : vector<16xi32>
    %swap3A_75 = arith.constant 0 : index
    %swap3A_76 = tpu.vector_load %arg13[%swap3A_75] {strides = array<i32>} : memref<16xi32, #tpu.memory_space<vmem>>, vector<16xi32>,
    tpu.vector_store %arg13[%swap3A_75], %add3A_74 {strides = array<i32>} : memref<16xi32, #tpu.memory_space<vmem>>, vector<16xi32>,
    %get3A_77 = arith.constant 0 : index
    %get3A_78 = tpu.vector_load %arg13[%get3A_77] {strides = array<i32>} : memref<16xi32, #tpu.memory_space<vmem>>, vector<16xi32>,
    %sub3A_79 = arith.subi %get3A_78, %shift_left3A_10 : vector<16xi32>
    %swap3A_80 = arith.constant 0 : index
    %swap3A_81 = tpu.vector_load %arg13[%swap3A_80] {strides = array<i32>} : memref<16xi32, #tpu.memory_space<vmem>>, vector<16xi32>,
    tpu.vector_store %arg13[%swap3A_80], %sub3A_79 {strides = array<i32>} : memref<16xi32, #tpu.memory_space<vmem>>, vector<16xi32>,
    "tpu.region"() ({
      %run_scoped3A = tpu.sem_alloc : memref<!tpu.dma_semaphore, #tpu.memory_space<semaphore_mem>>
      %dma_start3A_158 = tpu.memref_slice %arg3[%mul3A_2] : memref<2048xi32, #tpu.memory_space<hbm>> -> memref<64xi32, #tpu.memory_space<hbm>>
      %dma_start3A_159 = tpu.memref_slice %arg3[%mul3A_2] : memref<2048xi32, #tpu.memory_space<hbm>> -> memref<64xi32, #tpu.memory_space<hbm>>
      tpu.enqueue_dma source(%dma_start3A_159 : memref<64xi32, #tpu.memory_space<hbm>>) target(%arg14 : memref<64xi32, #tpu.memory_space<vmem>>) target_semaphore(%run_scoped3A : memref<!tpu.dma_semaphore, #tpu.memory_space<semaphore_mem>>)
      %dma_wait3A_160 = tpu.memref_slice %arg3[%mul3A_2] : memref<2048xi32, #tpu.memory_space<hbm>> -> memref<64xi32, #tpu.memory_space<hbm>>
      %dma_wait3A_161 = tpu.memref_slice %arg3[%mul3A_2] : memref<2048xi32, #tpu.memory_space<hbm>> -> memref<64xi32, #tpu.memory_space<hbm>>
      tpu.wait_dma2 semaphore(%run_scoped3A : memref<!tpu.dma_semaphore, #tpu.memory_space<semaphore_mem>>) src(%dma_wait3A_161 : memref<64xi32, #tpu.memory_space<hbm>>) dst(%arg14 : memref<64xi32, #tpu.memory_space<vmem>>)
      tpu.yield
    }) : () -> ()
    "tpu.region"() ({
      %run_scoped3A = tpu.sem_alloc : memref<!tpu.dma_semaphore, #tpu.memory_space<semaphore_mem>>
      %dma_start3A_158 = tpu.memref_slice %arg4[%mul3A_2] : memref<2048xi32, #tpu.memory_space<hbm>> -> memref<64xi32, #tpu.memory_space<hbm>>
      %dma_start3A_159 = tpu.memref_slice %arg4[%mul3A_2] : memref<2048xi32, #tpu.memory_space<hbm>> -> memref<64xi32, #tpu.memory_space<hbm>>
      tpu.enqueue_dma source(%dma_start3A_159 : memref<64xi32, #tpu.memory_space<hbm>>) target(%arg15 : memref<64xi32, #tpu.memory_space<vmem>>) target_semaphore(%run_scoped3A : memref<!tpu.dma_semaphore, #tpu.memory_space<semaphore_mem>>)
      %dma_wait3A_160 = tpu.memref_slice %arg4[%mul3A_2] : memref<2048xi32, #tpu.memory_space<hbm>> -> memref<64xi32, #tpu.memory_space<hbm>>
      %dma_wait3A_161 = tpu.memref_slice %arg4[%mul3A_2] : memref<2048xi32, #tpu.memory_space<hbm>> -> memref<64xi32, #tpu.memory_space<hbm>>
      tpu.wait_dma2 semaphore(%run_scoped3A : memref<!tpu.dma_semaphore, #tpu.memory_space<semaphore_mem>>) src(%dma_wait3A_161 : memref<64xi32, #tpu.memory_space<hbm>>) dst(%arg15 : memref<64xi32, #tpu.memory_space<vmem>>)
      tpu.yield
    }) : () -> ()
    "tpu.region"() ({
      %run_scoped3A = tpu.sem_alloc : memref<!tpu.dma_semaphore, #tpu.memory_space<semaphore_mem>>
      %dma_start3A_158 = tpu.memref_slice %arg5[%mul3A_2] : memref<2048xi32, #tpu.memory_space<hbm>> -> memref<64xi32, #tpu.memory_space<hbm>>
      %dma_start3A_159 = tpu.memref_slice %arg5[%mul3A_2] : memref<2048xi32, #tpu.memory_space<hbm>> -> memref<64xi32, #tpu.memory_space<hbm>>
      tpu.enqueue_dma source(%dma_start3A_159 : memref<64xi32, #tpu.memory_space<hbm>>) target(%arg16 : memref<64xi32, #tpu.memory_space<vmem>>) target_semaphore(%run_scoped3A : memref<!tpu.dma_semaphore, #tpu.memory_space<semaphore_mem>>)
      %dma_wait3A_160 = tpu.memref_slice %arg5[%mul3A_2] : memref<2048xi32, #tpu.memory_space<hbm>> -> memref<64xi32, #tpu.memory_space<hbm>>
      %dma_wait3A_161 = tpu.memref_slice %arg5[%mul3A_2] : memref<2048xi32, #tpu.memory_space<hbm>> -> memref<64xi32, #tpu.memory_space<hbm>>
      tpu.wait_dma2 semaphore(%run_scoped3A : memref<!tpu.dma_semaphore, #tpu.memory_space<semaphore_mem>>) src(%dma_wait3A_161 : memref<64xi32, #tpu.memory_space<hbm>>) dst(%arg16 : memref<64xi32, #tpu.memory_space<vmem>>)
      tpu.yield
    }) : () -> ()
    "tpu.region"() ({
      %run_scoped3A = tpu.sem_alloc : memref<!tpu.dma_semaphore, #tpu.memory_space<semaphore_mem>>
      %dma_start3A_158 = tpu.memref_slice %arg6[%mul3A_2] : memref<2048xi32, #tpu.memory_space<hbm>> -> memref<64xi32, #tpu.memory_space<hbm>>
      %dma_start3A_159 = tpu.memref_slice %arg6[%mul3A_2] : memref<2048xi32, #tpu.memory_space<hbm>> -> memref<64xi32, #tpu.memory_space<hbm>>
      tpu.enqueue_dma source(%dma_start3A_159 : memref<64xi32, #tpu.memory_space<hbm>>) target(%arg17 : memref<64xi32, #tpu.memory_space<vmem>>) target_semaphore(%run_scoped3A : memref<!tpu.dma_semaphore, #tpu.memory_space<semaphore_mem>>)
      %dma_wait3A_160 = tpu.memref_slice %arg6[%mul3A_2] : memref<2048xi32, #tpu.memory_space<hbm>> -> memref<64xi32, #tpu.memory_space<hbm>>
      %dma_wait3A_161 = tpu.memref_slice %arg6[%mul3A_2] : memref<2048xi32, #tpu.memory_space<hbm>> -> memref<64xi32, #tpu.memory_space<hbm>>
      tpu.wait_dma2 semaphore(%run_scoped3A : memref<!tpu.dma_semaphore, #tpu.memory_space<semaphore_mem>>) src(%dma_wait3A_161 : memref<64xi32, #tpu.memory_space<hbm>>) dst(%arg17 : memref<64xi32, #tpu.memory_space<vmem>>)
      tpu.yield
    }) : () -> ()
    %get3A_82 = arith.constant 0 : index
    %get3A_83 = tpu.vector_load %arg14[%get3A_82] {strides = array<i32>} : memref<64xi32, #tpu.memory_space<vmem>>, vector<16xi32>,
    %gather3A_84 = tpu.vector_load_idx %arg13[%get3A_83] : memref<16xi32, #tpu.memory_space<vmem>>[vector<16xi32>], vector<16xi32>,
    %get3A_85 = arith.constant 0 : index
    %get3A_86 = tpu.vector_load %arg15[%get3A_85] {strides = array<i32>} : memref<64xi32, #tpu.memory_space<vmem>>, vector<16xi32>,
    %add3A_87 = arith.addi %gather3A_84, %get3A_86 : vector<16xi32>
    %swap3A_88 = arith.constant 0 : index
    %swap3A_89 = tpu.vector_load %arg18[%swap3A_88] {strides = array<i32>} : memref<64xi32, #tpu.memory_space<vmem>>, vector<16xi32>,
    tpu.vector_store %arg18[%swap3A_88], %add3A_87 {strides = array<i32>} : memref<64xi32, #tpu.memory_space<vmem>>, vector<16xi32>,
    %get3A_90 = arith.constant 0 : index
    %get3A_91 = tpu.vector_load %arg16[%get3A_90] {strides = array<i32>} : memref<64xi32, #tpu.memory_space<vmem>>, vector<16xi32>,
    %gather3A_92 = tpu.vector_load_idx %arg13[%get3A_91] : memref<16xi32, #tpu.memory_space<vmem>>[vector<16xi32>], vector<16xi32>,
    %get3A_93 = arith.constant 0 : index
    %get3A_94 = tpu.vector_load %arg17[%get3A_93] {strides = array<i32>} : memref<64xi32, #tpu.memory_space<vmem>>, vector<16xi32>,
    %add3A_95 = arith.addi %gather3A_92, %get3A_94 : vector<16xi32>
    %swap3A_96 = arith.constant 0 : index
    %swap3A_97 = tpu.vector_load %arg19[%swap3A_96] {strides = array<i32>} : memref<64xi32, #tpu.memory_space<vmem>>, vector<16xi32>,
    tpu.vector_store %arg19[%swap3A_96], %add3A_95 {strides = array<i32>} : memref<64xi32, #tpu.memory_space<vmem>>, vector<16xi32>,
    %get3A_98 = arith.constant 16 : index
    %get3A_99 = tpu.vector_load %arg14[%get3A_98] {strides = array<i32>} : memref<64xi32, #tpu.memory_space<vmem>>, vector<16xi32>,
    %gather3A_100 = tpu.vector_load_idx %arg13[%get3A_99] : memref<16xi32, #tpu.memory_space<vmem>>[vector<16xi32>], vector<16xi32>,
    %get3A_101 = arith.constant 16 : index
    %get3A_102 = tpu.vector_load %arg15[%get3A_101] {strides = array<i32>} : memref<64xi32, #tpu.memory_space<vmem>>, vector<16xi32>,
    %add3A_103 = arith.addi %gather3A_100, %get3A_102 : vector<16xi32>
    %swap3A_104 = arith.constant 16 : index
    %swap3A_105 = tpu.vector_load %arg18[%swap3A_104] {strides = array<i32>} : memref<64xi32, #tpu.memory_space<vmem>>, vector<16xi32>,
    tpu.vector_store %arg18[%swap3A_104], %add3A_103 {strides = array<i32>} : memref<64xi32, #tpu.memory_space<vmem>>, vector<16xi32>,
    %get3A_106 = arith.constant 16 : index
    %get3A_107 = tpu.vector_load %arg16[%get3A_106] {strides = array<i32>} : memref<64xi32, #tpu.memory_space<vmem>>, vector<16xi32>,
    %gather3A_108 = tpu.vector_load_idx %arg13[%get3A_107] : memref<16xi32, #tpu.memory_space<vmem>>[vector<16xi32>], vector<16xi32>,
    %get3A_109 = arith.constant 16 : index
    %get3A_110 = tpu.vector_load %arg17[%get3A_109] {strides = array<i32>} : memref<64xi32, #tpu.memory_space<vmem>>, vector<16xi32>,
    %add3A_111 = arith.addi %gather3A_108, %get3A_110 : vector<16xi32>
    %swap3A_112 = arith.constant 16 : index
    %swap3A_113 = tpu.vector_load %arg19[%swap3A_112] {strides = array<i32>} : memref<64xi32, #tpu.memory_space<vmem>>, vector<16xi32>,
    tpu.vector_store %arg19[%swap3A_112], %add3A_111 {strides = array<i32>} : memref<64xi32, #tpu.memory_space<vmem>>, vector<16xi32>,
    %get3A_114 = arith.constant 32 : index
    %get3A_115 = tpu.vector_load %arg14[%get3A_114] {strides = array<i32>} : memref<64xi32, #tpu.memory_space<vmem>>, vector<16xi32>,
    %gather3A_116 = tpu.vector_load_idx %arg13[%get3A_115] : memref<16xi32, #tpu.memory_space<vmem>>[vector<16xi32>], vector<16xi32>,
    %get3A_117 = arith.constant 32 : index
    %get3A_118 = tpu.vector_load %arg15[%get3A_117] {strides = array<i32>} : memref<64xi32, #tpu.memory_space<vmem>>, vector<16xi32>,
    %add3A_119 = arith.addi %gather3A_116, %get3A_118 : vector<16xi32>
    %swap3A_120 = arith.constant 32 : index
    %swap3A_121 = tpu.vector_load %arg18[%swap3A_120] {strides = array<i32>} : memref<64xi32, #tpu.memory_space<vmem>>, vector<16xi32>,
    tpu.vector_store %arg18[%swap3A_120], %add3A_119 {strides = array<i32>} : memref<64xi32, #tpu.memory_space<vmem>>, vector<16xi32>,
    %get3A_122 = arith.constant 32 : index
    %get3A_123 = tpu.vector_load %arg16[%get3A_122] {strides = array<i32>} : memref<64xi32, #tpu.memory_space<vmem>>, vector<16xi32>,
    %gather3A_124 = tpu.vector_load_idx %arg13[%get3A_123] : memref<16xi32, #tpu.memory_space<vmem>>[vector<16xi32>], vector<16xi32>,
    %get3A_125 = arith.constant 32 : index
    %get3A_126 = tpu.vector_load %arg17[%get3A_125] {strides = array<i32>} : memref<64xi32, #tpu.memory_space<vmem>>, vector<16xi32>,
    %add3A_127 = arith.addi %gather3A_124, %get3A_126 : vector<16xi32>
    %swap3A_128 = arith.constant 32 : index
    %swap3A_129 = tpu.vector_load %arg19[%swap3A_128] {strides = array<i32>} : memref<64xi32, #tpu.memory_space<vmem>>, vector<16xi32>,
    tpu.vector_store %arg19[%swap3A_128], %add3A_127 {strides = array<i32>} : memref<64xi32, #tpu.memory_space<vmem>>, vector<16xi32>,
    %get3A_130 = arith.constant 48 : index
    %get3A_131 = tpu.vector_load %arg14[%get3A_130] {strides = array<i32>} : memref<64xi32, #tpu.memory_space<vmem>>, vector<16xi32>,
    %gather3A_132 = tpu.vector_load_idx %arg13[%get3A_131] : memref<16xi32, #tpu.memory_space<vmem>>[vector<16xi32>], vector<16xi32>,
    %get3A_133 = arith.constant 48 : index
    %get3A_134 = tpu.vector_load %arg15[%get3A_133] {strides = array<i32>} : memref<64xi32, #tpu.memory_space<vmem>>, vector<16xi32>,
    %add3A_135 = arith.addi %gather3A_132, %get3A_134 : vector<16xi32>
    %swap3A_136 = arith.constant 48 : index
    %swap3A_137 = tpu.vector_load %arg18[%swap3A_136] {strides = array<i32>} : memref<64xi32, #tpu.memory_space<vmem>>, vector<16xi32>,
    tpu.vector_store %arg18[%swap3A_136], %add3A_135 {strides = array<i32>} : memref<64xi32, #tpu.memory_space<vmem>>, vector<16xi32>,
    %get3A_138 = arith.constant 48 : index
    %get3A_139 = tpu.vector_load %arg16[%get3A_138] {strides = array<i32>} : memref<64xi32, #tpu.memory_space<vmem>>, vector<16xi32>,
    %gather3A_140 = tpu.vector_load_idx %arg13[%get3A_139] : memref<16xi32, #tpu.memory_space<vmem>>[vector<16xi32>], vector<16xi32>,
    %get3A_141 = arith.constant 48 : index
    %get3A_142 = tpu.vector_load %arg17[%get3A_141] {strides = array<i32>} : memref<64xi32, #tpu.memory_space<vmem>>, vector<16xi32>,
    %add3A_143 = arith.addi %gather3A_140, %get3A_142 : vector<16xi32>
    %swap3A_144 = arith.constant 48 : index
    %swap3A_145 = tpu.vector_load %arg19[%swap3A_144] {strides = array<i32>} : memref<64xi32, #tpu.memory_space<vmem>>, vector<16xi32>,
    tpu.vector_store %arg19[%swap3A_144], %add3A_143 {strides = array<i32>} : memref<64xi32, #tpu.memory_space<vmem>>, vector<16xi32>,
    "tpu.region"() ({
      %run_scoped3A = tpu.sem_alloc : memref<!tpu.dma_semaphore, #tpu.memory_space<semaphore_mem>>
      %dma_start3A_158 = tpu.memref_slice %arg9[%mul3A_2] : memref<2048xi32, #tpu.memory_space<hbm>> -> memref<64xi32, #tpu.memory_space<hbm>>
      %dma_start3A_159 = tpu.memref_slice %arg9[%mul3A_2] : memref<2048xi32, #tpu.memory_space<hbm>> -> memref<64xi32, #tpu.memory_space<hbm>>
      tpu.enqueue_dma source(%arg18 : memref<64xi32, #tpu.memory_space<vmem>>) target(%dma_start3A_159 : memref<64xi32, #tpu.memory_space<hbm>>) target_semaphore(%run_scoped3A : memref<!tpu.dma_semaphore, #tpu.memory_space<semaphore_mem>>)
      %dma_wait3A_160 = tpu.memref_slice %arg9[%mul3A_2] : memref<2048xi32, #tpu.memory_space<hbm>> -> memref<64xi32, #tpu.memory_space<hbm>>
      %dma_wait3A_161 = tpu.memref_slice %arg9[%mul3A_2] : memref<2048xi32, #tpu.memory_space<hbm>> -> memref<64xi32, #tpu.memory_space<hbm>>
      tpu.wait_dma2 semaphore(%run_scoped3A : memref<!tpu.dma_semaphore, #tpu.memory_space<semaphore_mem>>) src(%arg18 : memref<64xi32, #tpu.memory_space<vmem>>) dst(%dma_wait3A_161 : memref<64xi32, #tpu.memory_space<hbm>>)
      tpu.yield
    }) : () -> ()
    "tpu.region"() ({
      %run_scoped3A = tpu.sem_alloc : memref<!tpu.dma_semaphore, #tpu.memory_space<semaphore_mem>>
      %dma_start3A_158 = tpu.memref_slice %arg10[%mul3A_2] : memref<2048xi32, #tpu.memory_space<hbm>> -> memref<64xi32, #tpu.memory_space<hbm>>
      %dma_start3A_159 = tpu.memref_slice %arg10[%mul3A_2] : memref<2048xi32, #tpu.memory_space<hbm>> -> memref<64xi32, #tpu.memory_space<hbm>>
      tpu.enqueue_dma source(%arg19 : memref<64xi32, #tpu.memory_space<vmem>>) target(%dma_start3A_159 : memref<64xi32, #tpu.memory_space<hbm>>) target_semaphore(%run_scoped3A : memref<!tpu.dma_semaphore, #tpu.memory_space<semaphore_mem>>)
      %dma_wait3A_160 = tpu.memref_slice %arg10[%mul3A_2] : memref<2048xi32, #tpu.memory_space<hbm>> -> memref<64xi32, #tpu.memory_space<hbm>>
      %dma_wait3A_161 = tpu.memref_slice %arg10[%mul3A_2] : memref<2048xi32, #tpu.memory_space<hbm>> -> memref<64xi32, #tpu.memory_space<hbm>>
      tpu.wait_dma2 semaphore(%run_scoped3A : memref<!tpu.dma_semaphore, #tpu.memory_space<semaphore_mem>>) src(%arg19 : memref<64xi32, #tpu.memory_space<vmem>>) dst(%dma_wait3A_161 : memref<64xi32, #tpu.memory_space<hbm>>)
      tpu.yield
    }) : () -> ()
    "tpu.region"() ({
      %run_scoped3A = tpu.sem_alloc : memref<!tpu.dma_semaphore, #tpu.memory_space<semaphore_mem>>
      %dma_start3A_158 = arith.constant 0 : i32
      %dma_start3A_159 = tpu.memref_slice %arg2[%mul3A_2, %dma_start3A_158] : memref<2048x768xf32, #tpu.memory_space<hbm>> -> memref<64x768xf32, #tpu.memory_space<hbm>>
      %dma_start3A_160 = arith.constant 0 : i32
      %dma_start3A_161 = tpu.memref_slice %arg2[%mul3A_2, %dma_start3A_160] : memref<2048x768xf32, #tpu.memory_space<hbm>> -> memref<64x768xf32, #tpu.memory_space<hbm>>
      tpu.enqueue_dma source(%dma_start3A_161 : memref<64x768xf32, #tpu.memory_space<hbm>>) target(%arg20 : memref<64x768xf32, #tpu.memory_space<vmem>>) target_semaphore(%run_scoped3A : memref<!tpu.dma_semaphore, #tpu.memory_space<semaphore_mem>>)
      %dma_wait3A_162 = arith.constant 0 : i32
      %dma_wait3A_163 = tpu.memref_slice %arg2[%mul3A_2, %dma_wait3A_162] : memref<2048x768xf32, #tpu.memory_space<hbm>> -> memref<64x768xf32, #tpu.memory_space<hbm>>
      %dma_wait3A_164 = arith.constant 0 : i32
      %dma_wait3A_165 = tpu.memref_slice %arg2[%mul3A_2, %dma_wait3A_164] : memref<2048x768xf32, #tpu.memory_space<hbm>> -> memref<64x768xf32, #tpu.memory_space<hbm>>
      tpu.wait_dma2 semaphore(%run_scoped3A : memref<!tpu.dma_semaphore, #tpu.memory_space<semaphore_mem>>) src(%dma_wait3A_165 : memref<64x768xf32, #tpu.memory_space<hbm>>) dst(%arg20 : memref<64x768xf32, #tpu.memory_space<vmem>>)
      tpu.yield
    }) : () -> ()
    %dma_start3A = arith.constant 0 : i32
    %dma_start3A_146 = arith.constant 0 : i32
    %dma_start3A_147 = tpu.memref_slice %arg8[%dma_start3A, %dma_start3A_146] : memref<5120x768xf32, #tpu.memory_space<hbm>> -> memref<5120x768xf32, #tpu.memory_space<hbm>>
    tpu.enqueue_indirect_dma source(%arg20 : memref<64x768xf32, #tpu.memory_space<vmem>>) target(%dma_start3A_147 : memref<5120x768xf32, #tpu.memory_space<hbm>>) offsets(%arg18 : memref<64xi32, #tpu.memory_space<vmem>>) semaphore(%arg22 : memref<!tpu.dma_semaphore, #tpu.memory_space<semaphore_mem>>)
    %dma_start3A_148 = arith.constant 0 : i32
    %dma_start3A_149 = arith.constant 0 : i32
    %dma_start3A_150 = tpu.memref_slice %arg8[%dma_start3A_148, %dma_start3A_149] : memref<5120x768xf32, #tpu.memory_space<hbm>> -> memref<5120x768xf32, #tpu.memory_space<hbm>>
    tpu.enqueue_indirect_dma source(%arg20 : memref<64x768xf32, #tpu.memory_space<vmem>>) target(%dma_start3A_150 : memref<5120x768xf32, #tpu.memory_space<hbm>>) offsets(%arg19 : memref<64xi32, #tpu.memory_space<vmem>>) semaphore(%arg23 : memref<!tpu.dma_semaphore, #tpu.memory_space<semaphore_mem>>)
    %eq3A = arith.constant 0 : i32
    %eq3A_151 = arith.cmpi eq, %add3A, %eq3A : i32
    %convert_element_type3A = arith.extui %eq3A_151 : i1 to i32
    %cond3A = arith.constant 0 : i32
    %cond3A_152 = arith.cmpi ne, %convert_element_type3A, %cond3A : i32
    scf.if %cond3A_152 {
      %iota3A_158 = tpu.iota {dimensions = array<i32: 0>} : vector<16xi32>
      %add3A_159 = arith.constant 0 : i32
      %add3A_160 = vector.broadcast %add3A_159 : i32 to vector<16xi32>
      %add3A_161 = arith.addi %iota3A_158, %add3A_160 : vector<16xi32>
      %mul3A_162 = arith.constant 64 : i32
      %mul3A_163 = vector.broadcast %mul3A_162 : i32 to vector<16xi32>
      %mul3A_164 = arith.muli %add3A_161, %mul3A_163 : vector<16xi32>
      %broadcast_in_dim3A_165 = arith.constant 0 : i32
      %broadcast_in_dim3A_166 = vector.broadcast %broadcast_in_dim3A_165 : i32 to vector<16xi32>
      %broadcast_in_dim3A_167 = arith.constant 0 : i32
      %broadcast_in_dim3A_168 = vector.broadcast %broadcast_in_dim3A_167 : i32 to vector<16xi32>
      %gather3A_169 = tpu.vector_load_idx %arg13[%broadcast_in_dim3A_168] : memref<16xi32, #tpu.memory_space<vmem>>[vector<16xi32>], vector<16xi32>,
      %ge3A_170 = arith.cmpi sge, %mul3A_164, %gather3A_169 : vector<16xi32>
      %jit3A_171 = arith.constant 1 : i32
      %jit3A_172 = arith.constant 0 : i32
      %broadcast_in_dim3A_173 = vector.broadcast %jit3A_171 : i32 to vector<16xi32>
      %broadcast_in_dim3A_174 = vector.broadcast %jit3A_172 : i32 to vector<16xi32>
      %select_n3A_175 = arith.select %ge3A_170, %broadcast_in_dim3A_173, %broadcast_in_dim3A_174 : vector<16xi1>, vector<16xi32>
      %add3A_176 = arith.addi %broadcast_in_dim3A_166, %select_n3A_175 : vector<16xi32>
      %broadcast_in_dim3A_177 = arith.constant 1 : i32
      %broadcast_in_dim3A_178 = vector.broadcast %broadcast_in_dim3A_177 : i32 to vector<16xi32>
      %gather3A_179 = tpu.vector_load_idx %arg13[%broadcast_in_dim3A_178] : memref<16xi32, #tpu.memory_space<vmem>>[vector<16xi32>], vector<16xi32>,
      %ge3A_180 = arith.cmpi sge, %mul3A_164, %gather3A_179 : vector<16xi32>
      %jit3A_181 = arith.constant 1 : i32
      %jit3A_182 = arith.constant 0 : i32
      %broadcast_in_dim3A_183 = vector.broadcast %jit3A_181 : i32 to vector<16xi32>
      %broadcast_in_dim3A_184 = vector.broadcast %jit3A_182 : i32 to vector<16xi32>
      %select_n3A_185 = arith.select %ge3A_180, %broadcast_in_dim3A_183, %broadcast_in_dim3A_184 : vector<16xi1>, vector<16xi32>
      %add3A_186 = arith.addi %add3A_176, %select_n3A_185 : vector<16xi32>
      %broadcast_in_dim3A_187 = arith.constant 2 : i32
      %broadcast_in_dim3A_188 = vector.broadcast %broadcast_in_dim3A_187 : i32 to vector<16xi32>
      %gather3A_189 = tpu.vector_load_idx %arg13[%broadcast_in_dim3A_188] : memref<16xi32, #tpu.memory_space<vmem>>[vector<16xi32>], vector<16xi32>,
      %ge3A_190 = arith.cmpi sge, %mul3A_164, %gather3A_189 : vector<16xi32>
      %jit3A_191 = arith.constant 1 : i32
      %jit3A_192 = arith.constant 0 : i32
      %broadcast_in_dim3A_193 = vector.broadcast %jit3A_191 : i32 to vector<16xi32>
      %broadcast_in_dim3A_194 = vector.broadcast %jit3A_192 : i32 to vector<16xi32>
      %select_n3A_195 = arith.select %ge3A_190, %broadcast_in_dim3A_193, %broadcast_in_dim3A_194 : vector<16xi1>, vector<16xi32>
      %add3A_196 = arith.addi %add3A_186, %select_n3A_195 : vector<16xi32>
      %broadcast_in_dim3A_197 = arith.constant 3 : i32
      %broadcast_in_dim3A_198 = vector.broadcast %broadcast_in_dim3A_197 : i32 to vector<16xi32>
      %gather3A_199 = tpu.vector_load_idx %arg13[%broadcast_in_dim3A_198] : memref<16xi32, #tpu.memory_space<vmem>>[vector<16xi32>], vector<16xi32>,
      %ge3A_200 = arith.cmpi sge, %mul3A_164, %gather3A_199 : vector<16xi32>
      %jit3A_201 = arith.constant 1 : i32
      %jit3A_202 = arith.constant 0 : i32
      %broadcast_in_dim3A_203 = vector.broadcast %jit3A_201 : i32 to vector<16xi32>
      %broadcast_in_dim3A_204 = vector.broadcast %jit3A_202 : i32 to vector<16xi32>
      %select_n3A_205 = arith.select %ge3A_200, %broadcast_in_dim3A_203, %broadcast_in_dim3A_204 : vector<16xi1>, vector<16xi32>
      %add3A_206 = arith.addi %add3A_196, %select_n3A_205 : vector<16xi32>
      %broadcast_in_dim3A_207 = arith.constant 4 : i32
      %broadcast_in_dim3A_208 = vector.broadcast %broadcast_in_dim3A_207 : i32 to vector<16xi32>
      %gather3A_209 = tpu.vector_load_idx %arg13[%broadcast_in_dim3A_208] : memref<16xi32, #tpu.memory_space<vmem>>[vector<16xi32>], vector<16xi32>,
      %ge3A_210 = arith.cmpi sge, %mul3A_164, %gather3A_209 : vector<16xi32>
      %jit3A_211 = arith.constant 1 : i32
      %jit3A_212 = arith.constant 0 : i32
      %broadcast_in_dim3A_213 = vector.broadcast %jit3A_211 : i32 to vector<16xi32>
      %broadcast_in_dim3A_214 = vector.broadcast %jit3A_212 : i32 to vector<16xi32>
      %select_n3A_215 = arith.select %ge3A_210, %broadcast_in_dim3A_213, %broadcast_in_dim3A_214 : vector<16xi1>, vector<16xi32>
      %add3A_216 = arith.addi %add3A_206, %select_n3A_215 : vector<16xi32>
      %broadcast_in_dim3A_217 = arith.constant 5 : i32
      %broadcast_in_dim3A_218 = vector.broadcast %broadcast_in_dim3A_217 : i32 to vector<16xi32>
      %gather3A_219 = tpu.vector_load_idx %arg13[%broadcast_in_dim3A_218] : memref<16xi32, #tpu.memory_space<vmem>>[vector<16xi32>], vector<16xi32>,
      %ge3A_220 = arith.cmpi sge, %mul3A_164, %gather3A_219 : vector<16xi32>
      %jit3A_221 = arith.constant 1 : i32
      %jit3A_222 = arith.constant 0 : i32
      %broadcast_in_dim3A_223 = vector.broadcast %jit3A_221 : i32 to vector<16xi32>
      %broadcast_in_dim3A_224 = vector.broadcast %jit3A_222 : i32 to vector<16xi32>
      %select_n3A_225 = arith.select %ge3A_220, %broadcast_in_dim3A_223, %broadcast_in_dim3A_224 : vector<16xi1>, vector<16xi32>
      %add3A_226 = arith.addi %add3A_216, %select_n3A_225 : vector<16xi32>
      %broadcast_in_dim3A_227 = arith.constant 6 : i32
      %broadcast_in_dim3A_228 = vector.broadcast %broadcast_in_dim3A_227 : i32 to vector<16xi32>
      %gather3A_229 = tpu.vector_load_idx %arg13[%broadcast_in_dim3A_228] : memref<16xi32, #tpu.memory_space<vmem>>[vector<16xi32>], vector<16xi32>,
      %ge3A_230 = arith.cmpi sge, %mul3A_164, %gather3A_229 : vector<16xi32>
      %jit3A_231 = arith.constant 1 : i32
      %jit3A_232 = arith.constant 0 : i32
      %broadcast_in_dim3A_233 = vector.broadcast %jit3A_231 : i32 to vector<16xi32>
      %broadcast_in_dim3A_234 = vector.broadcast %jit3A_232 : i32 to vector<16xi32>
      %select_n3A_235 = arith.select %ge3A_230, %broadcast_in_dim3A_233, %broadcast_in_dim3A_234 : vector<16xi1>, vector<16xi32>
      %add3A_236 = arith.addi %add3A_226, %select_n3A_235 : vector<16xi32>
      %broadcast_in_dim3A_237 = arith.constant 7 : i32
      %broadcast_in_dim3A_238 = vector.broadcast %broadcast_in_dim3A_237 : i32 to vector<16xi32>
      %gather3A_239 = tpu.vector_load_idx %arg13[%broadcast_in_dim3A_238] : memref<16xi32, #tpu.memory_space<vmem>>[vector<16xi32>], vector<16xi32>,
      %ge3A_240 = arith.cmpi sge, %mul3A_164, %gather3A_239 : vector<16xi32>
      %jit3A_241 = arith.constant 1 : i32
      %jit3A_242 = arith.constant 0 : i32
      %broadcast_in_dim3A_243 = vector.broadcast %jit3A_241 : i32 to vector<16xi32>
      %broadcast_in_dim3A_244 = vector.broadcast %jit3A_242 : i32 to vector<16xi32>
      %select_n3A_245 = arith.select %ge3A_240, %broadcast_in_dim3A_243, %broadcast_in_dim3A_244 : vector<16xi1>, vector<16xi32>
      %add3A_246 = arith.addi %add3A_236, %select_n3A_245 : vector<16xi32>
      %broadcast_in_dim3A_247 = arith.constant 8 : i32
      %broadcast_in_dim3A_248 = vector.broadcast %broadcast_in_dim3A_247 : i32 to vector<16xi32>
      %gather3A_249 = tpu.vector_load_idx %arg13[%broadcast_in_dim3A_248] : memref<16xi32, #tpu.memory_space<vmem>>[vector<16xi32>], vector<16xi32>,
      %ge3A_250 = arith.cmpi sge, %mul3A_164, %gather3A_249 : vector<16xi32>
      %jit3A_251 = arith.constant 1 : i32
      %jit3A_252 = arith.constant 0 : i32
      %broadcast_in_dim3A_253 = vector.broadcast %jit3A_251 : i32 to vector<16xi32>
      %broadcast_in_dim3A_254 = vector.broadcast %jit3A_252 : i32 to vector<16xi32>
      %select_n3A_255 = arith.select %ge3A_250, %broadcast_in_dim3A_253, %broadcast_in_dim3A_254 : vector<16xi1>, vector<16xi32>
      %add3A_256 = arith.addi %add3A_246, %select_n3A_255 : vector<16xi32>
      %broadcast_in_dim3A_257 = arith.constant 9 : i32
      %broadcast_in_dim3A_258 = vector.broadcast %broadcast_in_dim3A_257 : i32 to vector<16xi32>
      %gather3A_259 = tpu.vector_load_idx %arg13[%broadcast_in_dim3A_258] : memref<16xi32, #tpu.memory_space<vmem>>[vector<16xi32>], vector<16xi32>,
      %ge3A_260 = arith.cmpi sge, %mul3A_164, %gather3A_259 : vector<16xi32>
      %jit3A_261 = arith.constant 1 : i32
      %jit3A_262 = arith.constant 0 : i32
      %broadcast_in_dim3A_263 = vector.broadcast %jit3A_261 : i32 to vector<16xi32>
      %broadcast_in_dim3A_264 = vector.broadcast %jit3A_262 : i32 to vector<16xi32>
      %select_n3A_265 = arith.select %ge3A_260, %broadcast_in_dim3A_263, %broadcast_in_dim3A_264 : vector<16xi1>, vector<16xi32>
      %add3A_266 = arith.addi %add3A_256, %select_n3A_265 : vector<16xi32>
      %broadcast_in_dim3A_267 = arith.constant 10 : i32
      %broadcast_in_dim3A_268 = vector.broadcast %broadcast_in_dim3A_267 : i32 to vector<16xi32>
      %gather3A_269 = tpu.vector_load_idx %arg13[%broadcast_in_dim3A_268] : memref<16xi32, #tpu.memory_space<vmem>>[vector<16xi32>], vector<16xi32>,
      %ge3A_270 = arith.cmpi sge, %mul3A_164, %gather3A_269 : vector<16xi32>
      %jit3A_271 = arith.constant 1 : i32
      %jit3A_272 = arith.constant 0 : i32
      %broadcast_in_dim3A_273 = vector.broadcast %jit3A_271 : i32 to vector<16xi32>
      %broadcast_in_dim3A_274 = vector.broadcast %jit3A_272 : i32 to vector<16xi32>
      %select_n3A_275 = arith.select %ge3A_270, %broadcast_in_dim3A_273, %broadcast_in_dim3A_274 : vector<16xi1>, vector<16xi32>
      %add3A_276 = arith.addi %add3A_266, %select_n3A_275 : vector<16xi32>
      %broadcast_in_dim3A_277 = arith.constant 11 : i32
      %broadcast_in_dim3A_278 = vector.broadcast %broadcast_in_dim3A_277 : i32 to vector<16xi32>
      %gather3A_279 = tpu.vector_load_idx %arg13[%broadcast_in_dim3A_278] : memref<16xi32, #tpu.memory_space<vmem>>[vector<16xi32>], vector<16xi32>,
      %ge3A_280 = arith.cmpi sge, %mul3A_164, %gather3A_279 : vector<16xi32>
      %jit3A_281 = arith.constant 1 : i32
      %jit3A_282 = arith.constant 0 : i32
      %broadcast_in_dim3A_283 = vector.broadcast %jit3A_281 : i32 to vector<16xi32>
      %broadcast_in_dim3A_284 = vector.broadcast %jit3A_282 : i32 to vector<16xi32>
      %select_n3A_285 = arith.select %ge3A_280, %broadcast_in_dim3A_283, %broadcast_in_dim3A_284 : vector<16xi1>, vector<16xi32>
      %add3A_286 = arith.addi %add3A_276, %select_n3A_285 : vector<16xi32>
      %broadcast_in_dim3A_287 = arith.constant 12 : i32
      %broadcast_in_dim3A_288 = vector.broadcast %broadcast_in_dim3A_287 : i32 to vector<16xi32>
      %gather3A_289 = tpu.vector_load_idx %arg13[%broadcast_in_dim3A_288] : memref<16xi32, #tpu.memory_space<vmem>>[vector<16xi32>], vector<16xi32>,
      %ge3A_290 = arith.cmpi sge, %mul3A_164, %gather3A_289 : vector<16xi32>
      %jit3A_291 = arith.constant 1 : i32
      %jit3A_292 = arith.constant 0 : i32
      %broadcast_in_dim3A_293 = vector.broadcast %jit3A_291 : i32 to vector<16xi32>
      %broadcast_in_dim3A_294 = vector.broadcast %jit3A_292 : i32 to vector<16xi32>
      %select_n3A_295 = arith.select %ge3A_290, %broadcast_in_dim3A_293, %broadcast_in_dim3A_294 : vector<16xi1>, vector<16xi32>
      %add3A_296 = arith.addi %add3A_286, %select_n3A_295 : vector<16xi32>
      %broadcast_in_dim3A_297 = arith.constant 13 : i32
      %broadcast_in_dim3A_298 = vector.broadcast %broadcast_in_dim3A_297 : i32 to vector<16xi32>
      %gather3A_299 = tpu.vector_load_idx %arg13[%broadcast_in_dim3A_298] : memref<16xi32, #tpu.memory_space<vmem>>[vector<16xi32>], vector<16xi32>,
      %ge3A_300 = arith.cmpi sge, %mul3A_164, %gather3A_299 : vector<16xi32>
      %jit3A_301 = arith.constant 1 : i32
      %jit3A_302 = arith.constant 0 : i32
      %broadcast_in_dim3A_303 = vector.broadcast %jit3A_301 : i32 to vector<16xi32>
      %broadcast_in_dim3A_304 = vector.broadcast %jit3A_302 : i32 to vector<16xi32>
      %select_n3A_305 = arith.select %ge3A_300, %broadcast_in_dim3A_303, %broadcast_in_dim3A_304 : vector<16xi1>, vector<16xi32>
      %add3A_306 = arith.addi %add3A_296, %select_n3A_305 : vector<16xi32>
      %broadcast_in_dim3A_307 = arith.constant 14 : i32
      %broadcast_in_dim3A_308 = vector.broadcast %broadcast_in_dim3A_307 : i32 to vector<16xi32>
      %gather3A_309 = tpu.vector_load_idx %arg13[%broadcast_in_dim3A_308] : memref<16xi32, #tpu.memory_space<vmem>>[vector<16xi32>], vector<16xi32>,
      %ge3A_310 = arith.cmpi sge, %mul3A_164, %gather3A_309 : vector<16xi32>
      %jit3A_311 = arith.constant 1 : i32
      %jit3A_312 = arith.constant 0 : i32
      %broadcast_in_dim3A_313 = vector.broadcast %jit3A_311 : i32 to vector<16xi32>
      %broadcast_in_dim3A_314 = vector.broadcast %jit3A_312 : i32 to vector<16xi32>
      %select_n3A_315 = arith.select %ge3A_310, %broadcast_in_dim3A_313, %broadcast_in_dim3A_314 : vector<16xi1>, vector<16xi32>
      %add3A_316 = arith.addi %add3A_306, %select_n3A_315 : vector<16xi32>
      %broadcast_in_dim3A_317 = arith.constant 15 : i32
      %broadcast_in_dim3A_318 = vector.broadcast %broadcast_in_dim3A_317 : i32 to vector<16xi32>
      %gather3A_319 = tpu.vector_load_idx %arg13[%broadcast_in_dim3A_318] : memref<16xi32, #tpu.memory_space<vmem>>[vector<16xi32>], vector<16xi32>,
      %ge3A_320 = arith.cmpi sge, %mul3A_164, %gather3A_319 : vector<16xi32>
      %jit3A_321 = arith.constant 1 : i32
      %jit3A_322 = arith.constant 0 : i32
      %broadcast_in_dim3A_323 = vector.broadcast %jit3A_321 : i32 to vector<16xi32>
      %broadcast_in_dim3A_324 = vector.broadcast %jit3A_322 : i32 to vector<16xi32>
      %select_n3A_325 = arith.select %ge3A_320, %broadcast_in_dim3A_323, %broadcast_in_dim3A_324 : vector<16xi1>, vector<16xi32>
      %add3A_326 = arith.addi %add3A_316, %select_n3A_325 : vector<16xi32>
      %sub3A_327 = arith.constant 1 : i32
      %sub3A_328 = vector.broadcast %sub3A_327 : i32 to vector<16xi32>
      %sub3A_329 = arith.subi %add3A_326, %sub3A_328 : vector<16xi32>
      %swap3A_330 = arith.constant 0 : index
      %swap3A_331 = tpu.vector_load %arg21[%swap3A_330] {strides = array<i32>} : memref<80xi32, #tpu.memory_space<vmem>>, vector<16xi32>,
      tpu.vector_store %arg21[%swap3A_330], %sub3A_329 {strides = array<i32>} : memref<80xi32, #tpu.memory_space<vmem>>, vector<16xi32>,
      %iota3A_332 = tpu.iota {dimensions = array<i32: 0>} : vector<16xi32>
      %add3A_333 = arith.constant 16 : i32
      %add3A_334 = vector.broadcast %add3A_333 : i32 to vector<16xi32>
      %add3A_335 = arith.addi %iota3A_332, %add3A_334 : vector<16xi32>
      %mul3A_336 = arith.constant 64 : i32
      %mul3A_337 = vector.broadcast %mul3A_336 : i32 to vector<16xi32>
      %mul3A_338 = arith.muli %add3A_335, %mul3A_337 : vector<16xi32>
      %broadcast_in_dim3A_339 = arith.constant 0 : i32
      %broadcast_in_dim3A_340 = vector.broadcast %broadcast_in_dim3A_339 : i32 to vector<16xi32>
      %broadcast_in_dim3A_341 = arith.constant 0 : i32
      %broadcast_in_dim3A_342 = vector.broadcast %broadcast_in_dim3A_341 : i32 to vector<16xi32>
      %gather3A_343 = tpu.vector_load_idx %arg13[%broadcast_in_dim3A_342] : memref<16xi32, #tpu.memory_space<vmem>>[vector<16xi32>], vector<16xi32>,
      %ge3A_344 = arith.cmpi sge, %mul3A_338, %gather3A_343 : vector<16xi32>
      %jit3A_345 = arith.constant 1 : i32
      %jit3A_346 = arith.constant 0 : i32
      %broadcast_in_dim3A_347 = vector.broadcast %jit3A_345 : i32 to vector<16xi32>
      %broadcast_in_dim3A_348 = vector.broadcast %jit3A_346 : i32 to vector<16xi32>
      %select_n3A_349 = arith.select %ge3A_344, %broadcast_in_dim3A_347, %broadcast_in_dim3A_348 : vector<16xi1>, vector<16xi32>
      %add3A_350 = arith.addi %broadcast_in_dim3A_340, %select_n3A_349 : vector<16xi32>
      %broadcast_in_dim3A_351 = arith.constant 1 : i32
      %broadcast_in_dim3A_352 = vector.broadcast %broadcast_in_dim3A_351 : i32 to vector<16xi32>
      %gather3A_353 = tpu.vector_load_idx %arg13[%broadcast_in_dim3A_352] : memref<16xi32, #tpu.memory_space<vmem>>[vector<16xi32>], vector<16xi32>,
      %ge3A_354 = arith.cmpi sge, %mul3A_338, %gather3A_353 : vector<16xi32>
      %jit3A_355 = arith.constant 1 : i32
      %jit3A_356 = arith.constant 0 : i32
      %broadcast_in_dim3A_357 = vector.broadcast %jit3A_355 : i32 to vector<16xi32>
      %broadcast_in_dim3A_358 = vector.broadcast %jit3A_356 : i32 to vector<16xi32>
      %select_n3A_359 = arith.select %ge3A_354, %broadcast_in_dim3A_357, %broadcast_in_dim3A_358 : vector<16xi1>, vector<16xi32>
      %add3A_360 = arith.addi %add3A_350, %select_n3A_359 : vector<16xi32>
      %broadcast_in_dim3A_361 = arith.constant 2 : i32
      %broadcast_in_dim3A_362 = vector.broadcast %broadcast_in_dim3A_361 : i32 to vector<16xi32>
      %gather3A_363 = tpu.vector_load_idx %arg13[%broadcast_in_dim3A_362] : memref<16xi32, #tpu.memory_space<vmem>>[vector<16xi32>], vector<16xi32>,
      %ge3A_364 = arith.cmpi sge, %mul3A_338, %gather3A_363 : vector<16xi32>
      %jit3A_365 = arith.constant 1 : i32
      %jit3A_366 = arith.constant 0 : i32
      %broadcast_in_dim3A_367 = vector.broadcast %jit3A_365 : i32 to vector<16xi32>
      %broadcast_in_dim3A_368 = vector.broadcast %jit3A_366 : i32 to vector<16xi32>
      %select_n3A_369 = arith.select %ge3A_364, %broadcast_in_dim3A_367, %broadcast_in_dim3A_368 : vector<16xi1>, vector<16xi32>
      %add3A_370 = arith.addi %add3A_360, %select_n3A_369 : vector<16xi32>
      %broadcast_in_dim3A_371 = arith.constant 3 : i32
      %broadcast_in_dim3A_372 = vector.broadcast %broadcast_in_dim3A_371 : i32 to vector<16xi32>
      %gather3A_373 = tpu.vector_load_idx %arg13[%broadcast_in_dim3A_372] : memref<16xi32, #tpu.memory_space<vmem>>[vector<16xi32>], vector<16xi32>,
      %ge3A_374 = arith.cmpi sge, %mul3A_338, %gather3A_373 : vector<16xi32>
      %jit3A_375 = arith.constant 1 : i32
      %jit3A_376 = arith.constant 0 : i32
      %broadcast_in_dim3A_377 = vector.broadcast %jit3A_375 : i32 to vector<16xi32>
      %broadcast_in_dim3A_378 = vector.broadcast %jit3A_376 : i32 to vector<16xi32>
      %select_n3A_379 = arith.select %ge3A_374, %broadcast_in_dim3A_377, %broadcast_in_dim3A_378 : vector<16xi1>, vector<16xi32>
      %add3A_380 = arith.addi %add3A_370, %select_n3A_379 : vector<16xi32>
      %broadcast_in_dim3A_381 = arith.constant 4 : i32
      %broadcast_in_dim3A_382 = vector.broadcast %broadcast_in_dim3A_381 : i32 to vector<16xi32>
      %gather3A_383 = tpu.vector_load_idx %arg13[%broadcast_in_dim3A_382] : memref<16xi32, #tpu.memory_space<vmem>>[vector<16xi32>], vector<16xi32>,
      %ge3A_384 = arith.cmpi sge, %mul3A_338, %gather3A_383 : vector<16xi32>
      %jit3A_385 = arith.constant 1 : i32
      %jit3A_386 = arith.constant 0 : i32
      %broadcast_in_dim3A_387 = vector.broadcast %jit3A_385 : i32 to vector<16xi32>
      %broadcast_in_dim3A_388 = vector.broadcast %jit3A_386 : i32 to vector<16xi32>
      %select_n3A_389 = arith.select %ge3A_384, %broadcast_in_dim3A_387, %broadcast_in_dim3A_388 : vector<16xi1>, vector<16xi32>
      %add3A_390 = arith.addi %add3A_380, %select_n3A_389 : vector<16xi32>
      %broadcast_in_dim3A_391 = arith.constant 5 : i32
      %broadcast_in_dim3A_392 = vector.broadcast %broadcast_in_dim3A_391 : i32 to vector<16xi32>
      %gather3A_393 = tpu.vector_load_idx %arg13[%broadcast_in_dim3A_392] : memref<16xi32, #tpu.memory_space<vmem>>[vector<16xi32>], vector<16xi32>,
      %ge3A_394 = arith.cmpi sge, %mul3A_338, %gather3A_393 : vector<16xi32>
      %jit3A_395 = arith.constant 1 : i32
      %jit3A_396 = arith.constant 0 : i32
      %broadcast_in_dim3A_397 = vector.broadcast %jit3A_395 : i32 to vector<16xi32>
      %broadcast_in_dim3A_398 = vector.broadcast %jit3A_396 : i32 to vector<16xi32>
      %select_n3A_399 = arith.select %ge3A_394, %broadcast_in_dim3A_397, %broadcast_in_dim3A_398 : vector<16xi1>, vector<16xi32>
      %add3A_400 = arith.addi %add3A_390, %select_n3A_399 : vector<16xi32>
      %broadcast_in_dim3A_401 = arith.constant 6 : i32
      %broadcast_in_dim3A_402 = vector.broadcast %broadcast_in_dim3A_401 : i32 to vector<16xi32>
      %gather3A_403 = tpu.vector_load_idx %arg13[%broadcast_in_dim3A_402] : memref<16xi32, #tpu.memory_space<vmem>>[vector<16xi32>], vector<16xi32>,
      %ge3A_404 = arith.cmpi sge, %mul3A_338, %gather3A_403 : vector<16xi32>
      %jit3A_405 = arith.constant 1 : i32
      %jit3A_406 = arith.constant 0 : i32
      %broadcast_in_dim3A_407 = vector.broadcast %jit3A_405 : i32 to vector<16xi32>
      %broadcast_in_dim3A_408 = vector.broadcast %jit3A_406 : i32 to vector<16xi32>
      %select_n3A_409 = arith.select %ge3A_404, %broadcast_in_dim3A_407, %broadcast_in_dim3A_408 : vector<16xi1>, vector<16xi32>
      %add3A_410 = arith.addi %add3A_400, %select_n3A_409 : vector<16xi32>
      %broadcast_in_dim3A_411 = arith.constant 7 : i32
      %broadcast_in_dim3A_412 = vector.broadcast %broadcast_in_dim3A_411 : i32 to vector<16xi32>
      %gather3A_413 = tpu.vector_load_idx %arg13[%broadcast_in_dim3A_412] : memref<16xi32, #tpu.memory_space<vmem>>[vector<16xi32>], vector<16xi32>,
      %ge3A_414 = arith.cmpi sge, %mul3A_338, %gather3A_413 : vector<16xi32>
      %jit3A_415 = arith.constant 1 : i32
      %jit3A_416 = arith.constant 0 : i32
      %broadcast_in_dim3A_417 = vector.broadcast %jit3A_415 : i32 to vector<16xi32>
      %broadcast_in_dim3A_418 = vector.broadcast %jit3A_416 : i32 to vector<16xi32>
      %select_n3A_419 = arith.select %ge3A_414, %broadcast_in_dim3A_417, %broadcast_in_dim3A_418 : vector<16xi1>, vector<16xi32>
      %add3A_420 = arith.addi %add3A_410, %select_n3A_419 : vector<16xi32>
      %broadcast_in_dim3A_421 = arith.constant 8 : i32
      %broadcast_in_dim3A_422 = vector.broadcast %broadcast_in_dim3A_421 : i32 to vector<16xi32>
      %gather3A_423 = tpu.vector_load_idx %arg13[%broadcast_in_dim3A_422] : memref<16xi32, #tpu.memory_space<vmem>>[vector<16xi32>], vector<16xi32>,
      %ge3A_424 = arith.cmpi sge, %mul3A_338, %gather3A_423 : vector<16xi32>
      %jit3A_425 = arith.constant 1 : i32
      %jit3A_426 = arith.constant 0 : i32
      %broadcast_in_dim3A_427 = vector.broadcast %jit3A_425 : i32 to vector<16xi32>
      %broadcast_in_dim3A_428 = vector.broadcast %jit3A_426 : i32 to vector<16xi32>
      %select_n3A_429 = arith.select %ge3A_424, %broadcast_in_dim3A_427, %broadcast_in_dim3A_428 : vector<16xi1>, vector<16xi32>
      %add3A_430 = arith.addi %add3A_420, %select_n3A_429 : vector<16xi32>
      %broadcast_in_dim3A_431 = arith.constant 9 : i32
      %broadcast_in_dim3A_432 = vector.broadcast %broadcast_in_dim3A_431 : i32 to vector<16xi32>
      %gather3A_433 = tpu.vector_load_idx %arg13[%broadcast_in_dim3A_432] : memref<16xi32, #tpu.memory_space<vmem>>[vector<16xi32>], vector<16xi32>,
      %ge3A_434 = arith.cmpi sge, %mul3A_338, %gather3A_433 : vector<16xi32>
      %jit3A_435 = arith.constant 1 : i32
      %jit3A_436 = arith.constant 0 : i32
      %broadcast_in_dim3A_437 = vector.broadcast %jit3A_435 : i32 to vector<16xi32>
      %broadcast_in_dim3A_438 = vector.broadcast %jit3A_436 : i32 to vector<16xi32>
      %select_n3A_439 = arith.select %ge3A_434, %broadcast_in_dim3A_437, %broadcast_in_dim3A_438 : vector<16xi1>, vector<16xi32>
      %add3A_440 = arith.addi %add3A_430, %select_n3A_439 : vector<16xi32>
      %broadcast_in_dim3A_441 = arith.constant 10 : i32
      %broadcast_in_dim3A_442 = vector.broadcast %broadcast_in_dim3A_441 : i32 to vector<16xi32>
      %gather3A_443 = tpu.vector_load_idx %arg13[%broadcast_in_dim3A_442] : memref<16xi32, #tpu.memory_space<vmem>>[vector<16xi32>], vector<16xi32>,
      %ge3A_444 = arith.cmpi sge, %mul3A_338, %gather3A_443 : vector<16xi32>
      %jit3A_445 = arith.constant 1 : i32
      %jit3A_446 = arith.constant 0 : i32
      %broadcast_in_dim3A_447 = vector.broadcast %jit3A_445 : i32 to vector<16xi32>
      %broadcast_in_dim3A_448 = vector.broadcast %jit3A_446 : i32 to vector<16xi32>
      %select_n3A_449 = arith.select %ge3A_444, %broadcast_in_dim3A_447, %broadcast_in_dim3A_448 : vector<16xi1>, vector<16xi32>
      %add3A_450 = arith.addi %add3A_440, %select_n3A_449 : vector<16xi32>
      %broadcast_in_dim3A_451 = arith.constant 11 : i32
      %broadcast_in_dim3A_452 = vector.broadcast %broadcast_in_dim3A_451 : i32 to vector<16xi32>
      %gather3A_453 = tpu.vector_load_idx %arg13[%broadcast_in_dim3A_452] : memref<16xi32, #tpu.memory_space<vmem>>[vector<16xi32>], vector<16xi32>,
      %ge3A_454 = arith.cmpi sge, %mul3A_338, %gather3A_453 : vector<16xi32>
      %jit3A_455 = arith.constant 1 : i32
      %jit3A_456 = arith.constant 0 : i32
      %broadcast_in_dim3A_457 = vector.broadcast %jit3A_455 : i32 to vector<16xi32>
      %broadcast_in_dim3A_458 = vector.broadcast %jit3A_456 : i32 to vector<16xi32>
      %select_n3A_459 = arith.select %ge3A_454, %broadcast_in_dim3A_457, %broadcast_in_dim3A_458 : vector<16xi1>, vector<16xi32>
      %add3A_460 = arith.addi %add3A_450, %select_n3A_459 : vector<16xi32>
      %broadcast_in_dim3A_461 = arith.constant 12 : i32
      %broadcast_in_dim3A_462 = vector.broadcast %broadcast_in_dim3A_461 : i32 to vector<16xi32>
      %gather3A_463 = tpu.vector_load_idx %arg13[%broadcast_in_dim3A_462] : memref<16xi32, #tpu.memory_space<vmem>>[vector<16xi32>], vector<16xi32>,
      %ge3A_464 = arith.cmpi sge, %mul3A_338, %gather3A_463 : vector<16xi32>
      %jit3A_465 = arith.constant 1 : i32
      %jit3A_466 = arith.constant 0 : i32
      %broadcast_in_dim3A_467 = vector.broadcast %jit3A_465 : i32 to vector<16xi32>
      %broadcast_in_dim3A_468 = vector.broadcast %jit3A_466 : i32 to vector<16xi32>
      %select_n3A_469 = arith.select %ge3A_464, %broadcast_in_dim3A_467, %broadcast_in_dim3A_468 : vector<16xi1>, vector<16xi32>
      %add3A_470 = arith.addi %add3A_460, %select_n3A_469 : vector<16xi32>
      %broadcast_in_dim3A_471 = arith.constant 13 : i32
      %broadcast_in_dim3A_472 = vector.broadcast %broadcast_in_dim3A_471 : i32 to vector<16xi32>
      %gather3A_473 = tpu.vector_load_idx %arg13[%broadcast_in_dim3A_472] : memref<16xi32, #tpu.memory_space<vmem>>[vector<16xi32>], vector<16xi32>,
      %ge3A_474 = arith.cmpi sge, %mul3A_338, %gather3A_473 : vector<16xi32>
      %jit3A_475 = arith.constant 1 : i32
      %jit3A_476 = arith.constant 0 : i32
      %broadcast_in_dim3A_477 = vector.broadcast %jit3A_475 : i32 to vector<16xi32>
      %broadcast_in_dim3A_478 = vector.broadcast %jit3A_476 : i32 to vector<16xi32>
      %select_n3A_479 = arith.select %ge3A_474, %broadcast_in_dim3A_477, %broadcast_in_dim3A_478 : vector<16xi1>, vector<16xi32>
      %add3A_480 = arith.addi %add3A_470, %select_n3A_479 : vector<16xi32>
      %broadcast_in_dim3A_481 = arith.constant 14 : i32
      %broadcast_in_dim3A_482 = vector.broadcast %broadcast_in_dim3A_481 : i32 to vector<16xi32>
      %gather3A_483 = tpu.vector_load_idx %arg13[%broadcast_in_dim3A_482] : memref<16xi32, #tpu.memory_space<vmem>>[vector<16xi32>], vector<16xi32>,
      %ge3A_484 = arith.cmpi sge, %mul3A_338, %gather3A_483 : vector<16xi32>
      %jit3A_485 = arith.constant 1 : i32
      %jit3A_486 = arith.constant 0 : i32
      %broadcast_in_dim3A_487 = vector.broadcast %jit3A_485 : i32 to vector<16xi32>
      %broadcast_in_dim3A_488 = vector.broadcast %jit3A_486 : i32 to vector<16xi32>
      %select_n3A_489 = arith.select %ge3A_484, %broadcast_in_dim3A_487, %broadcast_in_dim3A_488 : vector<16xi1>, vector<16xi32>
      %add3A_490 = arith.addi %add3A_480, %select_n3A_489 : vector<16xi32>
      %broadcast_in_dim3A_491 = arith.constant 15 : i32
      %broadcast_in_dim3A_492 = vector.broadcast %broadcast_in_dim3A_491 : i32 to vector<16xi32>
      %gather3A_493 = tpu.vector_load_idx %arg13[%broadcast_in_dim3A_492] : memref<16xi32, #tpu.memory_space<vmem>>[vector<16xi32>], vector<16xi32>,
      %ge3A_494 = arith.cmpi sge, %mul3A_338, %gather3A_493 : vector<16xi32>
      %jit3A_495 = arith.constant 1 : i32
      %jit3A_496 = arith.constant 0 : i32
      %broadcast_in_dim3A_497 = vector.broadcast %jit3A_495 : i32 to vector<16xi32>
      %broadcast_in_dim3A_498 = vector.broadcast %jit3A_496 : i32 to vector<16xi32>
      %select_n3A_499 = arith.select %ge3A_494, %broadcast_in_dim3A_497, %broadcast_in_dim3A_498 : vector<16xi1>, vector<16xi32>
      %add3A_500 = arith.addi %add3A_490, %select_n3A_499 : vector<16xi32>
      %sub3A_501 = arith.constant 1 : i32
      %sub3A_502 = vector.broadcast %sub3A_501 : i32 to vector<16xi32>
      %sub3A_503 = arith.subi %add3A_500, %sub3A_502 : vector<16xi32>
      %swap3A_504 = arith.constant 16 : index
      %swap3A_505 = tpu.vector_load %arg21[%swap3A_504] {strides = array<i32>} : memref<80xi32, #tpu.memory_space<vmem>>, vector<16xi32>,
      tpu.vector_store %arg21[%swap3A_504], %sub3A_503 {strides = array<i32>} : memref<80xi32, #tpu.memory_space<vmem>>, vector<16xi32>,
      %iota3A_506 = tpu.iota {dimensions = array<i32: 0>} : vector<16xi32>
      %add3A_507 = arith.constant 32 : i32
      %add3A_508 = vector.broadcast %add3A_507 : i32 to vector<16xi32>
      %add3A_509 = arith.addi %iota3A_506, %add3A_508 : vector<16xi32>
      %mul3A_510 = arith.constant 64 : i32
      %mul3A_511 = vector.broadcast %mul3A_510 : i32 to vector<16xi32>
      %mul3A_512 = arith.muli %add3A_509, %mul3A_511 : vector<16xi32>
      %broadcast_in_dim3A_513 = arith.constant 0 : i32
      %broadcast_in_dim3A_514 = vector.broadcast %broadcast_in_dim3A_513 : i32 to vector<16xi32>
      %broadcast_in_dim3A_515 = arith.constant 0 : i32
      %broadcast_in_dim3A_516 = vector.broadcast %broadcast_in_dim3A_515 : i32 to vector<16xi32>
      %gather3A_517 = tpu.vector_load_idx %arg13[%broadcast_in_dim3A_516] : memref<16xi32, #tpu.memory_space<vmem>>[vector<16xi32>], vector<16xi32>,
      %ge3A_518 = arith.cmpi sge, %mul3A_512, %gather3A_517 : vector<16xi32>
      %jit3A_519 = arith.constant 1 : i32
      %jit3A_520 = arith.constant 0 : i32
      %broadcast_in_dim3A_521 = vector.broadcast %jit3A_519 : i32 to vector<16xi32>
      %broadcast_in_dim3A_522 = vector.broadcast %jit3A_520 : i32 to vector<16xi32>
      %select_n3A_523 = arith.select %ge3A_518, %broadcast_in_dim3A_521, %broadcast_in_dim3A_522 : vector<16xi1>, vector<16xi32>
      %add3A_524 = arith.addi %broadcast_in_dim3A_514, %select_n3A_523 : vector<16xi32>
      %broadcast_in_dim3A_525 = arith.constant 1 : i32
      %broadcast_in_dim3A_526 = vector.broadcast %broadcast_in_dim3A_525 : i32 to vector<16xi32>
      %gather3A_527 = tpu.vector_load_idx %arg13[%broadcast_in_dim3A_526] : memref<16xi32, #tpu.memory_space<vmem>>[vector<16xi32>], vector<16xi32>,
      %ge3A_528 = arith.cmpi sge, %mul3A_512, %gather3A_527 : vector<16xi32>
      %jit3A_529 = arith.constant 1 : i32
      %jit3A_530 = arith.constant 0 : i32
      %broadcast_in_dim3A_531 = vector.broadcast %jit3A_529 : i32 to vector<16xi32>
      %broadcast_in_dim3A_532 = vector.broadcast %jit3A_530 : i32 to vector<16xi32>
      %select_n3A_533 = arith.select %ge3A_528, %broadcast_in_dim3A_531, %broadcast_in_dim3A_532 : vector<16xi1>, vector<16xi32>
      %add3A_534 = arith.addi %add3A_524, %select_n3A_533 : vector<16xi32>
      %broadcast_in_dim3A_535 = arith.constant 2 : i32
      %broadcast_in_dim3A_536 = vector.broadcast %broadcast_in_dim3A_535 : i32 to vector<16xi32>
      %gather3A_537 = tpu.vector_load_idx %arg13[%broadcast_in_dim3A_536] : memref<16xi32, #tpu.memory_space<vmem>>[vector<16xi32>], vector<16xi32>,
      %ge3A_538 = arith.cmpi sge, %mul3A_512, %gather3A_537 : vector<16xi32>
      %jit3A_539 = arith.constant 1 : i32
      %jit3A_540 = arith.constant 0 : i32
      %broadcast_in_dim3A_541 = vector.broadcast %jit3A_539 : i32 to vector<16xi32>
      %broadcast_in_dim3A_542 = vector.broadcast %jit3A_540 : i32 to vector<16xi32>
      %select_n3A_543 = arith.select %ge3A_538, %broadcast_in_dim3A_541, %broadcast_in_dim3A_542 : vector<16xi1>, vector<16xi32>
      %add3A_544 = arith.addi %add3A_534, %select_n3A_543 : vector<16xi32>
      %broadcast_in_dim3A_545 = arith.constant 3 : i32
      %broadcast_in_dim3A_546 = vector.broadcast %broadcast_in_dim3A_545 : i32 to vector<16xi32>
      %gather3A_547 = tpu.vector_load_idx %arg13[%broadcast_in_dim3A_546] : memref<16xi32, #tpu.memory_space<vmem>>[vector<16xi32>], vector<16xi32>,
      %ge3A_548 = arith.cmpi sge, %mul3A_512, %gather3A_547 : vector<16xi32>
      %jit3A_549 = arith.constant 1 : i32
      %jit3A_550 = arith.constant 0 : i32
      %broadcast_in_dim3A_551 = vector.broadcast %jit3A_549 : i32 to vector<16xi32>
      %broadcast_in_dim3A_552 = vector.broadcast %jit3A_550 : i32 to vector<16xi32>
      %select_n3A_553 = arith.select %ge3A_548, %broadcast_in_dim3A_551, %broadcast_in_dim3A_552 : vector<16xi1>, vector<16xi32>
      %add3A_554 = arith.addi %add3A_544, %select_n3A_553 : vector<16xi32>
      %broadcast_in_dim3A_555 = arith.constant 4 : i32
      %broadcast_in_dim3A_556 = vector.broadcast %broadcast_in_dim3A_555 : i32 to vector<16xi32>
      %gather3A_557 = tpu.vector_load_idx %arg13[%broadcast_in_dim3A_556] : memref<16xi32, #tpu.memory_space<vmem>>[vector<16xi32>], vector<16xi32>,
      %ge3A_558 = arith.cmpi sge, %mul3A_512, %gather3A_557 : vector<16xi32>
      %jit3A_559 = arith.constant 1 : i32
      %jit3A_560 = arith.constant 0 : i32
      %broadcast_in_dim3A_561 = vector.broadcast %jit3A_559 : i32 to vector<16xi32>
      %broadcast_in_dim3A_562 = vector.broadcast %jit3A_560 : i32 to vector<16xi32>
      %select_n3A_563 = arith.select %ge3A_558, %broadcast_in_dim3A_561, %broadcast_in_dim3A_562 : vector<16xi1>, vector<16xi32>
      %add3A_564 = arith.addi %add3A_554, %select_n3A_563 : vector<16xi32>
      %broadcast_in_dim3A_565 = arith.constant 5 : i32
      %broadcast_in_dim3A_566 = vector.broadcast %broadcast_in_dim3A_565 : i32 to vector<16xi32>
      %gather3A_567 = tpu.vector_load_idx %arg13[%broadcast_in_dim3A_566] : memref<16xi32, #tpu.memory_space<vmem>>[vector<16xi32>], vector<16xi32>,
      %ge3A_568 = arith.cmpi sge, %mul3A_512, %gather3A_567 : vector<16xi32>
      %jit3A_569 = arith.constant 1 : i32
      %jit3A_570 = arith.constant 0 : i32
      %broadcast_in_dim3A_571 = vector.broadcast %jit3A_569 : i32 to vector<16xi32>
      %broadcast_in_dim3A_572 = vector.broadcast %jit3A_570 : i32 to vector<16xi32>
      %select_n3A_573 = arith.select %ge3A_568, %broadcast_in_dim3A_571, %broadcast_in_dim3A_572 : vector<16xi1>, vector<16xi32>
      %add3A_574 = arith.addi %add3A_564, %select_n3A_573 : vector<16xi32>
      %broadcast_in_dim3A_575 = arith.constant 6 : i32
      %broadcast_in_dim3A_576 = vector.broadcast %broadcast_in_dim3A_575 : i32 to vector<16xi32>
      %gather3A_577 = tpu.vector_load_idx %arg13[%broadcast_in_dim3A_576] : memref<16xi32, #tpu.memory_space<vmem>>[vector<16xi32>], vector<16xi32>,
      %ge3A_578 = arith.cmpi sge, %mul3A_512, %gather3A_577 : vector<16xi32>
      %jit3A_579 = arith.constant 1 : i32
      %jit3A_580 = arith.constant 0 : i32
      %broadcast_in_dim3A_581 = vector.broadcast %jit3A_579 : i32 to vector<16xi32>
      %broadcast_in_dim3A_582 = vector.broadcast %jit3A_580 : i32 to vector<16xi32>
      %select_n3A_583 = arith.select %ge3A_578, %broadcast_in_dim3A_581, %broadcast_in_dim3A_582 : vector<16xi1>, vector<16xi32>
      %add3A_584 = arith.addi %add3A_574, %select_n3A_583 : vector<16xi32>
      %broadcast_in_dim3A_585 = arith.constant 7 : i32
      %broadcast_in_dim3A_586 = vector.broadcast %broadcast_in_dim3A_585 : i32 to vector<16xi32>
      %gather3A_587 = tpu.vector_load_idx %arg13[%broadcast_in_dim3A_586] : memref<16xi32, #tpu.memory_space<vmem>>[vector<16xi32>], vector<16xi32>,
      %ge3A_588 = arith.cmpi sge, %mul3A_512, %gather3A_587 : vector<16xi32>
      %jit3A_589 = arith.constant 1 : i32
      %jit3A_590 = arith.constant 0 : i32
      %broadcast_in_dim3A_591 = vector.broadcast %jit3A_589 : i32 to vector<16xi32>
      %broadcast_in_dim3A_592 = vector.broadcast %jit3A_590 : i32 to vector<16xi32>
      %select_n3A_593 = arith.select %ge3A_588, %broadcast_in_dim3A_591, %broadcast_in_dim3A_592 : vector<16xi1>, vector<16xi32>
      %add3A_594 = arith.addi %add3A_584, %select_n3A_593 : vector<16xi32>
      %broadcast_in_dim3A_595 = arith.constant 8 : i32
      %broadcast_in_dim3A_596 = vector.broadcast %broadcast_in_dim3A_595 : i32 to vector<16xi32>
      %gather3A_597 = tpu.vector_load_idx %arg13[%broadcast_in_dim3A_596] : memref<16xi32, #tpu.memory_space<vmem>>[vector<16xi32>], vector<16xi32>,
      %ge3A_598 = arith.cmpi sge, %mul3A_512, %gather3A_597 : vector<16xi32>
      %jit3A_599 = arith.constant 1 : i32
      %jit3A_600 = arith.constant 0 : i32
      %broadcast_in_dim3A_601 = vector.broadcast %jit3A_599 : i32 to vector<16xi32>
      %broadcast_in_dim3A_602 = vector.broadcast %jit3A_600 : i32 to vector<16xi32>
      %select_n3A_603 = arith.select %ge3A_598, %broadcast_in_dim3A_601, %broadcast_in_dim3A_602 : vector<16xi1>, vector<16xi32>
      %add3A_604 = arith.addi %add3A_594, %select_n3A_603 : vector<16xi32>
      %broadcast_in_dim3A_605 = arith.constant 9 : i32
      %broadcast_in_dim3A_606 = vector.broadcast %broadcast_in_dim3A_605 : i32 to vector<16xi32>
      %gather3A_607 = tpu.vector_load_idx %arg13[%broadcast_in_dim3A_606] : memref<16xi32, #tpu.memory_space<vmem>>[vector<16xi32>], vector<16xi32>,
      %ge3A_608 = arith.cmpi sge, %mul3A_512, %gather3A_607 : vector<16xi32>
      %jit3A_609 = arith.constant 1 : i32
      %jit3A_610 = arith.constant 0 : i32
      %broadcast_in_dim3A_611 = vector.broadcast %jit3A_609 : i32 to vector<16xi32>
      %broadcast_in_dim3A_612 = vector.broadcast %jit3A_610 : i32 to vector<16xi32>
      %select_n3A_613 = arith.select %ge3A_608, %broadcast_in_dim3A_611, %broadcast_in_dim3A_612 : vector<16xi1>, vector<16xi32>
      %add3A_614 = arith.addi %add3A_604, %select_n3A_613 : vector<16xi32>
      %broadcast_in_dim3A_615 = arith.constant 10 : i32
      %broadcast_in_dim3A_616 = vector.broadcast %broadcast_in_dim3A_615 : i32 to vector<16xi32>
      %gather3A_617 = tpu.vector_load_idx %arg13[%broadcast_in_dim3A_616] : memref<16xi32, #tpu.memory_space<vmem>>[vector<16xi32>], vector<16xi32>,
      %ge3A_618 = arith.cmpi sge, %mul3A_512, %gather3A_617 : vector<16xi32>
      %jit3A_619 = arith.constant 1 : i32
      %jit3A_620 = arith.constant 0 : i32
      %broadcast_in_dim3A_621 = vector.broadcast %jit3A_619 : i32 to vector<16xi32>
      %broadcast_in_dim3A_622 = vector.broadcast %jit3A_620 : i32 to vector<16xi32>
      %select_n3A_623 = arith.select %ge3A_618, %broadcast_in_dim3A_621, %broadcast_in_dim3A_622 : vector<16xi1>, vector<16xi32>
      %add3A_624 = arith.addi %add3A_614, %select_n3A_623 : vector<16xi32>
      %broadcast_in_dim3A_625 = arith.constant 11 : i32
      %broadcast_in_dim3A_626 = vector.broadcast %broadcast_in_dim3A_625 : i32 to vector<16xi32>
      %gather3A_627 = tpu.vector_load_idx %arg13[%broadcast_in_dim3A_626] : memref<16xi32, #tpu.memory_space<vmem>>[vector<16xi32>], vector<16xi32>,
      %ge3A_628 = arith.cmpi sge, %mul3A_512, %gather3A_627 : vector<16xi32>
      %jit3A_629 = arith.constant 1 : i32
      %jit3A_630 = arith.constant 0 : i32
      %broadcast_in_dim3A_631 = vector.broadcast %jit3A_629 : i32 to vector<16xi32>
      %broadcast_in_dim3A_632 = vector.broadcast %jit3A_630 : i32 to vector<16xi32>
      %select_n3A_633 = arith.select %ge3A_628, %broadcast_in_dim3A_631, %broadcast_in_dim3A_632 : vector<16xi1>, vector<16xi32>
      %add3A_634 = arith.addi %add3A_624, %select_n3A_633 : vector<16xi32>
      %broadcast_in_dim3A_635 = arith.constant 12 : i32
      %broadcast_in_dim3A_636 = vector.broadcast %broadcast_in_dim3A_635 : i32 to vector<16xi32>
      %gather3A_637 = tpu.vector_load_idx %arg13[%broadcast_in_dim3A_636] : memref<16xi32, #tpu.memory_space<vmem>>[vector<16xi32>], vector<16xi32>,
      %ge3A_638 = arith.cmpi sge, %mul3A_512, %gather3A_637 : vector<16xi32>
      %jit3A_639 = arith.constant 1 : i32
      %jit3A_640 = arith.constant 0 : i32
      %broadcast_in_dim3A_641 = vector.broadcast %jit3A_639 : i32 to vector<16xi32>
      %broadcast_in_dim3A_642 = vector.broadcast %jit3A_640 : i32 to vector<16xi32>
      %select_n3A_643 = arith.select %ge3A_638, %broadcast_in_dim3A_641, %broadcast_in_dim3A_642 : vector<16xi1>, vector<16xi32>
      %add3A_644 = arith.addi %add3A_634, %select_n3A_643 : vector<16xi32>
      %broadcast_in_dim3A_645 = arith.constant 13 : i32
      %broadcast_in_dim3A_646 = vector.broadcast %broadcast_in_dim3A_645 : i32 to vector<16xi32>
      %gather3A_647 = tpu.vector_load_idx %arg13[%broadcast_in_dim3A_646] : memref<16xi32, #tpu.memory_space<vmem>>[vector<16xi32>], vector<16xi32>,
      %ge3A_648 = arith.cmpi sge, %mul3A_512, %gather3A_647 : vector<16xi32>
      %jit3A_649 = arith.constant 1 : i32
      %jit3A_650 = arith.constant 0 : i32
      %broadcast_in_dim3A_651 = vector.broadcast %jit3A_649 : i32 to vector<16xi32>
      %broadcast_in_dim3A_652 = vector.broadcast %jit3A_650 : i32 to vector<16xi32>
      %select_n3A_653 = arith.select %ge3A_648, %broadcast_in_dim3A_651, %broadcast_in_dim3A_652 : vector<16xi1>, vector<16xi32>
      %add3A_654 = arith.addi %add3A_644, %select_n3A_653 : vector<16xi32>
      %broadcast_in_dim3A_655 = arith.constant 14 : i32
      %broadcast_in_dim3A_656 = vector.broadcast %broadcast_in_dim3A_655 : i32 to vector<16xi32>
      %gather3A_657 = tpu.vector_load_idx %arg13[%broadcast_in_dim3A_656] : memref<16xi32, #tpu.memory_space<vmem>>[vector<16xi32>], vector<16xi32>,
      %ge3A_658 = arith.cmpi sge, %mul3A_512, %gather3A_657 : vector<16xi32>
      %jit3A_659 = arith.constant 1 : i32
      %jit3A_660 = arith.constant 0 : i32
      %broadcast_in_dim3A_661 = vector.broadcast %jit3A_659 : i32 to vector<16xi32>
      %broadcast_in_dim3A_662 = vector.broadcast %jit3A_660 : i32 to vector<16xi32>
      %select_n3A_663 = arith.select %ge3A_658, %broadcast_in_dim3A_661, %broadcast_in_dim3A_662 : vector<16xi1>, vector<16xi32>
      %add3A_664 = arith.addi %add3A_654, %select_n3A_663 : vector<16xi32>
      %broadcast_in_dim3A_665 = arith.constant 15 : i32
      %broadcast_in_dim3A_666 = vector.broadcast %broadcast_in_dim3A_665 : i32 to vector<16xi32>
      %gather3A_667 = tpu.vector_load_idx %arg13[%broadcast_in_dim3A_666] : memref<16xi32, #tpu.memory_space<vmem>>[vector<16xi32>], vector<16xi32>,
      %ge3A_668 = arith.cmpi sge, %mul3A_512, %gather3A_667 : vector<16xi32>
      %jit3A_669 = arith.constant 1 : i32
      %jit3A_670 = arith.constant 0 : i32
      %broadcast_in_dim3A_671 = vector.broadcast %jit3A_669 : i32 to vector<16xi32>
      %broadcast_in_dim3A_672 = vector.broadcast %jit3A_670 : i32 to vector<16xi32>
      %select_n3A_673 = arith.select %ge3A_668, %broadcast_in_dim3A_671, %broadcast_in_dim3A_672 : vector<16xi1>, vector<16xi32>
      %add3A_674 = arith.addi %add3A_664, %select_n3A_673 : vector<16xi32>
      %sub3A_675 = arith.constant 1 : i32
      %sub3A_676 = vector.broadcast %sub3A_675 : i32 to vector<16xi32>
      %sub3A_677 = arith.subi %add3A_674, %sub3A_676 : vector<16xi32>
      %swap3A_678 = arith.constant 32 : index
      %swap3A_679 = tpu.vector_load %arg21[%swap3A_678] {strides = array<i32>} : memref<80xi32, #tpu.memory_space<vmem>>, vector<16xi32>,
      tpu.vector_store %arg21[%swap3A_678], %sub3A_677 {strides = array<i32>} : memref<80xi32, #tpu.memory_space<vmem>>, vector<16xi32>,
      %iota3A_680 = tpu.iota {dimensions = array<i32: 0>} : vector<16xi32>
      %add3A_681 = arith.constant 48 : i32
      %add3A_682 = vector.broadcast %add3A_681 : i32 to vector<16xi32>
      %add3A_683 = arith.addi %iota3A_680, %add3A_682 : vector<16xi32>
      %mul3A_684 = arith.constant 64 : i32
      %mul3A_685 = vector.broadcast %mul3A_684 : i32 to vector<16xi32>
      %mul3A_686 = arith.muli %add3A_683, %mul3A_685 : vector<16xi32>
      %broadcast_in_dim3A_687 = arith.constant 0 : i32
      %broadcast_in_dim3A_688 = vector.broadcast %broadcast_in_dim3A_687 : i32 to vector<16xi32>
      %broadcast_in_dim3A_689 = arith.constant 0 : i32
      %broadcast_in_dim3A_690 = vector.broadcast %broadcast_in_dim3A_689 : i32 to vector<16xi32>
      %gather3A_691 = tpu.vector_load_idx %arg13[%broadcast_in_dim3A_690] : memref<16xi32, #tpu.memory_space<vmem>>[vector<16xi32>], vector<16xi32>,
      %ge3A_692 = arith.cmpi sge, %mul3A_686, %gather3A_691 : vector<16xi32>
      %jit3A_693 = arith.constant 1 : i32
      %jit3A_694 = arith.constant 0 : i32
      %broadcast_in_dim3A_695 = vector.broadcast %jit3A_693 : i32 to vector<16xi32>
      %broadcast_in_dim3A_696 = vector.broadcast %jit3A_694 : i32 to vector<16xi32>
      %select_n3A_697 = arith.select %ge3A_692, %broadcast_in_dim3A_695, %broadcast_in_dim3A_696 : vector<16xi1>, vector<16xi32>
      %add3A_698 = arith.addi %broadcast_in_dim3A_688, %select_n3A_697 : vector<16xi32>
      %broadcast_in_dim3A_699 = arith.constant 1 : i32
      %broadcast_in_dim3A_700 = vector.broadcast %broadcast_in_dim3A_699 : i32 to vector<16xi32>
      %gather3A_701 = tpu.vector_load_idx %arg13[%broadcast_in_dim3A_700] : memref<16xi32, #tpu.memory_space<vmem>>[vector<16xi32>], vector<16xi32>,
      %ge3A_702 = arith.cmpi sge, %mul3A_686, %gather3A_701 : vector<16xi32>
      %jit3A_703 = arith.constant 1 : i32
      %jit3A_704 = arith.constant 0 : i32
      %broadcast_in_dim3A_705 = vector.broadcast %jit3A_703 : i32 to vector<16xi32>
      %broadcast_in_dim3A_706 = vector.broadcast %jit3A_704 : i32 to vector<16xi32>
      %select_n3A_707 = arith.select %ge3A_702, %broadcast_in_dim3A_705, %broadcast_in_dim3A_706 : vector<16xi1>, vector<16xi32>
      %add3A_708 = arith.addi %add3A_698, %select_n3A_707 : vector<16xi32>
      %broadcast_in_dim3A_709 = arith.constant 2 : i32
      %broadcast_in_dim3A_710 = vector.broadcast %broadcast_in_dim3A_709 : i32 to vector<16xi32>
      %gather3A_711 = tpu.vector_load_idx %arg13[%broadcast_in_dim3A_710] : memref<16xi32, #tpu.memory_space<vmem>>[vector<16xi32>], vector<16xi32>,
      %ge3A_712 = arith.cmpi sge, %mul3A_686, %gather3A_711 : vector<16xi32>
      %jit3A_713 = arith.constant 1 : i32
      %jit3A_714 = arith.constant 0 : i32
      %broadcast_in_dim3A_715 = vector.broadcast %jit3A_713 : i32 to vector<16xi32>
      %broadcast_in_dim3A_716 = vector.broadcast %jit3A_714 : i32 to vector<16xi32>
      %select_n3A_717 = arith.select %ge3A_712, %broadcast_in_dim3A_715, %broadcast_in_dim3A_716 : vector<16xi1>, vector<16xi32>
      %add3A_718 = arith.addi %add3A_708, %select_n3A_717 : vector<16xi32>
      %broadcast_in_dim3A_719 = arith.constant 3 : i32
      %broadcast_in_dim3A_720 = vector.broadcast %broadcast_in_dim3A_719 : i32 to vector<16xi32>
      %gather3A_721 = tpu.vector_load_idx %arg13[%broadcast_in_dim3A_720] : memref<16xi32, #tpu.memory_space<vmem>>[vector<16xi32>], vector<16xi32>,
      %ge3A_722 = arith.cmpi sge, %mul3A_686, %gather3A_721 : vector<16xi32>
      %jit3A_723 = arith.constant 1 : i32
      %jit3A_724 = arith.constant 0 : i32
      %broadcast_in_dim3A_725 = vector.broadcast %jit3A_723 : i32 to vector<16xi32>
      %broadcast_in_dim3A_726 = vector.broadcast %jit3A_724 : i32 to vector<16xi32>
      %select_n3A_727 = arith.select %ge3A_722, %broadcast_in_dim3A_725, %broadcast_in_dim3A_726 : vector<16xi1>, vector<16xi32>
      %add3A_728 = arith.addi %add3A_718, %select_n3A_727 : vector<16xi32>
      %broadcast_in_dim3A_729 = arith.constant 4 : i32
      %broadcast_in_dim3A_730 = vector.broadcast %broadcast_in_dim3A_729 : i32 to vector<16xi32>
      %gather3A_731 = tpu.vector_load_idx %arg13[%broadcast_in_dim3A_730] : memref<16xi32, #tpu.memory_space<vmem>>[vector<16xi32>], vector<16xi32>,
      %ge3A_732 = arith.cmpi sge, %mul3A_686, %gather3A_731 : vector<16xi32>
      %jit3A_733 = arith.constant 1 : i32
      %jit3A_734 = arith.constant 0 : i32
      %broadcast_in_dim3A_735 = vector.broadcast %jit3A_733 : i32 to vector<16xi32>
      %broadcast_in_dim3A_736 = vector.broadcast %jit3A_734 : i32 to vector<16xi32>
      %select_n3A_737 = arith.select %ge3A_732, %broadcast_in_dim3A_735, %broadcast_in_dim3A_736 : vector<16xi1>, vector<16xi32>
      %add3A_738 = arith.addi %add3A_728, %select_n3A_737 : vector<16xi32>
      %broadcast_in_dim3A_739 = arith.constant 5 : i32
      %broadcast_in_dim3A_740 = vector.broadcast %broadcast_in_dim3A_739 : i32 to vector<16xi32>
      %gather3A_741 = tpu.vector_load_idx %arg13[%broadcast_in_dim3A_740] : memref<16xi32, #tpu.memory_space<vmem>>[vector<16xi32>], vector<16xi32>,
      %ge3A_742 = arith.cmpi sge, %mul3A_686, %gather3A_741 : vector<16xi32>
      %jit3A_743 = arith.constant 1 : i32
      %jit3A_744 = arith.constant 0 : i32
      %broadcast_in_dim3A_745 = vector.broadcast %jit3A_743 : i32 to vector<16xi32>
      %broadcast_in_dim3A_746 = vector.broadcast %jit3A_744 : i32 to vector<16xi32>
      %select_n3A_747 = arith.select %ge3A_742, %broadcast_in_dim3A_745, %broadcast_in_dim3A_746 : vector<16xi1>, vector<16xi32>
      %add3A_748 = arith.addi %add3A_738, %select_n3A_747 : vector<16xi32>
      %broadcast_in_dim3A_749 = arith.constant 6 : i32
      %broadcast_in_dim3A_750 = vector.broadcast %broadcast_in_dim3A_749 : i32 to vector<16xi32>
      %gather3A_751 = tpu.vector_load_idx %arg13[%broadcast_in_dim3A_750] : memref<16xi32, #tpu.memory_space<vmem>>[vector<16xi32>], vector<16xi32>,
      %ge3A_752 = arith.cmpi sge, %mul3A_686, %gather3A_751 : vector<16xi32>
      %jit3A_753 = arith.constant 1 : i32
      %jit3A_754 = arith.constant 0 : i32
      %broadcast_in_dim3A_755 = vector.broadcast %jit3A_753 : i32 to vector<16xi32>
      %broadcast_in_dim3A_756 = vector.broadcast %jit3A_754 : i32 to vector<16xi32>
      %select_n3A_757 = arith.select %ge3A_752, %broadcast_in_dim3A_755, %broadcast_in_dim3A_756 : vector<16xi1>, vector<16xi32>
      %add3A_758 = arith.addi %add3A_748, %select_n3A_757 : vector<16xi32>
      %broadcast_in_dim3A_759 = arith.constant 7 : i32
      %broadcast_in_dim3A_760 = vector.broadcast %broadcast_in_dim3A_759 : i32 to vector<16xi32>
      %gather3A_761 = tpu.vector_load_idx %arg13[%broadcast_in_dim3A_760] : memref<16xi32, #tpu.memory_space<vmem>>[vector<16xi32>], vector<16xi32>,
      %ge3A_762 = arith.cmpi sge, %mul3A_686, %gather3A_761 : vector<16xi32>
      %jit3A_763 = arith.constant 1 : i32
      %jit3A_764 = arith.constant 0 : i32
      %broadcast_in_dim3A_765 = vector.broadcast %jit3A_763 : i32 to vector<16xi32>
      %broadcast_in_dim3A_766 = vector.broadcast %jit3A_764 : i32 to vector<16xi32>
      %select_n3A_767 = arith.select %ge3A_762, %broadcast_in_dim3A_765, %broadcast_in_dim3A_766 : vector<16xi1>, vector<16xi32>
      %add3A_768 = arith.addi %add3A_758, %select_n3A_767 : vector<16xi32>
      %broadcast_in_dim3A_769 = arith.constant 8 : i32
      %broadcast_in_dim3A_770 = vector.broadcast %broadcast_in_dim3A_769 : i32 to vector<16xi32>
      %gather3A_771 = tpu.vector_load_idx %arg13[%broadcast_in_dim3A_770] : memref<16xi32, #tpu.memory_space<vmem>>[vector<16xi32>], vector<16xi32>,
      %ge3A_772 = arith.cmpi sge, %mul3A_686, %gather3A_771 : vector<16xi32>
      %jit3A_773 = arith.constant 1 : i32
      %jit3A_774 = arith.constant 0 : i32
      %broadcast_in_dim3A_775 = vector.broadcast %jit3A_773 : i32 to vector<16xi32>
      %broadcast_in_dim3A_776 = vector.broadcast %jit3A_774 : i32 to vector<16xi32>
      %select_n3A_777 = arith.select %ge3A_772, %broadcast_in_dim3A_775, %broadcast_in_dim3A_776 : vector<16xi1>, vector<16xi32>
      %add3A_778 = arith.addi %add3A_768, %select_n3A_777 : vector<16xi32>
      %broadcast_in_dim3A_779 = arith.constant 9 : i32
      %broadcast_in_dim3A_780 = vector.broadcast %broadcast_in_dim3A_779 : i32 to vector<16xi32>
      %gather3A_781 = tpu.vector_load_idx %arg13[%broadcast_in_dim3A_780] : memref<16xi32, #tpu.memory_space<vmem>>[vector<16xi32>], vector<16xi32>,
      %ge3A_782 = arith.cmpi sge, %mul3A_686, %gather3A_781 : vector<16xi32>
      %jit3A_783 = arith.constant 1 : i32
      %jit3A_784 = arith.constant 0 : i32
      %broadcast_in_dim3A_785 = vector.broadcast %jit3A_783 : i32 to vector<16xi32>
      %broadcast_in_dim3A_786 = vector.broadcast %jit3A_784 : i32 to vector<16xi32>
      %select_n3A_787 = arith.select %ge3A_782, %broadcast_in_dim3A_785, %broadcast_in_dim3A_786 : vector<16xi1>, vector<16xi32>
      %add3A_788 = arith.addi %add3A_778, %select_n3A_787 : vector<16xi32>
      %broadcast_in_dim3A_789 = arith.constant 10 : i32
      %broadcast_in_dim3A_790 = vector.broadcast %broadcast_in_dim3A_789 : i32 to vector<16xi32>
      %gather3A_791 = tpu.vector_load_idx %arg13[%broadcast_in_dim3A_790] : memref<16xi32, #tpu.memory_space<vmem>>[vector<16xi32>], vector<16xi32>,
      %ge3A_792 = arith.cmpi sge, %mul3A_686, %gather3A_791 : vector<16xi32>
      %jit3A_793 = arith.constant 1 : i32
      %jit3A_794 = arith.constant 0 : i32
      %broadcast_in_dim3A_795 = vector.broadcast %jit3A_793 : i32 to vector<16xi32>
      %broadcast_in_dim3A_796 = vector.broadcast %jit3A_794 : i32 to vector<16xi32>
      %select_n3A_797 = arith.select %ge3A_792, %broadcast_in_dim3A_795, %broadcast_in_dim3A_796 : vector<16xi1>, vector<16xi32>
      %add3A_798 = arith.addi %add3A_788, %select_n3A_797 : vector<16xi32>
      %broadcast_in_dim3A_799 = arith.constant 11 : i32
      %broadcast_in_dim3A_800 = vector.broadcast %broadcast_in_dim3A_799 : i32 to vector<16xi32>
      %gather3A_801 = tpu.vector_load_idx %arg13[%broadcast_in_dim3A_800] : memref<16xi32, #tpu.memory_space<vmem>>[vector<16xi32>], vector<16xi32>,
      %ge3A_802 = arith.cmpi sge, %mul3A_686, %gather3A_801 : vector<16xi32>
      %jit3A_803 = arith.constant 1 : i32
      %jit3A_804 = arith.constant 0 : i32
      %broadcast_in_dim3A_805 = vector.broadcast %jit3A_803 : i32 to vector<16xi32>
      %broadcast_in_dim3A_806 = vector.broadcast %jit3A_804 : i32 to vector<16xi32>
      %select_n3A_807 = arith.select %ge3A_802, %broadcast_in_dim3A_805, %broadcast_in_dim3A_806 : vector<16xi1>, vector<16xi32>
      %add3A_808 = arith.addi %add3A_798, %select_n3A_807 : vector<16xi32>
      %broadcast_in_dim3A_809 = arith.constant 12 : i32
      %broadcast_in_dim3A_810 = vector.broadcast %broadcast_in_dim3A_809 : i32 to vector<16xi32>
      %gather3A_811 = tpu.vector_load_idx %arg13[%broadcast_in_dim3A_810] : memref<16xi32, #tpu.memory_space<vmem>>[vector<16xi32>], vector<16xi32>,
      %ge3A_812 = arith.cmpi sge, %mul3A_686, %gather3A_811 : vector<16xi32>
      %jit3A_813 = arith.constant 1 : i32
      %jit3A_814 = arith.constant 0 : i32
      %broadcast_in_dim3A_815 = vector.broadcast %jit3A_813 : i32 to vector<16xi32>
      %broadcast_in_dim3A_816 = vector.broadcast %jit3A_814 : i32 to vector<16xi32>
      %select_n3A_817 = arith.select %ge3A_812, %broadcast_in_dim3A_815, %broadcast_in_dim3A_816 : vector<16xi1>, vector<16xi32>
      %add3A_818 = arith.addi %add3A_808, %select_n3A_817 : vector<16xi32>
      %broadcast_in_dim3A_819 = arith.constant 13 : i32
      %broadcast_in_dim3A_820 = vector.broadcast %broadcast_in_dim3A_819 : i32 to vector<16xi32>
      %gather3A_821 = tpu.vector_load_idx %arg13[%broadcast_in_dim3A_820] : memref<16xi32, #tpu.memory_space<vmem>>[vector<16xi32>], vector<16xi32>,
      %ge3A_822 = arith.cmpi sge, %mul3A_686, %gather3A_821 : vector<16xi32>
      %jit3A_823 = arith.constant 1 : i32
      %jit3A_824 = arith.constant 0 : i32
      %broadcast_in_dim3A_825 = vector.broadcast %jit3A_823 : i32 to vector<16xi32>
      %broadcast_in_dim3A_826 = vector.broadcast %jit3A_824 : i32 to vector<16xi32>
      %select_n3A_827 = arith.select %ge3A_822, %broadcast_in_dim3A_825, %broadcast_in_dim3A_826 : vector<16xi1>, vector<16xi32>
      %add3A_828 = arith.addi %add3A_818, %select_n3A_827 : vector<16xi32>
      %broadcast_in_dim3A_829 = arith.constant 14 : i32
      %broadcast_in_dim3A_830 = vector.broadcast %broadcast_in_dim3A_829 : i32 to vector<16xi32>
      %gather3A_831 = tpu.vector_load_idx %arg13[%broadcast_in_dim3A_830] : memref<16xi32, #tpu.memory_space<vmem>>[vector<16xi32>], vector<16xi32>,
      %ge3A_832 = arith.cmpi sge, %mul3A_686, %gather3A_831 : vector<16xi32>
      %jit3A_833 = arith.constant 1 : i32
      %jit3A_834 = arith.constant 0 : i32
      %broadcast_in_dim3A_835 = vector.broadcast %jit3A_833 : i32 to vector<16xi32>
      %broadcast_in_dim3A_836 = vector.broadcast %jit3A_834 : i32 to vector<16xi32>
      %select_n3A_837 = arith.select %ge3A_832, %broadcast_in_dim3A_835, %broadcast_in_dim3A_836 : vector<16xi1>, vector<16xi32>
      %add3A_838 = arith.addi %add3A_828, %select_n3A_837 : vector<16xi32>
      %broadcast_in_dim3A_839 = arith.constant 15 : i32
      %broadcast_in_dim3A_840 = vector.broadcast %broadcast_in_dim3A_839 : i32 to vector<16xi32>
      %gather3A_841 = tpu.vector_load_idx %arg13[%broadcast_in_dim3A_840] : memref<16xi32, #tpu.memory_space<vmem>>[vector<16xi32>], vector<16xi32>,
      %ge3A_842 = arith.cmpi sge, %mul3A_686, %gather3A_841 : vector<16xi32>
      %jit3A_843 = arith.constant 1 : i32
      %jit3A_844 = arith.constant 0 : i32
      %broadcast_in_dim3A_845 = vector.broadcast %jit3A_843 : i32 to vector<16xi32>
      %broadcast_in_dim3A_846 = vector.broadcast %jit3A_844 : i32 to vector<16xi32>
      %select_n3A_847 = arith.select %ge3A_842, %broadcast_in_dim3A_845, %broadcast_in_dim3A_846 : vector<16xi1>, vector<16xi32>
      %add3A_848 = arith.addi %add3A_838, %select_n3A_847 : vector<16xi32>
      %sub3A_849 = arith.constant 1 : i32
      %sub3A_850 = vector.broadcast %sub3A_849 : i32 to vector<16xi32>
      %sub3A_851 = arith.subi %add3A_848, %sub3A_850 : vector<16xi32>
      %swap3A_852 = arith.constant 48 : index
      %swap3A_853 = tpu.vector_load %arg21[%swap3A_852] {strides = array<i32>} : memref<80xi32, #tpu.memory_space<vmem>>, vector<16xi32>,
      tpu.vector_store %arg21[%swap3A_852], %sub3A_851 {strides = array<i32>} : memref<80xi32, #tpu.memory_space<vmem>>, vector<16xi32>,
      %iota3A_854 = tpu.iota {dimensions = array<i32: 0>} : vector<16xi32>
      %add3A_855 = arith.constant 64 : i32
      %add3A_856 = vector.broadcast %add3A_855 : i32 to vector<16xi32>
      %add3A_857 = arith.addi %iota3A_854, %add3A_856 : vector<16xi32>
      %mul3A_858 = arith.constant 64 : i32
      %mul3A_859 = vector.broadcast %mul3A_858 : i32 to vector<16xi32>
      %mul3A_860 = arith.muli %add3A_857, %mul3A_859 : vector<16xi32>
      %broadcast_in_dim3A_861 = arith.constant 0 : i32
      %broadcast_in_dim3A_862 = vector.broadcast %broadcast_in_dim3A_861 : i32 to vector<16xi32>
      %broadcast_in_dim3A_863 = arith.constant 0 : i32
      %broadcast_in_dim3A_864 = vector.broadcast %broadcast_in_dim3A_863 : i32 to vector<16xi32>
      %gather3A_865 = tpu.vector_load_idx %arg13[%broadcast_in_dim3A_864] : memref<16xi32, #tpu.memory_space<vmem>>[vector<16xi32>], vector<16xi32>,
      %ge3A_866 = arith.cmpi sge, %mul3A_860, %gather3A_865 : vector<16xi32>
      %jit3A_867 = arith.constant 1 : i32
      %jit3A_868 = arith.constant 0 : i32
      %broadcast_in_dim3A_869 = vector.broadcast %jit3A_867 : i32 to vector<16xi32>
      %broadcast_in_dim3A_870 = vector.broadcast %jit3A_868 : i32 to vector<16xi32>
      %select_n3A_871 = arith.select %ge3A_866, %broadcast_in_dim3A_869, %broadcast_in_dim3A_870 : vector<16xi1>, vector<16xi32>
      %add3A_872 = arith.addi %broadcast_in_dim3A_862, %select_n3A_871 : vector<16xi32>
      %broadcast_in_dim3A_873 = arith.constant 1 : i32
      %broadcast_in_dim3A_874 = vector.broadcast %broadcast_in_dim3A_873 : i32 to vector<16xi32>
      %gather3A_875 = tpu.vector_load_idx %arg13[%broadcast_in_dim3A_874] : memref<16xi32, #tpu.memory_space<vmem>>[vector<16xi32>], vector<16xi32>,
      %ge3A_876 = arith.cmpi sge, %mul3A_860, %gather3A_875 : vector<16xi32>
      %jit3A_877 = arith.constant 1 : i32
      %jit3A_878 = arith.constant 0 : i32
      %broadcast_in_dim3A_879 = vector.broadcast %jit3A_877 : i32 to vector<16xi32>
      %broadcast_in_dim3A_880 = vector.broadcast %jit3A_878 : i32 to vector<16xi32>
      %select_n3A_881 = arith.select %ge3A_876, %broadcast_in_dim3A_879, %broadcast_in_dim3A_880 : vector<16xi1>, vector<16xi32>
      %add3A_882 = arith.addi %add3A_872, %select_n3A_881 : vector<16xi32>
      %broadcast_in_dim3A_883 = arith.constant 2 : i32
      %broadcast_in_dim3A_884 = vector.broadcast %broadcast_in_dim3A_883 : i32 to vector<16xi32>
      %gather3A_885 = tpu.vector_load_idx %arg13[%broadcast_in_dim3A_884] : memref<16xi32, #tpu.memory_space<vmem>>[vector<16xi32>], vector<16xi32>,
      %ge3A_886 = arith.cmpi sge, %mul3A_860, %gather3A_885 : vector<16xi32>
      %jit3A_887 = arith.constant 1 : i32
      %jit3A_888 = arith.constant 0 : i32
      %broadcast_in_dim3A_889 = vector.broadcast %jit3A_887 : i32 to vector<16xi32>
      %broadcast_in_dim3A_890 = vector.broadcast %jit3A_888 : i32 to vector<16xi32>
      %select_n3A_891 = arith.select %ge3A_886, %broadcast_in_dim3A_889, %broadcast_in_dim3A_890 : vector<16xi1>, vector<16xi32>
      %add3A_892 = arith.addi %add3A_882, %select_n3A_891 : vector<16xi32>
      %broadcast_in_dim3A_893 = arith.constant 3 : i32
      %broadcast_in_dim3A_894 = vector.broadcast %broadcast_in_dim3A_893 : i32 to vector<16xi32>
      %gather3A_895 = tpu.vector_load_idx %arg13[%broadcast_in_dim3A_894] : memref<16xi32, #tpu.memory_space<vmem>>[vector<16xi32>], vector<16xi32>,
      %ge3A_896 = arith.cmpi sge, %mul3A_860, %gather3A_895 : vector<16xi32>
      %jit3A_897 = arith.constant 1 : i32
      %jit3A_898 = arith.constant 0 : i32
      %broadcast_in_dim3A_899 = vector.broadcast %jit3A_897 : i32 to vector<16xi32>
      %broadcast_in_dim3A_900 = vector.broadcast %jit3A_898 : i32 to vector<16xi32>
      %select_n3A_901 = arith.select %ge3A_896, %broadcast_in_dim3A_899, %broadcast_in_dim3A_900 : vector<16xi1>, vector<16xi32>
      %add3A_902 = arith.addi %add3A_892, %select_n3A_901 : vector<16xi32>
      %broadcast_in_dim3A_903 = arith.constant 4 : i32
      %broadcast_in_dim3A_904 = vector.broadcast %broadcast_in_dim3A_903 : i32 to vector<16xi32>
      %gather3A_905 = tpu.vector_load_idx %arg13[%broadcast_in_dim3A_904] : memref<16xi32, #tpu.memory_space<vmem>>[vector<16xi32>], vector<16xi32>,
      %ge3A_906 = arith.cmpi sge, %mul3A_860, %gather3A_905 : vector<16xi32>
      %jit3A_907 = arith.constant 1 : i32
      %jit3A_908 = arith.constant 0 : i32
      %broadcast_in_dim3A_909 = vector.broadcast %jit3A_907 : i32 to vector<16xi32>
      %broadcast_in_dim3A_910 = vector.broadcast %jit3A_908 : i32 to vector<16xi32>
      %select_n3A_911 = arith.select %ge3A_906, %broadcast_in_dim3A_909, %broadcast_in_dim3A_910 : vector<16xi1>, vector<16xi32>
      %add3A_912 = arith.addi %add3A_902, %select_n3A_911 : vector<16xi32>
      %broadcast_in_dim3A_913 = arith.constant 5 : i32
      %broadcast_in_dim3A_914 = vector.broadcast %broadcast_in_dim3A_913 : i32 to vector<16xi32>
      %gather3A_915 = tpu.vector_load_idx %arg13[%broadcast_in_dim3A_914] : memref<16xi32, #tpu.memory_space<vmem>>[vector<16xi32>], vector<16xi32>,
      %ge3A_916 = arith.cmpi sge, %mul3A_860, %gather3A_915 : vector<16xi32>
      %jit3A_917 = arith.constant 1 : i32
      %jit3A_918 = arith.constant 0 : i32
      %broadcast_in_dim3A_919 = vector.broadcast %jit3A_917 : i32 to vector<16xi32>
      %broadcast_in_dim3A_920 = vector.broadcast %jit3A_918 : i32 to vector<16xi32>
      %select_n3A_921 = arith.select %ge3A_916, %broadcast_in_dim3A_919, %broadcast_in_dim3A_920 : vector<16xi1>, vector<16xi32>
      %add3A_922 = arith.addi %add3A_912, %select_n3A_921 : vector<16xi32>
      %broadcast_in_dim3A_923 = arith.constant 6 : i32
      %broadcast_in_dim3A_924 = vector.broadcast %broadcast_in_dim3A_923 : i32 to vector<16xi32>
      %gather3A_925 = tpu.vector_load_idx %arg13[%broadcast_in_dim3A_924] : memref<16xi32, #tpu.memory_space<vmem>>[vector<16xi32>], vector<16xi32>,
      %ge3A_926 = arith.cmpi sge, %mul3A_860, %gather3A_925 : vector<16xi32>
      %jit3A_927 = arith.constant 1 : i32
      %jit3A_928 = arith.constant 0 : i32
      %broadcast_in_dim3A_929 = vector.broadcast %jit3A_927 : i32 to vector<16xi32>
      %broadcast_in_dim3A_930 = vector.broadcast %jit3A_928 : i32 to vector<16xi32>
      %select_n3A_931 = arith.select %ge3A_926, %broadcast_in_dim3A_929, %broadcast_in_dim3A_930 : vector<16xi1>, vector<16xi32>
      %add3A_932 = arith.addi %add3A_922, %select_n3A_931 : vector<16xi32>
      %broadcast_in_dim3A_933 = arith.constant 7 : i32
      %broadcast_in_dim3A_934 = vector.broadcast %broadcast_in_dim3A_933 : i32 to vector<16xi32>
      %gather3A_935 = tpu.vector_load_idx %arg13[%broadcast_in_dim3A_934] : memref<16xi32, #tpu.memory_space<vmem>>[vector<16xi32>], vector<16xi32>,
      %ge3A_936 = arith.cmpi sge, %mul3A_860, %gather3A_935 : vector<16xi32>
      %jit3A_937 = arith.constant 1 : i32
      %jit3A_938 = arith.constant 0 : i32
      %broadcast_in_dim3A_939 = vector.broadcast %jit3A_937 : i32 to vector<16xi32>
      %broadcast_in_dim3A_940 = vector.broadcast %jit3A_938 : i32 to vector<16xi32>
      %select_n3A_941 = arith.select %ge3A_936, %broadcast_in_dim3A_939, %broadcast_in_dim3A_940 : vector<16xi1>, vector<16xi32>
      %add3A_942 = arith.addi %add3A_932, %select_n3A_941 : vector<16xi32>
      %broadcast_in_dim3A_943 = arith.constant 8 : i32
      %broadcast_in_dim3A_944 = vector.broadcast %broadcast_in_dim3A_943 : i32 to vector<16xi32>
      %gather3A_945 = tpu.vector_load_idx %arg13[%broadcast_in_dim3A_944] : memref<16xi32, #tpu.memory_space<vmem>>[vector<16xi32>], vector<16xi32>,
      %ge3A_946 = arith.cmpi sge, %mul3A_860, %gather3A_945 : vector<16xi32>
      %jit3A_947 = arith.constant 1 : i32
      %jit3A_948 = arith.constant 0 : i32
      %broadcast_in_dim3A_949 = vector.broadcast %jit3A_947 : i32 to vector<16xi32>
      %broadcast_in_dim3A_950 = vector.broadcast %jit3A_948 : i32 to vector<16xi32>
      %select_n3A_951 = arith.select %ge3A_946, %broadcast_in_dim3A_949, %broadcast_in_dim3A_950 : vector<16xi1>, vector<16xi32>
      %add3A_952 = arith.addi %add3A_942, %select_n3A_951 : vector<16xi32>
      %broadcast_in_dim3A_953 = arith.constant 9 : i32
      %broadcast_in_dim3A_954 = vector.broadcast %broadcast_in_dim3A_953 : i32 to vector<16xi32>
      %gather3A_955 = tpu.vector_load_idx %arg13[%broadcast_in_dim3A_954] : memref<16xi32, #tpu.memory_space<vmem>>[vector<16xi32>], vector<16xi32>,
      %ge3A_956 = arith.cmpi sge, %mul3A_860, %gather3A_955 : vector<16xi32>
      %jit3A_957 = arith.constant 1 : i32
      %jit3A_958 = arith.constant 0 : i32
      %broadcast_in_dim3A_959 = vector.broadcast %jit3A_957 : i32 to vector<16xi32>
      %broadcast_in_dim3A_960 = vector.broadcast %jit3A_958 : i32 to vector<16xi32>
      %select_n3A_961 = arith.select %ge3A_956, %broadcast_in_dim3A_959, %broadcast_in_dim3A_960 : vector<16xi1>, vector<16xi32>
      %add3A_962 = arith.addi %add3A_952, %select_n3A_961 : vector<16xi32>
      %broadcast_in_dim3A_963 = arith.constant 10 : i32
      %broadcast_in_dim3A_964 = vector.broadcast %broadcast_in_dim3A_963 : i32 to vector<16xi32>
      %gather3A_965 = tpu.vector_load_idx %arg13[%broadcast_in_dim3A_964] : memref<16xi32, #tpu.memory_space<vmem>>[vector<16xi32>], vector<16xi32>,
      %ge3A_966 = arith.cmpi sge, %mul3A_860, %gather3A_965 : vector<16xi32>
      %jit3A_967 = arith.constant 1 : i32
      %jit3A_968 = arith.constant 0 : i32
      %broadcast_in_dim3A_969 = vector.broadcast %jit3A_967 : i32 to vector<16xi32>
      %broadcast_in_dim3A_970 = vector.broadcast %jit3A_968 : i32 to vector<16xi32>
      %select_n3A_971 = arith.select %ge3A_966, %broadcast_in_dim3A_969, %broadcast_in_dim3A_970 : vector<16xi1>, vector<16xi32>
      %add3A_972 = arith.addi %add3A_962, %select_n3A_971 : vector<16xi32>
      %broadcast_in_dim3A_973 = arith.constant 11 : i32
      %broadcast_in_dim3A_974 = vector.broadcast %broadcast_in_dim3A_973 : i32 to vector<16xi32>
      %gather3A_975 = tpu.vector_load_idx %arg13[%broadcast_in_dim3A_974] : memref<16xi32, #tpu.memory_space<vmem>>[vector<16xi32>], vector<16xi32>,
      %ge3A_976 = arith.cmpi sge, %mul3A_860, %gather3A_975 : vector<16xi32>
      %jit3A_977 = arith.constant 1 : i32
      %jit3A_978 = arith.constant 0 : i32
      %broadcast_in_dim3A_979 = vector.broadcast %jit3A_977 : i32 to vector<16xi32>
      %broadcast_in_dim3A_980 = vector.broadcast %jit3A_978 : i32 to vector<16xi32>
      %select_n3A_981 = arith.select %ge3A_976, %broadcast_in_dim3A_979, %broadcast_in_dim3A_980 : vector<16xi1>, vector<16xi32>
      %add3A_982 = arith.addi %add3A_972, %select_n3A_981 : vector<16xi32>
      %broadcast_in_dim3A_983 = arith.constant 12 : i32
      %broadcast_in_dim3A_984 = vector.broadcast %broadcast_in_dim3A_983 : i32 to vector<16xi32>
      %gather3A_985 = tpu.vector_load_idx %arg13[%broadcast_in_dim3A_984] : memref<16xi32, #tpu.memory_space<vmem>>[vector<16xi32>], vector<16xi32>,
      %ge3A_986 = arith.cmpi sge, %mul3A_860, %gather3A_985 : vector<16xi32>
      %jit3A_987 = arith.constant 1 : i32
      %jit3A_988 = arith.constant 0 : i32
      %broadcast_in_dim3A_989 = vector.broadcast %jit3A_987 : i32 to vector<16xi32>
      %broadcast_in_dim3A_990 = vector.broadcast %jit3A_988 : i32 to vector<16xi32>
      %select_n3A_991 = arith.select %ge3A_986, %broadcast_in_dim3A_989, %broadcast_in_dim3A_990 : vector<16xi1>, vector<16xi32>
      %add3A_992 = arith.addi %add3A_982, %select_n3A_991 : vector<16xi32>
      %broadcast_in_dim3A_993 = arith.constant 13 : i32
      %broadcast_in_dim3A_994 = vector.broadcast %broadcast_in_dim3A_993 : i32 to vector<16xi32>
      %gather3A_995 = tpu.vector_load_idx %arg13[%broadcast_in_dim3A_994] : memref<16xi32, #tpu.memory_space<vmem>>[vector<16xi32>], vector<16xi32>,
      %ge3A_996 = arith.cmpi sge, %mul3A_860, %gather3A_995 : vector<16xi32>
      %jit3A_997 = arith.constant 1 : i32
      %jit3A_998 = arith.constant 0 : i32
      %broadcast_in_dim3A_999 = vector.broadcast %jit3A_997 : i32 to vector<16xi32>
      %broadcast_in_dim3A_1000 = vector.broadcast %jit3A_998 : i32 to vector<16xi32>
      %select_n3A_1001 = arith.select %ge3A_996, %broadcast_in_dim3A_999, %broadcast_in_dim3A_1000 : vector<16xi1>, vector<16xi32>
      %add3A_1002 = arith.addi %add3A_992, %select_n3A_1001 : vector<16xi32>
      %broadcast_in_dim3A_1003 = arith.constant 14 : i32
      %broadcast_in_dim3A_1004 = vector.broadcast %broadcast_in_dim3A_1003 : i32 to vector<16xi32>
      %gather3A_1005 = tpu.vector_load_idx %arg13[%broadcast_in_dim3A_1004] : memref<16xi32, #tpu.memory_space<vmem>>[vector<16xi32>], vector<16xi32>,
      %ge3A_1006 = arith.cmpi sge, %mul3A_860, %gather3A_1005 : vector<16xi32>
      %jit3A_1007 = arith.constant 1 : i32
      %jit3A_1008 = arith.constant 0 : i32
      %broadcast_in_dim3A_1009 = vector.broadcast %jit3A_1007 : i32 to vector<16xi32>
      %broadcast_in_dim3A_1010 = vector.broadcast %jit3A_1008 : i32 to vector<16xi32>
      %select_n3A_1011 = arith.select %ge3A_1006, %broadcast_in_dim3A_1009, %broadcast_in_dim3A_1010 : vector<16xi1>, vector<16xi32>
      %add3A_1012 = arith.addi %add3A_1002, %select_n3A_1011 : vector<16xi32>
      %broadcast_in_dim3A_1013 = arith.constant 15 : i32
      %broadcast_in_dim3A_1014 = vector.broadcast %broadcast_in_dim3A_1013 : i32 to vector<16xi32>
      %gather3A_1015 = tpu.vector_load_idx %arg13[%broadcast_in_dim3A_1014] : memref<16xi32, #tpu.memory_space<vmem>>[vector<16xi32>], vector<16xi32>,
      %ge3A_1016 = arith.cmpi sge, %mul3A_860, %gather3A_1015 : vector<16xi32>
      %jit3A_1017 = arith.constant 1 : i32
      %jit3A_1018 = arith.constant 0 : i32
      %broadcast_in_dim3A_1019 = vector.broadcast %jit3A_1017 : i32 to vector<16xi32>
      %broadcast_in_dim3A_1020 = vector.broadcast %jit3A_1018 : i32 to vector<16xi32>
      %select_n3A_1021 = arith.select %ge3A_1016, %broadcast_in_dim3A_1019, %broadcast_in_dim3A_1020 : vector<16xi1>, vector<16xi32>
      %add3A_1022 = arith.addi %add3A_1012, %select_n3A_1021 : vector<16xi32>
      %sub3A_1023 = arith.constant 1 : i32
      %sub3A_1024 = vector.broadcast %sub3A_1023 : i32 to vector<16xi32>
      %sub3A_1025 = arith.subi %add3A_1022, %sub3A_1024 : vector<16xi32>
      %swap3A_1026 = arith.constant 64 : index
      %swap3A_1027 = tpu.vector_load %arg21[%swap3A_1026] {strides = array<i32>} : memref<80xi32, #tpu.memory_space<vmem>>, vector<16xi32>,
      tpu.vector_store %arg21[%swap3A_1026], %sub3A_1025 {strides = array<i32>} : memref<80xi32, #tpu.memory_space<vmem>>, vector<16xi32>,
      "tpu.region"() ({
        %run_scoped3A = tpu.sem_alloc : memref<!tpu.dma_semaphore, #tpu.memory_space<semaphore_mem>>
        tpu.enqueue_dma source(%arg21 : memref<80xi32, #tpu.memory_space<vmem>>) target(%arg11 : memref<80xi32, #tpu.memory_space<hbm>>) target_semaphore(%run_scoped3A : memref<!tpu.dma_semaphore, #tpu.memory_space<semaphore_mem>>)
        tpu.wait_dma2 semaphore(%run_scoped3A : memref<!tpu.dma_semaphore, #tpu.memory_space<semaphore_mem>>) src(%arg21 : memref<80xi32, #tpu.memory_space<vmem>>) dst(%arg11 : memref<80xi32, #tpu.memory_space<hbm>>)
        tpu.yield
      }) : () -> ()
    } else {
    }
    %dma_wait3A = arith.constant 0 : i32
    %dma_wait3A_153 = arith.constant 0 : i32
    %dma_wait3A_154 = tpu.memref_slice %arg8[%dma_wait3A, %dma_wait3A_153] : memref<5120x768xf32, #tpu.memory_space<hbm>> -> memref<5120x768xf32, #tpu.memory_space<hbm>>
    tpu.wait_indirect_dma semaphore(%arg22 : memref<!tpu.dma_semaphore, #tpu.memory_space<semaphore_mem>>) src(%arg20 : memref<64x768xf32, #tpu.memory_space<vmem>>) dst(%dma_wait3A_154 : memref<5120x768xf32, #tpu.memory_space<hbm>>)
    %dma_wait3A_155 = arith.constant 0 : i32
    %dma_wait3A_156 = arith.constant 0 : i32
    %dma_wait3A_157 = tpu.memref_slice %arg8[%dma_wait3A_155, %dma_wait3A_156] : memref<5120x768xf32, #tpu.memory_space<hbm>> -> memref<5120x768xf32, #tpu.memory_space<hbm>>
    tpu.wait_indirect_dma semaphore(%arg23 : memref<!tpu.dma_semaphore, #tpu.memory_space<semaphore_mem>>) src(%arg20 : memref<64x768xf32, #tpu.memory_space<vmem>>) dst(%dma_wait3A_157 : memref<5120x768xf32, #tpu.memory_space<hbm>>)
    return
  }
}

#map = affine_map<(d0, d1) -> (0, 0)>
#map1 = affine_map<(d0, d1) -> (0)>
module attributes {stable_mosaic.version = 14 : i64} {
  func.func @comb(%arg0: i32, %arg1: i32, %arg2: memref<2048x768xf32, #tpu.memory_space<hbm>>, %arg3: memref<5120x768xf32, #tpu.memory_space<hbm>>, %arg4: memref<2048xi32, #tpu.memory_space<hbm>>, %arg5: memref<2048xi32, #tpu.memory_space<hbm>>, %arg6: memref<2048xf32, #tpu.memory_space<hbm>>, %arg7: memref<2048xf32, #tpu.memory_space<hbm>>, %arg8: memref<2048x768xf32, #tpu.memory_space<hbm>>, %arg9: memref<32xi32, #tpu.memory_space<vmem>>, %arg10: memref<32xi32, #tpu.memory_space<vmem>>, %arg11: memref<32xf32, #tpu.memory_space<vmem>>, %arg12: memref<32xf32, #tpu.memory_space<vmem>>, %arg13: memref<32x768xf32, #tpu.memory_space<vmem>>, %arg14: memref<32x768xf32, #tpu.memory_space<vmem>>, %arg15: memref<32x768xf32, #tpu.memory_space<vmem>>, %arg16: memref<!tpu.dma_semaphore, #tpu.memory_space<semaphore_mem>>, %arg17: memref<!tpu.dma_semaphore, #tpu.memory_space<semaphore_mem>>) attributes {dimension_semantics = [#tpu.dimension_semantics<core_parallel>, #tpu.dimension_semantics<subcore_parallel>], iteration_bounds = array<i64: 2, 16>, scalar_prefetch = 0 : i64, scratch_operands = 9 : i64, tpu.core_type = #tpu.core_type<sc_vector_subcore>, window_params = [{transform_indices = #map}, {transform_indices = #map}, {transform_indices = #map1}, {transform_indices = #map1}, {transform_indices = #map1}, {transform_indices = #map1}, {transform_indices = #map}]} {
    %mul3A = arith.constant 2 : i32
    %mul3A_0 = arith.muli %arg1, %mul3A : i32
    %add3A = arith.addi %mul3A_0, %arg0 : i32
    %mul3A_1 = arith.constant 64 : i32
    %mul3A_2 = arith.muli %add3A, %mul3A_1 : i32
    %add3A_3 = arith.constant 0 : i32
    %add3A_4 = arith.addi %mul3A_2, %add3A_3 : i32
    "tpu.region"() ({
      %run_scoped3A = tpu.sem_alloc : memref<!tpu.dma_semaphore, #tpu.memory_space<semaphore_mem>>
      %dma_start3A_44 = tpu.memref_slice %arg4[%add3A_4] : memref<2048xi32, #tpu.memory_space<hbm>> -> memref<32xi32, #tpu.memory_space<hbm>>
      %dma_start3A_45 = tpu.memref_slice %arg4[%add3A_4] : memref<2048xi32, #tpu.memory_space<hbm>> -> memref<32xi32, #tpu.memory_space<hbm>>
      tpu.enqueue_dma source(%dma_start3A_45 : memref<32xi32, #tpu.memory_space<hbm>>) target(%arg9 : memref<32xi32, #tpu.memory_space<vmem>>) target_semaphore(%run_scoped3A : memref<!tpu.dma_semaphore, #tpu.memory_space<semaphore_mem>>)
      %dma_wait3A_46 = tpu.memref_slice %arg4[%add3A_4] : memref<2048xi32, #tpu.memory_space<hbm>> -> memref<32xi32, #tpu.memory_space<hbm>>
      %dma_wait3A_47 = tpu.memref_slice %arg4[%add3A_4] : memref<2048xi32, #tpu.memory_space<hbm>> -> memref<32xi32, #tpu.memory_space<hbm>>
      tpu.wait_dma2 semaphore(%run_scoped3A : memref<!tpu.dma_semaphore, #tpu.memory_space<semaphore_mem>>) src(%dma_wait3A_47 : memref<32xi32, #tpu.memory_space<hbm>>) dst(%arg9 : memref<32xi32, #tpu.memory_space<vmem>>)
      tpu.yield
    }) : () -> ()
    "tpu.region"() ({
      %run_scoped3A = tpu.sem_alloc : memref<!tpu.dma_semaphore, #tpu.memory_space<semaphore_mem>>
      %dma_start3A_44 = tpu.memref_slice %arg5[%add3A_4] : memref<2048xi32, #tpu.memory_space<hbm>> -> memref<32xi32, #tpu.memory_space<hbm>>
      %dma_start3A_45 = tpu.memref_slice %arg5[%add3A_4] : memref<2048xi32, #tpu.memory_space<hbm>> -> memref<32xi32, #tpu.memory_space<hbm>>
      tpu.enqueue_dma source(%dma_start3A_45 : memref<32xi32, #tpu.memory_space<hbm>>) target(%arg10 : memref<32xi32, #tpu.memory_space<vmem>>) target_semaphore(%run_scoped3A : memref<!tpu.dma_semaphore, #tpu.memory_space<semaphore_mem>>)
      %dma_wait3A_46 = tpu.memref_slice %arg5[%add3A_4] : memref<2048xi32, #tpu.memory_space<hbm>> -> memref<32xi32, #tpu.memory_space<hbm>>
      %dma_wait3A_47 = tpu.memref_slice %arg5[%add3A_4] : memref<2048xi32, #tpu.memory_space<hbm>> -> memref<32xi32, #tpu.memory_space<hbm>>
      tpu.wait_dma2 semaphore(%run_scoped3A : memref<!tpu.dma_semaphore, #tpu.memory_space<semaphore_mem>>) src(%dma_wait3A_47 : memref<32xi32, #tpu.memory_space<hbm>>) dst(%arg10 : memref<32xi32, #tpu.memory_space<vmem>>)
      tpu.yield
    }) : () -> ()
    "tpu.region"() ({
      %run_scoped3A = tpu.sem_alloc : memref<!tpu.dma_semaphore, #tpu.memory_space<semaphore_mem>>
      %dma_start3A_44 = tpu.memref_slice %arg6[%add3A_4] : memref<2048xf32, #tpu.memory_space<hbm>> -> memref<32xf32, #tpu.memory_space<hbm>>
      %dma_start3A_45 = tpu.memref_slice %arg6[%add3A_4] : memref<2048xf32, #tpu.memory_space<hbm>> -> memref<32xf32, #tpu.memory_space<hbm>>
      tpu.enqueue_dma source(%dma_start3A_45 : memref<32xf32, #tpu.memory_space<hbm>>) target(%arg11 : memref<32xf32, #tpu.memory_space<vmem>>) target_semaphore(%run_scoped3A : memref<!tpu.dma_semaphore, #tpu.memory_space<semaphore_mem>>)
      %dma_wait3A_46 = tpu.memref_slice %arg6[%add3A_4] : memref<2048xf32, #tpu.memory_space<hbm>> -> memref<32xf32, #tpu.memory_space<hbm>>
      %dma_wait3A_47 = tpu.memref_slice %arg6[%add3A_4] : memref<2048xf32, #tpu.memory_space<hbm>> -> memref<32xf32, #tpu.memory_space<hbm>>
      tpu.wait_dma2 semaphore(%run_scoped3A : memref<!tpu.dma_semaphore, #tpu.memory_space<semaphore_mem>>) src(%dma_wait3A_47 : memref<32xf32, #tpu.memory_space<hbm>>) dst(%arg11 : memref<32xf32, #tpu.memory_space<vmem>>)
      tpu.yield
    }) : () -> ()
    "tpu.region"() ({
      %run_scoped3A = tpu.sem_alloc : memref<!tpu.dma_semaphore, #tpu.memory_space<semaphore_mem>>
      %dma_start3A_44 = tpu.memref_slice %arg7[%add3A_4] : memref<2048xf32, #tpu.memory_space<hbm>> -> memref<32xf32, #tpu.memory_space<hbm>>
      %dma_start3A_45 = tpu.memref_slice %arg7[%add3A_4] : memref<2048xf32, #tpu.memory_space<hbm>> -> memref<32xf32, #tpu.memory_space<hbm>>
      tpu.enqueue_dma source(%dma_start3A_45 : memref<32xf32, #tpu.memory_space<hbm>>) target(%arg12 : memref<32xf32, #tpu.memory_space<vmem>>) target_semaphore(%run_scoped3A : memref<!tpu.dma_semaphore, #tpu.memory_space<semaphore_mem>>)
      %dma_wait3A_46 = tpu.memref_slice %arg7[%add3A_4] : memref<2048xf32, #tpu.memory_space<hbm>> -> memref<32xf32, #tpu.memory_space<hbm>>
      %dma_wait3A_47 = tpu.memref_slice %arg7[%add3A_4] : memref<2048xf32, #tpu.memory_space<hbm>> -> memref<32xf32, #tpu.memory_space<hbm>>
      tpu.wait_dma2 semaphore(%run_scoped3A : memref<!tpu.dma_semaphore, #tpu.memory_space<semaphore_mem>>) src(%dma_wait3A_47 : memref<32xf32, #tpu.memory_space<hbm>>) dst(%arg12 : memref<32xf32, #tpu.memory_space<vmem>>)
      tpu.yield
    }) : () -> ()
    %dma_start3A = arith.constant 0 : i32
    %dma_start3A_5 = arith.constant 0 : i32
    %dma_start3A_6 = tpu.memref_slice %arg3[%dma_start3A, %dma_start3A_5] : memref<5120x768xf32, #tpu.memory_space<hbm>> -> memref<5120x768xf32, #tpu.memory_space<hbm>>
    tpu.enqueue_indirect_dma source(%dma_start3A_6 : memref<5120x768xf32, #tpu.memory_space<hbm>>) target(%arg13 : memref<32x768xf32, #tpu.memory_space<vmem>>) offsets(%arg9 : memref<32xi32, #tpu.memory_space<vmem>>) semaphore(%arg16 : memref<!tpu.dma_semaphore, #tpu.memory_space<semaphore_mem>>)
    %dma_start3A_7 = arith.constant 0 : i32
    %dma_start3A_8 = arith.constant 0 : i32
    %dma_start3A_9 = tpu.memref_slice %arg3[%dma_start3A_7, %dma_start3A_8] : memref<5120x768xf32, #tpu.memory_space<hbm>> -> memref<5120x768xf32, #tpu.memory_space<hbm>>
    tpu.enqueue_indirect_dma source(%dma_start3A_9 : memref<5120x768xf32, #tpu.memory_space<hbm>>) target(%arg14 : memref<32x768xf32, #tpu.memory_space<vmem>>) offsets(%arg10 : memref<32xi32, #tpu.memory_space<vmem>>) semaphore(%arg17 : memref<!tpu.dma_semaphore, #tpu.memory_space<semaphore_mem>>)
    "tpu.region"() ({
      %run_scoped3A = tpu.sem_alloc : memref<!tpu.dma_semaphore, #tpu.memory_space<semaphore_mem>>
      %dma_start3A_44 = arith.constant 0 : i32
      %dma_start3A_45 = tpu.memref_slice %arg2[%add3A_4, %dma_start3A_44] : memref<2048x768xf32, #tpu.memory_space<hbm>> -> memref<32x768xf32, #tpu.memory_space<hbm>>
      %dma_start3A_46 = arith.constant 0 : i32
      %dma_start3A_47 = tpu.memref_slice %arg2[%add3A_4, %dma_start3A_46] : memref<2048x768xf32, #tpu.memory_space<hbm>> -> memref<32x768xf32, #tpu.memory_space<hbm>>
      tpu.enqueue_dma source(%dma_start3A_47 : memref<32x768xf32, #tpu.memory_space<hbm>>) target(%arg15 : memref<32x768xf32, #tpu.memory_space<vmem>>) target_semaphore(%run_scoped3A : memref<!tpu.dma_semaphore, #tpu.memory_space<semaphore_mem>>)
      %dma_wait3A_48 = arith.constant 0 : i32
      %dma_wait3A_49 = tpu.memref_slice %arg2[%add3A_4, %dma_wait3A_48] : memref<2048x768xf32, #tpu.memory_space<hbm>> -> memref<32x768xf32, #tpu.memory_space<hbm>>
      %dma_wait3A_50 = arith.constant 0 : i32
      %dma_wait3A_51 = tpu.memref_slice %arg2[%add3A_4, %dma_wait3A_50] : memref<2048x768xf32, #tpu.memory_space<hbm>> -> memref<32x768xf32, #tpu.memory_space<hbm>>
      tpu.wait_dma2 semaphore(%run_scoped3A : memref<!tpu.dma_semaphore, #tpu.memory_space<semaphore_mem>>) src(%dma_wait3A_51 : memref<32x768xf32, #tpu.memory_space<hbm>>) dst(%arg15 : memref<32x768xf32, #tpu.memory_space<vmem>>)
      tpu.yield
    }) : () -> ()
    %dma_wait3A = arith.constant 0 : i32
    %dma_wait3A_10 = arith.constant 0 : i32
    %dma_wait3A_11 = tpu.memref_slice %arg3[%dma_wait3A, %dma_wait3A_10] : memref<5120x768xf32, #tpu.memory_space<hbm>> -> memref<5120x768xf32, #tpu.memory_space<hbm>>
    tpu.wait_indirect_dma semaphore(%arg16 : memref<!tpu.dma_semaphore, #tpu.memory_space<semaphore_mem>>) src(%dma_wait3A_11 : memref<5120x768xf32, #tpu.memory_space<hbm>>) dst(%arg13 : memref<32x768xf32, #tpu.memory_space<vmem>>)
    %dma_wait3A_12 = arith.constant 0 : i32
    %dma_wait3A_13 = arith.constant 0 : i32
    %dma_wait3A_14 = tpu.memref_slice %arg3[%dma_wait3A_12, %dma_wait3A_13] : memref<5120x768xf32, #tpu.memory_space<hbm>> -> memref<5120x768xf32, #tpu.memory_space<hbm>>
    tpu.wait_indirect_dma semaphore(%arg17 : memref<!tpu.dma_semaphore, #tpu.memory_space<semaphore_mem>>) src(%dma_wait3A_14 : memref<5120x768xf32, #tpu.memory_space<hbm>>) dst(%arg14 : memref<32x768xf32, #tpu.memory_space<vmem>>)
    %scan3A = arith.constant 0 : i32
    %scan3A_15 = arith.constant 0 : i32
    %scan3A_16 = arith.constant 32 : i32
    %scan3A_17 = arith.addi %scan3A_15, %scan3A_16 : i32
    %scan3A_18 = arith.constant 1 : i32
    %scan3A_19 = scf.for %scan3A_44 = %scan3A_15 to %scan3A_17 step %scan3A_18 iter_args(%scan3A_45 = %scan3A) -> (i32)  : i32 {
      %broadcast_in_dim3A = vector.broadcast %scan3A_44 : i32 to vector<16xi32>
      %gather3A = tpu.vector_load_idx %arg11[%broadcast_in_dim3A] : memref<32xf32, #tpu.memory_space<vmem>>[vector<16xi32>], vector<16xf32>,
      %broadcast_in_dim3A_46 = vector.broadcast %scan3A_44 : i32 to vector<16xi32>
      %gather3A_47 = tpu.vector_load_idx %arg12[%broadcast_in_dim3A_46] : memref<32xf32, #tpu.memory_space<vmem>>[vector<16xi32>], vector<16xf32>,
      %get3A = arith.index_cast %scan3A_44 : i32 to index
      %get3A_48 = arith.constant 0 : index
      %get3A_49 = tpu.vector_load %arg15[%get3A, %get3A_48] {strides = array<i32>} : memref<32x768xf32, #tpu.memory_space<vmem>>, vector<16xf32>,
      %get3A_50 = arith.index_cast %scan3A_44 : i32 to index
      %get3A_51 = arith.constant 0 : index
      %get3A_52 = tpu.vector_load %arg13[%get3A_50, %get3A_51] {strides = array<i32>} : memref<32x768xf32, #tpu.memory_space<vmem>>, vector<16xf32>,
      %mul3A_53 = arith.mulf %get3A_52, %gather3A : vector<16xf32>
      %add3A_54 = arith.addf %get3A_49, %mul3A_53 : vector<16xf32>
      %get3A_55 = arith.index_cast %scan3A_44 : i32 to index
      %get3A_56 = arith.constant 0 : index
      %get3A_57 = tpu.vector_load %arg14[%get3A_55, %get3A_56] {strides = array<i32>} : memref<32x768xf32, #tpu.memory_space<vmem>>, vector<16xf32>,
      %mul3A_58 = arith.mulf %get3A_57, %gather3A_47 : vector<16xf32>
      %add3A_59 = arith.addf %add3A_54, %mul3A_58 : vector<16xf32>
      %swap3A = arith.index_cast %scan3A_44 : i32 to index
      %swap3A_60 = arith.constant 0 : index
      %swap3A_61 = tpu.vector_load %arg15[%swap3A, %swap3A_60] {strides = array<i32>} : memref<32x768xf32, #tpu.memory_space<vmem>>, vector<16xf32>,
      tpu.vector_store %arg15[%swap3A, %swap3A_60], %add3A_59 {strides = array<i32>} : memref<32x768xf32, #tpu.memory_space<vmem>>, vector<16xf32>,
      %get3A_62 = arith.index_cast %scan3A_44 : i32 to index
      %get3A_63 = arith.constant 16 : index
      %get3A_64 = tpu.vector_load %arg15[%get3A_62, %get3A_63] {strides = array<i32>} : memref<32x768xf32, #tpu.memory_space<vmem>>, vector<16xf32>,
      %get3A_65 = arith.index_cast %scan3A_44 : i32 to index
      %get3A_66 = arith.constant 16 : index
      %get3A_67 = tpu.vector_load %arg13[%get3A_65, %get3A_66] {strides = array<i32>} : memref<32x768xf32, #tpu.memory_space<vmem>>, vector<16xf32>,
      %mul3A_68 = arith.mulf %get3A_67, %gather3A : vector<16xf32>
      %add3A_69 = arith.addf %get3A_64, %mul3A_68 : vector<16xf32>
      %get3A_70 = arith.index_cast %scan3A_44 : i32 to index
      %get3A_71 = arith.constant 16 : index
      %get3A_72 = tpu.vector_load %arg14[%get3A_70, %get3A_71] {strides = array<i32>} : memref<32x768xf32, #tpu.memory_space<vmem>>, vector<16xf32>,
      %mul3A_73 = arith.mulf %get3A_72, %gather3A_47 : vector<16xf32>
      %add3A_74 = arith.addf %add3A_69, %mul3A_73 : vector<16xf32>
      %swap3A_75 = arith.index_cast %scan3A_44 : i32 to index
      %swap3A_76 = arith.constant 16 : index
      %swap3A_77 = tpu.vector_load %arg15[%swap3A_75, %swap3A_76] {strides = array<i32>} : memref<32x768xf32, #tpu.memory_space<vmem>>, vector<16xf32>,
      tpu.vector_store %arg15[%swap3A_75, %swap3A_76], %add3A_74 {strides = array<i32>} : memref<32x768xf32, #tpu.memory_space<vmem>>, vector<16xf32>,
      %get3A_78 = arith.index_cast %scan3A_44 : i32 to index
      %get3A_79 = arith.constant 32 : index
      %get3A_80 = tpu.vector_load %arg15[%get3A_78, %get3A_79] {strides = array<i32>} : memref<32x768xf32, #tpu.memory_space<vmem>>, vector<16xf32>,
      %get3A_81 = arith.index_cast %scan3A_44 : i32 to index
      %get3A_82 = arith.constant 32 : index
      %get3A_83 = tpu.vector_load %arg13[%get3A_81, %get3A_82] {strides = array<i32>} : memref<32x768xf32, #tpu.memory_space<vmem>>, vector<16xf32>,
      %mul3A_84 = arith.mulf %get3A_83, %gather3A : vector<16xf32>
      %add3A_85 = arith.addf %get3A_80, %mul3A_84 : vector<16xf32>
      %get3A_86 = arith.index_cast %scan3A_44 : i32 to index
      %get3A_87 = arith.constant 32 : index
      %get3A_88 = tpu.vector_load %arg14[%get3A_86, %get3A_87] {strides = array<i32>} : memref<32x768xf32, #tpu.memory_space<vmem>>, vector<16xf32>,
      %mul3A_89 = arith.mulf %get3A_88, %gather3A_47 : vector<16xf32>
      %add3A_90 = arith.addf %add3A_85, %mul3A_89 : vector<16xf32>
      %swap3A_91 = arith.index_cast %scan3A_44 : i32 to index
      %swap3A_92 = arith.constant 32 : index
      %swap3A_93 = tpu.vector_load %arg15[%swap3A_91, %swap3A_92] {strides = array<i32>} : memref<32x768xf32, #tpu.memory_space<vmem>>, vector<16xf32>,
      tpu.vector_store %arg15[%swap3A_91, %swap3A_92], %add3A_90 {strides = array<i32>} : memref<32x768xf32, #tpu.memory_space<vmem>>, vector<16xf32>,
      %get3A_94 = arith.index_cast %scan3A_44 : i32 to index
      %get3A_95 = arith.constant 48 : index
      %get3A_96 = tpu.vector_load %arg15[%get3A_94, %get3A_95] {strides = array<i32>} : memref<32x768xf32, #tpu.memory_space<vmem>>, vector<16xf32>,
      %get3A_97 = arith.index_cast %scan3A_44 : i32 to index
      %get3A_98 = arith.constant 48 : index
      %get3A_99 = tpu.vector_load %arg13[%get3A_97, %get3A_98] {strides = array<i32>} : memref<32x768xf32, #tpu.memory_space<vmem>>, vector<16xf32>,
      %mul3A_100 = arith.mulf %get3A_99, %gather3A : vector<16xf32>
      %add3A_101 = arith.addf %get3A_96, %mul3A_100 : vector<16xf32>
      %get3A_102 = arith.index_cast %scan3A_44 : i32 to index
      %get3A_103 = arith.constant 48 : index
      %get3A_104 = tpu.vector_load %arg14[%get3A_102, %get3A_103] {strides = array<i32>} : memref<32x768xf32, #tpu.memory_space<vmem>>, vector<16xf32>,
      %mul3A_105 = arith.mulf %get3A_104, %gather3A_47 : vector<16xf32>
      %add3A_106 = arith.addf %add3A_101, %mul3A_105 : vector<16xf32>
      %swap3A_107 = arith.index_cast %scan3A_44 : i32 to index
      %swap3A_108 = arith.constant 48 : index
      %swap3A_109 = tpu.vector_load %arg15[%swap3A_107, %swap3A_108] {strides = array<i32>} : memref<32x768xf32, #tpu.memory_space<vmem>>, vector<16xf32>,
      tpu.vector_store %arg15[%swap3A_107, %swap3A_108], %add3A_106 {strides = array<i32>} : memref<32x768xf32, #tpu.memory_space<vmem>>, vector<16xf32>,
      %get3A_110 = arith.index_cast %scan3A_44 : i32 to index
      %get3A_111 = arith.constant 64 : index
      %get3A_112 = tpu.vector_load %arg15[%get3A_110, %get3A_111] {strides = array<i32>} : memref<32x768xf32, #tpu.memory_space<vmem>>, vector<16xf32>,
      %get3A_113 = arith.index_cast %scan3A_44 : i32 to index
      %get3A_114 = arith.constant 64 : index
      %get3A_115 = tpu.vector_load %arg13[%get3A_113, %get3A_114] {strides = array<i32>} : memref<32x768xf32, #tpu.memory_space<vmem>>, vector<16xf32>,
      %mul3A_116 = arith.mulf %get3A_115, %gather3A : vector<16xf32>
      %add3A_117 = arith.addf %get3A_112, %mul3A_116 : vector<16xf32>
      %get3A_118 = arith.index_cast %scan3A_44 : i32 to index
      %get3A_119 = arith.constant 64 : index
      %get3A_120 = tpu.vector_load %arg14[%get3A_118, %get3A_119] {strides = array<i32>} : memref<32x768xf32, #tpu.memory_space<vmem>>, vector<16xf32>,
      %mul3A_121 = arith.mulf %get3A_120, %gather3A_47 : vector<16xf32>
      %add3A_122 = arith.addf %add3A_117, %mul3A_121 : vector<16xf32>
      %swap3A_123 = arith.index_cast %scan3A_44 : i32 to index
      %swap3A_124 = arith.constant 64 : index
      %swap3A_125 = tpu.vector_load %arg15[%swap3A_123, %swap3A_124] {strides = array<i32>} : memref<32x768xf32, #tpu.memory_space<vmem>>, vector<16xf32>,
      tpu.vector_store %arg15[%swap3A_123, %swap3A_124], %add3A_122 {strides = array<i32>} : memref<32x768xf32, #tpu.memory_space<vmem>>, vector<16xf32>,
      %get3A_126 = arith.index_cast %scan3A_44 : i32 to index
      %get3A_127 = arith.constant 80 : index
      %get3A_128 = tpu.vector_load %arg15[%get3A_126, %get3A_127] {strides = array<i32>} : memref<32x768xf32, #tpu.memory_space<vmem>>, vector<16xf32>,
      %get3A_129 = arith.index_cast %scan3A_44 : i32 to index
      %get3A_130 = arith.constant 80 : index
      %get3A_131 = tpu.vector_load %arg13[%get3A_129, %get3A_130] {strides = array<i32>} : memref<32x768xf32, #tpu.memory_space<vmem>>, vector<16xf32>,
      %mul3A_132 = arith.mulf %get3A_131, %gather3A : vector<16xf32>
      %add3A_133 = arith.addf %get3A_128, %mul3A_132 : vector<16xf32>
      %get3A_134 = arith.index_cast %scan3A_44 : i32 to index
      %get3A_135 = arith.constant 80 : index
      %get3A_136 = tpu.vector_load %arg14[%get3A_134, %get3A_135] {strides = array<i32>} : memref<32x768xf32, #tpu.memory_space<vmem>>, vector<16xf32>,
      %mul3A_137 = arith.mulf %get3A_136, %gather3A_47 : vector<16xf32>
      %add3A_138 = arith.addf %add3A_133, %mul3A_137 : vector<16xf32>
      %swap3A_139 = arith.index_cast %scan3A_44 : i32 to index
      %swap3A_140 = arith.constant 80 : index
      %swap3A_141 = tpu.vector_load %arg15[%swap3A_139, %swap3A_140] {strides = array<i32>} : memref<32x768xf32, #tpu.memory_space<vmem>>, vector<16xf32>,
      tpu.vector_store %arg15[%swap3A_139, %swap3A_140], %add3A_138 {strides = array<i32>} : memref<32x768xf32, #tpu.memory_space<vmem>>, vector<16xf32>,
      %get3A_142 = arith.index_cast %scan3A_44 : i32 to index
      %get3A_143 = arith.constant 96 : index
      %get3A_144 = tpu.vector_load %arg15[%get3A_142, %get3A_143] {strides = array<i32>} : memref<32x768xf32, #tpu.memory_space<vmem>>, vector<16xf32>,
      %get3A_145 = arith.index_cast %scan3A_44 : i32 to index
      %get3A_146 = arith.constant 96 : index
      %get3A_147 = tpu.vector_load %arg13[%get3A_145, %get3A_146] {strides = array<i32>} : memref<32x768xf32, #tpu.memory_space<vmem>>, vector<16xf32>,
      %mul3A_148 = arith.mulf %get3A_147, %gather3A : vector<16xf32>
      %add3A_149 = arith.addf %get3A_144, %mul3A_148 : vector<16xf32>
      %get3A_150 = arith.index_cast %scan3A_44 : i32 to index
      %get3A_151 = arith.constant 96 : index
      %get3A_152 = tpu.vector_load %arg14[%get3A_150, %get3A_151] {strides = array<i32>} : memref<32x768xf32, #tpu.memory_space<vmem>>, vector<16xf32>,
      %mul3A_153 = arith.mulf %get3A_152, %gather3A_47 : vector<16xf32>
      %add3A_154 = arith.addf %add3A_149, %mul3A_153 : vector<16xf32>
      %swap3A_155 = arith.index_cast %scan3A_44 : i32 to index
      %swap3A_156 = arith.constant 96 : index
      %swap3A_157 = tpu.vector_load %arg15[%swap3A_155, %swap3A_156] {strides = array<i32>} : memref<32x768xf32, #tpu.memory_space<vmem>>, vector<16xf32>,
      tpu.vector_store %arg15[%swap3A_155, %swap3A_156], %add3A_154 {strides = array<i32>} : memref<32x768xf32, #tpu.memory_space<vmem>>, vector<16xf32>,
      %get3A_158 = arith.index_cast %scan3A_44 : i32 to index
      %get3A_159 = arith.constant 112 : index
      %get3A_160 = tpu.vector_load %arg15[%get3A_158, %get3A_159] {strides = array<i32>} : memref<32x768xf32, #tpu.memory_space<vmem>>, vector<16xf32>,
      %get3A_161 = arith.index_cast %scan3A_44 : i32 to index
      %get3A_162 = arith.constant 112 : index
      %get3A_163 = tpu.vector_load %arg13[%get3A_161, %get3A_162] {strides = array<i32>} : memref<32x768xf32, #tpu.memory_space<vmem>>, vector<16xf32>,
      %mul3A_164 = arith.mulf %get3A_163, %gather3A : vector<16xf32>
      %add3A_165 = arith.addf %get3A_160, %mul3A_164 : vector<16xf32>
      %get3A_166 = arith.index_cast %scan3A_44 : i32 to index
      %get3A_167 = arith.constant 112 : index
      %get3A_168 = tpu.vector_load %arg14[%get3A_166, %get3A_167] {strides = array<i32>} : memref<32x768xf32, #tpu.memory_space<vmem>>, vector<16xf32>,
      %mul3A_169 = arith.mulf %get3A_168, %gather3A_47 : vector<16xf32>
      %add3A_170 = arith.addf %add3A_165, %mul3A_169 : vector<16xf32>
      %swap3A_171 = arith.index_cast %scan3A_44 : i32 to index
      %swap3A_172 = arith.constant 112 : index
      %swap3A_173 = tpu.vector_load %arg15[%swap3A_171, %swap3A_172] {strides = array<i32>} : memref<32x768xf32, #tpu.memory_space<vmem>>, vector<16xf32>,
      tpu.vector_store %arg15[%swap3A_171, %swap3A_172], %add3A_170 {strides = array<i32>} : memref<32x768xf32, #tpu.memory_space<vmem>>, vector<16xf32>,
      %get3A_174 = arith.index_cast %scan3A_44 : i32 to index
      %get3A_175 = arith.constant 128 : index
      %get3A_176 = tpu.vector_load %arg15[%get3A_174, %get3A_175] {strides = array<i32>} : memref<32x768xf32, #tpu.memory_space<vmem>>, vector<16xf32>,
      %get3A_177 = arith.index_cast %scan3A_44 : i32 to index
      %get3A_178 = arith.constant 128 : index
      %get3A_179 = tpu.vector_load %arg13[%get3A_177, %get3A_178] {strides = array<i32>} : memref<32x768xf32, #tpu.memory_space<vmem>>, vector<16xf32>,
      %mul3A_180 = arith.mulf %get3A_179, %gather3A : vector<16xf32>
      %add3A_181 = arith.addf %get3A_176, %mul3A_180 : vector<16xf32>
      %get3A_182 = arith.index_cast %scan3A_44 : i32 to index
      %get3A_183 = arith.constant 128 : index
      %get3A_184 = tpu.vector_load %arg14[%get3A_182, %get3A_183] {strides = array<i32>} : memref<32x768xf32, #tpu.memory_space<vmem>>, vector<16xf32>,
      %mul3A_185 = arith.mulf %get3A_184, %gather3A_47 : vector<16xf32>
      %add3A_186 = arith.addf %add3A_181, %mul3A_185 : vector<16xf32>
      %swap3A_187 = arith.index_cast %scan3A_44 : i32 to index
      %swap3A_188 = arith.constant 128 : index
      %swap3A_189 = tpu.vector_load %arg15[%swap3A_187, %swap3A_188] {strides = array<i32>} : memref<32x768xf32, #tpu.memory_space<vmem>>, vector<16xf32>,
      tpu.vector_store %arg15[%swap3A_187, %swap3A_188], %add3A_186 {strides = array<i32>} : memref<32x768xf32, #tpu.memory_space<vmem>>, vector<16xf32>,
      %get3A_190 = arith.index_cast %scan3A_44 : i32 to index
      %get3A_191 = arith.constant 144 : index
      %get3A_192 = tpu.vector_load %arg15[%get3A_190, %get3A_191] {strides = array<i32>} : memref<32x768xf32, #tpu.memory_space<vmem>>, vector<16xf32>,
      %get3A_193 = arith.index_cast %scan3A_44 : i32 to index
      %get3A_194 = arith.constant 144 : index
      %get3A_195 = tpu.vector_load %arg13[%get3A_193, %get3A_194] {strides = array<i32>} : memref<32x768xf32, #tpu.memory_space<vmem>>, vector<16xf32>,
      %mul3A_196 = arith.mulf %get3A_195, %gather3A : vector<16xf32>
      %add3A_197 = arith.addf %get3A_192, %mul3A_196 : vector<16xf32>
      %get3A_198 = arith.index_cast %scan3A_44 : i32 to index
      %get3A_199 = arith.constant 144 : index
      %get3A_200 = tpu.vector_load %arg14[%get3A_198, %get3A_199] {strides = array<i32>} : memref<32x768xf32, #tpu.memory_space<vmem>>, vector<16xf32>,
      %mul3A_201 = arith.mulf %get3A_200, %gather3A_47 : vector<16xf32>
      %add3A_202 = arith.addf %add3A_197, %mul3A_201 : vector<16xf32>
      %swap3A_203 = arith.index_cast %scan3A_44 : i32 to index
      %swap3A_204 = arith.constant 144 : index
      %swap3A_205 = tpu.vector_load %arg15[%swap3A_203, %swap3A_204] {strides = array<i32>} : memref<32x768xf32, #tpu.memory_space<vmem>>, vector<16xf32>,
      tpu.vector_store %arg15[%swap3A_203, %swap3A_204], %add3A_202 {strides = array<i32>} : memref<32x768xf32, #tpu.memory_space<vmem>>, vector<16xf32>,
      %get3A_206 = arith.index_cast %scan3A_44 : i32 to index
      %get3A_207 = arith.constant 160 : index
      %get3A_208 = tpu.vector_load %arg15[%get3A_206, %get3A_207] {strides = array<i32>} : memref<32x768xf32, #tpu.memory_space<vmem>>, vector<16xf32>,
      %get3A_209 = arith.index_cast %scan3A_44 : i32 to index
      %get3A_210 = arith.constant 160 : index
      %get3A_211 = tpu.vector_load %arg13[%get3A_209, %get3A_210] {strides = array<i32>} : memref<32x768xf32, #tpu.memory_space<vmem>>, vector<16xf32>,
      %mul3A_212 = arith.mulf %get3A_211, %gather3A : vector<16xf32>
      %add3A_213 = arith.addf %get3A_208, %mul3A_212 : vector<16xf32>
      %get3A_214 = arith.index_cast %scan3A_44 : i32 to index
      %get3A_215 = arith.constant 160 : index
      %get3A_216 = tpu.vector_load %arg14[%get3A_214, %get3A_215] {strides = array<i32>} : memref<32x768xf32, #tpu.memory_space<vmem>>, vector<16xf32>,
      %mul3A_217 = arith.mulf %get3A_216, %gather3A_47 : vector<16xf32>
      %add3A_218 = arith.addf %add3A_213, %mul3A_217 : vector<16xf32>
      %swap3A_219 = arith.index_cast %scan3A_44 : i32 to index
      %swap3A_220 = arith.constant 160 : index
      %swap3A_221 = tpu.vector_load %arg15[%swap3A_219, %swap3A_220] {strides = array<i32>} : memref<32x768xf32, #tpu.memory_space<vmem>>, vector<16xf32>,
      tpu.vector_store %arg15[%swap3A_219, %swap3A_220], %add3A_218 {strides = array<i32>} : memref<32x768xf32, #tpu.memory_space<vmem>>, vector<16xf32>,
      %get3A_222 = arith.index_cast %scan3A_44 : i32 to index
      %get3A_223 = arith.constant 176 : index
      %get3A_224 = tpu.vector_load %arg15[%get3A_222, %get3A_223] {strides = array<i32>} : memref<32x768xf32, #tpu.memory_space<vmem>>, vector<16xf32>,
      %get3A_225 = arith.index_cast %scan3A_44 : i32 to index
      %get3A_226 = arith.constant 176 : index
      %get3A_227 = tpu.vector_load %arg13[%get3A_225, %get3A_226] {strides = array<i32>} : memref<32x768xf32, #tpu.memory_space<vmem>>, vector<16xf32>,
      %mul3A_228 = arith.mulf %get3A_227, %gather3A : vector<16xf32>
      %add3A_229 = arith.addf %get3A_224, %mul3A_228 : vector<16xf32>
      %get3A_230 = arith.index_cast %scan3A_44 : i32 to index
      %get3A_231 = arith.constant 176 : index
      %get3A_232 = tpu.vector_load %arg14[%get3A_230, %get3A_231] {strides = array<i32>} : memref<32x768xf32, #tpu.memory_space<vmem>>, vector<16xf32>,
      %mul3A_233 = arith.mulf %get3A_232, %gather3A_47 : vector<16xf32>
      %add3A_234 = arith.addf %add3A_229, %mul3A_233 : vector<16xf32>
      %swap3A_235 = arith.index_cast %scan3A_44 : i32 to index
      %swap3A_236 = arith.constant 176 : index
      %swap3A_237 = tpu.vector_load %arg15[%swap3A_235, %swap3A_236] {strides = array<i32>} : memref<32x768xf32, #tpu.memory_space<vmem>>, vector<16xf32>,
      tpu.vector_store %arg15[%swap3A_235, %swap3A_236], %add3A_234 {strides = array<i32>} : memref<32x768xf32, #tpu.memory_space<vmem>>, vector<16xf32>,
      %get3A_238 = arith.index_cast %scan3A_44 : i32 to index
      %get3A_239 = arith.constant 192 : index
      %get3A_240 = tpu.vector_load %arg15[%get3A_238, %get3A_239] {strides = array<i32>} : memref<32x768xf32, #tpu.memory_space<vmem>>, vector<16xf32>,
      %get3A_241 = arith.index_cast %scan3A_44 : i32 to index
      %get3A_242 = arith.constant 192 : index
      %get3A_243 = tpu.vector_load %arg13[%get3A_241, %get3A_242] {strides = array<i32>} : memref<32x768xf32, #tpu.memory_space<vmem>>, vector<16xf32>,
      %mul3A_244 = arith.mulf %get3A_243, %gather3A : vector<16xf32>
      %add3A_245 = arith.addf %get3A_240, %mul3A_244 : vector<16xf32>
      %get3A_246 = arith.index_cast %scan3A_44 : i32 to index
      %get3A_247 = arith.constant 192 : index
      %get3A_248 = tpu.vector_load %arg14[%get3A_246, %get3A_247] {strides = array<i32>} : memref<32x768xf32, #tpu.memory_space<vmem>>, vector<16xf32>,
      %mul3A_249 = arith.mulf %get3A_248, %gather3A_47 : vector<16xf32>
      %add3A_250 = arith.addf %add3A_245, %mul3A_249 : vector<16xf32>
      %swap3A_251 = arith.index_cast %scan3A_44 : i32 to index
      %swap3A_252 = arith.constant 192 : index
      %swap3A_253 = tpu.vector_load %arg15[%swap3A_251, %swap3A_252] {strides = array<i32>} : memref<32x768xf32, #tpu.memory_space<vmem>>, vector<16xf32>,
      tpu.vector_store %arg15[%swap3A_251, %swap3A_252], %add3A_250 {strides = array<i32>} : memref<32x768xf32, #tpu.memory_space<vmem>>, vector<16xf32>,
      %get3A_254 = arith.index_cast %scan3A_44 : i32 to index
      %get3A_255 = arith.constant 208 : index
      %get3A_256 = tpu.vector_load %arg15[%get3A_254, %get3A_255] {strides = array<i32>} : memref<32x768xf32, #tpu.memory_space<vmem>>, vector<16xf32>,
      %get3A_257 = arith.index_cast %scan3A_44 : i32 to index
      %get3A_258 = arith.constant 208 : index
      %get3A_259 = tpu.vector_load %arg13[%get3A_257, %get3A_258] {strides = array<i32>} : memref<32x768xf32, #tpu.memory_space<vmem>>, vector<16xf32>,
      %mul3A_260 = arith.mulf %get3A_259, %gather3A : vector<16xf32>
      %add3A_261 = arith.addf %get3A_256, %mul3A_260 : vector<16xf32>
      %get3A_262 = arith.index_cast %scan3A_44 : i32 to index
      %get3A_263 = arith.constant 208 : index
      %get3A_264 = tpu.vector_load %arg14[%get3A_262, %get3A_263] {strides = array<i32>} : memref<32x768xf32, #tpu.memory_space<vmem>>, vector<16xf32>,
      %mul3A_265 = arith.mulf %get3A_264, %gather3A_47 : vector<16xf32>
      %add3A_266 = arith.addf %add3A_261, %mul3A_265 : vector<16xf32>
      %swap3A_267 = arith.index_cast %scan3A_44 : i32 to index
      %swap3A_268 = arith.constant 208 : index
      %swap3A_269 = tpu.vector_load %arg15[%swap3A_267, %swap3A_268] {strides = array<i32>} : memref<32x768xf32, #tpu.memory_space<vmem>>, vector<16xf32>,
      tpu.vector_store %arg15[%swap3A_267, %swap3A_268], %add3A_266 {strides = array<i32>} : memref<32x768xf32, #tpu.memory_space<vmem>>, vector<16xf32>,
      %get3A_270 = arith.index_cast %scan3A_44 : i32 to index
      %get3A_271 = arith.constant 224 : index
      %get3A_272 = tpu.vector_load %arg15[%get3A_270, %get3A_271] {strides = array<i32>} : memref<32x768xf32, #tpu.memory_space<vmem>>, vector<16xf32>,
      %get3A_273 = arith.index_cast %scan3A_44 : i32 to index
      %get3A_274 = arith.constant 224 : index
      %get3A_275 = tpu.vector_load %arg13[%get3A_273, %get3A_274] {strides = array<i32>} : memref<32x768xf32, #tpu.memory_space<vmem>>, vector<16xf32>,
      %mul3A_276 = arith.mulf %get3A_275, %gather3A : vector<16xf32>
      %add3A_277 = arith.addf %get3A_272, %mul3A_276 : vector<16xf32>
      %get3A_278 = arith.index_cast %scan3A_44 : i32 to index
      %get3A_279 = arith.constant 224 : index
      %get3A_280 = tpu.vector_load %arg14[%get3A_278, %get3A_279] {strides = array<i32>} : memref<32x768xf32, #tpu.memory_space<vmem>>, vector<16xf32>,
      %mul3A_281 = arith.mulf %get3A_280, %gather3A_47 : vector<16xf32>
      %add3A_282 = arith.addf %add3A_277, %mul3A_281 : vector<16xf32>
      %swap3A_283 = arith.index_cast %scan3A_44 : i32 to index
      %swap3A_284 = arith.constant 224 : index
      %swap3A_285 = tpu.vector_load %arg15[%swap3A_283, %swap3A_284] {strides = array<i32>} : memref<32x768xf32, #tpu.memory_space<vmem>>, vector<16xf32>,
      tpu.vector_store %arg15[%swap3A_283, %swap3A_284], %add3A_282 {strides = array<i32>} : memref<32x768xf32, #tpu.memory_space<vmem>>, vector<16xf32>,
      %get3A_286 = arith.index_cast %scan3A_44 : i32 to index
      %get3A_287 = arith.constant 240 : index
      %get3A_288 = tpu.vector_load %arg15[%get3A_286, %get3A_287] {strides = array<i32>} : memref<32x768xf32, #tpu.memory_space<vmem>>, vector<16xf32>,
      %get3A_289 = arith.index_cast %scan3A_44 : i32 to index
      %get3A_290 = arith.constant 240 : index
      %get3A_291 = tpu.vector_load %arg13[%get3A_289, %get3A_290] {strides = array<i32>} : memref<32x768xf32, #tpu.memory_space<vmem>>, vector<16xf32>,
      %mul3A_292 = arith.mulf %get3A_291, %gather3A : vector<16xf32>
      %add3A_293 = arith.addf %get3A_288, %mul3A_292 : vector<16xf32>
      %get3A_294 = arith.index_cast %scan3A_44 : i32 to index
      %get3A_295 = arith.constant 240 : index
      %get3A_296 = tpu.vector_load %arg14[%get3A_294, %get3A_295] {strides = array<i32>} : memref<32x768xf32, #tpu.memory_space<vmem>>, vector<16xf32>,
      %mul3A_297 = arith.mulf %get3A_296, %gather3A_47 : vector<16xf32>
      %add3A_298 = arith.addf %add3A_293, %mul3A_297 : vector<16xf32>
      %swap3A_299 = arith.index_cast %scan3A_44 : i32 to index
      %swap3A_300 = arith.constant 240 : index
      %swap3A_301 = tpu.vector_load %arg15[%swap3A_299, %swap3A_300] {strides = array<i32>} : memref<32x768xf32, #tpu.memory_space<vmem>>, vector<16xf32>,
      tpu.vector_store %arg15[%swap3A_299, %swap3A_300], %add3A_298 {strides = array<i32>} : memref<32x768xf32, #tpu.memory_space<vmem>>, vector<16xf32>,
      %get3A_302 = arith.index_cast %scan3A_44 : i32 to index
      %get3A_303 = arith.constant 256 : index
      %get3A_304 = tpu.vector_load %arg15[%get3A_302, %get3A_303] {strides = array<i32>} : memref<32x768xf32, #tpu.memory_space<vmem>>, vector<16xf32>,
      %get3A_305 = arith.index_cast %scan3A_44 : i32 to index
      %get3A_306 = arith.constant 256 : index
      %get3A_307 = tpu.vector_load %arg13[%get3A_305, %get3A_306] {strides = array<i32>} : memref<32x768xf32, #tpu.memory_space<vmem>>, vector<16xf32>,
      %mul3A_308 = arith.mulf %get3A_307, %gather3A : vector<16xf32>
      %add3A_309 = arith.addf %get3A_304, %mul3A_308 : vector<16xf32>
      %get3A_310 = arith.index_cast %scan3A_44 : i32 to index
      %get3A_311 = arith.constant 256 : index
      %get3A_312 = tpu.vector_load %arg14[%get3A_310, %get3A_311] {strides = array<i32>} : memref<32x768xf32, #tpu.memory_space<vmem>>, vector<16xf32>,
      %mul3A_313 = arith.mulf %get3A_312, %gather3A_47 : vector<16xf32>
      %add3A_314 = arith.addf %add3A_309, %mul3A_313 : vector<16xf32>
      %swap3A_315 = arith.index_cast %scan3A_44 : i32 to index
      %swap3A_316 = arith.constant 256 : index
      %swap3A_317 = tpu.vector_load %arg15[%swap3A_315, %swap3A_316] {strides = array<i32>} : memref<32x768xf32, #tpu.memory_space<vmem>>, vector<16xf32>,
      tpu.vector_store %arg15[%swap3A_315, %swap3A_316], %add3A_314 {strides = array<i32>} : memref<32x768xf32, #tpu.memory_space<vmem>>, vector<16xf32>,
      %get3A_318 = arith.index_cast %scan3A_44 : i32 to index
      %get3A_319 = arith.constant 272 : index
      %get3A_320 = tpu.vector_load %arg15[%get3A_318, %get3A_319] {strides = array<i32>} : memref<32x768xf32, #tpu.memory_space<vmem>>, vector<16xf32>,
      %get3A_321 = arith.index_cast %scan3A_44 : i32 to index
      %get3A_322 = arith.constant 272 : index
      %get3A_323 = tpu.vector_load %arg13[%get3A_321, %get3A_322] {strides = array<i32>} : memref<32x768xf32, #tpu.memory_space<vmem>>, vector<16xf32>,
      %mul3A_324 = arith.mulf %get3A_323, %gather3A : vector<16xf32>
      %add3A_325 = arith.addf %get3A_320, %mul3A_324 : vector<16xf32>
      %get3A_326 = arith.index_cast %scan3A_44 : i32 to index
      %get3A_327 = arith.constant 272 : index
      %get3A_328 = tpu.vector_load %arg14[%get3A_326, %get3A_327] {strides = array<i32>} : memref<32x768xf32, #tpu.memory_space<vmem>>, vector<16xf32>,
      %mul3A_329 = arith.mulf %get3A_328, %gather3A_47 : vector<16xf32>
      %add3A_330 = arith.addf %add3A_325, %mul3A_329 : vector<16xf32>
      %swap3A_331 = arith.index_cast %scan3A_44 : i32 to index
      %swap3A_332 = arith.constant 272 : index
      %swap3A_333 = tpu.vector_load %arg15[%swap3A_331, %swap3A_332] {strides = array<i32>} : memref<32x768xf32, #tpu.memory_space<vmem>>, vector<16xf32>,
      tpu.vector_store %arg15[%swap3A_331, %swap3A_332], %add3A_330 {strides = array<i32>} : memref<32x768xf32, #tpu.memory_space<vmem>>, vector<16xf32>,
      %get3A_334 = arith.index_cast %scan3A_44 : i32 to index
      %get3A_335 = arith.constant 288 : index
      %get3A_336 = tpu.vector_load %arg15[%get3A_334, %get3A_335] {strides = array<i32>} : memref<32x768xf32, #tpu.memory_space<vmem>>, vector<16xf32>,
      %get3A_337 = arith.index_cast %scan3A_44 : i32 to index
      %get3A_338 = arith.constant 288 : index
      %get3A_339 = tpu.vector_load %arg13[%get3A_337, %get3A_338] {strides = array<i32>} : memref<32x768xf32, #tpu.memory_space<vmem>>, vector<16xf32>,
      %mul3A_340 = arith.mulf %get3A_339, %gather3A : vector<16xf32>
      %add3A_341 = arith.addf %get3A_336, %mul3A_340 : vector<16xf32>
      %get3A_342 = arith.index_cast %scan3A_44 : i32 to index
      %get3A_343 = arith.constant 288 : index
      %get3A_344 = tpu.vector_load %arg14[%get3A_342, %get3A_343] {strides = array<i32>} : memref<32x768xf32, #tpu.memory_space<vmem>>, vector<16xf32>,
      %mul3A_345 = arith.mulf %get3A_344, %gather3A_47 : vector<16xf32>
      %add3A_346 = arith.addf %add3A_341, %mul3A_345 : vector<16xf32>
      %swap3A_347 = arith.index_cast %scan3A_44 : i32 to index
      %swap3A_348 = arith.constant 288 : index
      %swap3A_349 = tpu.vector_load %arg15[%swap3A_347, %swap3A_348] {strides = array<i32>} : memref<32x768xf32, #tpu.memory_space<vmem>>, vector<16xf32>,
      tpu.vector_store %arg15[%swap3A_347, %swap3A_348], %add3A_346 {strides = array<i32>} : memref<32x768xf32, #tpu.memory_space<vmem>>, vector<16xf32>,
      %get3A_350 = arith.index_cast %scan3A_44 : i32 to index
      %get3A_351 = arith.constant 304 : index
      %get3A_352 = tpu.vector_load %arg15[%get3A_350, %get3A_351] {strides = array<i32>} : memref<32x768xf32, #tpu.memory_space<vmem>>, vector<16xf32>,
      %get3A_353 = arith.index_cast %scan3A_44 : i32 to index
      %get3A_354 = arith.constant 304 : index
      %get3A_355 = tpu.vector_load %arg13[%get3A_353, %get3A_354] {strides = array<i32>} : memref<32x768xf32, #tpu.memory_space<vmem>>, vector<16xf32>,
      %mul3A_356 = arith.mulf %get3A_355, %gather3A : vector<16xf32>
      %add3A_357 = arith.addf %get3A_352, %mul3A_356 : vector<16xf32>
      %get3A_358 = arith.index_cast %scan3A_44 : i32 to index
      %get3A_359 = arith.constant 304 : index
      %get3A_360 = tpu.vector_load %arg14[%get3A_358, %get3A_359] {strides = array<i32>} : memref<32x768xf32, #tpu.memory_space<vmem>>, vector<16xf32>,
      %mul3A_361 = arith.mulf %get3A_360, %gather3A_47 : vector<16xf32>
      %add3A_362 = arith.addf %add3A_357, %mul3A_361 : vector<16xf32>
      %swap3A_363 = arith.index_cast %scan3A_44 : i32 to index
      %swap3A_364 = arith.constant 304 : index
      %swap3A_365 = tpu.vector_load %arg15[%swap3A_363, %swap3A_364] {strides = array<i32>} : memref<32x768xf32, #tpu.memory_space<vmem>>, vector<16xf32>,
      tpu.vector_store %arg15[%swap3A_363, %swap3A_364], %add3A_362 {strides = array<i32>} : memref<32x768xf32, #tpu.memory_space<vmem>>, vector<16xf32>,
      %get3A_366 = arith.index_cast %scan3A_44 : i32 to index
      %get3A_367 = arith.constant 320 : index
      %get3A_368 = tpu.vector_load %arg15[%get3A_366, %get3A_367] {strides = array<i32>} : memref<32x768xf32, #tpu.memory_space<vmem>>, vector<16xf32>,
      %get3A_369 = arith.index_cast %scan3A_44 : i32 to index
      %get3A_370 = arith.constant 320 : index
      %get3A_371 = tpu.vector_load %arg13[%get3A_369, %get3A_370] {strides = array<i32>} : memref<32x768xf32, #tpu.memory_space<vmem>>, vector<16xf32>,
      %mul3A_372 = arith.mulf %get3A_371, %gather3A : vector<16xf32>
      %add3A_373 = arith.addf %get3A_368, %mul3A_372 : vector<16xf32>
      %get3A_374 = arith.index_cast %scan3A_44 : i32 to index
      %get3A_375 = arith.constant 320 : index
      %get3A_376 = tpu.vector_load %arg14[%get3A_374, %get3A_375] {strides = array<i32>} : memref<32x768xf32, #tpu.memory_space<vmem>>, vector<16xf32>,
      %mul3A_377 = arith.mulf %get3A_376, %gather3A_47 : vector<16xf32>
      %add3A_378 = arith.addf %add3A_373, %mul3A_377 : vector<16xf32>
      %swap3A_379 = arith.index_cast %scan3A_44 : i32 to index
      %swap3A_380 = arith.constant 320 : index
      %swap3A_381 = tpu.vector_load %arg15[%swap3A_379, %swap3A_380] {strides = array<i32>} : memref<32x768xf32, #tpu.memory_space<vmem>>, vector<16xf32>,
      tpu.vector_store %arg15[%swap3A_379, %swap3A_380], %add3A_378 {strides = array<i32>} : memref<32x768xf32, #tpu.memory_space<vmem>>, vector<16xf32>,
      %get3A_382 = arith.index_cast %scan3A_44 : i32 to index
      %get3A_383 = arith.constant 336 : index
      %get3A_384 = tpu.vector_load %arg15[%get3A_382, %get3A_383] {strides = array<i32>} : memref<32x768xf32, #tpu.memory_space<vmem>>, vector<16xf32>,
      %get3A_385 = arith.index_cast %scan3A_44 : i32 to index
      %get3A_386 = arith.constant 336 : index
      %get3A_387 = tpu.vector_load %arg13[%get3A_385, %get3A_386] {strides = array<i32>} : memref<32x768xf32, #tpu.memory_space<vmem>>, vector<16xf32>,
      %mul3A_388 = arith.mulf %get3A_387, %gather3A : vector<16xf32>
      %add3A_389 = arith.addf %get3A_384, %mul3A_388 : vector<16xf32>
      %get3A_390 = arith.index_cast %scan3A_44 : i32 to index
      %get3A_391 = arith.constant 336 : index
      %get3A_392 = tpu.vector_load %arg14[%get3A_390, %get3A_391] {strides = array<i32>} : memref<32x768xf32, #tpu.memory_space<vmem>>, vector<16xf32>,
      %mul3A_393 = arith.mulf %get3A_392, %gather3A_47 : vector<16xf32>
      %add3A_394 = arith.addf %add3A_389, %mul3A_393 : vector<16xf32>
      %swap3A_395 = arith.index_cast %scan3A_44 : i32 to index
      %swap3A_396 = arith.constant 336 : index
      %swap3A_397 = tpu.vector_load %arg15[%swap3A_395, %swap3A_396] {strides = array<i32>} : memref<32x768xf32, #tpu.memory_space<vmem>>, vector<16xf32>,
      tpu.vector_store %arg15[%swap3A_395, %swap3A_396], %add3A_394 {strides = array<i32>} : memref<32x768xf32, #tpu.memory_space<vmem>>, vector<16xf32>,
      %get3A_398 = arith.index_cast %scan3A_44 : i32 to index
      %get3A_399 = arith.constant 352 : index
      %get3A_400 = tpu.vector_load %arg15[%get3A_398, %get3A_399] {strides = array<i32>} : memref<32x768xf32, #tpu.memory_space<vmem>>, vector<16xf32>,
      %get3A_401 = arith.index_cast %scan3A_44 : i32 to index
      %get3A_402 = arith.constant 352 : index
      %get3A_403 = tpu.vector_load %arg13[%get3A_401, %get3A_402] {strides = array<i32>} : memref<32x768xf32, #tpu.memory_space<vmem>>, vector<16xf32>,
      %mul3A_404 = arith.mulf %get3A_403, %gather3A : vector<16xf32>
      %add3A_405 = arith.addf %get3A_400, %mul3A_404 : vector<16xf32>
      %get3A_406 = arith.index_cast %scan3A_44 : i32 to index
      %get3A_407 = arith.constant 352 : index
      %get3A_408 = tpu.vector_load %arg14[%get3A_406, %get3A_407] {strides = array<i32>} : memref<32x768xf32, #tpu.memory_space<vmem>>, vector<16xf32>,
      %mul3A_409 = arith.mulf %get3A_408, %gather3A_47 : vector<16xf32>
      %add3A_410 = arith.addf %add3A_405, %mul3A_409 : vector<16xf32>
      %swap3A_411 = arith.index_cast %scan3A_44 : i32 to index
      %swap3A_412 = arith.constant 352 : index
      %swap3A_413 = tpu.vector_load %arg15[%swap3A_411, %swap3A_412] {strides = array<i32>} : memref<32x768xf32, #tpu.memory_space<vmem>>, vector<16xf32>,
      tpu.vector_store %arg15[%swap3A_411, %swap3A_412], %add3A_410 {strides = array<i32>} : memref<32x768xf32, #tpu.memory_space<vmem>>, vector<16xf32>,
      %get3A_414 = arith.index_cast %scan3A_44 : i32 to index
      %get3A_415 = arith.constant 368 : index
      %get3A_416 = tpu.vector_load %arg15[%get3A_414, %get3A_415] {strides = array<i32>} : memref<32x768xf32, #tpu.memory_space<vmem>>, vector<16xf32>,
      %get3A_417 = arith.index_cast %scan3A_44 : i32 to index
      %get3A_418 = arith.constant 368 : index
      %get3A_419 = tpu.vector_load %arg13[%get3A_417, %get3A_418] {strides = array<i32>} : memref<32x768xf32, #tpu.memory_space<vmem>>, vector<16xf32>,
      %mul3A_420 = arith.mulf %get3A_419, %gather3A : vector<16xf32>
      %add3A_421 = arith.addf %get3A_416, %mul3A_420 : vector<16xf32>
      %get3A_422 = arith.index_cast %scan3A_44 : i32 to index
      %get3A_423 = arith.constant 368 : index
      %get3A_424 = tpu.vector_load %arg14[%get3A_422, %get3A_423] {strides = array<i32>} : memref<32x768xf32, #tpu.memory_space<vmem>>, vector<16xf32>,
      %mul3A_425 = arith.mulf %get3A_424, %gather3A_47 : vector<16xf32>
      %add3A_426 = arith.addf %add3A_421, %mul3A_425 : vector<16xf32>
      %swap3A_427 = arith.index_cast %scan3A_44 : i32 to index
      %swap3A_428 = arith.constant 368 : index
      %swap3A_429 = tpu.vector_load %arg15[%swap3A_427, %swap3A_428] {strides = array<i32>} : memref<32x768xf32, #tpu.memory_space<vmem>>, vector<16xf32>,
      tpu.vector_store %arg15[%swap3A_427, %swap3A_428], %add3A_426 {strides = array<i32>} : memref<32x768xf32, #tpu.memory_space<vmem>>, vector<16xf32>,
      %get3A_430 = arith.index_cast %scan3A_44 : i32 to index
      %get3A_431 = arith.constant 384 : index
      %get3A_432 = tpu.vector_load %arg15[%get3A_430, %get3A_431] {strides = array<i32>} : memref<32x768xf32, #tpu.memory_space<vmem>>, vector<16xf32>,
      %get3A_433 = arith.index_cast %scan3A_44 : i32 to index
      %get3A_434 = arith.constant 384 : index
      %get3A_435 = tpu.vector_load %arg13[%get3A_433, %get3A_434] {strides = array<i32>} : memref<32x768xf32, #tpu.memory_space<vmem>>, vector<16xf32>,
      %mul3A_436 = arith.mulf %get3A_435, %gather3A : vector<16xf32>
      %add3A_437 = arith.addf %get3A_432, %mul3A_436 : vector<16xf32>
      %get3A_438 = arith.index_cast %scan3A_44 : i32 to index
      %get3A_439 = arith.constant 384 : index
      %get3A_440 = tpu.vector_load %arg14[%get3A_438, %get3A_439] {strides = array<i32>} : memref<32x768xf32, #tpu.memory_space<vmem>>, vector<16xf32>,
      %mul3A_441 = arith.mulf %get3A_440, %gather3A_47 : vector<16xf32>
      %add3A_442 = arith.addf %add3A_437, %mul3A_441 : vector<16xf32>
      %swap3A_443 = arith.index_cast %scan3A_44 : i32 to index
      %swap3A_444 = arith.constant 384 : index
      %swap3A_445 = tpu.vector_load %arg15[%swap3A_443, %swap3A_444] {strides = array<i32>} : memref<32x768xf32, #tpu.memory_space<vmem>>, vector<16xf32>,
      tpu.vector_store %arg15[%swap3A_443, %swap3A_444], %add3A_442 {strides = array<i32>} : memref<32x768xf32, #tpu.memory_space<vmem>>, vector<16xf32>,
      %get3A_446 = arith.index_cast %scan3A_44 : i32 to index
      %get3A_447 = arith.constant 400 : index
      %get3A_448 = tpu.vector_load %arg15[%get3A_446, %get3A_447] {strides = array<i32>} : memref<32x768xf32, #tpu.memory_space<vmem>>, vector<16xf32>,
      %get3A_449 = arith.index_cast %scan3A_44 : i32 to index
      %get3A_450 = arith.constant 400 : index
      %get3A_451 = tpu.vector_load %arg13[%get3A_449, %get3A_450] {strides = array<i32>} : memref<32x768xf32, #tpu.memory_space<vmem>>, vector<16xf32>,
      %mul3A_452 = arith.mulf %get3A_451, %gather3A : vector<16xf32>
      %add3A_453 = arith.addf %get3A_448, %mul3A_452 : vector<16xf32>
      %get3A_454 = arith.index_cast %scan3A_44 : i32 to index
      %get3A_455 = arith.constant 400 : index
      %get3A_456 = tpu.vector_load %arg14[%get3A_454, %get3A_455] {strides = array<i32>} : memref<32x768xf32, #tpu.memory_space<vmem>>, vector<16xf32>,
      %mul3A_457 = arith.mulf %get3A_456, %gather3A_47 : vector<16xf32>
      %add3A_458 = arith.addf %add3A_453, %mul3A_457 : vector<16xf32>
      %swap3A_459 = arith.index_cast %scan3A_44 : i32 to index
      %swap3A_460 = arith.constant 400 : index
      %swap3A_461 = tpu.vector_load %arg15[%swap3A_459, %swap3A_460] {strides = array<i32>} : memref<32x768xf32, #tpu.memory_space<vmem>>, vector<16xf32>,
      tpu.vector_store %arg15[%swap3A_459, %swap3A_460], %add3A_458 {strides = array<i32>} : memref<32x768xf32, #tpu.memory_space<vmem>>, vector<16xf32>,
      %get3A_462 = arith.index_cast %scan3A_44 : i32 to index
      %get3A_463 = arith.constant 416 : index
      %get3A_464 = tpu.vector_load %arg15[%get3A_462, %get3A_463] {strides = array<i32>} : memref<32x768xf32, #tpu.memory_space<vmem>>, vector<16xf32>,
      %get3A_465 = arith.index_cast %scan3A_44 : i32 to index
      %get3A_466 = arith.constant 416 : index
      %get3A_467 = tpu.vector_load %arg13[%get3A_465, %get3A_466] {strides = array<i32>} : memref<32x768xf32, #tpu.memory_space<vmem>>, vector<16xf32>,
      %mul3A_468 = arith.mulf %get3A_467, %gather3A : vector<16xf32>
      %add3A_469 = arith.addf %get3A_464, %mul3A_468 : vector<16xf32>
      %get3A_470 = arith.index_cast %scan3A_44 : i32 to index
      %get3A_471 = arith.constant 416 : index
      %get3A_472 = tpu.vector_load %arg14[%get3A_470, %get3A_471] {strides = array<i32>} : memref<32x768xf32, #tpu.memory_space<vmem>>, vector<16xf32>,
      %mul3A_473 = arith.mulf %get3A_472, %gather3A_47 : vector<16xf32>
      %add3A_474 = arith.addf %add3A_469, %mul3A_473 : vector<16xf32>
      %swap3A_475 = arith.index_cast %scan3A_44 : i32 to index
      %swap3A_476 = arith.constant 416 : index
      %swap3A_477 = tpu.vector_load %arg15[%swap3A_475, %swap3A_476] {strides = array<i32>} : memref<32x768xf32, #tpu.memory_space<vmem>>, vector<16xf32>,
      tpu.vector_store %arg15[%swap3A_475, %swap3A_476], %add3A_474 {strides = array<i32>} : memref<32x768xf32, #tpu.memory_space<vmem>>, vector<16xf32>,
      %get3A_478 = arith.index_cast %scan3A_44 : i32 to index
      %get3A_479 = arith.constant 432 : index
      %get3A_480 = tpu.vector_load %arg15[%get3A_478, %get3A_479] {strides = array<i32>} : memref<32x768xf32, #tpu.memory_space<vmem>>, vector<16xf32>,
      %get3A_481 = arith.index_cast %scan3A_44 : i32 to index
      %get3A_482 = arith.constant 432 : index
      %get3A_483 = tpu.vector_load %arg13[%get3A_481, %get3A_482] {strides = array<i32>} : memref<32x768xf32, #tpu.memory_space<vmem>>, vector<16xf32>,
      %mul3A_484 = arith.mulf %get3A_483, %gather3A : vector<16xf32>
      %add3A_485 = arith.addf %get3A_480, %mul3A_484 : vector<16xf32>
      %get3A_486 = arith.index_cast %scan3A_44 : i32 to index
      %get3A_487 = arith.constant 432 : index
      %get3A_488 = tpu.vector_load %arg14[%get3A_486, %get3A_487] {strides = array<i32>} : memref<32x768xf32, #tpu.memory_space<vmem>>, vector<16xf32>,
      %mul3A_489 = arith.mulf %get3A_488, %gather3A_47 : vector<16xf32>
      %add3A_490 = arith.addf %add3A_485, %mul3A_489 : vector<16xf32>
      %swap3A_491 = arith.index_cast %scan3A_44 : i32 to index
      %swap3A_492 = arith.constant 432 : index
      %swap3A_493 = tpu.vector_load %arg15[%swap3A_491, %swap3A_492] {strides = array<i32>} : memref<32x768xf32, #tpu.memory_space<vmem>>, vector<16xf32>,
      tpu.vector_store %arg15[%swap3A_491, %swap3A_492], %add3A_490 {strides = array<i32>} : memref<32x768xf32, #tpu.memory_space<vmem>>, vector<16xf32>,
      %get3A_494 = arith.index_cast %scan3A_44 : i32 to index
      %get3A_495 = arith.constant 448 : index
      %get3A_496 = tpu.vector_load %arg15[%get3A_494, %get3A_495] {strides = array<i32>} : memref<32x768xf32, #tpu.memory_space<vmem>>, vector<16xf32>,
      %get3A_497 = arith.index_cast %scan3A_44 : i32 to index
      %get3A_498 = arith.constant 448 : index
      %get3A_499 = tpu.vector_load %arg13[%get3A_497, %get3A_498] {strides = array<i32>} : memref<32x768xf32, #tpu.memory_space<vmem>>, vector<16xf32>,
      %mul3A_500 = arith.mulf %get3A_499, %gather3A : vector<16xf32>
      %add3A_501 = arith.addf %get3A_496, %mul3A_500 : vector<16xf32>
      %get3A_502 = arith.index_cast %scan3A_44 : i32 to index
      %get3A_503 = arith.constant 448 : index
      %get3A_504 = tpu.vector_load %arg14[%get3A_502, %get3A_503] {strides = array<i32>} : memref<32x768xf32, #tpu.memory_space<vmem>>, vector<16xf32>,
      %mul3A_505 = arith.mulf %get3A_504, %gather3A_47 : vector<16xf32>
      %add3A_506 = arith.addf %add3A_501, %mul3A_505 : vector<16xf32>
      %swap3A_507 = arith.index_cast %scan3A_44 : i32 to index
      %swap3A_508 = arith.constant 448 : index
      %swap3A_509 = tpu.vector_load %arg15[%swap3A_507, %swap3A_508] {strides = array<i32>} : memref<32x768xf32, #tpu.memory_space<vmem>>, vector<16xf32>,
      tpu.vector_store %arg15[%swap3A_507, %swap3A_508], %add3A_506 {strides = array<i32>} : memref<32x768xf32, #tpu.memory_space<vmem>>, vector<16xf32>,
      %get3A_510 = arith.index_cast %scan3A_44 : i32 to index
      %get3A_511 = arith.constant 464 : index
      %get3A_512 = tpu.vector_load %arg15[%get3A_510, %get3A_511] {strides = array<i32>} : memref<32x768xf32, #tpu.memory_space<vmem>>, vector<16xf32>,
      %get3A_513 = arith.index_cast %scan3A_44 : i32 to index
      %get3A_514 = arith.constant 464 : index
      %get3A_515 = tpu.vector_load %arg13[%get3A_513, %get3A_514] {strides = array<i32>} : memref<32x768xf32, #tpu.memory_space<vmem>>, vector<16xf32>,
      %mul3A_516 = arith.mulf %get3A_515, %gather3A : vector<16xf32>
      %add3A_517 = arith.addf %get3A_512, %mul3A_516 : vector<16xf32>
      %get3A_518 = arith.index_cast %scan3A_44 : i32 to index
      %get3A_519 = arith.constant 464 : index
      %get3A_520 = tpu.vector_load %arg14[%get3A_518, %get3A_519] {strides = array<i32>} : memref<32x768xf32, #tpu.memory_space<vmem>>, vector<16xf32>,
      %mul3A_521 = arith.mulf %get3A_520, %gather3A_47 : vector<16xf32>
      %add3A_522 = arith.addf %add3A_517, %mul3A_521 : vector<16xf32>
      %swap3A_523 = arith.index_cast %scan3A_44 : i32 to index
      %swap3A_524 = arith.constant 464 : index
      %swap3A_525 = tpu.vector_load %arg15[%swap3A_523, %swap3A_524] {strides = array<i32>} : memref<32x768xf32, #tpu.memory_space<vmem>>, vector<16xf32>,
      tpu.vector_store %arg15[%swap3A_523, %swap3A_524], %add3A_522 {strides = array<i32>} : memref<32x768xf32, #tpu.memory_space<vmem>>, vector<16xf32>,
      %get3A_526 = arith.index_cast %scan3A_44 : i32 to index
      %get3A_527 = arith.constant 480 : index
      %get3A_528 = tpu.vector_load %arg15[%get3A_526, %get3A_527] {strides = array<i32>} : memref<32x768xf32, #tpu.memory_space<vmem>>, vector<16xf32>,
      %get3A_529 = arith.index_cast %scan3A_44 : i32 to index
      %get3A_530 = arith.constant 480 : index
      %get3A_531 = tpu.vector_load %arg13[%get3A_529, %get3A_530] {strides = array<i32>} : memref<32x768xf32, #tpu.memory_space<vmem>>, vector<16xf32>,
      %mul3A_532 = arith.mulf %get3A_531, %gather3A : vector<16xf32>
      %add3A_533 = arith.addf %get3A_528, %mul3A_532 : vector<16xf32>
      %get3A_534 = arith.index_cast %scan3A_44 : i32 to index
      %get3A_535 = arith.constant 480 : index
      %get3A_536 = tpu.vector_load %arg14[%get3A_534, %get3A_535] {strides = array<i32>} : memref<32x768xf32, #tpu.memory_space<vmem>>, vector<16xf32>,
      %mul3A_537 = arith.mulf %get3A_536, %gather3A_47 : vector<16xf32>
      %add3A_538 = arith.addf %add3A_533, %mul3A_537 : vector<16xf32>
      %swap3A_539 = arith.index_cast %scan3A_44 : i32 to index
      %swap3A_540 = arith.constant 480 : index
      %swap3A_541 = tpu.vector_load %arg15[%swap3A_539, %swap3A_540] {strides = array<i32>} : memref<32x768xf32, #tpu.memory_space<vmem>>, vector<16xf32>,
      tpu.vector_store %arg15[%swap3A_539, %swap3A_540], %add3A_538 {strides = array<i32>} : memref<32x768xf32, #tpu.memory_space<vmem>>, vector<16xf32>,
      %get3A_542 = arith.index_cast %scan3A_44 : i32 to index
      %get3A_543 = arith.constant 496 : index
      %get3A_544 = tpu.vector_load %arg15[%get3A_542, %get3A_543] {strides = array<i32>} : memref<32x768xf32, #tpu.memory_space<vmem>>, vector<16xf32>,
      %get3A_545 = arith.index_cast %scan3A_44 : i32 to index
      %get3A_546 = arith.constant 496 : index
      %get3A_547 = tpu.vector_load %arg13[%get3A_545, %get3A_546] {strides = array<i32>} : memref<32x768xf32, #tpu.memory_space<vmem>>, vector<16xf32>,
      %mul3A_548 = arith.mulf %get3A_547, %gather3A : vector<16xf32>
      %add3A_549 = arith.addf %get3A_544, %mul3A_548 : vector<16xf32>
      %get3A_550 = arith.index_cast %scan3A_44 : i32 to index
      %get3A_551 = arith.constant 496 : index
      %get3A_552 = tpu.vector_load %arg14[%get3A_550, %get3A_551] {strides = array<i32>} : memref<32x768xf32, #tpu.memory_space<vmem>>, vector<16xf32>,
      %mul3A_553 = arith.mulf %get3A_552, %gather3A_47 : vector<16xf32>
      %add3A_554 = arith.addf %add3A_549, %mul3A_553 : vector<16xf32>
      %swap3A_555 = arith.index_cast %scan3A_44 : i32 to index
      %swap3A_556 = arith.constant 496 : index
      %swap3A_557 = tpu.vector_load %arg15[%swap3A_555, %swap3A_556] {strides = array<i32>} : memref<32x768xf32, #tpu.memory_space<vmem>>, vector<16xf32>,
      tpu.vector_store %arg15[%swap3A_555, %swap3A_556], %add3A_554 {strides = array<i32>} : memref<32x768xf32, #tpu.memory_space<vmem>>, vector<16xf32>,
      %get3A_558 = arith.index_cast %scan3A_44 : i32 to index
      %get3A_559 = arith.constant 512 : index
      %get3A_560 = tpu.vector_load %arg15[%get3A_558, %get3A_559] {strides = array<i32>} : memref<32x768xf32, #tpu.memory_space<vmem>>, vector<16xf32>,
      %get3A_561 = arith.index_cast %scan3A_44 : i32 to index
      %get3A_562 = arith.constant 512 : index
      %get3A_563 = tpu.vector_load %arg13[%get3A_561, %get3A_562] {strides = array<i32>} : memref<32x768xf32, #tpu.memory_space<vmem>>, vector<16xf32>,
      %mul3A_564 = arith.mulf %get3A_563, %gather3A : vector<16xf32>
      %add3A_565 = arith.addf %get3A_560, %mul3A_564 : vector<16xf32>
      %get3A_566 = arith.index_cast %scan3A_44 : i32 to index
      %get3A_567 = arith.constant 512 : index
      %get3A_568 = tpu.vector_load %arg14[%get3A_566, %get3A_567] {strides = array<i32>} : memref<32x768xf32, #tpu.memory_space<vmem>>, vector<16xf32>,
      %mul3A_569 = arith.mulf %get3A_568, %gather3A_47 : vector<16xf32>
      %add3A_570 = arith.addf %add3A_565, %mul3A_569 : vector<16xf32>
      %swap3A_571 = arith.index_cast %scan3A_44 : i32 to index
      %swap3A_572 = arith.constant 512 : index
      %swap3A_573 = tpu.vector_load %arg15[%swap3A_571, %swap3A_572] {strides = array<i32>} : memref<32x768xf32, #tpu.memory_space<vmem>>, vector<16xf32>,
      tpu.vector_store %arg15[%swap3A_571, %swap3A_572], %add3A_570 {strides = array<i32>} : memref<32x768xf32, #tpu.memory_space<vmem>>, vector<16xf32>,
      %get3A_574 = arith.index_cast %scan3A_44 : i32 to index
      %get3A_575 = arith.constant 528 : index
      %get3A_576 = tpu.vector_load %arg15[%get3A_574, %get3A_575] {strides = array<i32>} : memref<32x768xf32, #tpu.memory_space<vmem>>, vector<16xf32>,
      %get3A_577 = arith.index_cast %scan3A_44 : i32 to index
      %get3A_578 = arith.constant 528 : index
      %get3A_579 = tpu.vector_load %arg13[%get3A_577, %get3A_578] {strides = array<i32>} : memref<32x768xf32, #tpu.memory_space<vmem>>, vector<16xf32>,
      %mul3A_580 = arith.mulf %get3A_579, %gather3A : vector<16xf32>
      %add3A_581 = arith.addf %get3A_576, %mul3A_580 : vector<16xf32>
      %get3A_582 = arith.index_cast %scan3A_44 : i32 to index
      %get3A_583 = arith.constant 528 : index
      %get3A_584 = tpu.vector_load %arg14[%get3A_582, %get3A_583] {strides = array<i32>} : memref<32x768xf32, #tpu.memory_space<vmem>>, vector<16xf32>,
      %mul3A_585 = arith.mulf %get3A_584, %gather3A_47 : vector<16xf32>
      %add3A_586 = arith.addf %add3A_581, %mul3A_585 : vector<16xf32>
      %swap3A_587 = arith.index_cast %scan3A_44 : i32 to index
      %swap3A_588 = arith.constant 528 : index
      %swap3A_589 = tpu.vector_load %arg15[%swap3A_587, %swap3A_588] {strides = array<i32>} : memref<32x768xf32, #tpu.memory_space<vmem>>, vector<16xf32>,
      tpu.vector_store %arg15[%swap3A_587, %swap3A_588], %add3A_586 {strides = array<i32>} : memref<32x768xf32, #tpu.memory_space<vmem>>, vector<16xf32>,
      %get3A_590 = arith.index_cast %scan3A_44 : i32 to index
      %get3A_591 = arith.constant 544 : index
      %get3A_592 = tpu.vector_load %arg15[%get3A_590, %get3A_591] {strides = array<i32>} : memref<32x768xf32, #tpu.memory_space<vmem>>, vector<16xf32>,
      %get3A_593 = arith.index_cast %scan3A_44 : i32 to index
      %get3A_594 = arith.constant 544 : index
      %get3A_595 = tpu.vector_load %arg13[%get3A_593, %get3A_594] {strides = array<i32>} : memref<32x768xf32, #tpu.memory_space<vmem>>, vector<16xf32>,
      %mul3A_596 = arith.mulf %get3A_595, %gather3A : vector<16xf32>
      %add3A_597 = arith.addf %get3A_592, %mul3A_596 : vector<16xf32>
      %get3A_598 = arith.index_cast %scan3A_44 : i32 to index
      %get3A_599 = arith.constant 544 : index
      %get3A_600 = tpu.vector_load %arg14[%get3A_598, %get3A_599] {strides = array<i32>} : memref<32x768xf32, #tpu.memory_space<vmem>>, vector<16xf32>,
      %mul3A_601 = arith.mulf %get3A_600, %gather3A_47 : vector<16xf32>
      %add3A_602 = arith.addf %add3A_597, %mul3A_601 : vector<16xf32>
      %swap3A_603 = arith.index_cast %scan3A_44 : i32 to index
      %swap3A_604 = arith.constant 544 : index
      %swap3A_605 = tpu.vector_load %arg15[%swap3A_603, %swap3A_604] {strides = array<i32>} : memref<32x768xf32, #tpu.memory_space<vmem>>, vector<16xf32>,
      tpu.vector_store %arg15[%swap3A_603, %swap3A_604], %add3A_602 {strides = array<i32>} : memref<32x768xf32, #tpu.memory_space<vmem>>, vector<16xf32>,
      %get3A_606 = arith.index_cast %scan3A_44 : i32 to index
      %get3A_607 = arith.constant 560 : index
      %get3A_608 = tpu.vector_load %arg15[%get3A_606, %get3A_607] {strides = array<i32>} : memref<32x768xf32, #tpu.memory_space<vmem>>, vector<16xf32>,
      %get3A_609 = arith.index_cast %scan3A_44 : i32 to index
      %get3A_610 = arith.constant 560 : index
      %get3A_611 = tpu.vector_load %arg13[%get3A_609, %get3A_610] {strides = array<i32>} : memref<32x768xf32, #tpu.memory_space<vmem>>, vector<16xf32>,
      %mul3A_612 = arith.mulf %get3A_611, %gather3A : vector<16xf32>
      %add3A_613 = arith.addf %get3A_608, %mul3A_612 : vector<16xf32>
      %get3A_614 = arith.index_cast %scan3A_44 : i32 to index
      %get3A_615 = arith.constant 560 : index
      %get3A_616 = tpu.vector_load %arg14[%get3A_614, %get3A_615] {strides = array<i32>} : memref<32x768xf32, #tpu.memory_space<vmem>>, vector<16xf32>,
      %mul3A_617 = arith.mulf %get3A_616, %gather3A_47 : vector<16xf32>
      %add3A_618 = arith.addf %add3A_613, %mul3A_617 : vector<16xf32>
      %swap3A_619 = arith.index_cast %scan3A_44 : i32 to index
      %swap3A_620 = arith.constant 560 : index
      %swap3A_621 = tpu.vector_load %arg15[%swap3A_619, %swap3A_620] {strides = array<i32>} : memref<32x768xf32, #tpu.memory_space<vmem>>, vector<16xf32>,
      tpu.vector_store %arg15[%swap3A_619, %swap3A_620], %add3A_618 {strides = array<i32>} : memref<32x768xf32, #tpu.memory_space<vmem>>, vector<16xf32>,
      %get3A_622 = arith.index_cast %scan3A_44 : i32 to index
      %get3A_623 = arith.constant 576 : index
      %get3A_624 = tpu.vector_load %arg15[%get3A_622, %get3A_623] {strides = array<i32>} : memref<32x768xf32, #tpu.memory_space<vmem>>, vector<16xf32>,
      %get3A_625 = arith.index_cast %scan3A_44 : i32 to index
      %get3A_626 = arith.constant 576 : index
      %get3A_627 = tpu.vector_load %arg13[%get3A_625, %get3A_626] {strides = array<i32>} : memref<32x768xf32, #tpu.memory_space<vmem>>, vector<16xf32>,
      %mul3A_628 = arith.mulf %get3A_627, %gather3A : vector<16xf32>
      %add3A_629 = arith.addf %get3A_624, %mul3A_628 : vector<16xf32>
      %get3A_630 = arith.index_cast %scan3A_44 : i32 to index
      %get3A_631 = arith.constant 576 : index
      %get3A_632 = tpu.vector_load %arg14[%get3A_630, %get3A_631] {strides = array<i32>} : memref<32x768xf32, #tpu.memory_space<vmem>>, vector<16xf32>,
      %mul3A_633 = arith.mulf %get3A_632, %gather3A_47 : vector<16xf32>
      %add3A_634 = arith.addf %add3A_629, %mul3A_633 : vector<16xf32>
      %swap3A_635 = arith.index_cast %scan3A_44 : i32 to index
      %swap3A_636 = arith.constant 576 : index
      %swap3A_637 = tpu.vector_load %arg15[%swap3A_635, %swap3A_636] {strides = array<i32>} : memref<32x768xf32, #tpu.memory_space<vmem>>, vector<16xf32>,
      tpu.vector_store %arg15[%swap3A_635, %swap3A_636], %add3A_634 {strides = array<i32>} : memref<32x768xf32, #tpu.memory_space<vmem>>, vector<16xf32>,
      %get3A_638 = arith.index_cast %scan3A_44 : i32 to index
      %get3A_639 = arith.constant 592 : index
      %get3A_640 = tpu.vector_load %arg15[%get3A_638, %get3A_639] {strides = array<i32>} : memref<32x768xf32, #tpu.memory_space<vmem>>, vector<16xf32>,
      %get3A_641 = arith.index_cast %scan3A_44 : i32 to index
      %get3A_642 = arith.constant 592 : index
      %get3A_643 = tpu.vector_load %arg13[%get3A_641, %get3A_642] {strides = array<i32>} : memref<32x768xf32, #tpu.memory_space<vmem>>, vector<16xf32>,
      %mul3A_644 = arith.mulf %get3A_643, %gather3A : vector<16xf32>
      %add3A_645 = arith.addf %get3A_640, %mul3A_644 : vector<16xf32>
      %get3A_646 = arith.index_cast %scan3A_44 : i32 to index
      %get3A_647 = arith.constant 592 : index
      %get3A_648 = tpu.vector_load %arg14[%get3A_646, %get3A_647] {strides = array<i32>} : memref<32x768xf32, #tpu.memory_space<vmem>>, vector<16xf32>,
      %mul3A_649 = arith.mulf %get3A_648, %gather3A_47 : vector<16xf32>
      %add3A_650 = arith.addf %add3A_645, %mul3A_649 : vector<16xf32>
      %swap3A_651 = arith.index_cast %scan3A_44 : i32 to index
      %swap3A_652 = arith.constant 592 : index
      %swap3A_653 = tpu.vector_load %arg15[%swap3A_651, %swap3A_652] {strides = array<i32>} : memref<32x768xf32, #tpu.memory_space<vmem>>, vector<16xf32>,
      tpu.vector_store %arg15[%swap3A_651, %swap3A_652], %add3A_650 {strides = array<i32>} : memref<32x768xf32, #tpu.memory_space<vmem>>, vector<16xf32>,
      %get3A_654 = arith.index_cast %scan3A_44 : i32 to index
      %get3A_655 = arith.constant 608 : index
      %get3A_656 = tpu.vector_load %arg15[%get3A_654, %get3A_655] {strides = array<i32>} : memref<32x768xf32, #tpu.memory_space<vmem>>, vector<16xf32>,
      %get3A_657 = arith.index_cast %scan3A_44 : i32 to index
      %get3A_658 = arith.constant 608 : index
      %get3A_659 = tpu.vector_load %arg13[%get3A_657, %get3A_658] {strides = array<i32>} : memref<32x768xf32, #tpu.memory_space<vmem>>, vector<16xf32>,
      %mul3A_660 = arith.mulf %get3A_659, %gather3A : vector<16xf32>
      %add3A_661 = arith.addf %get3A_656, %mul3A_660 : vector<16xf32>
      %get3A_662 = arith.index_cast %scan3A_44 : i32 to index
      %get3A_663 = arith.constant 608 : index
      %get3A_664 = tpu.vector_load %arg14[%get3A_662, %get3A_663] {strides = array<i32>} : memref<32x768xf32, #tpu.memory_space<vmem>>, vector<16xf32>,
      %mul3A_665 = arith.mulf %get3A_664, %gather3A_47 : vector<16xf32>
      %add3A_666 = arith.addf %add3A_661, %mul3A_665 : vector<16xf32>
      %swap3A_667 = arith.index_cast %scan3A_44 : i32 to index
      %swap3A_668 = arith.constant 608 : index
      %swap3A_669 = tpu.vector_load %arg15[%swap3A_667, %swap3A_668] {strides = array<i32>} : memref<32x768xf32, #tpu.memory_space<vmem>>, vector<16xf32>,
      tpu.vector_store %arg15[%swap3A_667, %swap3A_668], %add3A_666 {strides = array<i32>} : memref<32x768xf32, #tpu.memory_space<vmem>>, vector<16xf32>,
      %get3A_670 = arith.index_cast %scan3A_44 : i32 to index
      %get3A_671 = arith.constant 624 : index
      %get3A_672 = tpu.vector_load %arg15[%get3A_670, %get3A_671] {strides = array<i32>} : memref<32x768xf32, #tpu.memory_space<vmem>>, vector<16xf32>,
      %get3A_673 = arith.index_cast %scan3A_44 : i32 to index
      %get3A_674 = arith.constant 624 : index
      %get3A_675 = tpu.vector_load %arg13[%get3A_673, %get3A_674] {strides = array<i32>} : memref<32x768xf32, #tpu.memory_space<vmem>>, vector<16xf32>,
      %mul3A_676 = arith.mulf %get3A_675, %gather3A : vector<16xf32>
      %add3A_677 = arith.addf %get3A_672, %mul3A_676 : vector<16xf32>
      %get3A_678 = arith.index_cast %scan3A_44 : i32 to index
      %get3A_679 = arith.constant 624 : index
      %get3A_680 = tpu.vector_load %arg14[%get3A_678, %get3A_679] {strides = array<i32>} : memref<32x768xf32, #tpu.memory_space<vmem>>, vector<16xf32>,
      %mul3A_681 = arith.mulf %get3A_680, %gather3A_47 : vector<16xf32>
      %add3A_682 = arith.addf %add3A_677, %mul3A_681 : vector<16xf32>
      %swap3A_683 = arith.index_cast %scan3A_44 : i32 to index
      %swap3A_684 = arith.constant 624 : index
      %swap3A_685 = tpu.vector_load %arg15[%swap3A_683, %swap3A_684] {strides = array<i32>} : memref<32x768xf32, #tpu.memory_space<vmem>>, vector<16xf32>,
      tpu.vector_store %arg15[%swap3A_683, %swap3A_684], %add3A_682 {strides = array<i32>} : memref<32x768xf32, #tpu.memory_space<vmem>>, vector<16xf32>,
      %get3A_686 = arith.index_cast %scan3A_44 : i32 to index
      %get3A_687 = arith.constant 640 : index
      %get3A_688 = tpu.vector_load %arg15[%get3A_686, %get3A_687] {strides = array<i32>} : memref<32x768xf32, #tpu.memory_space<vmem>>, vector<16xf32>,
      %get3A_689 = arith.index_cast %scan3A_44 : i32 to index
      %get3A_690 = arith.constant 640 : index
      %get3A_691 = tpu.vector_load %arg13[%get3A_689, %get3A_690] {strides = array<i32>} : memref<32x768xf32, #tpu.memory_space<vmem>>, vector<16xf32>,
      %mul3A_692 = arith.mulf %get3A_691, %gather3A : vector<16xf32>
      %add3A_693 = arith.addf %get3A_688, %mul3A_692 : vector<16xf32>
      %get3A_694 = arith.index_cast %scan3A_44 : i32 to index
      %get3A_695 = arith.constant 640 : index
      %get3A_696 = tpu.vector_load %arg14[%get3A_694, %get3A_695] {strides = array<i32>} : memref<32x768xf32, #tpu.memory_space<vmem>>, vector<16xf32>,
      %mul3A_697 = arith.mulf %get3A_696, %gather3A_47 : vector<16xf32>
      %add3A_698 = arith.addf %add3A_693, %mul3A_697 : vector<16xf32>
      %swap3A_699 = arith.index_cast %scan3A_44 : i32 to index
      %swap3A_700 = arith.constant 640 : index
      %swap3A_701 = tpu.vector_load %arg15[%swap3A_699, %swap3A_700] {strides = array<i32>} : memref<32x768xf32, #tpu.memory_space<vmem>>, vector<16xf32>,
      tpu.vector_store %arg15[%swap3A_699, %swap3A_700], %add3A_698 {strides = array<i32>} : memref<32x768xf32, #tpu.memory_space<vmem>>, vector<16xf32>,
      %get3A_702 = arith.index_cast %scan3A_44 : i32 to index
      %get3A_703 = arith.constant 656 : index
      %get3A_704 = tpu.vector_load %arg15[%get3A_702, %get3A_703] {strides = array<i32>} : memref<32x768xf32, #tpu.memory_space<vmem>>, vector<16xf32>,
      %get3A_705 = arith.index_cast %scan3A_44 : i32 to index
      %get3A_706 = arith.constant 656 : index
      %get3A_707 = tpu.vector_load %arg13[%get3A_705, %get3A_706] {strides = array<i32>} : memref<32x768xf32, #tpu.memory_space<vmem>>, vector<16xf32>,
      %mul3A_708 = arith.mulf %get3A_707, %gather3A : vector<16xf32>
      %add3A_709 = arith.addf %get3A_704, %mul3A_708 : vector<16xf32>
      %get3A_710 = arith.index_cast %scan3A_44 : i32 to index
      %get3A_711 = arith.constant 656 : index
      %get3A_712 = tpu.vector_load %arg14[%get3A_710, %get3A_711] {strides = array<i32>} : memref<32x768xf32, #tpu.memory_space<vmem>>, vector<16xf32>,
      %mul3A_713 = arith.mulf %get3A_712, %gather3A_47 : vector<16xf32>
      %add3A_714 = arith.addf %add3A_709, %mul3A_713 : vector<16xf32>
      %swap3A_715 = arith.index_cast %scan3A_44 : i32 to index
      %swap3A_716 = arith.constant 656 : index
      %swap3A_717 = tpu.vector_load %arg15[%swap3A_715, %swap3A_716] {strides = array<i32>} : memref<32x768xf32, #tpu.memory_space<vmem>>, vector<16xf32>,
      tpu.vector_store %arg15[%swap3A_715, %swap3A_716], %add3A_714 {strides = array<i32>} : memref<32x768xf32, #tpu.memory_space<vmem>>, vector<16xf32>,
      %get3A_718 = arith.index_cast %scan3A_44 : i32 to index
      %get3A_719 = arith.constant 672 : index
      %get3A_720 = tpu.vector_load %arg15[%get3A_718, %get3A_719] {strides = array<i32>} : memref<32x768xf32, #tpu.memory_space<vmem>>, vector<16xf32>,
      %get3A_721 = arith.index_cast %scan3A_44 : i32 to index
      %get3A_722 = arith.constant 672 : index
      %get3A_723 = tpu.vector_load %arg13[%get3A_721, %get3A_722] {strides = array<i32>} : memref<32x768xf32, #tpu.memory_space<vmem>>, vector<16xf32>,
      %mul3A_724 = arith.mulf %get3A_723, %gather3A : vector<16xf32>
      %add3A_725 = arith.addf %get3A_720, %mul3A_724 : vector<16xf32>
      %get3A_726 = arith.index_cast %scan3A_44 : i32 to index
      %get3A_727 = arith.constant 672 : index
      %get3A_728 = tpu.vector_load %arg14[%get3A_726, %get3A_727] {strides = array<i32>} : memref<32x768xf32, #tpu.memory_space<vmem>>, vector<16xf32>,
      %mul3A_729 = arith.mulf %get3A_728, %gather3A_47 : vector<16xf32>
      %add3A_730 = arith.addf %add3A_725, %mul3A_729 : vector<16xf32>
      %swap3A_731 = arith.index_cast %scan3A_44 : i32 to index
      %swap3A_732 = arith.constant 672 : index
      %swap3A_733 = tpu.vector_load %arg15[%swap3A_731, %swap3A_732] {strides = array<i32>} : memref<32x768xf32, #tpu.memory_space<vmem>>, vector<16xf32>,
      tpu.vector_store %arg15[%swap3A_731, %swap3A_732], %add3A_730 {strides = array<i32>} : memref<32x768xf32, #tpu.memory_space<vmem>>, vector<16xf32>,
      %get3A_734 = arith.index_cast %scan3A_44 : i32 to index
      %get3A_735 = arith.constant 688 : index
      %get3A_736 = tpu.vector_load %arg15[%get3A_734, %get3A_735] {strides = array<i32>} : memref<32x768xf32, #tpu.memory_space<vmem>>, vector<16xf32>,
      %get3A_737 = arith.index_cast %scan3A_44 : i32 to index
      %get3A_738 = arith.constant 688 : index
      %get3A_739 = tpu.vector_load %arg13[%get3A_737, %get3A_738] {strides = array<i32>} : memref<32x768xf32, #tpu.memory_space<vmem>>, vector<16xf32>,
      %mul3A_740 = arith.mulf %get3A_739, %gather3A : vector<16xf32>
      %add3A_741 = arith.addf %get3A_736, %mul3A_740 : vector<16xf32>
      %get3A_742 = arith.index_cast %scan3A_44 : i32 to index
      %get3A_743 = arith.constant 688 : index
      %get3A_744 = tpu.vector_load %arg14[%get3A_742, %get3A_743] {strides = array<i32>} : memref<32x768xf32, #tpu.memory_space<vmem>>, vector<16xf32>,
      %mul3A_745 = arith.mulf %get3A_744, %gather3A_47 : vector<16xf32>
      %add3A_746 = arith.addf %add3A_741, %mul3A_745 : vector<16xf32>
      %swap3A_747 = arith.index_cast %scan3A_44 : i32 to index
      %swap3A_748 = arith.constant 688 : index
      %swap3A_749 = tpu.vector_load %arg15[%swap3A_747, %swap3A_748] {strides = array<i32>} : memref<32x768xf32, #tpu.memory_space<vmem>>, vector<16xf32>,
      tpu.vector_store %arg15[%swap3A_747, %swap3A_748], %add3A_746 {strides = array<i32>} : memref<32x768xf32, #tpu.memory_space<vmem>>, vector<16xf32>,
      %get3A_750 = arith.index_cast %scan3A_44 : i32 to index
      %get3A_751 = arith.constant 704 : index
      %get3A_752 = tpu.vector_load %arg15[%get3A_750, %get3A_751] {strides = array<i32>} : memref<32x768xf32, #tpu.memory_space<vmem>>, vector<16xf32>,
      %get3A_753 = arith.index_cast %scan3A_44 : i32 to index
      %get3A_754 = arith.constant 704 : index
      %get3A_755 = tpu.vector_load %arg13[%get3A_753, %get3A_754] {strides = array<i32>} : memref<32x768xf32, #tpu.memory_space<vmem>>, vector<16xf32>,
      %mul3A_756 = arith.mulf %get3A_755, %gather3A : vector<16xf32>
      %add3A_757 = arith.addf %get3A_752, %mul3A_756 : vector<16xf32>
      %get3A_758 = arith.index_cast %scan3A_44 : i32 to index
      %get3A_759 = arith.constant 704 : index
      %get3A_760 = tpu.vector_load %arg14[%get3A_758, %get3A_759] {strides = array<i32>} : memref<32x768xf32, #tpu.memory_space<vmem>>, vector<16xf32>,
      %mul3A_761 = arith.mulf %get3A_760, %gather3A_47 : vector<16xf32>
      %add3A_762 = arith.addf %add3A_757, %mul3A_761 : vector<16xf32>
      %swap3A_763 = arith.index_cast %scan3A_44 : i32 to index
      %swap3A_764 = arith.constant 704 : index
      %swap3A_765 = tpu.vector_load %arg15[%swap3A_763, %swap3A_764] {strides = array<i32>} : memref<32x768xf32, #tpu.memory_space<vmem>>, vector<16xf32>,
      tpu.vector_store %arg15[%swap3A_763, %swap3A_764], %add3A_762 {strides = array<i32>} : memref<32x768xf32, #tpu.memory_space<vmem>>, vector<16xf32>,
      %get3A_766 = arith.index_cast %scan3A_44 : i32 to index
      %get3A_767 = arith.constant 720 : index
      %get3A_768 = tpu.vector_load %arg15[%get3A_766, %get3A_767] {strides = array<i32>} : memref<32x768xf32, #tpu.memory_space<vmem>>, vector<16xf32>,
      %get3A_769 = arith.index_cast %scan3A_44 : i32 to index
      %get3A_770 = arith.constant 720 : index
      %get3A_771 = tpu.vector_load %arg13[%get3A_769, %get3A_770] {strides = array<i32>} : memref<32x768xf32, #tpu.memory_space<vmem>>, vector<16xf32>,
      %mul3A_772 = arith.mulf %get3A_771, %gather3A : vector<16xf32>
      %add3A_773 = arith.addf %get3A_768, %mul3A_772 : vector<16xf32>
      %get3A_774 = arith.index_cast %scan3A_44 : i32 to index
      %get3A_775 = arith.constant 720 : index
      %get3A_776 = tpu.vector_load %arg14[%get3A_774, %get3A_775] {strides = array<i32>} : memref<32x768xf32, #tpu.memory_space<vmem>>, vector<16xf32>,
      %mul3A_777 = arith.mulf %get3A_776, %gather3A_47 : vector<16xf32>
      %add3A_778 = arith.addf %add3A_773, %mul3A_777 : vector<16xf32>
      %swap3A_779 = arith.index_cast %scan3A_44 : i32 to index
      %swap3A_780 = arith.constant 720 : index
      %swap3A_781 = tpu.vector_load %arg15[%swap3A_779, %swap3A_780] {strides = array<i32>} : memref<32x768xf32, #tpu.memory_space<vmem>>, vector<16xf32>,
      tpu.vector_store %arg15[%swap3A_779, %swap3A_780], %add3A_778 {strides = array<i32>} : memref<32x768xf32, #tpu.memory_space<vmem>>, vector<16xf32>,
      %get3A_782 = arith.index_cast %scan3A_44 : i32 to index
      %get3A_783 = arith.constant 736 : index
      %get3A_784 = tpu.vector_load %arg15[%get3A_782, %get3A_783] {strides = array<i32>} : memref<32x768xf32, #tpu.memory_space<vmem>>, vector<16xf32>,
      %get3A_785 = arith.index_cast %scan3A_44 : i32 to index
      %get3A_786 = arith.constant 736 : index
      %get3A_787 = tpu.vector_load %arg13[%get3A_785, %get3A_786] {strides = array<i32>} : memref<32x768xf32, #tpu.memory_space<vmem>>, vector<16xf32>,
      %mul3A_788 = arith.mulf %get3A_787, %gather3A : vector<16xf32>
      %add3A_789 = arith.addf %get3A_784, %mul3A_788 : vector<16xf32>
      %get3A_790 = arith.index_cast %scan3A_44 : i32 to index
      %get3A_791 = arith.constant 736 : index
      %get3A_792 = tpu.vector_load %arg14[%get3A_790, %get3A_791] {strides = array<i32>} : memref<32x768xf32, #tpu.memory_space<vmem>>, vector<16xf32>,
      %mul3A_793 = arith.mulf %get3A_792, %gather3A_47 : vector<16xf32>
      %add3A_794 = arith.addf %add3A_789, %mul3A_793 : vector<16xf32>
      %swap3A_795 = arith.index_cast %scan3A_44 : i32 to index
      %swap3A_796 = arith.constant 736 : index
      %swap3A_797 = tpu.vector_load %arg15[%swap3A_795, %swap3A_796] {strides = array<i32>} : memref<32x768xf32, #tpu.memory_space<vmem>>, vector<16xf32>,
      tpu.vector_store %arg15[%swap3A_795, %swap3A_796], %add3A_794 {strides = array<i32>} : memref<32x768xf32, #tpu.memory_space<vmem>>, vector<16xf32>,
      %get3A_798 = arith.index_cast %scan3A_44 : i32 to index
      %get3A_799 = arith.constant 752 : index
      %get3A_800 = tpu.vector_load %arg15[%get3A_798, %get3A_799] {strides = array<i32>} : memref<32x768xf32, #tpu.memory_space<vmem>>, vector<16xf32>,
      %get3A_801 = arith.index_cast %scan3A_44 : i32 to index
      %get3A_802 = arith.constant 752 : index
      %get3A_803 = tpu.vector_load %arg13[%get3A_801, %get3A_802] {strides = array<i32>} : memref<32x768xf32, #tpu.memory_space<vmem>>, vector<16xf32>,
      %mul3A_804 = arith.mulf %get3A_803, %gather3A : vector<16xf32>
      %add3A_805 = arith.addf %get3A_800, %mul3A_804 : vector<16xf32>
      %get3A_806 = arith.index_cast %scan3A_44 : i32 to index
      %get3A_807 = arith.constant 752 : index
      %get3A_808 = tpu.vector_load %arg14[%get3A_806, %get3A_807] {strides = array<i32>} : memref<32x768xf32, #tpu.memory_space<vmem>>, vector<16xf32>,
      %mul3A_809 = arith.mulf %get3A_808, %gather3A_47 : vector<16xf32>
      %add3A_810 = arith.addf %add3A_805, %mul3A_809 : vector<16xf32>
      %swap3A_811 = arith.index_cast %scan3A_44 : i32 to index
      %swap3A_812 = arith.constant 752 : index
      %swap3A_813 = tpu.vector_load %arg15[%swap3A_811, %swap3A_812] {strides = array<i32>} : memref<32x768xf32, #tpu.memory_space<vmem>>, vector<16xf32>,
      tpu.vector_store %arg15[%swap3A_811, %swap3A_812], %add3A_810 {strides = array<i32>} : memref<32x768xf32, #tpu.memory_space<vmem>>, vector<16xf32>,
      %scan3A_814 = arith.constant 0 : i32
      scf.yield %scan3A_814 : i32
    }
    %scan3A_20 = arith.constant 32 : i32
    "tpu.region"() ({
      %run_scoped3A = tpu.sem_alloc : memref<!tpu.dma_semaphore, #tpu.memory_space<semaphore_mem>>
      %dma_start3A_44 = arith.constant 0 : i32
      %dma_start3A_45 = tpu.memref_slice %arg8[%add3A_4, %dma_start3A_44] : memref<2048x768xf32, #tpu.memory_space<hbm>> -> memref<32x768xf32, #tpu.memory_space<hbm>>
      %dma_start3A_46 = arith.constant 0 : i32
      %dma_start3A_47 = tpu.memref_slice %arg8[%add3A_4, %dma_start3A_46] : memref<2048x768xf32, #tpu.memory_space<hbm>> -> memref<32x768xf32, #tpu.memory_space<hbm>>
      tpu.enqueue_dma source(%arg15 : memref<32x768xf32, #tpu.memory_space<vmem>>) target(%dma_start3A_47 : memref<32x768xf32, #tpu.memory_space<hbm>>) target_semaphore(%run_scoped3A : memref<!tpu.dma_semaphore, #tpu.memory_space<semaphore_mem>>)
      %dma_wait3A_48 = arith.constant 0 : i32
      %dma_wait3A_49 = tpu.memref_slice %arg8[%add3A_4, %dma_wait3A_48] : memref<2048x768xf32, #tpu.memory_space<hbm>> -> memref<32x768xf32, #tpu.memory_space<hbm>>
      %dma_wait3A_50 = arith.constant 0 : i32
      %dma_wait3A_51 = tpu.memref_slice %arg8[%add3A_4, %dma_wait3A_50] : memref<2048x768xf32, #tpu.memory_space<hbm>> -> memref<32x768xf32, #tpu.memory_space<hbm>>
      tpu.wait_dma2 semaphore(%run_scoped3A : memref<!tpu.dma_semaphore, #tpu.memory_space<semaphore_mem>>) src(%arg15 : memref<32x768xf32, #tpu.memory_space<vmem>>) dst(%dma_wait3A_51 : memref<32x768xf32, #tpu.memory_space<hbm>>)
      tpu.yield
    }) : () -> ()
    %mul3A_21 = arith.constant 64 : i32
    %mul3A_22 = arith.muli %add3A, %mul3A_21 : i32
    %add3A_23 = arith.constant 32 : i32
    %add3A_24 = arith.addi %mul3A_22, %add3A_23 : i32
    "tpu.region"() ({
      %run_scoped3A = tpu.sem_alloc : memref<!tpu.dma_semaphore, #tpu.memory_space<semaphore_mem>>
      %dma_start3A_44 = tpu.memref_slice %arg4[%add3A_24] : memref<2048xi32, #tpu.memory_space<hbm>> -> memref<32xi32, #tpu.memory_space<hbm>>
      %dma_start3A_45 = tpu.memref_slice %arg4[%add3A_24] : memref<2048xi32, #tpu.memory_space<hbm>> -> memref<32xi32, #tpu.memory_space<hbm>>
      tpu.enqueue_dma source(%dma_start3A_45 : memref<32xi32, #tpu.memory_space<hbm>>) target(%arg9 : memref<32xi32, #tpu.memory_space<vmem>>) target_semaphore(%run_scoped3A : memref<!tpu.dma_semaphore, #tpu.memory_space<semaphore_mem>>)
      %dma_wait3A_46 = tpu.memref_slice %arg4[%add3A_24] : memref<2048xi32, #tpu.memory_space<hbm>> -> memref<32xi32, #tpu.memory_space<hbm>>
      %dma_wait3A_47 = tpu.memref_slice %arg4[%add3A_24] : memref<2048xi32, #tpu.memory_space<hbm>> -> memref<32xi32, #tpu.memory_space<hbm>>
      tpu.wait_dma2 semaphore(%run_scoped3A : memref<!tpu.dma_semaphore, #tpu.memory_space<semaphore_mem>>) src(%dma_wait3A_47 : memref<32xi32, #tpu.memory_space<hbm>>) dst(%arg9 : memref<32xi32, #tpu.memory_space<vmem>>)
      tpu.yield
    }) : () -> ()
    "tpu.region"() ({
      %run_scoped3A = tpu.sem_alloc : memref<!tpu.dma_semaphore, #tpu.memory_space<semaphore_mem>>
      %dma_start3A_44 = tpu.memref_slice %arg5[%add3A_24] : memref<2048xi32, #tpu.memory_space<hbm>> -> memref<32xi32, #tpu.memory_space<hbm>>
      %dma_start3A_45 = tpu.memref_slice %arg5[%add3A_24] : memref<2048xi32, #tpu.memory_space<hbm>> -> memref<32xi32, #tpu.memory_space<hbm>>
      tpu.enqueue_dma source(%dma_start3A_45 : memref<32xi32, #tpu.memory_space<hbm>>) target(%arg10 : memref<32xi32, #tpu.memory_space<vmem>>) target_semaphore(%run_scoped3A : memref<!tpu.dma_semaphore, #tpu.memory_space<semaphore_mem>>)
      %dma_wait3A_46 = tpu.memref_slice %arg5[%add3A_24] : memref<2048xi32, #tpu.memory_space<hbm>> -> memref<32xi32, #tpu.memory_space<hbm>>
      %dma_wait3A_47 = tpu.memref_slice %arg5[%add3A_24] : memref<2048xi32, #tpu.memory_space<hbm>> -> memref<32xi32, #tpu.memory_space<hbm>>
      tpu.wait_dma2 semaphore(%run_scoped3A : memref<!tpu.dma_semaphore, #tpu.memory_space<semaphore_mem>>) src(%dma_wait3A_47 : memref<32xi32, #tpu.memory_space<hbm>>) dst(%arg10 : memref<32xi32, #tpu.memory_space<vmem>>)
      tpu.yield
    }) : () -> ()
    "tpu.region"() ({
      %run_scoped3A = tpu.sem_alloc : memref<!tpu.dma_semaphore, #tpu.memory_space<semaphore_mem>>
      %dma_start3A_44 = tpu.memref_slice %arg6[%add3A_24] : memref<2048xf32, #tpu.memory_space<hbm>> -> memref<32xf32, #tpu.memory_space<hbm>>
      %dma_start3A_45 = tpu.memref_slice %arg6[%add3A_24] : memref<2048xf32, #tpu.memory_space<hbm>> -> memref<32xf32, #tpu.memory_space<hbm>>
      tpu.enqueue_dma source(%dma_start3A_45 : memref<32xf32, #tpu.memory_space<hbm>>) target(%arg11 : memref<32xf32, #tpu.memory_space<vmem>>) target_semaphore(%run_scoped3A : memref<!tpu.dma_semaphore, #tpu.memory_space<semaphore_mem>>)
      %dma_wait3A_46 = tpu.memref_slice %arg6[%add3A_24] : memref<2048xf32, #tpu.memory_space<hbm>> -> memref<32xf32, #tpu.memory_space<hbm>>
      %dma_wait3A_47 = tpu.memref_slice %arg6[%add3A_24] : memref<2048xf32, #tpu.memory_space<hbm>> -> memref<32xf32, #tpu.memory_space<hbm>>
      tpu.wait_dma2 semaphore(%run_scoped3A : memref<!tpu.dma_semaphore, #tpu.memory_space<semaphore_mem>>) src(%dma_wait3A_47 : memref<32xf32, #tpu.memory_space<hbm>>) dst(%arg11 : memref<32xf32, #tpu.memory_space<vmem>>)
      tpu.yield
    }) : () -> ()
    "tpu.region"() ({
      %run_scoped3A = tpu.sem_alloc : memref<!tpu.dma_semaphore, #tpu.memory_space<semaphore_mem>>
      %dma_start3A_44 = tpu.memref_slice %arg7[%add3A_24] : memref<2048xf32, #tpu.memory_space<hbm>> -> memref<32xf32, #tpu.memory_space<hbm>>
      %dma_start3A_45 = tpu.memref_slice %arg7[%add3A_24] : memref<2048xf32, #tpu.memory_space<hbm>> -> memref<32xf32, #tpu.memory_space<hbm>>
      tpu.enqueue_dma source(%dma_start3A_45 : memref<32xf32, #tpu.memory_space<hbm>>) target(%arg12 : memref<32xf32, #tpu.memory_space<vmem>>) target_semaphore(%run_scoped3A : memref<!tpu.dma_semaphore, #tpu.memory_space<semaphore_mem>>)
      %dma_wait3A_46 = tpu.memref_slice %arg7[%add3A_24] : memref<2048xf32, #tpu.memory_space<hbm>> -> memref<32xf32, #tpu.memory_space<hbm>>
      %dma_wait3A_47 = tpu.memref_slice %arg7[%add3A_24] : memref<2048xf32, #tpu.memory_space<hbm>> -> memref<32xf32, #tpu.memory_space<hbm>>
      tpu.wait_dma2 semaphore(%run_scoped3A : memref<!tpu.dma_semaphore, #tpu.memory_space<semaphore_mem>>) src(%dma_wait3A_47 : memref<32xf32, #tpu.memory_space<hbm>>) dst(%arg12 : memref<32xf32, #tpu.memory_space<vmem>>)
      tpu.yield
    }) : () -> ()
    %dma_start3A_25 = arith.constant 0 : i32
    %dma_start3A_26 = arith.constant 0 : i32
    %dma_start3A_27 = tpu.memref_slice %arg3[%dma_start3A_25, %dma_start3A_26] : memref<5120x768xf32, #tpu.memory_space<hbm>> -> memref<5120x768xf32, #tpu.memory_space<hbm>>
    tpu.enqueue_indirect_dma source(%dma_start3A_27 : memref<5120x768xf32, #tpu.memory_space<hbm>>) target(%arg13 : memref<32x768xf32, #tpu.memory_space<vmem>>) offsets(%arg9 : memref<32xi32, #tpu.memory_space<vmem>>) semaphore(%arg16 : memref<!tpu.dma_semaphore, #tpu.memory_space<semaphore_mem>>)
    %dma_start3A_28 = arith.constant 0 : i32
    %dma_start3A_29 = arith.constant 0 : i32
    %dma_start3A_30 = tpu.memref_slice %arg3[%dma_start3A_28, %dma_start3A_29] : memref<5120x768xf32, #tpu.memory_space<hbm>> -> memref<5120x768xf32, #tpu.memory_space<hbm>>
    tpu.enqueue_indirect_dma source(%dma_start3A_30 : memref<5120x768xf32, #tpu.memory_space<hbm>>) target(%arg14 : memref<32x768xf32, #tpu.memory_space<vmem>>) offsets(%arg10 : memref<32xi32, #tpu.memory_space<vmem>>) semaphore(%arg17 : memref<!tpu.dma_semaphore, #tpu.memory_space<semaphore_mem>>)
    "tpu.region"() ({
      %run_scoped3A = tpu.sem_alloc : memref<!tpu.dma_semaphore, #tpu.memory_space<semaphore_mem>>
      %dma_start3A_44 = arith.constant 0 : i32
      %dma_start3A_45 = tpu.memref_slice %arg2[%add3A_24, %dma_start3A_44] : memref<2048x768xf32, #tpu.memory_space<hbm>> -> memref<32x768xf32, #tpu.memory_space<hbm>>
      %dma_start3A_46 = arith.constant 0 : i32
      %dma_start3A_47 = tpu.memref_slice %arg2[%add3A_24, %dma_start3A_46] : memref<2048x768xf32, #tpu.memory_space<hbm>> -> memref<32x768xf32, #tpu.memory_space<hbm>>
      tpu.enqueue_dma source(%dma_start3A_47 : memref<32x768xf32, #tpu.memory_space<hbm>>) target(%arg15 : memref<32x768xf32, #tpu.memory_space<vmem>>) target_semaphore(%run_scoped3A : memref<!tpu.dma_semaphore, #tpu.memory_space<semaphore_mem>>)
      %dma_wait3A_48 = arith.constant 0 : i32
      %dma_wait3A_49 = tpu.memref_slice %arg2[%add3A_24, %dma_wait3A_48] : memref<2048x768xf32, #tpu.memory_space<hbm>> -> memref<32x768xf32, #tpu.memory_space<hbm>>
      %dma_wait3A_50 = arith.constant 0 : i32
      %dma_wait3A_51 = tpu.memref_slice %arg2[%add3A_24, %dma_wait3A_50] : memref<2048x768xf32, #tpu.memory_space<hbm>> -> memref<32x768xf32, #tpu.memory_space<hbm>>
      tpu.wait_dma2 semaphore(%run_scoped3A : memref<!tpu.dma_semaphore, #tpu.memory_space<semaphore_mem>>) src(%dma_wait3A_51 : memref<32x768xf32, #tpu.memory_space<hbm>>) dst(%arg15 : memref<32x768xf32, #tpu.memory_space<vmem>>)
      tpu.yield
    }) : () -> ()
    %dma_wait3A_31 = arith.constant 0 : i32
    %dma_wait3A_32 = arith.constant 0 : i32
    %dma_wait3A_33 = tpu.memref_slice %arg3[%dma_wait3A_31, %dma_wait3A_32] : memref<5120x768xf32, #tpu.memory_space<hbm>> -> memref<5120x768xf32, #tpu.memory_space<hbm>>
    tpu.wait_indirect_dma semaphore(%arg16 : memref<!tpu.dma_semaphore, #tpu.memory_space<semaphore_mem>>) src(%dma_wait3A_33 : memref<5120x768xf32, #tpu.memory_space<hbm>>) dst(%arg13 : memref<32x768xf32, #tpu.memory_space<vmem>>)
    %dma_wait3A_34 = arith.constant 0 : i32
    %dma_wait3A_35 = arith.constant 0 : i32
    %dma_wait3A_36 = tpu.memref_slice %arg3[%dma_wait3A_34, %dma_wait3A_35] : memref<5120x768xf32, #tpu.memory_space<hbm>> -> memref<5120x768xf32, #tpu.memory_space<hbm>>
    tpu.wait_indirect_dma semaphore(%arg17 : memref<!tpu.dma_semaphore, #tpu.memory_space<semaphore_mem>>) src(%dma_wait3A_36 : memref<5120x768xf32, #tpu.memory_space<hbm>>) dst(%arg14 : memref<32x768xf32, #tpu.memory_space<vmem>>)
    %scan3A_37 = arith.constant 0 : i32
    %scan3A_38 = arith.constant 0 : i32
    %scan3A_39 = arith.constant 32 : i32
    %scan3A_40 = arith.addi %scan3A_38, %scan3A_39 : i32
    %scan3A_41 = arith.constant 1 : i32
    %scan3A_42 = scf.for %scan3A_44 = %scan3A_38 to %scan3A_40 step %scan3A_41 iter_args(%scan3A_45 = %scan3A_37) -> (i32)  : i32 {
      %broadcast_in_dim3A = vector.broadcast %scan3A_44 : i32 to vector<16xi32>
      %gather3A = tpu.vector_load_idx %arg11[%broadcast_in_dim3A] : memref<32xf32, #tpu.memory_space<vmem>>[vector<16xi32>], vector<16xf32>,
      %broadcast_in_dim3A_46 = vector.broadcast %scan3A_44 : i32 to vector<16xi32>
      %gather3A_47 = tpu.vector_load_idx %arg12[%broadcast_in_dim3A_46] : memref<32xf32, #tpu.memory_space<vmem>>[vector<16xi32>], vector<16xf32>,
      %get3A = arith.index_cast %scan3A_44 : i32 to index
      %get3A_48 = arith.constant 0 : index
      %get3A_49 = tpu.vector_load %arg15[%get3A, %get3A_48] {strides = array<i32>} : memref<32x768xf32, #tpu.memory_space<vmem>>, vector<16xf32>,
      %get3A_50 = arith.index_cast %scan3A_44 : i32 to index
      %get3A_51 = arith.constant 0 : index
      %get3A_52 = tpu.vector_load %arg13[%get3A_50, %get3A_51] {strides = array<i32>} : memref<32x768xf32, #tpu.memory_space<vmem>>, vector<16xf32>,
      %mul3A_53 = arith.mulf %get3A_52, %gather3A : vector<16xf32>
      %add3A_54 = arith.addf %get3A_49, %mul3A_53 : vector<16xf32>
      %get3A_55 = arith.index_cast %scan3A_44 : i32 to index
      %get3A_56 = arith.constant 0 : index
      %get3A_57 = tpu.vector_load %arg14[%get3A_55, %get3A_56] {strides = array<i32>} : memref<32x768xf32, #tpu.memory_space<vmem>>, vector<16xf32>,
      %mul3A_58 = arith.mulf %get3A_57, %gather3A_47 : vector<16xf32>
      %add3A_59 = arith.addf %add3A_54, %mul3A_58 : vector<16xf32>
      %swap3A = arith.index_cast %scan3A_44 : i32 to index
      %swap3A_60 = arith.constant 0 : index
      %swap3A_61 = tpu.vector_load %arg15[%swap3A, %swap3A_60] {strides = array<i32>} : memref<32x768xf32, #tpu.memory_space<vmem>>, vector<16xf32>,
      tpu.vector_store %arg15[%swap3A, %swap3A_60], %add3A_59 {strides = array<i32>} : memref<32x768xf32, #tpu.memory_space<vmem>>, vector<16xf32>,
      %get3A_62 = arith.index_cast %scan3A_44 : i32 to index
      %get3A_63 = arith.constant 16 : index
      %get3A_64 = tpu.vector_load %arg15[%get3A_62, %get3A_63] {strides = array<i32>} : memref<32x768xf32, #tpu.memory_space<vmem>>, vector<16xf32>,
      %get3A_65 = arith.index_cast %scan3A_44 : i32 to index
      %get3A_66 = arith.constant 16 : index
      %get3A_67 = tpu.vector_load %arg13[%get3A_65, %get3A_66] {strides = array<i32>} : memref<32x768xf32, #tpu.memory_space<vmem>>, vector<16xf32>,
      %mul3A_68 = arith.mulf %get3A_67, %gather3A : vector<16xf32>
      %add3A_69 = arith.addf %get3A_64, %mul3A_68 : vector<16xf32>
      %get3A_70 = arith.index_cast %scan3A_44 : i32 to index
      %get3A_71 = arith.constant 16 : index
      %get3A_72 = tpu.vector_load %arg14[%get3A_70, %get3A_71] {strides = array<i32>} : memref<32x768xf32, #tpu.memory_space<vmem>>, vector<16xf32>,
      %mul3A_73 = arith.mulf %get3A_72, %gather3A_47 : vector<16xf32>
      %add3A_74 = arith.addf %add3A_69, %mul3A_73 : vector<16xf32>
      %swap3A_75 = arith.index_cast %scan3A_44 : i32 to index
      %swap3A_76 = arith.constant 16 : index
      %swap3A_77 = tpu.vector_load %arg15[%swap3A_75, %swap3A_76] {strides = array<i32>} : memref<32x768xf32, #tpu.memory_space<vmem>>, vector<16xf32>,
      tpu.vector_store %arg15[%swap3A_75, %swap3A_76], %add3A_74 {strides = array<i32>} : memref<32x768xf32, #tpu.memory_space<vmem>>, vector<16xf32>,
      %get3A_78 = arith.index_cast %scan3A_44 : i32 to index
      %get3A_79 = arith.constant 32 : index
      %get3A_80 = tpu.vector_load %arg15[%get3A_78, %get3A_79] {strides = array<i32>} : memref<32x768xf32, #tpu.memory_space<vmem>>, vector<16xf32>,
      %get3A_81 = arith.index_cast %scan3A_44 : i32 to index
      %get3A_82 = arith.constant 32 : index
      %get3A_83 = tpu.vector_load %arg13[%get3A_81, %get3A_82] {strides = array<i32>} : memref<32x768xf32, #tpu.memory_space<vmem>>, vector<16xf32>,
      %mul3A_84 = arith.mulf %get3A_83, %gather3A : vector<16xf32>
      %add3A_85 = arith.addf %get3A_80, %mul3A_84 : vector<16xf32>
      %get3A_86 = arith.index_cast %scan3A_44 : i32 to index
      %get3A_87 = arith.constant 32 : index
      %get3A_88 = tpu.vector_load %arg14[%get3A_86, %get3A_87] {strides = array<i32>} : memref<32x768xf32, #tpu.memory_space<vmem>>, vector<16xf32>,
      %mul3A_89 = arith.mulf %get3A_88, %gather3A_47 : vector<16xf32>
      %add3A_90 = arith.addf %add3A_85, %mul3A_89 : vector<16xf32>
      %swap3A_91 = arith.index_cast %scan3A_44 : i32 to index
      %swap3A_92 = arith.constant 32 : index
      %swap3A_93 = tpu.vector_load %arg15[%swap3A_91, %swap3A_92] {strides = array<i32>} : memref<32x768xf32, #tpu.memory_space<vmem>>, vector<16xf32>,
      tpu.vector_store %arg15[%swap3A_91, %swap3A_92], %add3A_90 {strides = array<i32>} : memref<32x768xf32, #tpu.memory_space<vmem>>, vector<16xf32>,
      %get3A_94 = arith.index_cast %scan3A_44 : i32 to index
      %get3A_95 = arith.constant 48 : index
      %get3A_96 = tpu.vector_load %arg15[%get3A_94, %get3A_95] {strides = array<i32>} : memref<32x768xf32, #tpu.memory_space<vmem>>, vector<16xf32>,
      %get3A_97 = arith.index_cast %scan3A_44 : i32 to index
      %get3A_98 = arith.constant 48 : index
      %get3A_99 = tpu.vector_load %arg13[%get3A_97, %get3A_98] {strides = array<i32>} : memref<32x768xf32, #tpu.memory_space<vmem>>, vector<16xf32>,
      %mul3A_100 = arith.mulf %get3A_99, %gather3A : vector<16xf32>
      %add3A_101 = arith.addf %get3A_96, %mul3A_100 : vector<16xf32>
      %get3A_102 = arith.index_cast %scan3A_44 : i32 to index
      %get3A_103 = arith.constant 48 : index
      %get3A_104 = tpu.vector_load %arg14[%get3A_102, %get3A_103] {strides = array<i32>} : memref<32x768xf32, #tpu.memory_space<vmem>>, vector<16xf32>,
      %mul3A_105 = arith.mulf %get3A_104, %gather3A_47 : vector<16xf32>
      %add3A_106 = arith.addf %add3A_101, %mul3A_105 : vector<16xf32>
      %swap3A_107 = arith.index_cast %scan3A_44 : i32 to index
      %swap3A_108 = arith.constant 48 : index
      %swap3A_109 = tpu.vector_load %arg15[%swap3A_107, %swap3A_108] {strides = array<i32>} : memref<32x768xf32, #tpu.memory_space<vmem>>, vector<16xf32>,
      tpu.vector_store %arg15[%swap3A_107, %swap3A_108], %add3A_106 {strides = array<i32>} : memref<32x768xf32, #tpu.memory_space<vmem>>, vector<16xf32>,
      %get3A_110 = arith.index_cast %scan3A_44 : i32 to index
      %get3A_111 = arith.constant 64 : index
      %get3A_112 = tpu.vector_load %arg15[%get3A_110, %get3A_111] {strides = array<i32>} : memref<32x768xf32, #tpu.memory_space<vmem>>, vector<16xf32>,
      %get3A_113 = arith.index_cast %scan3A_44 : i32 to index
      %get3A_114 = arith.constant 64 : index
      %get3A_115 = tpu.vector_load %arg13[%get3A_113, %get3A_114] {strides = array<i32>} : memref<32x768xf32, #tpu.memory_space<vmem>>, vector<16xf32>,
      %mul3A_116 = arith.mulf %get3A_115, %gather3A : vector<16xf32>
      %add3A_117 = arith.addf %get3A_112, %mul3A_116 : vector<16xf32>
      %get3A_118 = arith.index_cast %scan3A_44 : i32 to index
      %get3A_119 = arith.constant 64 : index
      %get3A_120 = tpu.vector_load %arg14[%get3A_118, %get3A_119] {strides = array<i32>} : memref<32x768xf32, #tpu.memory_space<vmem>>, vector<16xf32>,
      %mul3A_121 = arith.mulf %get3A_120, %gather3A_47 : vector<16xf32>
      %add3A_122 = arith.addf %add3A_117, %mul3A_121 : vector<16xf32>
      %swap3A_123 = arith.index_cast %scan3A_44 : i32 to index
      %swap3A_124 = arith.constant 64 : index
      %swap3A_125 = tpu.vector_load %arg15[%swap3A_123, %swap3A_124] {strides = array<i32>} : memref<32x768xf32, #tpu.memory_space<vmem>>, vector<16xf32>,
      tpu.vector_store %arg15[%swap3A_123, %swap3A_124], %add3A_122 {strides = array<i32>} : memref<32x768xf32, #tpu.memory_space<vmem>>, vector<16xf32>,
      %get3A_126 = arith.index_cast %scan3A_44 : i32 to index
      %get3A_127 = arith.constant 80 : index
      %get3A_128 = tpu.vector_load %arg15[%get3A_126, %get3A_127] {strides = array<i32>} : memref<32x768xf32, #tpu.memory_space<vmem>>, vector<16xf32>,
      %get3A_129 = arith.index_cast %scan3A_44 : i32 to index
      %get3A_130 = arith.constant 80 : index
      %get3A_131 = tpu.vector_load %arg13[%get3A_129, %get3A_130] {strides = array<i32>} : memref<32x768xf32, #tpu.memory_space<vmem>>, vector<16xf32>,
      %mul3A_132 = arith.mulf %get3A_131, %gather3A : vector<16xf32>
      %add3A_133 = arith.addf %get3A_128, %mul3A_132 : vector<16xf32>
      %get3A_134 = arith.index_cast %scan3A_44 : i32 to index
      %get3A_135 = arith.constant 80 : index
      %get3A_136 = tpu.vector_load %arg14[%get3A_134, %get3A_135] {strides = array<i32>} : memref<32x768xf32, #tpu.memory_space<vmem>>, vector<16xf32>,
      %mul3A_137 = arith.mulf %get3A_136, %gather3A_47 : vector<16xf32>
      %add3A_138 = arith.addf %add3A_133, %mul3A_137 : vector<16xf32>
      %swap3A_139 = arith.index_cast %scan3A_44 : i32 to index
      %swap3A_140 = arith.constant 80 : index
      %swap3A_141 = tpu.vector_load %arg15[%swap3A_139, %swap3A_140] {strides = array<i32>} : memref<32x768xf32, #tpu.memory_space<vmem>>, vector<16xf32>,
      tpu.vector_store %arg15[%swap3A_139, %swap3A_140], %add3A_138 {strides = array<i32>} : memref<32x768xf32, #tpu.memory_space<vmem>>, vector<16xf32>,
      %get3A_142 = arith.index_cast %scan3A_44 : i32 to index
      %get3A_143 = arith.constant 96 : index
      %get3A_144 = tpu.vector_load %arg15[%get3A_142, %get3A_143] {strides = array<i32>} : memref<32x768xf32, #tpu.memory_space<vmem>>, vector<16xf32>,
      %get3A_145 = arith.index_cast %scan3A_44 : i32 to index
      %get3A_146 = arith.constant 96 : index
      %get3A_147 = tpu.vector_load %arg13[%get3A_145, %get3A_146] {strides = array<i32>} : memref<32x768xf32, #tpu.memory_space<vmem>>, vector<16xf32>,
      %mul3A_148 = arith.mulf %get3A_147, %gather3A : vector<16xf32>
      %add3A_149 = arith.addf %get3A_144, %mul3A_148 : vector<16xf32>
      %get3A_150 = arith.index_cast %scan3A_44 : i32 to index
      %get3A_151 = arith.constant 96 : index
      %get3A_152 = tpu.vector_load %arg14[%get3A_150, %get3A_151] {strides = array<i32>} : memref<32x768xf32, #tpu.memory_space<vmem>>, vector<16xf32>,
      %mul3A_153 = arith.mulf %get3A_152, %gather3A_47 : vector<16xf32>
      %add3A_154 = arith.addf %add3A_149, %mul3A_153 : vector<16xf32>
      %swap3A_155 = arith.index_cast %scan3A_44 : i32 to index
      %swap3A_156 = arith.constant 96 : index
      %swap3A_157 = tpu.vector_load %arg15[%swap3A_155, %swap3A_156] {strides = array<i32>} : memref<32x768xf32, #tpu.memory_space<vmem>>, vector<16xf32>,
      tpu.vector_store %arg15[%swap3A_155, %swap3A_156], %add3A_154 {strides = array<i32>} : memref<32x768xf32, #tpu.memory_space<vmem>>, vector<16xf32>,
      %get3A_158 = arith.index_cast %scan3A_44 : i32 to index
      %get3A_159 = arith.constant 112 : index
      %get3A_160 = tpu.vector_load %arg15[%get3A_158, %get3A_159] {strides = array<i32>} : memref<32x768xf32, #tpu.memory_space<vmem>>, vector<16xf32>,
      %get3A_161 = arith.index_cast %scan3A_44 : i32 to index
      %get3A_162 = arith.constant 112 : index
      %get3A_163 = tpu.vector_load %arg13[%get3A_161, %get3A_162] {strides = array<i32>} : memref<32x768xf32, #tpu.memory_space<vmem>>, vector<16xf32>,
      %mul3A_164 = arith.mulf %get3A_163, %gather3A : vector<16xf32>
      %add3A_165 = arith.addf %get3A_160, %mul3A_164 : vector<16xf32>
      %get3A_166 = arith.index_cast %scan3A_44 : i32 to index
      %get3A_167 = arith.constant 112 : index
      %get3A_168 = tpu.vector_load %arg14[%get3A_166, %get3A_167] {strides = array<i32>} : memref<32x768xf32, #tpu.memory_space<vmem>>, vector<16xf32>,
      %mul3A_169 = arith.mulf %get3A_168, %gather3A_47 : vector<16xf32>
      %add3A_170 = arith.addf %add3A_165, %mul3A_169 : vector<16xf32>
      %swap3A_171 = arith.index_cast %scan3A_44 : i32 to index
      %swap3A_172 = arith.constant 112 : index
      %swap3A_173 = tpu.vector_load %arg15[%swap3A_171, %swap3A_172] {strides = array<i32>} : memref<32x768xf32, #tpu.memory_space<vmem>>, vector<16xf32>,
      tpu.vector_store %arg15[%swap3A_171, %swap3A_172], %add3A_170 {strides = array<i32>} : memref<32x768xf32, #tpu.memory_space<vmem>>, vector<16xf32>,
      %get3A_174 = arith.index_cast %scan3A_44 : i32 to index
      %get3A_175 = arith.constant 128 : index
      %get3A_176 = tpu.vector_load %arg15[%get3A_174, %get3A_175] {strides = array<i32>} : memref<32x768xf32, #tpu.memory_space<vmem>>, vector<16xf32>,
      %get3A_177 = arith.index_cast %scan3A_44 : i32 to index
      %get3A_178 = arith.constant 128 : index
      %get3A_179 = tpu.vector_load %arg13[%get3A_177, %get3A_178] {strides = array<i32>} : memref<32x768xf32, #tpu.memory_space<vmem>>, vector<16xf32>,
      %mul3A_180 = arith.mulf %get3A_179, %gather3A : vector<16xf32>
      %add3A_181 = arith.addf %get3A_176, %mul3A_180 : vector<16xf32>
      %get3A_182 = arith.index_cast %scan3A_44 : i32 to index
      %get3A_183 = arith.constant 128 : index
      %get3A_184 = tpu.vector_load %arg14[%get3A_182, %get3A_183] {strides = array<i32>} : memref<32x768xf32, #tpu.memory_space<vmem>>, vector<16xf32>,
      %mul3A_185 = arith.mulf %get3A_184, %gather3A_47 : vector<16xf32>
      %add3A_186 = arith.addf %add3A_181, %mul3A_185 : vector<16xf32>
      %swap3A_187 = arith.index_cast %scan3A_44 : i32 to index
      %swap3A_188 = arith.constant 128 : index
      %swap3A_189 = tpu.vector_load %arg15[%swap3A_187, %swap3A_188] {strides = array<i32>} : memref<32x768xf32, #tpu.memory_space<vmem>>, vector<16xf32>,
      tpu.vector_store %arg15[%swap3A_187, %swap3A_188], %add3A_186 {strides = array<i32>} : memref<32x768xf32, #tpu.memory_space<vmem>>, vector<16xf32>,
      %get3A_190 = arith.index_cast %scan3A_44 : i32 to index
      %get3A_191 = arith.constant 144 : index
      %get3A_192 = tpu.vector_load %arg15[%get3A_190, %get3A_191] {strides = array<i32>} : memref<32x768xf32, #tpu.memory_space<vmem>>, vector<16xf32>,
      %get3A_193 = arith.index_cast %scan3A_44 : i32 to index
      %get3A_194 = arith.constant 144 : index
      %get3A_195 = tpu.vector_load %arg13[%get3A_193, %get3A_194] {strides = array<i32>} : memref<32x768xf32, #tpu.memory_space<vmem>>, vector<16xf32>,
      %mul3A_196 = arith.mulf %get3A_195, %gather3A : vector<16xf32>
      %add3A_197 = arith.addf %get3A_192, %mul3A_196 : vector<16xf32>
      %get3A_198 = arith.index_cast %scan3A_44 : i32 to index
      %get3A_199 = arith.constant 144 : index
      %get3A_200 = tpu.vector_load %arg14[%get3A_198, %get3A_199] {strides = array<i32>} : memref<32x768xf32, #tpu.memory_space<vmem>>, vector<16xf32>,
      %mul3A_201 = arith.mulf %get3A_200, %gather3A_47 : vector<16xf32>
      %add3A_202 = arith.addf %add3A_197, %mul3A_201 : vector<16xf32>
      %swap3A_203 = arith.index_cast %scan3A_44 : i32 to index
      %swap3A_204 = arith.constant 144 : index
      %swap3A_205 = tpu.vector_load %arg15[%swap3A_203, %swap3A_204] {strides = array<i32>} : memref<32x768xf32, #tpu.memory_space<vmem>>, vector<16xf32>,
      tpu.vector_store %arg15[%swap3A_203, %swap3A_204], %add3A_202 {strides = array<i32>} : memref<32x768xf32, #tpu.memory_space<vmem>>, vector<16xf32>,
      %get3A_206 = arith.index_cast %scan3A_44 : i32 to index
      %get3A_207 = arith.constant 160 : index
      %get3A_208 = tpu.vector_load %arg15[%get3A_206, %get3A_207] {strides = array<i32>} : memref<32x768xf32, #tpu.memory_space<vmem>>, vector<16xf32>,
      %get3A_209 = arith.index_cast %scan3A_44 : i32 to index
      %get3A_210 = arith.constant 160 : index
      %get3A_211 = tpu.vector_load %arg13[%get3A_209, %get3A_210] {strides = array<i32>} : memref<32x768xf32, #tpu.memory_space<vmem>>, vector<16xf32>,
      %mul3A_212 = arith.mulf %get3A_211, %gather3A : vector<16xf32>
      %add3A_213 = arith.addf %get3A_208, %mul3A_212 : vector<16xf32>
      %get3A_214 = arith.index_cast %scan3A_44 : i32 to index
      %get3A_215 = arith.constant 160 : index
      %get3A_216 = tpu.vector_load %arg14[%get3A_214, %get3A_215] {strides = array<i32>} : memref<32x768xf32, #tpu.memory_space<vmem>>, vector<16xf32>,
      %mul3A_217 = arith.mulf %get3A_216, %gather3A_47 : vector<16xf32>
      %add3A_218 = arith.addf %add3A_213, %mul3A_217 : vector<16xf32>
      %swap3A_219 = arith.index_cast %scan3A_44 : i32 to index
      %swap3A_220 = arith.constant 160 : index
      %swap3A_221 = tpu.vector_load %arg15[%swap3A_219, %swap3A_220] {strides = array<i32>} : memref<32x768xf32, #tpu.memory_space<vmem>>, vector<16xf32>,
      tpu.vector_store %arg15[%swap3A_219, %swap3A_220], %add3A_218 {strides = array<i32>} : memref<32x768xf32, #tpu.memory_space<vmem>>, vector<16xf32>,
      %get3A_222 = arith.index_cast %scan3A_44 : i32 to index
      %get3A_223 = arith.constant 176 : index
      %get3A_224 = tpu.vector_load %arg15[%get3A_222, %get3A_223] {strides = array<i32>} : memref<32x768xf32, #tpu.memory_space<vmem>>, vector<16xf32>,
      %get3A_225 = arith.index_cast %scan3A_44 : i32 to index
      %get3A_226 = arith.constant 176 : index
      %get3A_227 = tpu.vector_load %arg13[%get3A_225, %get3A_226] {strides = array<i32>} : memref<32x768xf32, #tpu.memory_space<vmem>>, vector<16xf32>,
      %mul3A_228 = arith.mulf %get3A_227, %gather3A : vector<16xf32>
      %add3A_229 = arith.addf %get3A_224, %mul3A_228 : vector<16xf32>
      %get3A_230 = arith.index_cast %scan3A_44 : i32 to index
      %get3A_231 = arith.constant 176 : index
      %get3A_232 = tpu.vector_load %arg14[%get3A_230, %get3A_231] {strides = array<i32>} : memref<32x768xf32, #tpu.memory_space<vmem>>, vector<16xf32>,
      %mul3A_233 = arith.mulf %get3A_232, %gather3A_47 : vector<16xf32>
      %add3A_234 = arith.addf %add3A_229, %mul3A_233 : vector<16xf32>
      %swap3A_235 = arith.index_cast %scan3A_44 : i32 to index
      %swap3A_236 = arith.constant 176 : index
      %swap3A_237 = tpu.vector_load %arg15[%swap3A_235, %swap3A_236] {strides = array<i32>} : memref<32x768xf32, #tpu.memory_space<vmem>>, vector<16xf32>,
      tpu.vector_store %arg15[%swap3A_235, %swap3A_236], %add3A_234 {strides = array<i32>} : memref<32x768xf32, #tpu.memory_space<vmem>>, vector<16xf32>,
      %get3A_238 = arith.index_cast %scan3A_44 : i32 to index
      %get3A_239 = arith.constant 192 : index
      %get3A_240 = tpu.vector_load %arg15[%get3A_238, %get3A_239] {strides = array<i32>} : memref<32x768xf32, #tpu.memory_space<vmem>>, vector<16xf32>,
      %get3A_241 = arith.index_cast %scan3A_44 : i32 to index
      %get3A_242 = arith.constant 192 : index
      %get3A_243 = tpu.vector_load %arg13[%get3A_241, %get3A_242] {strides = array<i32>} : memref<32x768xf32, #tpu.memory_space<vmem>>, vector<16xf32>,
      %mul3A_244 = arith.mulf %get3A_243, %gather3A : vector<16xf32>
      %add3A_245 = arith.addf %get3A_240, %mul3A_244 : vector<16xf32>
      %get3A_246 = arith.index_cast %scan3A_44 : i32 to index
      %get3A_247 = arith.constant 192 : index
      %get3A_248 = tpu.vector_load %arg14[%get3A_246, %get3A_247] {strides = array<i32>} : memref<32x768xf32, #tpu.memory_space<vmem>>, vector<16xf32>,
      %mul3A_249 = arith.mulf %get3A_248, %gather3A_47 : vector<16xf32>
      %add3A_250 = arith.addf %add3A_245, %mul3A_249 : vector<16xf32>
      %swap3A_251 = arith.index_cast %scan3A_44 : i32 to index
      %swap3A_252 = arith.constant 192 : index
      %swap3A_253 = tpu.vector_load %arg15[%swap3A_251, %swap3A_252] {strides = array<i32>} : memref<32x768xf32, #tpu.memory_space<vmem>>, vector<16xf32>,
      tpu.vector_store %arg15[%swap3A_251, %swap3A_252], %add3A_250 {strides = array<i32>} : memref<32x768xf32, #tpu.memory_space<vmem>>, vector<16xf32>,
      %get3A_254 = arith.index_cast %scan3A_44 : i32 to index
      %get3A_255 = arith.constant 208 : index
      %get3A_256 = tpu.vector_load %arg15[%get3A_254, %get3A_255] {strides = array<i32>} : memref<32x768xf32, #tpu.memory_space<vmem>>, vector<16xf32>,
      %get3A_257 = arith.index_cast %scan3A_44 : i32 to index
      %get3A_258 = arith.constant 208 : index
      %get3A_259 = tpu.vector_load %arg13[%get3A_257, %get3A_258] {strides = array<i32>} : memref<32x768xf32, #tpu.memory_space<vmem>>, vector<16xf32>,
      %mul3A_260 = arith.mulf %get3A_259, %gather3A : vector<16xf32>
      %add3A_261 = arith.addf %get3A_256, %mul3A_260 : vector<16xf32>
      %get3A_262 = arith.index_cast %scan3A_44 : i32 to index
      %get3A_263 = arith.constant 208 : index
      %get3A_264 = tpu.vector_load %arg14[%get3A_262, %get3A_263] {strides = array<i32>} : memref<32x768xf32, #tpu.memory_space<vmem>>, vector<16xf32>,
      %mul3A_265 = arith.mulf %get3A_264, %gather3A_47 : vector<16xf32>
      %add3A_266 = arith.addf %add3A_261, %mul3A_265 : vector<16xf32>
      %swap3A_267 = arith.index_cast %scan3A_44 : i32 to index
      %swap3A_268 = arith.constant 208 : index
      %swap3A_269 = tpu.vector_load %arg15[%swap3A_267, %swap3A_268] {strides = array<i32>} : memref<32x768xf32, #tpu.memory_space<vmem>>, vector<16xf32>,
      tpu.vector_store %arg15[%swap3A_267, %swap3A_268], %add3A_266 {strides = array<i32>} : memref<32x768xf32, #tpu.memory_space<vmem>>, vector<16xf32>,
      %get3A_270 = arith.index_cast %scan3A_44 : i32 to index
      %get3A_271 = arith.constant 224 : index
      %get3A_272 = tpu.vector_load %arg15[%get3A_270, %get3A_271] {strides = array<i32>} : memref<32x768xf32, #tpu.memory_space<vmem>>, vector<16xf32>,
      %get3A_273 = arith.index_cast %scan3A_44 : i32 to index
      %get3A_274 = arith.constant 224 : index
      %get3A_275 = tpu.vector_load %arg13[%get3A_273, %get3A_274] {strides = array<i32>} : memref<32x768xf32, #tpu.memory_space<vmem>>, vector<16xf32>,
      %mul3A_276 = arith.mulf %get3A_275, %gather3A : vector<16xf32>
      %add3A_277 = arith.addf %get3A_272, %mul3A_276 : vector<16xf32>
      %get3A_278 = arith.index_cast %scan3A_44 : i32 to index
      %get3A_279 = arith.constant 224 : index
      %get3A_280 = tpu.vector_load %arg14[%get3A_278, %get3A_279] {strides = array<i32>} : memref<32x768xf32, #tpu.memory_space<vmem>>, vector<16xf32>,
      %mul3A_281 = arith.mulf %get3A_280, %gather3A_47 : vector<16xf32>
      %add3A_282 = arith.addf %add3A_277, %mul3A_281 : vector<16xf32>
      %swap3A_283 = arith.index_cast %scan3A_44 : i32 to index
      %swap3A_284 = arith.constant 224 : index
      %swap3A_285 = tpu.vector_load %arg15[%swap3A_283, %swap3A_284] {strides = array<i32>} : memref<32x768xf32, #tpu.memory_space<vmem>>, vector<16xf32>,
      tpu.vector_store %arg15[%swap3A_283, %swap3A_284], %add3A_282 {strides = array<i32>} : memref<32x768xf32, #tpu.memory_space<vmem>>, vector<16xf32>,
      %get3A_286 = arith.index_cast %scan3A_44 : i32 to index
      %get3A_287 = arith.constant 240 : index
      %get3A_288 = tpu.vector_load %arg15[%get3A_286, %get3A_287] {strides = array<i32>} : memref<32x768xf32, #tpu.memory_space<vmem>>, vector<16xf32>,
      %get3A_289 = arith.index_cast %scan3A_44 : i32 to index
      %get3A_290 = arith.constant 240 : index
      %get3A_291 = tpu.vector_load %arg13[%get3A_289, %get3A_290] {strides = array<i32>} : memref<32x768xf32, #tpu.memory_space<vmem>>, vector<16xf32>,
      %mul3A_292 = arith.mulf %get3A_291, %gather3A : vector<16xf32>
      %add3A_293 = arith.addf %get3A_288, %mul3A_292 : vector<16xf32>
      %get3A_294 = arith.index_cast %scan3A_44 : i32 to index
      %get3A_295 = arith.constant 240 : index
      %get3A_296 = tpu.vector_load %arg14[%get3A_294, %get3A_295] {strides = array<i32>} : memref<32x768xf32, #tpu.memory_space<vmem>>, vector<16xf32>,
      %mul3A_297 = arith.mulf %get3A_296, %gather3A_47 : vector<16xf32>
      %add3A_298 = arith.addf %add3A_293, %mul3A_297 : vector<16xf32>
      %swap3A_299 = arith.index_cast %scan3A_44 : i32 to index
      %swap3A_300 = arith.constant 240 : index
      %swap3A_301 = tpu.vector_load %arg15[%swap3A_299, %swap3A_300] {strides = array<i32>} : memref<32x768xf32, #tpu.memory_space<vmem>>, vector<16xf32>,
      tpu.vector_store %arg15[%swap3A_299, %swap3A_300], %add3A_298 {strides = array<i32>} : memref<32x768xf32, #tpu.memory_space<vmem>>, vector<16xf32>,
      %get3A_302 = arith.index_cast %scan3A_44 : i32 to index
      %get3A_303 = arith.constant 256 : index
      %get3A_304 = tpu.vector_load %arg15[%get3A_302, %get3A_303] {strides = array<i32>} : memref<32x768xf32, #tpu.memory_space<vmem>>, vector<16xf32>,
      %get3A_305 = arith.index_cast %scan3A_44 : i32 to index
      %get3A_306 = arith.constant 256 : index
      %get3A_307 = tpu.vector_load %arg13[%get3A_305, %get3A_306] {strides = array<i32>} : memref<32x768xf32, #tpu.memory_space<vmem>>, vector<16xf32>,
      %mul3A_308 = arith.mulf %get3A_307, %gather3A : vector<16xf32>
      %add3A_309 = arith.addf %get3A_304, %mul3A_308 : vector<16xf32>
      %get3A_310 = arith.index_cast %scan3A_44 : i32 to index
      %get3A_311 = arith.constant 256 : index
      %get3A_312 = tpu.vector_load %arg14[%get3A_310, %get3A_311] {strides = array<i32>} : memref<32x768xf32, #tpu.memory_space<vmem>>, vector<16xf32>,
      %mul3A_313 = arith.mulf %get3A_312, %gather3A_47 : vector<16xf32>
      %add3A_314 = arith.addf %add3A_309, %mul3A_313 : vector<16xf32>
      %swap3A_315 = arith.index_cast %scan3A_44 : i32 to index
      %swap3A_316 = arith.constant 256 : index
      %swap3A_317 = tpu.vector_load %arg15[%swap3A_315, %swap3A_316] {strides = array<i32>} : memref<32x768xf32, #tpu.memory_space<vmem>>, vector<16xf32>,
      tpu.vector_store %arg15[%swap3A_315, %swap3A_316], %add3A_314 {strides = array<i32>} : memref<32x768xf32, #tpu.memory_space<vmem>>, vector<16xf32>,
      %get3A_318 = arith.index_cast %scan3A_44 : i32 to index
      %get3A_319 = arith.constant 272 : index
      %get3A_320 = tpu.vector_load %arg15[%get3A_318, %get3A_319] {strides = array<i32>} : memref<32x768xf32, #tpu.memory_space<vmem>>, vector<16xf32>,
      %get3A_321 = arith.index_cast %scan3A_44 : i32 to index
      %get3A_322 = arith.constant 272 : index
      %get3A_323 = tpu.vector_load %arg13[%get3A_321, %get3A_322] {strides = array<i32>} : memref<32x768xf32, #tpu.memory_space<vmem>>, vector<16xf32>,
      %mul3A_324 = arith.mulf %get3A_323, %gather3A : vector<16xf32>
      %add3A_325 = arith.addf %get3A_320, %mul3A_324 : vector<16xf32>
      %get3A_326 = arith.index_cast %scan3A_44 : i32 to index
      %get3A_327 = arith.constant 272 : index
      %get3A_328 = tpu.vector_load %arg14[%get3A_326, %get3A_327] {strides = array<i32>} : memref<32x768xf32, #tpu.memory_space<vmem>>, vector<16xf32>,
      %mul3A_329 = arith.mulf %get3A_328, %gather3A_47 : vector<16xf32>
      %add3A_330 = arith.addf %add3A_325, %mul3A_329 : vector<16xf32>
      %swap3A_331 = arith.index_cast %scan3A_44 : i32 to index
      %swap3A_332 = arith.constant 272 : index
      %swap3A_333 = tpu.vector_load %arg15[%swap3A_331, %swap3A_332] {strides = array<i32>} : memref<32x768xf32, #tpu.memory_space<vmem>>, vector<16xf32>,
      tpu.vector_store %arg15[%swap3A_331, %swap3A_332], %add3A_330 {strides = array<i32>} : memref<32x768xf32, #tpu.memory_space<vmem>>, vector<16xf32>,
      %get3A_334 = arith.index_cast %scan3A_44 : i32 to index
      %get3A_335 = arith.constant 288 : index
      %get3A_336 = tpu.vector_load %arg15[%get3A_334, %get3A_335] {strides = array<i32>} : memref<32x768xf32, #tpu.memory_space<vmem>>, vector<16xf32>,
      %get3A_337 = arith.index_cast %scan3A_44 : i32 to index
      %get3A_338 = arith.constant 288 : index
      %get3A_339 = tpu.vector_load %arg13[%get3A_337, %get3A_338] {strides = array<i32>} : memref<32x768xf32, #tpu.memory_space<vmem>>, vector<16xf32>,
      %mul3A_340 = arith.mulf %get3A_339, %gather3A : vector<16xf32>
      %add3A_341 = arith.addf %get3A_336, %mul3A_340 : vector<16xf32>
      %get3A_342 = arith.index_cast %scan3A_44 : i32 to index
      %get3A_343 = arith.constant 288 : index
      %get3A_344 = tpu.vector_load %arg14[%get3A_342, %get3A_343] {strides = array<i32>} : memref<32x768xf32, #tpu.memory_space<vmem>>, vector<16xf32>,
      %mul3A_345 = arith.mulf %get3A_344, %gather3A_47 : vector<16xf32>
      %add3A_346 = arith.addf %add3A_341, %mul3A_345 : vector<16xf32>
      %swap3A_347 = arith.index_cast %scan3A_44 : i32 to index
      %swap3A_348 = arith.constant 288 : index
      %swap3A_349 = tpu.vector_load %arg15[%swap3A_347, %swap3A_348] {strides = array<i32>} : memref<32x768xf32, #tpu.memory_space<vmem>>, vector<16xf32>,
      tpu.vector_store %arg15[%swap3A_347, %swap3A_348], %add3A_346 {strides = array<i32>} : memref<32x768xf32, #tpu.memory_space<vmem>>, vector<16xf32>,
      %get3A_350 = arith.index_cast %scan3A_44 : i32 to index
      %get3A_351 = arith.constant 304 : index
      %get3A_352 = tpu.vector_load %arg15[%get3A_350, %get3A_351] {strides = array<i32>} : memref<32x768xf32, #tpu.memory_space<vmem>>, vector<16xf32>,
      %get3A_353 = arith.index_cast %scan3A_44 : i32 to index
      %get3A_354 = arith.constant 304 : index
      %get3A_355 = tpu.vector_load %arg13[%get3A_353, %get3A_354] {strides = array<i32>} : memref<32x768xf32, #tpu.memory_space<vmem>>, vector<16xf32>,
      %mul3A_356 = arith.mulf %get3A_355, %gather3A : vector<16xf32>
      %add3A_357 = arith.addf %get3A_352, %mul3A_356 : vector<16xf32>
      %get3A_358 = arith.index_cast %scan3A_44 : i32 to index
      %get3A_359 = arith.constant 304 : index
      %get3A_360 = tpu.vector_load %arg14[%get3A_358, %get3A_359] {strides = array<i32>} : memref<32x768xf32, #tpu.memory_space<vmem>>, vector<16xf32>,
      %mul3A_361 = arith.mulf %get3A_360, %gather3A_47 : vector<16xf32>
      %add3A_362 = arith.addf %add3A_357, %mul3A_361 : vector<16xf32>
      %swap3A_363 = arith.index_cast %scan3A_44 : i32 to index
      %swap3A_364 = arith.constant 304 : index
      %swap3A_365 = tpu.vector_load %arg15[%swap3A_363, %swap3A_364] {strides = array<i32>} : memref<32x768xf32, #tpu.memory_space<vmem>>, vector<16xf32>,
      tpu.vector_store %arg15[%swap3A_363, %swap3A_364], %add3A_362 {strides = array<i32>} : memref<32x768xf32, #tpu.memory_space<vmem>>, vector<16xf32>,
      %get3A_366 = arith.index_cast %scan3A_44 : i32 to index
      %get3A_367 = arith.constant 320 : index
      %get3A_368 = tpu.vector_load %arg15[%get3A_366, %get3A_367] {strides = array<i32>} : memref<32x768xf32, #tpu.memory_space<vmem>>, vector<16xf32>,
      %get3A_369 = arith.index_cast %scan3A_44 : i32 to index
      %get3A_370 = arith.constant 320 : index
      %get3A_371 = tpu.vector_load %arg13[%get3A_369, %get3A_370] {strides = array<i32>} : memref<32x768xf32, #tpu.memory_space<vmem>>, vector<16xf32>,
      %mul3A_372 = arith.mulf %get3A_371, %gather3A : vector<16xf32>
      %add3A_373 = arith.addf %get3A_368, %mul3A_372 : vector<16xf32>
      %get3A_374 = arith.index_cast %scan3A_44 : i32 to index
      %get3A_375 = arith.constant 320 : index
      %get3A_376 = tpu.vector_load %arg14[%get3A_374, %get3A_375] {strides = array<i32>} : memref<32x768xf32, #tpu.memory_space<vmem>>, vector<16xf32>,
      %mul3A_377 = arith.mulf %get3A_376, %gather3A_47 : vector<16xf32>
      %add3A_378 = arith.addf %add3A_373, %mul3A_377 : vector<16xf32>
      %swap3A_379 = arith.index_cast %scan3A_44 : i32 to index
      %swap3A_380 = arith.constant 320 : index
      %swap3A_381 = tpu.vector_load %arg15[%swap3A_379, %swap3A_380] {strides = array<i32>} : memref<32x768xf32, #tpu.memory_space<vmem>>, vector<16xf32>,
      tpu.vector_store %arg15[%swap3A_379, %swap3A_380], %add3A_378 {strides = array<i32>} : memref<32x768xf32, #tpu.memory_space<vmem>>, vector<16xf32>,
      %get3A_382 = arith.index_cast %scan3A_44 : i32 to index
      %get3A_383 = arith.constant 336 : index
      %get3A_384 = tpu.vector_load %arg15[%get3A_382, %get3A_383] {strides = array<i32>} : memref<32x768xf32, #tpu.memory_space<vmem>>, vector<16xf32>,
      %get3A_385 = arith.index_cast %scan3A_44 : i32 to index
      %get3A_386 = arith.constant 336 : index
      %get3A_387 = tpu.vector_load %arg13[%get3A_385, %get3A_386] {strides = array<i32>} : memref<32x768xf32, #tpu.memory_space<vmem>>, vector<16xf32>,
      %mul3A_388 = arith.mulf %get3A_387, %gather3A : vector<16xf32>
      %add3A_389 = arith.addf %get3A_384, %mul3A_388 : vector<16xf32>
      %get3A_390 = arith.index_cast %scan3A_44 : i32 to index
      %get3A_391 = arith.constant 336 : index
      %get3A_392 = tpu.vector_load %arg14[%get3A_390, %get3A_391] {strides = array<i32>} : memref<32x768xf32, #tpu.memory_space<vmem>>, vector<16xf32>,
      %mul3A_393 = arith.mulf %get3A_392, %gather3A_47 : vector<16xf32>
      %add3A_394 = arith.addf %add3A_389, %mul3A_393 : vector<16xf32>
      %swap3A_395 = arith.index_cast %scan3A_44 : i32 to index
      %swap3A_396 = arith.constant 336 : index
      %swap3A_397 = tpu.vector_load %arg15[%swap3A_395, %swap3A_396] {strides = array<i32>} : memref<32x768xf32, #tpu.memory_space<vmem>>, vector<16xf32>,
      tpu.vector_store %arg15[%swap3A_395, %swap3A_396], %add3A_394 {strides = array<i32>} : memref<32x768xf32, #tpu.memory_space<vmem>>, vector<16xf32>,
      %get3A_398 = arith.index_cast %scan3A_44 : i32 to index
      %get3A_399 = arith.constant 352 : index
      %get3A_400 = tpu.vector_load %arg15[%get3A_398, %get3A_399] {strides = array<i32>} : memref<32x768xf32, #tpu.memory_space<vmem>>, vector<16xf32>,
      %get3A_401 = arith.index_cast %scan3A_44 : i32 to index
      %get3A_402 = arith.constant 352 : index
      %get3A_403 = tpu.vector_load %arg13[%get3A_401, %get3A_402] {strides = array<i32>} : memref<32x768xf32, #tpu.memory_space<vmem>>, vector<16xf32>,
      %mul3A_404 = arith.mulf %get3A_403, %gather3A : vector<16xf32>
      %add3A_405 = arith.addf %get3A_400, %mul3A_404 : vector<16xf32>
      %get3A_406 = arith.index_cast %scan3A_44 : i32 to index
      %get3A_407 = arith.constant 352 : index
      %get3A_408 = tpu.vector_load %arg14[%get3A_406, %get3A_407] {strides = array<i32>} : memref<32x768xf32, #tpu.memory_space<vmem>>, vector<16xf32>,
      %mul3A_409 = arith.mulf %get3A_408, %gather3A_47 : vector<16xf32>
      %add3A_410 = arith.addf %add3A_405, %mul3A_409 : vector<16xf32>
      %swap3A_411 = arith.index_cast %scan3A_44 : i32 to index
      %swap3A_412 = arith.constant 352 : index
      %swap3A_413 = tpu.vector_load %arg15[%swap3A_411, %swap3A_412] {strides = array<i32>} : memref<32x768xf32, #tpu.memory_space<vmem>>, vector<16xf32>,
      tpu.vector_store %arg15[%swap3A_411, %swap3A_412], %add3A_410 {strides = array<i32>} : memref<32x768xf32, #tpu.memory_space<vmem>>, vector<16xf32>,
      %get3A_414 = arith.index_cast %scan3A_44 : i32 to index
      %get3A_415 = arith.constant 368 : index
      %get3A_416 = tpu.vector_load %arg15[%get3A_414, %get3A_415] {strides = array<i32>} : memref<32x768xf32, #tpu.memory_space<vmem>>, vector<16xf32>,
      %get3A_417 = arith.index_cast %scan3A_44 : i32 to index
      %get3A_418 = arith.constant 368 : index
      %get3A_419 = tpu.vector_load %arg13[%get3A_417, %get3A_418] {strides = array<i32>} : memref<32x768xf32, #tpu.memory_space<vmem>>, vector<16xf32>,
      %mul3A_420 = arith.mulf %get3A_419, %gather3A : vector<16xf32>
      %add3A_421 = arith.addf %get3A_416, %mul3A_420 : vector<16xf32>
      %get3A_422 = arith.index_cast %scan3A_44 : i32 to index
      %get3A_423 = arith.constant 368 : index
      %get3A_424 = tpu.vector_load %arg14[%get3A_422, %get3A_423] {strides = array<i32>} : memref<32x768xf32, #tpu.memory_space<vmem>>, vector<16xf32>,
      %mul3A_425 = arith.mulf %get3A_424, %gather3A_47 : vector<16xf32>
      %add3A_426 = arith.addf %add3A_421, %mul3A_425 : vector<16xf32>
      %swap3A_427 = arith.index_cast %scan3A_44 : i32 to index
      %swap3A_428 = arith.constant 368 : index
      %swap3A_429 = tpu.vector_load %arg15[%swap3A_427, %swap3A_428] {strides = array<i32>} : memref<32x768xf32, #tpu.memory_space<vmem>>, vector<16xf32>,
      tpu.vector_store %arg15[%swap3A_427, %swap3A_428], %add3A_426 {strides = array<i32>} : memref<32x768xf32, #tpu.memory_space<vmem>>, vector<16xf32>,
      %get3A_430 = arith.index_cast %scan3A_44 : i32 to index
      %get3A_431 = arith.constant 384 : index
      %get3A_432 = tpu.vector_load %arg15[%get3A_430, %get3A_431] {strides = array<i32>} : memref<32x768xf32, #tpu.memory_space<vmem>>, vector<16xf32>,
      %get3A_433 = arith.index_cast %scan3A_44 : i32 to index
      %get3A_434 = arith.constant 384 : index
      %get3A_435 = tpu.vector_load %arg13[%get3A_433, %get3A_434] {strides = array<i32>} : memref<32x768xf32, #tpu.memory_space<vmem>>, vector<16xf32>,
      %mul3A_436 = arith.mulf %get3A_435, %gather3A : vector<16xf32>
      %add3A_437 = arith.addf %get3A_432, %mul3A_436 : vector<16xf32>
      %get3A_438 = arith.index_cast %scan3A_44 : i32 to index
      %get3A_439 = arith.constant 384 : index
      %get3A_440 = tpu.vector_load %arg14[%get3A_438, %get3A_439] {strides = array<i32>} : memref<32x768xf32, #tpu.memory_space<vmem>>, vector<16xf32>,
      %mul3A_441 = arith.mulf %get3A_440, %gather3A_47 : vector<16xf32>
      %add3A_442 = arith.addf %add3A_437, %mul3A_441 : vector<16xf32>
      %swap3A_443 = arith.index_cast %scan3A_44 : i32 to index
      %swap3A_444 = arith.constant 384 : index
      %swap3A_445 = tpu.vector_load %arg15[%swap3A_443, %swap3A_444] {strides = array<i32>} : memref<32x768xf32, #tpu.memory_space<vmem>>, vector<16xf32>,
      tpu.vector_store %arg15[%swap3A_443, %swap3A_444], %add3A_442 {strides = array<i32>} : memref<32x768xf32, #tpu.memory_space<vmem>>, vector<16xf32>,
      %get3A_446 = arith.index_cast %scan3A_44 : i32 to index
      %get3A_447 = arith.constant 400 : index
      %get3A_448 = tpu.vector_load %arg15[%get3A_446, %get3A_447] {strides = array<i32>} : memref<32x768xf32, #tpu.memory_space<vmem>>, vector<16xf32>,
      %get3A_449 = arith.index_cast %scan3A_44 : i32 to index
      %get3A_450 = arith.constant 400 : index
      %get3A_451 = tpu.vector_load %arg13[%get3A_449, %get3A_450] {strides = array<i32>} : memref<32x768xf32, #tpu.memory_space<vmem>>, vector<16xf32>,
      %mul3A_452 = arith.mulf %get3A_451, %gather3A : vector<16xf32>
      %add3A_453 = arith.addf %get3A_448, %mul3A_452 : vector<16xf32>
      %get3A_454 = arith.index_cast %scan3A_44 : i32 to index
      %get3A_455 = arith.constant 400 : index
      %get3A_456 = tpu.vector_load %arg14[%get3A_454, %get3A_455] {strides = array<i32>} : memref<32x768xf32, #tpu.memory_space<vmem>>, vector<16xf32>,
      %mul3A_457 = arith.mulf %get3A_456, %gather3A_47 : vector<16xf32>
      %add3A_458 = arith.addf %add3A_453, %mul3A_457 : vector<16xf32>
      %swap3A_459 = arith.index_cast %scan3A_44 : i32 to index
      %swap3A_460 = arith.constant 400 : index
      %swap3A_461 = tpu.vector_load %arg15[%swap3A_459, %swap3A_460] {strides = array<i32>} : memref<32x768xf32, #tpu.memory_space<vmem>>, vector<16xf32>,
      tpu.vector_store %arg15[%swap3A_459, %swap3A_460], %add3A_458 {strides = array<i32>} : memref<32x768xf32, #tpu.memory_space<vmem>>, vector<16xf32>,
      %get3A_462 = arith.index_cast %scan3A_44 : i32 to index
      %get3A_463 = arith.constant 416 : index
      %get3A_464 = tpu.vector_load %arg15[%get3A_462, %get3A_463] {strides = array<i32>} : memref<32x768xf32, #tpu.memory_space<vmem>>, vector<16xf32>,
      %get3A_465 = arith.index_cast %scan3A_44 : i32 to index
      %get3A_466 = arith.constant 416 : index
      %get3A_467 = tpu.vector_load %arg13[%get3A_465, %get3A_466] {strides = array<i32>} : memref<32x768xf32, #tpu.memory_space<vmem>>, vector<16xf32>,
      %mul3A_468 = arith.mulf %get3A_467, %gather3A : vector<16xf32>
      %add3A_469 = arith.addf %get3A_464, %mul3A_468 : vector<16xf32>
      %get3A_470 = arith.index_cast %scan3A_44 : i32 to index
      %get3A_471 = arith.constant 416 : index
      %get3A_472 = tpu.vector_load %arg14[%get3A_470, %get3A_471] {strides = array<i32>} : memref<32x768xf32, #tpu.memory_space<vmem>>, vector<16xf32>,
      %mul3A_473 = arith.mulf %get3A_472, %gather3A_47 : vector<16xf32>
      %add3A_474 = arith.addf %add3A_469, %mul3A_473 : vector<16xf32>
      %swap3A_475 = arith.index_cast %scan3A_44 : i32 to index
      %swap3A_476 = arith.constant 416 : index
      %swap3A_477 = tpu.vector_load %arg15[%swap3A_475, %swap3A_476] {strides = array<i32>} : memref<32x768xf32, #tpu.memory_space<vmem>>, vector<16xf32>,
      tpu.vector_store %arg15[%swap3A_475, %swap3A_476], %add3A_474 {strides = array<i32>} : memref<32x768xf32, #tpu.memory_space<vmem>>, vector<16xf32>,
      %get3A_478 = arith.index_cast %scan3A_44 : i32 to index
      %get3A_479 = arith.constant 432 : index
      %get3A_480 = tpu.vector_load %arg15[%get3A_478, %get3A_479] {strides = array<i32>} : memref<32x768xf32, #tpu.memory_space<vmem>>, vector<16xf32>,
      %get3A_481 = arith.index_cast %scan3A_44 : i32 to index
      %get3A_482 = arith.constant 432 : index
      %get3A_483 = tpu.vector_load %arg13[%get3A_481, %get3A_482] {strides = array<i32>} : memref<32x768xf32, #tpu.memory_space<vmem>>, vector<16xf32>,
      %mul3A_484 = arith.mulf %get3A_483, %gather3A : vector<16xf32>
      %add3A_485 = arith.addf %get3A_480, %mul3A_484 : vector<16xf32>
      %get3A_486 = arith.index_cast %scan3A_44 : i32 to index
      %get3A_487 = arith.constant 432 : index
      %get3A_488 = tpu.vector_load %arg14[%get3A_486, %get3A_487] {strides = array<i32>} : memref<32x768xf32, #tpu.memory_space<vmem>>, vector<16xf32>,
      %mul3A_489 = arith.mulf %get3A_488, %gather3A_47 : vector<16xf32>
      %add3A_490 = arith.addf %add3A_485, %mul3A_489 : vector<16xf32>
      %swap3A_491 = arith.index_cast %scan3A_44 : i32 to index
      %swap3A_492 = arith.constant 432 : index
      %swap3A_493 = tpu.vector_load %arg15[%swap3A_491, %swap3A_492] {strides = array<i32>} : memref<32x768xf32, #tpu.memory_space<vmem>>, vector<16xf32>,
      tpu.vector_store %arg15[%swap3A_491, %swap3A_492], %add3A_490 {strides = array<i32>} : memref<32x768xf32, #tpu.memory_space<vmem>>, vector<16xf32>,
      %get3A_494 = arith.index_cast %scan3A_44 : i32 to index
      %get3A_495 = arith.constant 448 : index
      %get3A_496 = tpu.vector_load %arg15[%get3A_494, %get3A_495] {strides = array<i32>} : memref<32x768xf32, #tpu.memory_space<vmem>>, vector<16xf32>,
      %get3A_497 = arith.index_cast %scan3A_44 : i32 to index
      %get3A_498 = arith.constant 448 : index
      %get3A_499 = tpu.vector_load %arg13[%get3A_497, %get3A_498] {strides = array<i32>} : memref<32x768xf32, #tpu.memory_space<vmem>>, vector<16xf32>,
      %mul3A_500 = arith.mulf %get3A_499, %gather3A : vector<16xf32>
      %add3A_501 = arith.addf %get3A_496, %mul3A_500 : vector<16xf32>
      %get3A_502 = arith.index_cast %scan3A_44 : i32 to index
      %get3A_503 = arith.constant 448 : index
      %get3A_504 = tpu.vector_load %arg14[%get3A_502, %get3A_503] {strides = array<i32>} : memref<32x768xf32, #tpu.memory_space<vmem>>, vector<16xf32>,
      %mul3A_505 = arith.mulf %get3A_504, %gather3A_47 : vector<16xf32>
      %add3A_506 = arith.addf %add3A_501, %mul3A_505 : vector<16xf32>
      %swap3A_507 = arith.index_cast %scan3A_44 : i32 to index
      %swap3A_508 = arith.constant 448 : index
      %swap3A_509 = tpu.vector_load %arg15[%swap3A_507, %swap3A_508] {strides = array<i32>} : memref<32x768xf32, #tpu.memory_space<vmem>>, vector<16xf32>,
      tpu.vector_store %arg15[%swap3A_507, %swap3A_508], %add3A_506 {strides = array<i32>} : memref<32x768xf32, #tpu.memory_space<vmem>>, vector<16xf32>,
      %get3A_510 = arith.index_cast %scan3A_44 : i32 to index
      %get3A_511 = arith.constant 464 : index
      %get3A_512 = tpu.vector_load %arg15[%get3A_510, %get3A_511] {strides = array<i32>} : memref<32x768xf32, #tpu.memory_space<vmem>>, vector<16xf32>,
      %get3A_513 = arith.index_cast %scan3A_44 : i32 to index
      %get3A_514 = arith.constant 464 : index
      %get3A_515 = tpu.vector_load %arg13[%get3A_513, %get3A_514] {strides = array<i32>} : memref<32x768xf32, #tpu.memory_space<vmem>>, vector<16xf32>,
      %mul3A_516 = arith.mulf %get3A_515, %gather3A : vector<16xf32>
      %add3A_517 = arith.addf %get3A_512, %mul3A_516 : vector<16xf32>
      %get3A_518 = arith.index_cast %scan3A_44 : i32 to index
      %get3A_519 = arith.constant 464 : index
      %get3A_520 = tpu.vector_load %arg14[%get3A_518, %get3A_519] {strides = array<i32>} : memref<32x768xf32, #tpu.memory_space<vmem>>, vector<16xf32>,
      %mul3A_521 = arith.mulf %get3A_520, %gather3A_47 : vector<16xf32>
      %add3A_522 = arith.addf %add3A_517, %mul3A_521 : vector<16xf32>
      %swap3A_523 = arith.index_cast %scan3A_44 : i32 to index
      %swap3A_524 = arith.constant 464 : index
      %swap3A_525 = tpu.vector_load %arg15[%swap3A_523, %swap3A_524] {strides = array<i32>} : memref<32x768xf32, #tpu.memory_space<vmem>>, vector<16xf32>,
      tpu.vector_store %arg15[%swap3A_523, %swap3A_524], %add3A_522 {strides = array<i32>} : memref<32x768xf32, #tpu.memory_space<vmem>>, vector<16xf32>,
      %get3A_526 = arith.index_cast %scan3A_44 : i32 to index
      %get3A_527 = arith.constant 480 : index
      %get3A_528 = tpu.vector_load %arg15[%get3A_526, %get3A_527] {strides = array<i32>} : memref<32x768xf32, #tpu.memory_space<vmem>>, vector<16xf32>,
      %get3A_529 = arith.index_cast %scan3A_44 : i32 to index
      %get3A_530 = arith.constant 480 : index
      %get3A_531 = tpu.vector_load %arg13[%get3A_529, %get3A_530] {strides = array<i32>} : memref<32x768xf32, #tpu.memory_space<vmem>>, vector<16xf32>,
      %mul3A_532 = arith.mulf %get3A_531, %gather3A : vector<16xf32>
      %add3A_533 = arith.addf %get3A_528, %mul3A_532 : vector<16xf32>
      %get3A_534 = arith.index_cast %scan3A_44 : i32 to index
      %get3A_535 = arith.constant 480 : index
      %get3A_536 = tpu.vector_load %arg14[%get3A_534, %get3A_535] {strides = array<i32>} : memref<32x768xf32, #tpu.memory_space<vmem>>, vector<16xf32>,
      %mul3A_537 = arith.mulf %get3A_536, %gather3A_47 : vector<16xf32>
      %add3A_538 = arith.addf %add3A_533, %mul3A_537 : vector<16xf32>
      %swap3A_539 = arith.index_cast %scan3A_44 : i32 to index
      %swap3A_540 = arith.constant 480 : index
      %swap3A_541 = tpu.vector_load %arg15[%swap3A_539, %swap3A_540] {strides = array<i32>} : memref<32x768xf32, #tpu.memory_space<vmem>>, vector<16xf32>,
      tpu.vector_store %arg15[%swap3A_539, %swap3A_540], %add3A_538 {strides = array<i32>} : memref<32x768xf32, #tpu.memory_space<vmem>>, vector<16xf32>,
      %get3A_542 = arith.index_cast %scan3A_44 : i32 to index
      %get3A_543 = arith.constant 496 : index
      %get3A_544 = tpu.vector_load %arg15[%get3A_542, %get3A_543] {strides = array<i32>} : memref<32x768xf32, #tpu.memory_space<vmem>>, vector<16xf32>,
      %get3A_545 = arith.index_cast %scan3A_44 : i32 to index
      %get3A_546 = arith.constant 496 : index
      %get3A_547 = tpu.vector_load %arg13[%get3A_545, %get3A_546] {strides = array<i32>} : memref<32x768xf32, #tpu.memory_space<vmem>>, vector<16xf32>,
      %mul3A_548 = arith.mulf %get3A_547, %gather3A : vector<16xf32>
      %add3A_549 = arith.addf %get3A_544, %mul3A_548 : vector<16xf32>
      %get3A_550 = arith.index_cast %scan3A_44 : i32 to index
      %get3A_551 = arith.constant 496 : index
      %get3A_552 = tpu.vector_load %arg14[%get3A_550, %get3A_551] {strides = array<i32>} : memref<32x768xf32, #tpu.memory_space<vmem>>, vector<16xf32>,
      %mul3A_553 = arith.mulf %get3A_552, %gather3A_47 : vector<16xf32>
      %add3A_554 = arith.addf %add3A_549, %mul3A_553 : vector<16xf32>
      %swap3A_555 = arith.index_cast %scan3A_44 : i32 to index
      %swap3A_556 = arith.constant 496 : index
      %swap3A_557 = tpu.vector_load %arg15[%swap3A_555, %swap3A_556] {strides = array<i32>} : memref<32x768xf32, #tpu.memory_space<vmem>>, vector<16xf32>,
      tpu.vector_store %arg15[%swap3A_555, %swap3A_556], %add3A_554 {strides = array<i32>} : memref<32x768xf32, #tpu.memory_space<vmem>>, vector<16xf32>,
      %get3A_558 = arith.index_cast %scan3A_44 : i32 to index
      %get3A_559 = arith.constant 512 : index
      %get3A_560 = tpu.vector_load %arg15[%get3A_558, %get3A_559] {strides = array<i32>} : memref<32x768xf32, #tpu.memory_space<vmem>>, vector<16xf32>,
      %get3A_561 = arith.index_cast %scan3A_44 : i32 to index
      %get3A_562 = arith.constant 512 : index
      %get3A_563 = tpu.vector_load %arg13[%get3A_561, %get3A_562] {strides = array<i32>} : memref<32x768xf32, #tpu.memory_space<vmem>>, vector<16xf32>,
      %mul3A_564 = arith.mulf %get3A_563, %gather3A : vector<16xf32>
      %add3A_565 = arith.addf %get3A_560, %mul3A_564 : vector<16xf32>
      %get3A_566 = arith.index_cast %scan3A_44 : i32 to index
      %get3A_567 = arith.constant 512 : index
      %get3A_568 = tpu.vector_load %arg14[%get3A_566, %get3A_567] {strides = array<i32>} : memref<32x768xf32, #tpu.memory_space<vmem>>, vector<16xf32>,
      %mul3A_569 = arith.mulf %get3A_568, %gather3A_47 : vector<16xf32>
      %add3A_570 = arith.addf %add3A_565, %mul3A_569 : vector<16xf32>
      %swap3A_571 = arith.index_cast %scan3A_44 : i32 to index
      %swap3A_572 = arith.constant 512 : index
      %swap3A_573 = tpu.vector_load %arg15[%swap3A_571, %swap3A_572] {strides = array<i32>} : memref<32x768xf32, #tpu.memory_space<vmem>>, vector<16xf32>,
      tpu.vector_store %arg15[%swap3A_571, %swap3A_572], %add3A_570 {strides = array<i32>} : memref<32x768xf32, #tpu.memory_space<vmem>>, vector<16xf32>,
      %get3A_574 = arith.index_cast %scan3A_44 : i32 to index
      %get3A_575 = arith.constant 528 : index
      %get3A_576 = tpu.vector_load %arg15[%get3A_574, %get3A_575] {strides = array<i32>} : memref<32x768xf32, #tpu.memory_space<vmem>>, vector<16xf32>,
      %get3A_577 = arith.index_cast %scan3A_44 : i32 to index
      %get3A_578 = arith.constant 528 : index
      %get3A_579 = tpu.vector_load %arg13[%get3A_577, %get3A_578] {strides = array<i32>} : memref<32x768xf32, #tpu.memory_space<vmem>>, vector<16xf32>,
      %mul3A_580 = arith.mulf %get3A_579, %gather3A : vector<16xf32>
      %add3A_581 = arith.addf %get3A_576, %mul3A_580 : vector<16xf32>
      %get3A_582 = arith.index_cast %scan3A_44 : i32 to index
      %get3A_583 = arith.constant 528 : index
      %get3A_584 = tpu.vector_load %arg14[%get3A_582, %get3A_583] {strides = array<i32>} : memref<32x768xf32, #tpu.memory_space<vmem>>, vector<16xf32>,
      %mul3A_585 = arith.mulf %get3A_584, %gather3A_47 : vector<16xf32>
      %add3A_586 = arith.addf %add3A_581, %mul3A_585 : vector<16xf32>
      %swap3A_587 = arith.index_cast %scan3A_44 : i32 to index
      %swap3A_588 = arith.constant 528 : index
      %swap3A_589 = tpu.vector_load %arg15[%swap3A_587, %swap3A_588] {strides = array<i32>} : memref<32x768xf32, #tpu.memory_space<vmem>>, vector<16xf32>,
      tpu.vector_store %arg15[%swap3A_587, %swap3A_588], %add3A_586 {strides = array<i32>} : memref<32x768xf32, #tpu.memory_space<vmem>>, vector<16xf32>,
      %get3A_590 = arith.index_cast %scan3A_44 : i32 to index
      %get3A_591 = arith.constant 544 : index
      %get3A_592 = tpu.vector_load %arg15[%get3A_590, %get3A_591] {strides = array<i32>} : memref<32x768xf32, #tpu.memory_space<vmem>>, vector<16xf32>,
      %get3A_593 = arith.index_cast %scan3A_44 : i32 to index
      %get3A_594 = arith.constant 544 : index
      %get3A_595 = tpu.vector_load %arg13[%get3A_593, %get3A_594] {strides = array<i32>} : memref<32x768xf32, #tpu.memory_space<vmem>>, vector<16xf32>,
      %mul3A_596 = arith.mulf %get3A_595, %gather3A : vector<16xf32>
      %add3A_597 = arith.addf %get3A_592, %mul3A_596 : vector<16xf32>
      %get3A_598 = arith.index_cast %scan3A_44 : i32 to index
      %get3A_599 = arith.constant 544 : index
      %get3A_600 = tpu.vector_load %arg14[%get3A_598, %get3A_599] {strides = array<i32>} : memref<32x768xf32, #tpu.memory_space<vmem>>, vector<16xf32>,
      %mul3A_601 = arith.mulf %get3A_600, %gather3A_47 : vector<16xf32>
      %add3A_602 = arith.addf %add3A_597, %mul3A_601 : vector<16xf32>
      %swap3A_603 = arith.index_cast %scan3A_44 : i32 to index
      %swap3A_604 = arith.constant 544 : index
      %swap3A_605 = tpu.vector_load %arg15[%swap3A_603, %swap3A_604] {strides = array<i32>} : memref<32x768xf32, #tpu.memory_space<vmem>>, vector<16xf32>,
      tpu.vector_store %arg15[%swap3A_603, %swap3A_604], %add3A_602 {strides = array<i32>} : memref<32x768xf32, #tpu.memory_space<vmem>>, vector<16xf32>,
      %get3A_606 = arith.index_cast %scan3A_44 : i32 to index
      %get3A_607 = arith.constant 560 : index
      %get3A_608 = tpu.vector_load %arg15[%get3A_606, %get3A_607] {strides = array<i32>} : memref<32x768xf32, #tpu.memory_space<vmem>>, vector<16xf32>,
      %get3A_609 = arith.index_cast %scan3A_44 : i32 to index
      %get3A_610 = arith.constant 560 : index
      %get3A_611 = tpu.vector_load %arg13[%get3A_609, %get3A_610] {strides = array<i32>} : memref<32x768xf32, #tpu.memory_space<vmem>>, vector<16xf32>,
      %mul3A_612 = arith.mulf %get3A_611, %gather3A : vector<16xf32>
      %add3A_613 = arith.addf %get3A_608, %mul3A_612 : vector<16xf32>
      %get3A_614 = arith.index_cast %scan3A_44 : i32 to index
      %get3A_615 = arith.constant 560 : index
      %get3A_616 = tpu.vector_load %arg14[%get3A_614, %get3A_615] {strides = array<i32>} : memref<32x768xf32, #tpu.memory_space<vmem>>, vector<16xf32>,
      %mul3A_617 = arith.mulf %get3A_616, %gather3A_47 : vector<16xf32>
      %add3A_618 = arith.addf %add3A_613, %mul3A_617 : vector<16xf32>
      %swap3A_619 = arith.index_cast %scan3A_44 : i32 to index
      %swap3A_620 = arith.constant 560 : index
      %swap3A_621 = tpu.vector_load %arg15[%swap3A_619, %swap3A_620] {strides = array<i32>} : memref<32x768xf32, #tpu.memory_space<vmem>>, vector<16xf32>,
      tpu.vector_store %arg15[%swap3A_619, %swap3A_620], %add3A_618 {strides = array<i32>} : memref<32x768xf32, #tpu.memory_space<vmem>>, vector<16xf32>,
      %get3A_622 = arith.index_cast %scan3A_44 : i32 to index
      %get3A_623 = arith.constant 576 : index
      %get3A_624 = tpu.vector_load %arg15[%get3A_622, %get3A_623] {strides = array<i32>} : memref<32x768xf32, #tpu.memory_space<vmem>>, vector<16xf32>,
      %get3A_625 = arith.index_cast %scan3A_44 : i32 to index
      %get3A_626 = arith.constant 576 : index
      %get3A_627 = tpu.vector_load %arg13[%get3A_625, %get3A_626] {strides = array<i32>} : memref<32x768xf32, #tpu.memory_space<vmem>>, vector<16xf32>,
      %mul3A_628 = arith.mulf %get3A_627, %gather3A : vector<16xf32>
      %add3A_629 = arith.addf %get3A_624, %mul3A_628 : vector<16xf32>
      %get3A_630 = arith.index_cast %scan3A_44 : i32 to index
      %get3A_631 = arith.constant 576 : index
      %get3A_632 = tpu.vector_load %arg14[%get3A_630, %get3A_631] {strides = array<i32>} : memref<32x768xf32, #tpu.memory_space<vmem>>, vector<16xf32>,
      %mul3A_633 = arith.mulf %get3A_632, %gather3A_47 : vector<16xf32>
      %add3A_634 = arith.addf %add3A_629, %mul3A_633 : vector<16xf32>
      %swap3A_635 = arith.index_cast %scan3A_44 : i32 to index
      %swap3A_636 = arith.constant 576 : index
      %swap3A_637 = tpu.vector_load %arg15[%swap3A_635, %swap3A_636] {strides = array<i32>} : memref<32x768xf32, #tpu.memory_space<vmem>>, vector<16xf32>,
      tpu.vector_store %arg15[%swap3A_635, %swap3A_636], %add3A_634 {strides = array<i32>} : memref<32x768xf32, #tpu.memory_space<vmem>>, vector<16xf32>,
      %get3A_638 = arith.index_cast %scan3A_44 : i32 to index
      %get3A_639 = arith.constant 592 : index
      %get3A_640 = tpu.vector_load %arg15[%get3A_638, %get3A_639] {strides = array<i32>} : memref<32x768xf32, #tpu.memory_space<vmem>>, vector<16xf32>,
      %get3A_641 = arith.index_cast %scan3A_44 : i32 to index
      %get3A_642 = arith.constant 592 : index
      %get3A_643 = tpu.vector_load %arg13[%get3A_641, %get3A_642] {strides = array<i32>} : memref<32x768xf32, #tpu.memory_space<vmem>>, vector<16xf32>,
      %mul3A_644 = arith.mulf %get3A_643, %gather3A : vector<16xf32>
      %add3A_645 = arith.addf %get3A_640, %mul3A_644 : vector<16xf32>
      %get3A_646 = arith.index_cast %scan3A_44 : i32 to index
      %get3A_647 = arith.constant 592 : index
      %get3A_648 = tpu.vector_load %arg14[%get3A_646, %get3A_647] {strides = array<i32>} : memref<32x768xf32, #tpu.memory_space<vmem>>, vector<16xf32>,
      %mul3A_649 = arith.mulf %get3A_648, %gather3A_47 : vector<16xf32>
      %add3A_650 = arith.addf %add3A_645, %mul3A_649 : vector<16xf32>
      %swap3A_651 = arith.index_cast %scan3A_44 : i32 to index
      %swap3A_652 = arith.constant 592 : index
      %swap3A_653 = tpu.vector_load %arg15[%swap3A_651, %swap3A_652] {strides = array<i32>} : memref<32x768xf32, #tpu.memory_space<vmem>>, vector<16xf32>,
      tpu.vector_store %arg15[%swap3A_651, %swap3A_652], %add3A_650 {strides = array<i32>} : memref<32x768xf32, #tpu.memory_space<vmem>>, vector<16xf32>,
      %get3A_654 = arith.index_cast %scan3A_44 : i32 to index
      %get3A_655 = arith.constant 608 : index
      %get3A_656 = tpu.vector_load %arg15[%get3A_654, %get3A_655] {strides = array<i32>} : memref<32x768xf32, #tpu.memory_space<vmem>>, vector<16xf32>,
      %get3A_657 = arith.index_cast %scan3A_44 : i32 to index
      %get3A_658 = arith.constant 608 : index
      %get3A_659 = tpu.vector_load %arg13[%get3A_657, %get3A_658] {strides = array<i32>} : memref<32x768xf32, #tpu.memory_space<vmem>>, vector<16xf32>,
      %mul3A_660 = arith.mulf %get3A_659, %gather3A : vector<16xf32>
      %add3A_661 = arith.addf %get3A_656, %mul3A_660 : vector<16xf32>
      %get3A_662 = arith.index_cast %scan3A_44 : i32 to index
      %get3A_663 = arith.constant 608 : index
      %get3A_664 = tpu.vector_load %arg14[%get3A_662, %get3A_663] {strides = array<i32>} : memref<32x768xf32, #tpu.memory_space<vmem>>, vector<16xf32>,
      %mul3A_665 = arith.mulf %get3A_664, %gather3A_47 : vector<16xf32>
      %add3A_666 = arith.addf %add3A_661, %mul3A_665 : vector<16xf32>
      %swap3A_667 = arith.index_cast %scan3A_44 : i32 to index
      %swap3A_668 = arith.constant 608 : index
      %swap3A_669 = tpu.vector_load %arg15[%swap3A_667, %swap3A_668] {strides = array<i32>} : memref<32x768xf32, #tpu.memory_space<vmem>>, vector<16xf32>,
      tpu.vector_store %arg15[%swap3A_667, %swap3A_668], %add3A_666 {strides = array<i32>} : memref<32x768xf32, #tpu.memory_space<vmem>>, vector<16xf32>,
      %get3A_670 = arith.index_cast %scan3A_44 : i32 to index
      %get3A_671 = arith.constant 624 : index
      %get3A_672 = tpu.vector_load %arg15[%get3A_670, %get3A_671] {strides = array<i32>} : memref<32x768xf32, #tpu.memory_space<vmem>>, vector<16xf32>,
      %get3A_673 = arith.index_cast %scan3A_44 : i32 to index
      %get3A_674 = arith.constant 624 : index
      %get3A_675 = tpu.vector_load %arg13[%get3A_673, %get3A_674] {strides = array<i32>} : memref<32x768xf32, #tpu.memory_space<vmem>>, vector<16xf32>,
      %mul3A_676 = arith.mulf %get3A_675, %gather3A : vector<16xf32>
      %add3A_677 = arith.addf %get3A_672, %mul3A_676 : vector<16xf32>
      %get3A_678 = arith.index_cast %scan3A_44 : i32 to index
      %get3A_679 = arith.constant 624 : index
      %get3A_680 = tpu.vector_load %arg14[%get3A_678, %get3A_679] {strides = array<i32>} : memref<32x768xf32, #tpu.memory_space<vmem>>, vector<16xf32>,
      %mul3A_681 = arith.mulf %get3A_680, %gather3A_47 : vector<16xf32>
      %add3A_682 = arith.addf %add3A_677, %mul3A_681 : vector<16xf32>
      %swap3A_683 = arith.index_cast %scan3A_44 : i32 to index
      %swap3A_684 = arith.constant 624 : index
      %swap3A_685 = tpu.vector_load %arg15[%swap3A_683, %swap3A_684] {strides = array<i32>} : memref<32x768xf32, #tpu.memory_space<vmem>>, vector<16xf32>,
      tpu.vector_store %arg15[%swap3A_683, %swap3A_684], %add3A_682 {strides = array<i32>} : memref<32x768xf32, #tpu.memory_space<vmem>>, vector<16xf32>,
      %get3A_686 = arith.index_cast %scan3A_44 : i32 to index
      %get3A_687 = arith.constant 640 : index
      %get3A_688 = tpu.vector_load %arg15[%get3A_686, %get3A_687] {strides = array<i32>} : memref<32x768xf32, #tpu.memory_space<vmem>>, vector<16xf32>,
      %get3A_689 = arith.index_cast %scan3A_44 : i32 to index
      %get3A_690 = arith.constant 640 : index
      %get3A_691 = tpu.vector_load %arg13[%get3A_689, %get3A_690] {strides = array<i32>} : memref<32x768xf32, #tpu.memory_space<vmem>>, vector<16xf32>,
      %mul3A_692 = arith.mulf %get3A_691, %gather3A : vector<16xf32>
      %add3A_693 = arith.addf %get3A_688, %mul3A_692 : vector<16xf32>
      %get3A_694 = arith.index_cast %scan3A_44 : i32 to index
      %get3A_695 = arith.constant 640 : index
      %get3A_696 = tpu.vector_load %arg14[%get3A_694, %get3A_695] {strides = array<i32>} : memref<32x768xf32, #tpu.memory_space<vmem>>, vector<16xf32>,
      %mul3A_697 = arith.mulf %get3A_696, %gather3A_47 : vector<16xf32>
      %add3A_698 = arith.addf %add3A_693, %mul3A_697 : vector<16xf32>
      %swap3A_699 = arith.index_cast %scan3A_44 : i32 to index
      %swap3A_700 = arith.constant 640 : index
      %swap3A_701 = tpu.vector_load %arg15[%swap3A_699, %swap3A_700] {strides = array<i32>} : memref<32x768xf32, #tpu.memory_space<vmem>>, vector<16xf32>,
      tpu.vector_store %arg15[%swap3A_699, %swap3A_700], %add3A_698 {strides = array<i32>} : memref<32x768xf32, #tpu.memory_space<vmem>>, vector<16xf32>,
      %get3A_702 = arith.index_cast %scan3A_44 : i32 to index
      %get3A_703 = arith.constant 656 : index
      %get3A_704 = tpu.vector_load %arg15[%get3A_702, %get3A_703] {strides = array<i32>} : memref<32x768xf32, #tpu.memory_space<vmem>>, vector<16xf32>,
      %get3A_705 = arith.index_cast %scan3A_44 : i32 to index
      %get3A_706 = arith.constant 656 : index
      %get3A_707 = tpu.vector_load %arg13[%get3A_705, %get3A_706] {strides = array<i32>} : memref<32x768xf32, #tpu.memory_space<vmem>>, vector<16xf32>,
      %mul3A_708 = arith.mulf %get3A_707, %gather3A : vector<16xf32>
      %add3A_709 = arith.addf %get3A_704, %mul3A_708 : vector<16xf32>
      %get3A_710 = arith.index_cast %scan3A_44 : i32 to index
      %get3A_711 = arith.constant 656 : index
      %get3A_712 = tpu.vector_load %arg14[%get3A_710, %get3A_711] {strides = array<i32>} : memref<32x768xf32, #tpu.memory_space<vmem>>, vector<16xf32>,
      %mul3A_713 = arith.mulf %get3A_712, %gather3A_47 : vector<16xf32>
      %add3A_714 = arith.addf %add3A_709, %mul3A_713 : vector<16xf32>
      %swap3A_715 = arith.index_cast %scan3A_44 : i32 to index
      %swap3A_716 = arith.constant 656 : index
      %swap3A_717 = tpu.vector_load %arg15[%swap3A_715, %swap3A_716] {strides = array<i32>} : memref<32x768xf32, #tpu.memory_space<vmem>>, vector<16xf32>,
      tpu.vector_store %arg15[%swap3A_715, %swap3A_716], %add3A_714 {strides = array<i32>} : memref<32x768xf32, #tpu.memory_space<vmem>>, vector<16xf32>,
      %get3A_718 = arith.index_cast %scan3A_44 : i32 to index
      %get3A_719 = arith.constant 672 : index
      %get3A_720 = tpu.vector_load %arg15[%get3A_718, %get3A_719] {strides = array<i32>} : memref<32x768xf32, #tpu.memory_space<vmem>>, vector<16xf32>,
      %get3A_721 = arith.index_cast %scan3A_44 : i32 to index
      %get3A_722 = arith.constant 672 : index
      %get3A_723 = tpu.vector_load %arg13[%get3A_721, %get3A_722] {strides = array<i32>} : memref<32x768xf32, #tpu.memory_space<vmem>>, vector<16xf32>,
      %mul3A_724 = arith.mulf %get3A_723, %gather3A : vector<16xf32>
      %add3A_725 = arith.addf %get3A_720, %mul3A_724 : vector<16xf32>
      %get3A_726 = arith.index_cast %scan3A_44 : i32 to index
      %get3A_727 = arith.constant 672 : index
      %get3A_728 = tpu.vector_load %arg14[%get3A_726, %get3A_727] {strides = array<i32>} : memref<32x768xf32, #tpu.memory_space<vmem>>, vector<16xf32>,
      %mul3A_729 = arith.mulf %get3A_728, %gather3A_47 : vector<16xf32>
      %add3A_730 = arith.addf %add3A_725, %mul3A_729 : vector<16xf32>
      %swap3A_731 = arith.index_cast %scan3A_44 : i32 to index
      %swap3A_732 = arith.constant 672 : index
      %swap3A_733 = tpu.vector_load %arg15[%swap3A_731, %swap3A_732] {strides = array<i32>} : memref<32x768xf32, #tpu.memory_space<vmem>>, vector<16xf32>,
      tpu.vector_store %arg15[%swap3A_731, %swap3A_732], %add3A_730 {strides = array<i32>} : memref<32x768xf32, #tpu.memory_space<vmem>>, vector<16xf32>,
      %get3A_734 = arith.index_cast %scan3A_44 : i32 to index
      %get3A_735 = arith.constant 688 : index
      %get3A_736 = tpu.vector_load %arg15[%get3A_734, %get3A_735] {strides = array<i32>} : memref<32x768xf32, #tpu.memory_space<vmem>>, vector<16xf32>,
      %get3A_737 = arith.index_cast %scan3A_44 : i32 to index
      %get3A_738 = arith.constant 688 : index
      %get3A_739 = tpu.vector_load %arg13[%get3A_737, %get3A_738] {strides = array<i32>} : memref<32x768xf32, #tpu.memory_space<vmem>>, vector<16xf32>,
      %mul3A_740 = arith.mulf %get3A_739, %gather3A : vector<16xf32>
      %add3A_741 = arith.addf %get3A_736, %mul3A_740 : vector<16xf32>
      %get3A_742 = arith.index_cast %scan3A_44 : i32 to index
      %get3A_743 = arith.constant 688 : index
      %get3A_744 = tpu.vector_load %arg14[%get3A_742, %get3A_743] {strides = array<i32>} : memref<32x768xf32, #tpu.memory_space<vmem>>, vector<16xf32>,
      %mul3A_745 = arith.mulf %get3A_744, %gather3A_47 : vector<16xf32>
      %add3A_746 = arith.addf %add3A_741, %mul3A_745 : vector<16xf32>
      %swap3A_747 = arith.index_cast %scan3A_44 : i32 to index
      %swap3A_748 = arith.constant 688 : index
      %swap3A_749 = tpu.vector_load %arg15[%swap3A_747, %swap3A_748] {strides = array<i32>} : memref<32x768xf32, #tpu.memory_space<vmem>>, vector<16xf32>,
      tpu.vector_store %arg15[%swap3A_747, %swap3A_748], %add3A_746 {strides = array<i32>} : memref<32x768xf32, #tpu.memory_space<vmem>>, vector<16xf32>,
      %get3A_750 = arith.index_cast %scan3A_44 : i32 to index
      %get3A_751 = arith.constant 704 : index
      %get3A_752 = tpu.vector_load %arg15[%get3A_750, %get3A_751] {strides = array<i32>} : memref<32x768xf32, #tpu.memory_space<vmem>>, vector<16xf32>,
      %get3A_753 = arith.index_cast %scan3A_44 : i32 to index
      %get3A_754 = arith.constant 704 : index
      %get3A_755 = tpu.vector_load %arg13[%get3A_753, %get3A_754] {strides = array<i32>} : memref<32x768xf32, #tpu.memory_space<vmem>>, vector<16xf32>,
      %mul3A_756 = arith.mulf %get3A_755, %gather3A : vector<16xf32>
      %add3A_757 = arith.addf %get3A_752, %mul3A_756 : vector<16xf32>
      %get3A_758 = arith.index_cast %scan3A_44 : i32 to index
      %get3A_759 = arith.constant 704 : index
      %get3A_760 = tpu.vector_load %arg14[%get3A_758, %get3A_759] {strides = array<i32>} : memref<32x768xf32, #tpu.memory_space<vmem>>, vector<16xf32>,
      %mul3A_761 = arith.mulf %get3A_760, %gather3A_47 : vector<16xf32>
      %add3A_762 = arith.addf %add3A_757, %mul3A_761 : vector<16xf32>
      %swap3A_763 = arith.index_cast %scan3A_44 : i32 to index
      %swap3A_764 = arith.constant 704 : index
      %swap3A_765 = tpu.vector_load %arg15[%swap3A_763, %swap3A_764] {strides = array<i32>} : memref<32x768xf32, #tpu.memory_space<vmem>>, vector<16xf32>,
      tpu.vector_store %arg15[%swap3A_763, %swap3A_764], %add3A_762 {strides = array<i32>} : memref<32x768xf32, #tpu.memory_space<vmem>>, vector<16xf32>,
      %get3A_766 = arith.index_cast %scan3A_44 : i32 to index
      %get3A_767 = arith.constant 720 : index
      %get3A_768 = tpu.vector_load %arg15[%get3A_766, %get3A_767] {strides = array<i32>} : memref<32x768xf32, #tpu.memory_space<vmem>>, vector<16xf32>,
      %get3A_769 = arith.index_cast %scan3A_44 : i32 to index
      %get3A_770 = arith.constant 720 : index
      %get3A_771 = tpu.vector_load %arg13[%get3A_769, %get3A_770] {strides = array<i32>} : memref<32x768xf32, #tpu.memory_space<vmem>>, vector<16xf32>,
      %mul3A_772 = arith.mulf %get3A_771, %gather3A : vector<16xf32>
      %add3A_773 = arith.addf %get3A_768, %mul3A_772 : vector<16xf32>
      %get3A_774 = arith.index_cast %scan3A_44 : i32 to index
      %get3A_775 = arith.constant 720 : index
      %get3A_776 = tpu.vector_load %arg14[%get3A_774, %get3A_775] {strides = array<i32>} : memref<32x768xf32, #tpu.memory_space<vmem>>, vector<16xf32>,
      %mul3A_777 = arith.mulf %get3A_776, %gather3A_47 : vector<16xf32>
      %add3A_778 = arith.addf %add3A_773, %mul3A_777 : vector<16xf32>
      %swap3A_779 = arith.index_cast %scan3A_44 : i32 to index
      %swap3A_780 = arith.constant 720 : index
      %swap3A_781 = tpu.vector_load %arg15[%swap3A_779, %swap3A_780] {strides = array<i32>} : memref<32x768xf32, #tpu.memory_space<vmem>>, vector<16xf32>,
      tpu.vector_store %arg15[%swap3A_779, %swap3A_780], %add3A_778 {strides = array<i32>} : memref<32x768xf32, #tpu.memory_space<vmem>>, vector<16xf32>,
      %get3A_782 = arith.index_cast %scan3A_44 : i32 to index
      %get3A_783 = arith.constant 736 : index
      %get3A_784 = tpu.vector_load %arg15[%get3A_782, %get3A_783] {strides = array<i32>} : memref<32x768xf32, #tpu.memory_space<vmem>>, vector<16xf32>,
      %get3A_785 = arith.index_cast %scan3A_44 : i32 to index
      %get3A_786 = arith.constant 736 : index
      %get3A_787 = tpu.vector_load %arg13[%get3A_785, %get3A_786] {strides = array<i32>} : memref<32x768xf32, #tpu.memory_space<vmem>>, vector<16xf32>,
      %mul3A_788 = arith.mulf %get3A_787, %gather3A : vector<16xf32>
      %add3A_789 = arith.addf %get3A_784, %mul3A_788 : vector<16xf32>
      %get3A_790 = arith.index_cast %scan3A_44 : i32 to index
      %get3A_791 = arith.constant 736 : index
      %get3A_792 = tpu.vector_load %arg14[%get3A_790, %get3A_791] {strides = array<i32>} : memref<32x768xf32, #tpu.memory_space<vmem>>, vector<16xf32>,
      %mul3A_793 = arith.mulf %get3A_792, %gather3A_47 : vector<16xf32>
      %add3A_794 = arith.addf %add3A_789, %mul3A_793 : vector<16xf32>
      %swap3A_795 = arith.index_cast %scan3A_44 : i32 to index
      %swap3A_796 = arith.constant 736 : index
      %swap3A_797 = tpu.vector_load %arg15[%swap3A_795, %swap3A_796] {strides = array<i32>} : memref<32x768xf32, #tpu.memory_space<vmem>>, vector<16xf32>,
      tpu.vector_store %arg15[%swap3A_795, %swap3A_796], %add3A_794 {strides = array<i32>} : memref<32x768xf32, #tpu.memory_space<vmem>>, vector<16xf32>,
      %get3A_798 = arith.index_cast %scan3A_44 : i32 to index
      %get3A_799 = arith.constant 752 : index
      %get3A_800 = tpu.vector_load %arg15[%get3A_798, %get3A_799] {strides = array<i32>} : memref<32x768xf32, #tpu.memory_space<vmem>>, vector<16xf32>,
      %get3A_801 = arith.index_cast %scan3A_44 : i32 to index
      %get3A_802 = arith.constant 752 : index
      %get3A_803 = tpu.vector_load %arg13[%get3A_801, %get3A_802] {strides = array<i32>} : memref<32x768xf32, #tpu.memory_space<vmem>>, vector<16xf32>,
      %mul3A_804 = arith.mulf %get3A_803, %gather3A : vector<16xf32>
      %add3A_805 = arith.addf %get3A_800, %mul3A_804 : vector<16xf32>
      %get3A_806 = arith.index_cast %scan3A_44 : i32 to index
      %get3A_807 = arith.constant 752 : index
      %get3A_808 = tpu.vector_load %arg14[%get3A_806, %get3A_807] {strides = array<i32>} : memref<32x768xf32, #tpu.memory_space<vmem>>, vector<16xf32>,
      %mul3A_809 = arith.mulf %get3A_808, %gather3A_47 : vector<16xf32>
      %add3A_810 = arith.addf %add3A_805, %mul3A_809 : vector<16xf32>
      %swap3A_811 = arith.index_cast %scan3A_44 : i32 to index
      %swap3A_812 = arith.constant 752 : index
      %swap3A_813 = tpu.vector_load %arg15[%swap3A_811, %swap3A_812] {strides = array<i32>} : memref<32x768xf32, #tpu.memory_space<vmem>>, vector<16xf32>,
      tpu.vector_store %arg15[%swap3A_811, %swap3A_812], %add3A_810 {strides = array<i32>} : memref<32x768xf32, #tpu.memory_space<vmem>>, vector<16xf32>,
      %scan3A_814 = arith.constant 0 : i32
      scf.yield %scan3A_814 : i32
    }
    %scan3A_43 = arith.constant 32 : i32
    "tpu.region"() ({
      %run_scoped3A = tpu.sem_alloc : memref<!tpu.dma_semaphore, #tpu.memory_space<semaphore_mem>>
      %dma_start3A_44 = arith.constant 0 : i32
      %dma_start3A_45 = tpu.memref_slice %arg8[%add3A_24, %dma_start3A_44] : memref<2048x768xf32, #tpu.memory_space<hbm>> -> memref<32x768xf32, #tpu.memory_space<hbm>>
      %dma_start3A_46 = arith.constant 0 : i32
      %dma_start3A_47 = tpu.memref_slice %arg8[%add3A_24, %dma_start3A_46] : memref<2048x768xf32, #tpu.memory_space<hbm>> -> memref<32x768xf32, #tpu.memory_space<hbm>>
      tpu.enqueue_dma source(%arg15 : memref<32x768xf32, #tpu.memory_space<vmem>>) target(%dma_start3A_47 : memref<32x768xf32, #tpu.memory_space<hbm>>) target_semaphore(%run_scoped3A : memref<!tpu.dma_semaphore, #tpu.memory_space<semaphore_mem>>)
      %dma_wait3A_48 = arith.constant 0 : i32
      %dma_wait3A_49 = tpu.memref_slice %arg8[%add3A_24, %dma_wait3A_48] : memref<2048x768xf32, #tpu.memory_space<hbm>> -> memref<32x768xf32, #tpu.memory_space<hbm>>
      %dma_wait3A_50 = arith.constant 0 : i32
      %dma_wait3A_51 = tpu.memref_slice %arg8[%add3A_24, %dma_wait3A_50] : memref<2048x768xf32, #tpu.memory_space<hbm>> -> memref<32x768xf32, #tpu.memory_space<hbm>>
      tpu.wait_dma2 semaphore(%run_scoped3A : memref<!tpu.dma_semaphore, #tpu.memory_space<semaphore_mem>>) src(%arg15 : memref<32x768xf32, #tpu.memory_space<vmem>>) dst(%dma_wait3A_51 : memref<32x768xf32, #tpu.memory_space<hbm>>)
      tpu.yield
    }) : () -> ()
    return
  }
}

module attributes {stable_mosaic.version = 14 : i64} {
  func.func @_qkv_body(%arg0: i32, %arg1: memref<256x768xf32, #tpu.memory_space<vmem>>, %arg2: memref<768x1152xbf16, #tpu.memory_space<vmem>>, %arg3: memref<1x1152xf32, #tpu.memory_space<vmem>>, %arg4: memref<1x768xf32, #tpu.memory_space<vmem>>, %arg5: memref<256x768xbf16, #tpu.memory_space<vmem>>, %arg6: memref<256x192xbf16, #tpu.memory_space<vmem>>, %arg7: memref<256x192xbf16, #tpu.memory_space<vmem>>) attributes {dimension_semantics = [#tpu.dimension_semantics<arbitrary>], iteration_bounds = array<i64: 8>, scalar_prefetch = 0 : i64, scratch_operands = 0 : i64, tpu.core_type = #tpu.core_type<tc>, window_params = [{transform_indices = @transform_0, window_bounds = array<i64: 256, 768>}, {pipeline_mode = #tpu.pipeline_mode<synchronous>, transform_indices = @transform_1, window_bounds = array<i64: 768, 1152>}, {pipeline_mode = #tpu.pipeline_mode<synchronous>, transform_indices = @transform_2, window_bounds = array<i64: 1, 1152>}, {pipeline_mode = #tpu.pipeline_mode<synchronous>, transform_indices = @transform_3, window_bounds = array<i64: 1, 768>}, {transform_indices = @transform_4, window_bounds = array<i64: 256, 768>}, {transform_indices = @transform_5, window_bounds = array<i64: 256, 192>}, {transform_indices = @transform_6, window_bounds = array<i64: 256, 192>}]} {
    %get3A = arith.constant 0 : index
    %get3A_0 = arith.constant 0 : index
    %get3A_1 = vector.load %arg1[%get3A, %get3A_0] : memref<256x768xf32, #tpu.memory_space<vmem>>, vector<256x768xf32>
    %mul3A = arith.mulf %get3A_1, %get3A_1 : vector<256x768xf32>
    %reduce_sum3A = arith.constant dense<0.000000e+00> : vector<256xf32>
    %reduce_sum3A_2 = vector.multi_reduction <add>, %mul3A, %reduce_sum3A [1] : vector<256x768xf32> to vector<256xf32>
    %broadcast_in_dim3A = vector.shape_cast %reduce_sum3A_2 : vector<256xf32> to vector<256x1xf32>
    %div3A = arith.constant 7.680000e+02 : f32
    %div3A_3 = vector.broadcast %div3A : f32 to vector<256x1xf32>
    %div3A_4 = arith.divf %broadcast_in_dim3A, %div3A_3 : vector<256x1xf32>
    %add3A = arith.constant 9.99999997E-7 : f32
    %add3A_5 = vector.broadcast %add3A : f32 to vector<256x1xf32>
    %add3A_6 = arith.addf %div3A_4, %add3A_5 : vector<256x1xf32>
    %rsqrt3A = math.rsqrt %add3A_6 : vector<256x1xf32>
    %mul3A_7 = vector.broadcast %rsqrt3A : vector<256x1xf32> to vector<256x768xf32>
    %mul3A_8 = arith.mulf %get3A_1, %mul3A_7 : vector<256x768xf32>
    %get3A_9 = arith.constant 0 : index
    %get3A_10 = arith.constant 0 : index
    %get3A_11 = vector.load %arg4[%get3A_9, %get3A_10] : memref<1x768xf32, #tpu.memory_space<vmem>>, vector<1x768xf32>
    %mul3A_12 = vector.broadcast %get3A_11 : vector<1x768xf32> to vector<256x768xf32>
    %mul3A_13 = arith.mulf %mul3A_8, %mul3A_12 : vector<256x768xf32>
    %convert_element_type3A = arith.truncf %mul3A_13 : vector<256x768xf32> to vector<256x768xbf16>
    %get3A_14 = arith.constant 0 : index
    %get3A_15 = arith.constant 0 : index
    %get3A_16 = vector.load %arg2[%get3A_14, %get3A_15] : memref<768x1152xbf16, #tpu.memory_space<vmem>>, vector<768x1152xbf16>
    %dot_general3A = arith.constant dense<0.000000e+00> : vector<256x1152xf32>
    %dot_general3A_17 = tpu.matmul %convert_element_type3A, %get3A_16, %dot_general3A {dimension_numbers = #tpu.dot_dimension_numbers<[1], [0], [0], [1], [0, 0, 1, 1], [], []>, transpose_lhs_hint = false} : vector<256x768xbf16>, vector<768x1152xbf16>, vector<256x1152xf32> -> vector<256x1152xf32>
    %get3A_18 = arith.constant 0 : index
    %get3A_19 = arith.constant 0 : index
    %get3A_20 = vector.load %arg3[%get3A_18, %get3A_19] : memref<1x1152xf32, #tpu.memory_space<vmem>>, vector<1x1152xf32>
    %add3A_21 = vector.broadcast %get3A_20 : vector<1x1152xf32> to vector<256x1152xf32>
    %add3A_22 = arith.addf %dot_general3A_17, %add3A_21 : vector<256x1152xf32>
    %slice3A = vector.extract_strided_slice %add3A_22 {offsets = [0, 0], sizes = [256, 768], strides = [1, 1]} : vector<256x1152xf32> to vector<256x768xf32>
    %convert_element_type3A_23 = arith.truncf %slice3A : vector<256x768xf32> to vector<256x768xbf16>
    %swap3A = arith.constant 0 : index
    %swap3A_24 = arith.constant 0 : index
    %swap3A_25 = vector.load %arg5[%swap3A, %swap3A_24] : memref<256x768xbf16, #tpu.memory_space<vmem>>, vector<256x768xbf16>
    tpu.vector_store %arg5[%swap3A, %swap3A_24], %convert_element_type3A_23 {strides = array<i32>} : memref<256x768xbf16, #tpu.memory_space<vmem>>, vector<256x768xbf16>,
    %slice3A_26 = vector.extract_strided_slice %add3A_22 {offsets = [0, 768], sizes = [256, 192], strides = [1, 1]} : vector<256x1152xf32> to vector<256x192xf32>
    %convert_element_type3A_27 = arith.truncf %slice3A_26 : vector<256x192xf32> to vector<256x192xbf16>
    %swap3A_28 = arith.constant 0 : index
    %swap3A_29 = arith.constant 0 : index
    %swap3A_30 = vector.load %arg6[%swap3A_28, %swap3A_29] : memref<256x192xbf16, #tpu.memory_space<vmem>>, vector<256x192xbf16>
    tpu.vector_store %arg6[%swap3A_28, %swap3A_29], %convert_element_type3A_27 {strides = array<i32>} : memref<256x192xbf16, #tpu.memory_space<vmem>>, vector<256x192xbf16>,
    %slice3A_31 = vector.extract_strided_slice %add3A_22 {offsets = [0, 960], sizes = [256, 192], strides = [1, 1]} : vector<256x1152xf32> to vector<256x192xf32>
    %convert_element_type3A_32 = arith.truncf %slice3A_31 : vector<256x192xf32> to vector<256x192xbf16>
    %swap3A_33 = arith.constant 0 : index
    %swap3A_34 = arith.constant 0 : index
    %swap3A_35 = vector.load %arg7[%swap3A_33, %swap3A_34] : memref<256x192xbf16, #tpu.memory_space<vmem>>, vector<256x192xbf16>
    tpu.vector_store %arg7[%swap3A_33, %swap3A_34], %convert_element_type3A_32 {strides = array<i32>} : memref<256x192xbf16, #tpu.memory_space<vmem>>, vector<256x192xbf16>,
    return
  }
  func.func @transform_0(%arg0: i32) -> (i32, i32) {
    %c0_i32 = arith.constant 0 : i32
    %c0_i32_0 = arith.constant 0 : i32
    return %arg0, %c0_i32 : i32, i32
  }
  func.func @transform_1(%arg0: i32) -> (i32, i32) {
    %c0_i32 = arith.constant 0 : i32
    %c0_i32_0 = arith.constant 0 : i32
    %c0_i32_1 = arith.constant 0 : i32
    return %c0_i32, %c0_i32_0 : i32, i32
  }
  func.func @transform_2(%arg0: i32) -> (i32, i32) {
    %c0_i32 = arith.constant 0 : i32
    %c0_i32_0 = arith.constant 0 : i32
    %c0_i32_1 = arith.constant 0 : i32
    return %c0_i32, %c0_i32_0 : i32, i32
  }
  func.func @transform_3(%arg0: i32) -> (i32, i32) {
    %c0_i32 = arith.constant 0 : i32
    %c0_i32_0 = arith.constant 0 : i32
    %c0_i32_1 = arith.constant 0 : i32
    return %c0_i32, %c0_i32_0 : i32, i32
  }
  func.func @transform_4(%arg0: i32) -> (i32, i32) {
    %c0_i32 = arith.constant 0 : i32
    %c0_i32_0 = arith.constant 0 : i32
    return %arg0, %c0_i32 : i32, i32
  }
  func.func @transform_5(%arg0: i32) -> (i32, i32) {
    %c0_i32 = arith.constant 0 : i32
    %c0_i32_0 = arith.constant 0 : i32
    return %arg0, %c0_i32 : i32, i32
  }
  func.func @transform_6(%arg0: i32) -> (i32, i32) {
    %c0_i32 = arith.constant 0 : i32
    %c0_i32_0 = arith.constant 0 : i32
    return %arg0, %c0_i32 : i32, i32
  }
}

module attributes {stable_mosaic.version = 14 : i64} {
  func.func @_attn_body(%arg0: i32, %arg1: memref<1x1xf32, #tpu.memory_space<vmem>>, %arg2: memref<256x768xbf16, #tpu.memory_space<vmem>>, %arg3: memref<256x192xbf16, #tpu.memory_space<vmem>>, %arg4: memref<256x192xbf16, #tpu.memory_space<vmem>>, %arg5: memref<256x192xbf16, #tpu.memory_space<vmem>>, %arg6: memref<256x192xbf16, #tpu.memory_space<vmem>>, %arg7: memref<256x768xbf16, #tpu.memory_space<vmem>>) attributes {dimension_semantics = [#tpu.dimension_semantics<arbitrary>], iteration_bounds = array<i64: 8>, scalar_prefetch = 0 : i64, scratch_operands = 0 : i64, tpu.core_type = #tpu.core_type<tc>, window_params = [{pipeline_mode = #tpu.pipeline_mode<synchronous>, transform_indices = @transform_0, window_bounds = array<i64: 1, 1>}, {transform_indices = @transform_1, window_bounds = array<i64: 256, 768>}, {transform_indices = @transform_2, window_bounds = array<i64: 256, 192>}, {transform_indices = @transform_3, window_bounds = array<i64: 256, 192>}, {transform_indices = @transform_4, window_bounds = array<i64: 256, 192>}, {transform_indices = @transform_5, window_bounds = array<i64: 256, 192>}, {transform_indices = @transform_6, window_bounds = array<i64: 256, 768>}]} {
    %get3A = arith.constant 0 : index
    %get3A_0 = arith.constant 0 : index
    %get3A_1 = vector.load %arg1[%get3A, %get3A_0] : memref<1x1xf32, #tpu.memory_space<vmem>>, vector<1x1xf32>
    %get3A_2 = vector.extract %get3A_1[0, 0] : f32 from vector<1x1xf32>
    %iota3A = tpu.iota {dimensions = array<i32: 0>} : vector<256x512xi32>
    %iota3A_3 = tpu.iota {dimensions = array<i32: 1>} : vector<256x512xi32>
    %add3A = arith.constant 256 : i32
    %add3A_4 = vector.broadcast %add3A : i32 to vector<256x512xi32>
    %add3A_5 = arith.addi %add3A_4, %iota3A : vector<256x512xi32>
    %sub3A = arith.subi %add3A_5, %iota3A_3 : vector<256x512xi32>
    %ge3A = arith.constant 0 : i32
    %ge3A_6 = vector.broadcast %ge3A : i32 to vector<256x512xi32>
    %ge3A_7 = arith.cmpi sge, %sub3A, %ge3A_6 : vector<256x512xi32>
    %lt3A = arith.constant 64 : i32
    %lt3A_8 = vector.broadcast %lt3A : i32 to vector<256x512xi32>
    %lt3A_9 = arith.cmpi slt, %sub3A, %lt3A_8 : vector<256x512xi32>
    %and3A = arith.andi %ge3A_7, %lt3A_9 : vector<256x512xi1>
    %ge3A_10 = arith.constant 1 : i32
    %ge3A_11 = arith.cmpi sge, %arg0, %ge3A_10 : i32
    %ge3A_12 = arith.constant 256 : i32
    %ge3A_13 = vector.broadcast %ge3A_12 : i32 to vector<256x512xi32>
    %ge3A_14 = arith.cmpi sge, %iota3A_3, %ge3A_13 : vector<256x512xi32>
    %or3A = vector.broadcast %ge3A_11 : i1 to vector<256x512xi1>
    %or3A_15 = arith.ori %or3A, %ge3A_14 : vector<256x512xi1>
    %and3A_16 = arith.andi %and3A, %or3A_15 : vector<256x512xi1>
    %get3A_17 = arith.constant 0 : index
    %get3A_18 = arith.constant 0 : index
    %get3A_19 = vector.load %arg2[%get3A_17, %get3A_18] : memref<256x768xbf16, #tpu.memory_space<vmem>>, vector<256x96xbf16>
    %get3A_20 = arith.constant 0 : index
    %get3A_21 = arith.constant 0 : index
    %get3A_22 = vector.load %arg3[%get3A_20, %get3A_21] : memref<256x192xbf16, #tpu.memory_space<vmem>>, vector<256x96xbf16>
    %get3A_23 = arith.constant 0 : index
    %get3A_24 = arith.constant 0 : index
    %get3A_25 = vector.load %arg4[%get3A_23, %get3A_24] : memref<256x192xbf16, #tpu.memory_space<vmem>>, vector<256x96xbf16>
    %concatenate3A = tpu.concatenate %get3A_22, %get3A_25 in 0 : vector<256x96xbf16>, vector<256x96xbf16> -> vector<512x96xbf16>
    %get3A_26 = arith.constant 0 : index
    %get3A_27 = arith.constant 0 : index
    %get3A_28 = vector.load %arg5[%get3A_26, %get3A_27] : memref<256x192xbf16, #tpu.memory_space<vmem>>, vector<256x96xbf16>
    %get3A_29 = arith.constant 0 : index
    %get3A_30 = arith.constant 0 : index
    %get3A_31 = vector.load %arg6[%get3A_29, %get3A_30] : memref<256x192xbf16, #tpu.memory_space<vmem>>, vector<256x96xbf16>
    %concatenate3A_32 = tpu.concatenate %get3A_28, %get3A_31 in 0 : vector<256x96xbf16>, vector<256x96xbf16> -> vector<512x96xbf16>
    %dot_general3A = arith.constant dense<0.000000e+00> : vector<256x512xf32>
    %dot_general3A_33 = tpu.matmul %get3A_19, %concatenate3A, %dot_general3A {dimension_numbers = #tpu.dot_dimension_numbers<[1], [1], [0], [0], [0, 0, 1, 0], [], []>, transpose_lhs_hint = false} : vector<256x96xbf16>, vector<512x96xbf16>, vector<256x512xf32> -> vector<256x512xf32>
    %mul3A = arith.constant 0.102062076 : f32
    %mul3A_34 = vector.broadcast %mul3A : f32 to vector<256x512xf32>
    %mul3A_35 = arith.mulf %dot_general3A_33, %mul3A_34 : vector<256x512xf32>
    %jit3A = arith.constant -6.550400e+04 : f32
    %broadcast_in_dim3A = vector.broadcast %jit3A : f32 to vector<256x512xf32>
    %select_n3A = arith.select %and3A_16, %mul3A_35, %broadcast_in_dim3A : vector<256x512xi1>, vector<256x512xf32>
    %reduce_max3A = arith.constant dense<0xFF800000> : vector<256xf32>
    %reduce_max3A_36 = vector.multi_reduction <maximumf>, %select_n3A, %reduce_max3A [1] : vector<256x512xf32> to vector<256xf32>
    %broadcast_in_dim3A_37 = vector.shape_cast %reduce_max3A_36 : vector<256xf32> to vector<256x1xf32>
    %max3A = vector.broadcast %get3A_2 : f32 to vector<256x1xf32>
    %max3A_38 = arith.maximumf %broadcast_in_dim3A_37, %max3A : vector<256x1xf32>
    %sub3A_39 = vector.broadcast %max3A_38 : vector<256x1xf32> to vector<256x512xf32>
    %sub3A_40 = arith.subf %select_n3A, %sub3A_39 : vector<256x512xf32>
    %exp3A = math.exp %sub3A_40 : vector<256x512xf32>
    %reduce_sum3A = arith.constant dense<0.000000e+00> : vector<256xf32>
    %reduce_sum3A_41 = vector.multi_reduction <add>, %exp3A, %reduce_sum3A [1] : vector<256x512xf32> to vector<256xf32>
    %broadcast_in_dim3A_42 = vector.shape_cast %reduce_sum3A_41 : vector<256xf32> to vector<256x1xf32>
    %sub3A_43 = vector.broadcast %get3A_2 : f32 to vector<256x1xf32>
    %sub3A_44 = arith.subf %sub3A_43, %max3A_38 : vector<256x1xf32>
    %exp3A_45 = math.exp %sub3A_44 : vector<256x1xf32>
    %add3A_46 = arith.addf %broadcast_in_dim3A_42, %exp3A_45 : vector<256x1xf32>
    %convert_element_type3A = arith.truncf %exp3A : vector<256x512xf32> to vector<256x512xbf16>
    %dot_general3A_47 = arith.constant dense<0.000000e+00> : vector<256x96xf32>
    %dot_general3A_48 = tpu.matmul %convert_element_type3A, %concatenate3A_32, %dot_general3A_47 {dimension_numbers = #tpu.dot_dimension_numbers<[1], [0], [0], [1], [0, 0, 1, 1], [], []>, transpose_lhs_hint = false} : vector<256x512xbf16>, vector<512x96xbf16>, vector<256x96xf32> -> vector<256x96xf32>
    %div3A = vector.broadcast %add3A_46 : vector<256x1xf32> to vector<256x96xf32>
    %div3A_49 = arith.divf %dot_general3A_48, %div3A : vector<256x96xf32>
    %convert_element_type3A_50 = arith.truncf %div3A_49 : vector<256x96xf32> to vector<256x96xbf16>
    %swap3A = arith.constant 0 : index
    %swap3A_51 = arith.constant 0 : index
    %swap3A_52 = vector.load %arg7[%swap3A, %swap3A_51] : memref<256x768xbf16, #tpu.memory_space<vmem>>, vector<256x96xbf16>
    tpu.vector_store %arg7[%swap3A, %swap3A_51], %convert_element_type3A_50 {strides = array<i32>} : memref<256x768xbf16, #tpu.memory_space<vmem>>, vector<256x96xbf16>,
    %get3A_53 = arith.constant 0 : index
    %get3A_54 = arith.constant 96 : index
    %get3A_55 = vector.load %arg2[%get3A_53, %get3A_54] : memref<256x768xbf16, #tpu.memory_space<vmem>>, vector<256x96xbf16>
    %get3A_56 = arith.constant 0 : index
    %get3A_57 = arith.constant 0 : index
    %get3A_58 = vector.load %arg3[%get3A_56, %get3A_57] : memref<256x192xbf16, #tpu.memory_space<vmem>>, vector<256x96xbf16>
    %get3A_59 = arith.constant 0 : index
    %get3A_60 = arith.constant 0 : index
    %get3A_61 = vector.load %arg4[%get3A_59, %get3A_60] : memref<256x192xbf16, #tpu.memory_space<vmem>>, vector<256x96xbf16>
    %concatenate3A_62 = tpu.concatenate %get3A_58, %get3A_61 in 0 : vector<256x96xbf16>, vector<256x96xbf16> -> vector<512x96xbf16>
    %get3A_63 = arith.constant 0 : index
    %get3A_64 = arith.constant 0 : index
    %get3A_65 = vector.load %arg5[%get3A_63, %get3A_64] : memref<256x192xbf16, #tpu.memory_space<vmem>>, vector<256x96xbf16>
    %get3A_66 = arith.constant 0 : index
    %get3A_67 = arith.constant 0 : index
    %get3A_68 = vector.load %arg6[%get3A_66, %get3A_67] : memref<256x192xbf16, #tpu.memory_space<vmem>>, vector<256x96xbf16>
    %concatenate3A_69 = tpu.concatenate %get3A_65, %get3A_68 in 0 : vector<256x96xbf16>, vector<256x96xbf16> -> vector<512x96xbf16>
    %dot_general3A_70 = arith.constant dense<0.000000e+00> : vector<256x512xf32>
    %dot_general3A_71 = tpu.matmul %get3A_55, %concatenate3A_62, %dot_general3A_70 {dimension_numbers = #tpu.dot_dimension_numbers<[1], [1], [0], [0], [0, 0, 1, 0], [], []>, transpose_lhs_hint = false} : vector<256x96xbf16>, vector<512x96xbf16>, vector<256x512xf32> -> vector<256x512xf32>
    %mul3A_72 = arith.constant 0.102062076 : f32
    %mul3A_73 = vector.broadcast %mul3A_72 : f32 to vector<256x512xf32>
    %mul3A_74 = arith.mulf %dot_general3A_71, %mul3A_73 : vector<256x512xf32>
    %jit3A_75 = arith.constant -6.550400e+04 : f32
    %broadcast_in_dim3A_76 = vector.broadcast %jit3A_75 : f32 to vector<256x512xf32>
    %select_n3A_77 = arith.select %and3A_16, %mul3A_74, %broadcast_in_dim3A_76 : vector<256x512xi1>, vector<256x512xf32>
    %reduce_max3A_78 = arith.constant dense<0xFF800000> : vector<256xf32>
    %reduce_max3A_79 = vector.multi_reduction <maximumf>, %select_n3A_77, %reduce_max3A_78 [1] : vector<256x512xf32> to vector<256xf32>
    %broadcast_in_dim3A_80 = vector.shape_cast %reduce_max3A_79 : vector<256xf32> to vector<256x1xf32>
    %max3A_81 = vector.broadcast %get3A_2 : f32 to vector<256x1xf32>
    %max3A_82 = arith.maximumf %broadcast_in_dim3A_80, %max3A_81 : vector<256x1xf32>
    %sub3A_83 = vector.broadcast %max3A_82 : vector<256x1xf32> to vector<256x512xf32>
    %sub3A_84 = arith.subf %select_n3A_77, %sub3A_83 : vector<256x512xf32>
    %exp3A_85 = math.exp %sub3A_84 : vector<256x512xf32>
    %reduce_sum3A_86 = arith.constant dense<0.000000e+00> : vector<256xf32>
    %reduce_sum3A_87 = vector.multi_reduction <add>, %exp3A_85, %reduce_sum3A_86 [1] : vector<256x512xf32> to vector<256xf32>
    %broadcast_in_dim3A_88 = vector.shape_cast %reduce_sum3A_87 : vector<256xf32> to vector<256x1xf32>
    %sub3A_89 = vector.broadcast %get3A_2 : f32 to vector<256x1xf32>
    %sub3A_90 = arith.subf %sub3A_89, %max3A_82 : vector<256x1xf32>
    %exp3A_91 = math.exp %sub3A_90 : vector<256x1xf32>
    %add3A_92 = arith.addf %broadcast_in_dim3A_88, %exp3A_91 : vector<256x1xf32>
    %convert_element_type3A_93 = arith.truncf %exp3A_85 : vector<256x512xf32> to vector<256x512xbf16>
    %dot_general3A_94 = arith.constant dense<0.000000e+00> : vector<256x96xf32>
    %dot_general3A_95 = tpu.matmul %convert_element_type3A_93, %concatenate3A_69, %dot_general3A_94 {dimension_numbers = #tpu.dot_dimension_numbers<[1], [0], [0], [1], [0, 0, 1, 1], [], []>, transpose_lhs_hint = false} : vector<256x512xbf16>, vector<512x96xbf16>, vector<256x96xf32> -> vector<256x96xf32>
    %div3A_96 = vector.broadcast %add3A_92 : vector<256x1xf32> to vector<256x96xf32>
    %div3A_97 = arith.divf %dot_general3A_95, %div3A_96 : vector<256x96xf32>
    %convert_element_type3A_98 = arith.truncf %div3A_97 : vector<256x96xf32> to vector<256x96xbf16>
    %swap3A_99 = arith.constant 0 : index
    %swap3A_100 = arith.constant 96 : index
    %swap3A_101 = vector.load %arg7[%swap3A_99, %swap3A_100] : memref<256x768xbf16, #tpu.memory_space<vmem>>, vector<256x96xbf16>
    tpu.vector_store %arg7[%swap3A_99, %swap3A_100], %convert_element_type3A_98 {strides = array<i32>} : memref<256x768xbf16, #tpu.memory_space<vmem>>, vector<256x96xbf16>,
    %get3A_102 = arith.constant 0 : index
    %get3A_103 = arith.constant 192 : index
    %get3A_104 = vector.load %arg2[%get3A_102, %get3A_103] : memref<256x768xbf16, #tpu.memory_space<vmem>>, vector<256x96xbf16>
    %get3A_105 = arith.constant 0 : index
    %get3A_106 = arith.constant 0 : index
    %get3A_107 = vector.load %arg3[%get3A_105, %get3A_106] : memref<256x192xbf16, #tpu.memory_space<vmem>>, vector<256x96xbf16>
    %get3A_108 = arith.constant 0 : index
    %get3A_109 = arith.constant 0 : index
    %get3A_110 = vector.load %arg4[%get3A_108, %get3A_109] : memref<256x192xbf16, #tpu.memory_space<vmem>>, vector<256x96xbf16>
    %concatenate3A_111 = tpu.concatenate %get3A_107, %get3A_110 in 0 : vector<256x96xbf16>, vector<256x96xbf16> -> vector<512x96xbf16>
    %get3A_112 = arith.constant 0 : index
    %get3A_113 = arith.constant 0 : index
    %get3A_114 = vector.load %arg5[%get3A_112, %get3A_113] : memref<256x192xbf16, #tpu.memory_space<vmem>>, vector<256x96xbf16>
    %get3A_115 = arith.constant 0 : index
    %get3A_116 = arith.constant 0 : index
    %get3A_117 = vector.load %arg6[%get3A_115, %get3A_116] : memref<256x192xbf16, #tpu.memory_space<vmem>>, vector<256x96xbf16>
    %concatenate3A_118 = tpu.concatenate %get3A_114, %get3A_117 in 0 : vector<256x96xbf16>, vector<256x96xbf16> -> vector<512x96xbf16>
    %dot_general3A_119 = arith.constant dense<0.000000e+00> : vector<256x512xf32>
    %dot_general3A_120 = tpu.matmul %get3A_104, %concatenate3A_111, %dot_general3A_119 {dimension_numbers = #tpu.dot_dimension_numbers<[1], [1], [0], [0], [0, 0, 1, 0], [], []>, transpose_lhs_hint = false} : vector<256x96xbf16>, vector<512x96xbf16>, vector<256x512xf32> -> vector<256x512xf32>
    %mul3A_121 = arith.constant 0.102062076 : f32
    %mul3A_122 = vector.broadcast %mul3A_121 : f32 to vector<256x512xf32>
    %mul3A_123 = arith.mulf %dot_general3A_120, %mul3A_122 : vector<256x512xf32>
    %jit3A_124 = arith.constant -6.550400e+04 : f32
    %broadcast_in_dim3A_125 = vector.broadcast %jit3A_124 : f32 to vector<256x512xf32>
    %select_n3A_126 = arith.select %and3A_16, %mul3A_123, %broadcast_in_dim3A_125 : vector<256x512xi1>, vector<256x512xf32>
    %reduce_max3A_127 = arith.constant dense<0xFF800000> : vector<256xf32>
    %reduce_max3A_128 = vector.multi_reduction <maximumf>, %select_n3A_126, %reduce_max3A_127 [1] : vector<256x512xf32> to vector<256xf32>
    %broadcast_in_dim3A_129 = vector.shape_cast %reduce_max3A_128 : vector<256xf32> to vector<256x1xf32>
    %max3A_130 = vector.broadcast %get3A_2 : f32 to vector<256x1xf32>
    %max3A_131 = arith.maximumf %broadcast_in_dim3A_129, %max3A_130 : vector<256x1xf32>
    %sub3A_132 = vector.broadcast %max3A_131 : vector<256x1xf32> to vector<256x512xf32>
    %sub3A_133 = arith.subf %select_n3A_126, %sub3A_132 : vector<256x512xf32>
    %exp3A_134 = math.exp %sub3A_133 : vector<256x512xf32>
    %reduce_sum3A_135 = arith.constant dense<0.000000e+00> : vector<256xf32>
    %reduce_sum3A_136 = vector.multi_reduction <add>, %exp3A_134, %reduce_sum3A_135 [1] : vector<256x512xf32> to vector<256xf32>
    %broadcast_in_dim3A_137 = vector.shape_cast %reduce_sum3A_136 : vector<256xf32> to vector<256x1xf32>
    %sub3A_138 = vector.broadcast %get3A_2 : f32 to vector<256x1xf32>
    %sub3A_139 = arith.subf %sub3A_138, %max3A_131 : vector<256x1xf32>
    %exp3A_140 = math.exp %sub3A_139 : vector<256x1xf32>
    %add3A_141 = arith.addf %broadcast_in_dim3A_137, %exp3A_140 : vector<256x1xf32>
    %convert_element_type3A_142 = arith.truncf %exp3A_134 : vector<256x512xf32> to vector<256x512xbf16>
    %dot_general3A_143 = arith.constant dense<0.000000e+00> : vector<256x96xf32>
    %dot_general3A_144 = tpu.matmul %convert_element_type3A_142, %concatenate3A_118, %dot_general3A_143 {dimension_numbers = #tpu.dot_dimension_numbers<[1], [0], [0], [1], [0, 0, 1, 1], [], []>, transpose_lhs_hint = false} : vector<256x512xbf16>, vector<512x96xbf16>, vector<256x96xf32> -> vector<256x96xf32>
    %div3A_145 = vector.broadcast %add3A_141 : vector<256x1xf32> to vector<256x96xf32>
    %div3A_146 = arith.divf %dot_general3A_144, %div3A_145 : vector<256x96xf32>
    %convert_element_type3A_147 = arith.truncf %div3A_146 : vector<256x96xf32> to vector<256x96xbf16>
    %swap3A_148 = arith.constant 0 : index
    %swap3A_149 = arith.constant 192 : index
    %swap3A_150 = vector.load %arg7[%swap3A_148, %swap3A_149] : memref<256x768xbf16, #tpu.memory_space<vmem>>, vector<256x96xbf16>
    tpu.vector_store %arg7[%swap3A_148, %swap3A_149], %convert_element_type3A_147 {strides = array<i32>} : memref<256x768xbf16, #tpu.memory_space<vmem>>, vector<256x96xbf16>,
    %get3A_151 = arith.constant 0 : index
    %get3A_152 = arith.constant 288 : index
    %get3A_153 = vector.load %arg2[%get3A_151, %get3A_152] : memref<256x768xbf16, #tpu.memory_space<vmem>>, vector<256x96xbf16>
    %get3A_154 = arith.constant 0 : index
    %get3A_155 = arith.constant 0 : index
    %get3A_156 = vector.load %arg3[%get3A_154, %get3A_155] : memref<256x192xbf16, #tpu.memory_space<vmem>>, vector<256x96xbf16>
    %get3A_157 = arith.constant 0 : index
    %get3A_158 = arith.constant 0 : index
    %get3A_159 = vector.load %arg4[%get3A_157, %get3A_158] : memref<256x192xbf16, #tpu.memory_space<vmem>>, vector<256x96xbf16>
    %concatenate3A_160 = tpu.concatenate %get3A_156, %get3A_159 in 0 : vector<256x96xbf16>, vector<256x96xbf16> -> vector<512x96xbf16>
    %get3A_161 = arith.constant 0 : index
    %get3A_162 = arith.constant 0 : index
    %get3A_163 = vector.load %arg5[%get3A_161, %get3A_162] : memref<256x192xbf16, #tpu.memory_space<vmem>>, vector<256x96xbf16>
    %get3A_164 = arith.constant 0 : index
    %get3A_165 = arith.constant 0 : index
    %get3A_166 = vector.load %arg6[%get3A_164, %get3A_165] : memref<256x192xbf16, #tpu.memory_space<vmem>>, vector<256x96xbf16>
    %concatenate3A_167 = tpu.concatenate %get3A_163, %get3A_166 in 0 : vector<256x96xbf16>, vector<256x96xbf16> -> vector<512x96xbf16>
    %dot_general3A_168 = arith.constant dense<0.000000e+00> : vector<256x512xf32>
    %dot_general3A_169 = tpu.matmul %get3A_153, %concatenate3A_160, %dot_general3A_168 {dimension_numbers = #tpu.dot_dimension_numbers<[1], [1], [0], [0], [0, 0, 1, 0], [], []>, transpose_lhs_hint = false} : vector<256x96xbf16>, vector<512x96xbf16>, vector<256x512xf32> -> vector<256x512xf32>
    %mul3A_170 = arith.constant 0.102062076 : f32
    %mul3A_171 = vector.broadcast %mul3A_170 : f32 to vector<256x512xf32>
    %mul3A_172 = arith.mulf %dot_general3A_169, %mul3A_171 : vector<256x512xf32>
    %jit3A_173 = arith.constant -6.550400e+04 : f32
    %broadcast_in_dim3A_174 = vector.broadcast %jit3A_173 : f32 to vector<256x512xf32>
    %select_n3A_175 = arith.select %and3A_16, %mul3A_172, %broadcast_in_dim3A_174 : vector<256x512xi1>, vector<256x512xf32>
    %reduce_max3A_176 = arith.constant dense<0xFF800000> : vector<256xf32>
    %reduce_max3A_177 = vector.multi_reduction <maximumf>, %select_n3A_175, %reduce_max3A_176 [1] : vector<256x512xf32> to vector<256xf32>
    %broadcast_in_dim3A_178 = vector.shape_cast %reduce_max3A_177 : vector<256xf32> to vector<256x1xf32>
    %max3A_179 = vector.broadcast %get3A_2 : f32 to vector<256x1xf32>
    %max3A_180 = arith.maximumf %broadcast_in_dim3A_178, %max3A_179 : vector<256x1xf32>
    %sub3A_181 = vector.broadcast %max3A_180 : vector<256x1xf32> to vector<256x512xf32>
    %sub3A_182 = arith.subf %select_n3A_175, %sub3A_181 : vector<256x512xf32>
    %exp3A_183 = math.exp %sub3A_182 : vector<256x512xf32>
    %reduce_sum3A_184 = arith.constant dense<0.000000e+00> : vector<256xf32>
    %reduce_sum3A_185 = vector.multi_reduction <add>, %exp3A_183, %reduce_sum3A_184 [1] : vector<256x512xf32> to vector<256xf32>
    %broadcast_in_dim3A_186 = vector.shape_cast %reduce_sum3A_185 : vector<256xf32> to vector<256x1xf32>
    %sub3A_187 = vector.broadcast %get3A_2 : f32 to vector<256x1xf32>
    %sub3A_188 = arith.subf %sub3A_187, %max3A_180 : vector<256x1xf32>
    %exp3A_189 = math.exp %sub3A_188 : vector<256x1xf32>
    %add3A_190 = arith.addf %broadcast_in_dim3A_186, %exp3A_189 : vector<256x1xf32>
    %convert_element_type3A_191 = arith.truncf %exp3A_183 : vector<256x512xf32> to vector<256x512xbf16>
    %dot_general3A_192 = arith.constant dense<0.000000e+00> : vector<256x96xf32>
    %dot_general3A_193 = tpu.matmul %convert_element_type3A_191, %concatenate3A_167, %dot_general3A_192 {dimension_numbers = #tpu.dot_dimension_numbers<[1], [0], [0], [1], [0, 0, 1, 1], [], []>, transpose_lhs_hint = false} : vector<256x512xbf16>, vector<512x96xbf16>, vector<256x96xf32> -> vector<256x96xf32>
    %div3A_194 = vector.broadcast %add3A_190 : vector<256x1xf32> to vector<256x96xf32>
    %div3A_195 = arith.divf %dot_general3A_193, %div3A_194 : vector<256x96xf32>
    %convert_element_type3A_196 = arith.truncf %div3A_195 : vector<256x96xf32> to vector<256x96xbf16>
    %swap3A_197 = arith.constant 0 : index
    %swap3A_198 = arith.constant 288 : index
    %swap3A_199 = vector.load %arg7[%swap3A_197, %swap3A_198] : memref<256x768xbf16, #tpu.memory_space<vmem>>, vector<256x96xbf16>
    tpu.vector_store %arg7[%swap3A_197, %swap3A_198], %convert_element_type3A_196 {strides = array<i32>} : memref<256x768xbf16, #tpu.memory_space<vmem>>, vector<256x96xbf16>,
    %get3A_200 = arith.constant 0 : index
    %get3A_201 = arith.constant 384 : index
    %get3A_202 = vector.load %arg2[%get3A_200, %get3A_201] : memref<256x768xbf16, #tpu.memory_space<vmem>>, vector<256x96xbf16>
    %get3A_203 = arith.constant 0 : index
    %get3A_204 = arith.constant 96 : index
    %get3A_205 = vector.load %arg3[%get3A_203, %get3A_204] : memref<256x192xbf16, #tpu.memory_space<vmem>>, vector<256x96xbf16>
    %get3A_206 = arith.constant 0 : index
    %get3A_207 = arith.constant 96 : index
    %get3A_208 = vector.load %arg4[%get3A_206, %get3A_207] : memref<256x192xbf16, #tpu.memory_space<vmem>>, vector<256x96xbf16>
    %concatenate3A_209 = tpu.concatenate %get3A_205, %get3A_208 in 0 : vector<256x96xbf16>, vector<256x96xbf16> -> vector<512x96xbf16>
    %get3A_210 = arith.constant 0 : index
    %get3A_211 = arith.constant 96 : index
    %get3A_212 = vector.load %arg5[%get3A_210, %get3A_211] : memref<256x192xbf16, #tpu.memory_space<vmem>>, vector<256x96xbf16>
    %get3A_213 = arith.constant 0 : index
    %get3A_214 = arith.constant 96 : index
    %get3A_215 = vector.load %arg6[%get3A_213, %get3A_214] : memref<256x192xbf16, #tpu.memory_space<vmem>>, vector<256x96xbf16>
    %concatenate3A_216 = tpu.concatenate %get3A_212, %get3A_215 in 0 : vector<256x96xbf16>, vector<256x96xbf16> -> vector<512x96xbf16>
    %dot_general3A_217 = arith.constant dense<0.000000e+00> : vector<256x512xf32>
    %dot_general3A_218 = tpu.matmul %get3A_202, %concatenate3A_209, %dot_general3A_217 {dimension_numbers = #tpu.dot_dimension_numbers<[1], [1], [0], [0], [0, 0, 1, 0], [], []>, transpose_lhs_hint = false} : vector<256x96xbf16>, vector<512x96xbf16>, vector<256x512xf32> -> vector<256x512xf32>
    %mul3A_219 = arith.constant 0.102062076 : f32
    %mul3A_220 = vector.broadcast %mul3A_219 : f32 to vector<256x512xf32>
    %mul3A_221 = arith.mulf %dot_general3A_218, %mul3A_220 : vector<256x512xf32>
    %jit3A_222 = arith.constant -6.550400e+04 : f32
    %broadcast_in_dim3A_223 = vector.broadcast %jit3A_222 : f32 to vector<256x512xf32>
    %select_n3A_224 = arith.select %and3A_16, %mul3A_221, %broadcast_in_dim3A_223 : vector<256x512xi1>, vector<256x512xf32>
    %reduce_max3A_225 = arith.constant dense<0xFF800000> : vector<256xf32>
    %reduce_max3A_226 = vector.multi_reduction <maximumf>, %select_n3A_224, %reduce_max3A_225 [1] : vector<256x512xf32> to vector<256xf32>
    %broadcast_in_dim3A_227 = vector.shape_cast %reduce_max3A_226 : vector<256xf32> to vector<256x1xf32>
    %max3A_228 = vector.broadcast %get3A_2 : f32 to vector<256x1xf32>
    %max3A_229 = arith.maximumf %broadcast_in_dim3A_227, %max3A_228 : vector<256x1xf32>
    %sub3A_230 = vector.broadcast %max3A_229 : vector<256x1xf32> to vector<256x512xf32>
    %sub3A_231 = arith.subf %select_n3A_224, %sub3A_230 : vector<256x512xf32>
    %exp3A_232 = math.exp %sub3A_231 : vector<256x512xf32>
    %reduce_sum3A_233 = arith.constant dense<0.000000e+00> : vector<256xf32>
    %reduce_sum3A_234 = vector.multi_reduction <add>, %exp3A_232, %reduce_sum3A_233 [1] : vector<256x512xf32> to vector<256xf32>
    %broadcast_in_dim3A_235 = vector.shape_cast %reduce_sum3A_234 : vector<256xf32> to vector<256x1xf32>
    %sub3A_236 = vector.broadcast %get3A_2 : f32 to vector<256x1xf32>
    %sub3A_237 = arith.subf %sub3A_236, %max3A_229 : vector<256x1xf32>
    %exp3A_238 = math.exp %sub3A_237 : vector<256x1xf32>
    %add3A_239 = arith.addf %broadcast_in_dim3A_235, %exp3A_238 : vector<256x1xf32>
    %convert_element_type3A_240 = arith.truncf %exp3A_232 : vector<256x512xf32> to vector<256x512xbf16>
    %dot_general3A_241 = arith.constant dense<0.000000e+00> : vector<256x96xf32>
    %dot_general3A_242 = tpu.matmul %convert_element_type3A_240, %concatenate3A_216, %dot_general3A_241 {dimension_numbers = #tpu.dot_dimension_numbers<[1], [0], [0], [1], [0, 0, 1, 1], [], []>, transpose_lhs_hint = false} : vector<256x512xbf16>, vector<512x96xbf16>, vector<256x96xf32> -> vector<256x96xf32>
    %div3A_243 = vector.broadcast %add3A_239 : vector<256x1xf32> to vector<256x96xf32>
    %div3A_244 = arith.divf %dot_general3A_242, %div3A_243 : vector<256x96xf32>
    %convert_element_type3A_245 = arith.truncf %div3A_244 : vector<256x96xf32> to vector<256x96xbf16>
    %swap3A_246 = arith.constant 0 : index
    %swap3A_247 = arith.constant 384 : index
    %swap3A_248 = vector.load %arg7[%swap3A_246, %swap3A_247] : memref<256x768xbf16, #tpu.memory_space<vmem>>, vector<256x96xbf16>
    tpu.vector_store %arg7[%swap3A_246, %swap3A_247], %convert_element_type3A_245 {strides = array<i32>} : memref<256x768xbf16, #tpu.memory_space<vmem>>, vector<256x96xbf16>,
    %get3A_249 = arith.constant 0 : index
    %get3A_250 = arith.constant 480 : index
    %get3A_251 = vector.load %arg2[%get3A_249, %get3A_250] : memref<256x768xbf16, #tpu.memory_space<vmem>>, vector<256x96xbf16>
    %get3A_252 = arith.constant 0 : index
    %get3A_253 = arith.constant 96 : index
    %get3A_254 = vector.load %arg3[%get3A_252, %get3A_253] : memref<256x192xbf16, #tpu.memory_space<vmem>>, vector<256x96xbf16>
    %get3A_255 = arith.constant 0 : index
    %get3A_256 = arith.constant 96 : index
    %get3A_257 = vector.load %arg4[%get3A_255, %get3A_256] : memref<256x192xbf16, #tpu.memory_space<vmem>>, vector<256x96xbf16>
    %concatenate3A_258 = tpu.concatenate %get3A_254, %get3A_257 in 0 : vector<256x96xbf16>, vector<256x96xbf16> -> vector<512x96xbf16>
    %get3A_259 = arith.constant 0 : index
    %get3A_260 = arith.constant 96 : index
    %get3A_261 = vector.load %arg5[%get3A_259, %get3A_260] : memref<256x192xbf16, #tpu.memory_space<vmem>>, vector<256x96xbf16>
    %get3A_262 = arith.constant 0 : index
    %get3A_263 = arith.constant 96 : index
    %get3A_264 = vector.load %arg6[%get3A_262, %get3A_263] : memref<256x192xbf16, #tpu.memory_space<vmem>>, vector<256x96xbf16>
    %concatenate3A_265 = tpu.concatenate %get3A_261, %get3A_264 in 0 : vector<256x96xbf16>, vector<256x96xbf16> -> vector<512x96xbf16>
    %dot_general3A_266 = arith.constant dense<0.000000e+00> : vector<256x512xf32>
    %dot_general3A_267 = tpu.matmul %get3A_251, %concatenate3A_258, %dot_general3A_266 {dimension_numbers = #tpu.dot_dimension_numbers<[1], [1], [0], [0], [0, 0, 1, 0], [], []>, transpose_lhs_hint = false} : vector<256x96xbf16>, vector<512x96xbf16>, vector<256x512xf32> -> vector<256x512xf32>
    %mul3A_268 = arith.constant 0.102062076 : f32
    %mul3A_269 = vector.broadcast %mul3A_268 : f32 to vector<256x512xf32>
    %mul3A_270 = arith.mulf %dot_general3A_267, %mul3A_269 : vector<256x512xf32>
    %jit3A_271 = arith.constant -6.550400e+04 : f32
    %broadcast_in_dim3A_272 = vector.broadcast %jit3A_271 : f32 to vector<256x512xf32>
    %select_n3A_273 = arith.select %and3A_16, %mul3A_270, %broadcast_in_dim3A_272 : vector<256x512xi1>, vector<256x512xf32>
    %reduce_max3A_274 = arith.constant dense<0xFF800000> : vector<256xf32>
    %reduce_max3A_275 = vector.multi_reduction <maximumf>, %select_n3A_273, %reduce_max3A_274 [1] : vector<256x512xf32> to vector<256xf32>
    %broadcast_in_dim3A_276 = vector.shape_cast %reduce_max3A_275 : vector<256xf32> to vector<256x1xf32>
    %max3A_277 = vector.broadcast %get3A_2 : f32 to vector<256x1xf32>
    %max3A_278 = arith.maximumf %broadcast_in_dim3A_276, %max3A_277 : vector<256x1xf32>
    %sub3A_279 = vector.broadcast %max3A_278 : vector<256x1xf32> to vector<256x512xf32>
    %sub3A_280 = arith.subf %select_n3A_273, %sub3A_279 : vector<256x512xf32>
    %exp3A_281 = math.exp %sub3A_280 : vector<256x512xf32>
    %reduce_sum3A_282 = arith.constant dense<0.000000e+00> : vector<256xf32>
    %reduce_sum3A_283 = vector.multi_reduction <add>, %exp3A_281, %reduce_sum3A_282 [1] : vector<256x512xf32> to vector<256xf32>
    %broadcast_in_dim3A_284 = vector.shape_cast %reduce_sum3A_283 : vector<256xf32> to vector<256x1xf32>
    %sub3A_285 = vector.broadcast %get3A_2 : f32 to vector<256x1xf32>
    %sub3A_286 = arith.subf %sub3A_285, %max3A_278 : vector<256x1xf32>
    %exp3A_287 = math.exp %sub3A_286 : vector<256x1xf32>
    %add3A_288 = arith.addf %broadcast_in_dim3A_284, %exp3A_287 : vector<256x1xf32>
    %convert_element_type3A_289 = arith.truncf %exp3A_281 : vector<256x512xf32> to vector<256x512xbf16>
    %dot_general3A_290 = arith.constant dense<0.000000e+00> : vector<256x96xf32>
    %dot_general3A_291 = tpu.matmul %convert_element_type3A_289, %concatenate3A_265, %dot_general3A_290 {dimension_numbers = #tpu.dot_dimension_numbers<[1], [0], [0], [1], [0, 0, 1, 1], [], []>, transpose_lhs_hint = false} : vector<256x512xbf16>, vector<512x96xbf16>, vector<256x96xf32> -> vector<256x96xf32>
    %div3A_292 = vector.broadcast %add3A_288 : vector<256x1xf32> to vector<256x96xf32>
    %div3A_293 = arith.divf %dot_general3A_291, %div3A_292 : vector<256x96xf32>
    %convert_element_type3A_294 = arith.truncf %div3A_293 : vector<256x96xf32> to vector<256x96xbf16>
    %swap3A_295 = arith.constant 0 : index
    %swap3A_296 = arith.constant 480 : index
    %swap3A_297 = vector.load %arg7[%swap3A_295, %swap3A_296] : memref<256x768xbf16, #tpu.memory_space<vmem>>, vector<256x96xbf16>
    tpu.vector_store %arg7[%swap3A_295, %swap3A_296], %convert_element_type3A_294 {strides = array<i32>} : memref<256x768xbf16, #tpu.memory_space<vmem>>, vector<256x96xbf16>,
    %get3A_298 = arith.constant 0 : index
    %get3A_299 = arith.constant 576 : index
    %get3A_300 = vector.load %arg2[%get3A_298, %get3A_299] : memref<256x768xbf16, #tpu.memory_space<vmem>>, vector<256x96xbf16>
    %get3A_301 = arith.constant 0 : index
    %get3A_302 = arith.constant 96 : index
    %get3A_303 = vector.load %arg3[%get3A_301, %get3A_302] : memref<256x192xbf16, #tpu.memory_space<vmem>>, vector<256x96xbf16>
    %get3A_304 = arith.constant 0 : index
    %get3A_305 = arith.constant 96 : index
    %get3A_306 = vector.load %arg4[%get3A_304, %get3A_305] : memref<256x192xbf16, #tpu.memory_space<vmem>>, vector<256x96xbf16>
    %concatenate3A_307 = tpu.concatenate %get3A_303, %get3A_306 in 0 : vector<256x96xbf16>, vector<256x96xbf16> -> vector<512x96xbf16>
    %get3A_308 = arith.constant 0 : index
    %get3A_309 = arith.constant 96 : index
    %get3A_310 = vector.load %arg5[%get3A_308, %get3A_309] : memref<256x192xbf16, #tpu.memory_space<vmem>>, vector<256x96xbf16>
    %get3A_311 = arith.constant 0 : index
    %get3A_312 = arith.constant 96 : index
    %get3A_313 = vector.load %arg6[%get3A_311, %get3A_312] : memref<256x192xbf16, #tpu.memory_space<vmem>>, vector<256x96xbf16>
    %concatenate3A_314 = tpu.concatenate %get3A_310, %get3A_313 in 0 : vector<256x96xbf16>, vector<256x96xbf16> -> vector<512x96xbf16>
    %dot_general3A_315 = arith.constant dense<0.000000e+00> : vector<256x512xf32>
    %dot_general3A_316 = tpu.matmul %get3A_300, %concatenate3A_307, %dot_general3A_315 {dimension_numbers = #tpu.dot_dimension_numbers<[1], [1], [0], [0], [0, 0, 1, 0], [], []>, transpose_lhs_hint = false} : vector<256x96xbf16>, vector<512x96xbf16>, vector<256x512xf32> -> vector<256x512xf32>
    %mul3A_317 = arith.constant 0.102062076 : f32
    %mul3A_318 = vector.broadcast %mul3A_317 : f32 to vector<256x512xf32>
    %mul3A_319 = arith.mulf %dot_general3A_316, %mul3A_318 : vector<256x512xf32>
    %jit3A_320 = arith.constant -6.550400e+04 : f32
    %broadcast_in_dim3A_321 = vector.broadcast %jit3A_320 : f32 to vector<256x512xf32>
    %select_n3A_322 = arith.select %and3A_16, %mul3A_319, %broadcast_in_dim3A_321 : vector<256x512xi1>, vector<256x512xf32>
    %reduce_max3A_323 = arith.constant dense<0xFF800000> : vector<256xf32>
    %reduce_max3A_324 = vector.multi_reduction <maximumf>, %select_n3A_322, %reduce_max3A_323 [1] : vector<256x512xf32> to vector<256xf32>
    %broadcast_in_dim3A_325 = vector.shape_cast %reduce_max3A_324 : vector<256xf32> to vector<256x1xf32>
    %max3A_326 = vector.broadcast %get3A_2 : f32 to vector<256x1xf32>
    %max3A_327 = arith.maximumf %broadcast_in_dim3A_325, %max3A_326 : vector<256x1xf32>
    %sub3A_328 = vector.broadcast %max3A_327 : vector<256x1xf32> to vector<256x512xf32>
    %sub3A_329 = arith.subf %select_n3A_322, %sub3A_328 : vector<256x512xf32>
    %exp3A_330 = math.exp %sub3A_329 : vector<256x512xf32>
    %reduce_sum3A_331 = arith.constant dense<0.000000e+00> : vector<256xf32>
    %reduce_sum3A_332 = vector.multi_reduction <add>, %exp3A_330, %reduce_sum3A_331 [1] : vector<256x512xf32> to vector<256xf32>
    %broadcast_in_dim3A_333 = vector.shape_cast %reduce_sum3A_332 : vector<256xf32> to vector<256x1xf32>
    %sub3A_334 = vector.broadcast %get3A_2 : f32 to vector<256x1xf32>
    %sub3A_335 = arith.subf %sub3A_334, %max3A_327 : vector<256x1xf32>
    %exp3A_336 = math.exp %sub3A_335 : vector<256x1xf32>
    %add3A_337 = arith.addf %broadcast_in_dim3A_333, %exp3A_336 : vector<256x1xf32>
    %convert_element_type3A_338 = arith.truncf %exp3A_330 : vector<256x512xf32> to vector<256x512xbf16>
    %dot_general3A_339 = arith.constant dense<0.000000e+00> : vector<256x96xf32>
    %dot_general3A_340 = tpu.matmul %convert_element_type3A_338, %concatenate3A_314, %dot_general3A_339 {dimension_numbers = #tpu.dot_dimension_numbers<[1], [0], [0], [1], [0, 0, 1, 1], [], []>, transpose_lhs_hint = false} : vector<256x512xbf16>, vector<512x96xbf16>, vector<256x96xf32> -> vector<256x96xf32>
    %div3A_341 = vector.broadcast %add3A_337 : vector<256x1xf32> to vector<256x96xf32>
    %div3A_342 = arith.divf %dot_general3A_340, %div3A_341 : vector<256x96xf32>
    %convert_element_type3A_343 = arith.truncf %div3A_342 : vector<256x96xf32> to vector<256x96xbf16>
    %swap3A_344 = arith.constant 0 : index
    %swap3A_345 = arith.constant 576 : index
    %swap3A_346 = vector.load %arg7[%swap3A_344, %swap3A_345] : memref<256x768xbf16, #tpu.memory_space<vmem>>, vector<256x96xbf16>
    tpu.vector_store %arg7[%swap3A_344, %swap3A_345], %convert_element_type3A_343 {strides = array<i32>} : memref<256x768xbf16, #tpu.memory_space<vmem>>, vector<256x96xbf16>,
    %get3A_347 = arith.constant 0 : index
    %get3A_348 = arith.constant 672 : index
    %get3A_349 = vector.load %arg2[%get3A_347, %get3A_348] : memref<256x768xbf16, #tpu.memory_space<vmem>>, vector<256x96xbf16>
    %get3A_350 = arith.constant 0 : index
    %get3A_351 = arith.constant 96 : index
    %get3A_352 = vector.load %arg3[%get3A_350, %get3A_351] : memref<256x192xbf16, #tpu.memory_space<vmem>>, vector<256x96xbf16>
    %get3A_353 = arith.constant 0 : index
    %get3A_354 = arith.constant 96 : index
    %get3A_355 = vector.load %arg4[%get3A_353, %get3A_354] : memref<256x192xbf16, #tpu.memory_space<vmem>>, vector<256x96xbf16>
    %concatenate3A_356 = tpu.concatenate %get3A_352, %get3A_355 in 0 : vector<256x96xbf16>, vector<256x96xbf16> -> vector<512x96xbf16>
    %get3A_357 = arith.constant 0 : index
    %get3A_358 = arith.constant 96 : index
    %get3A_359 = vector.load %arg5[%get3A_357, %get3A_358] : memref<256x192xbf16, #tpu.memory_space<vmem>>, vector<256x96xbf16>
    %get3A_360 = arith.constant 0 : index
    %get3A_361 = arith.constant 96 : index
    %get3A_362 = vector.load %arg6[%get3A_360, %get3A_361] : memref<256x192xbf16, #tpu.memory_space<vmem>>, vector<256x96xbf16>
    %concatenate3A_363 = tpu.concatenate %get3A_359, %get3A_362 in 0 : vector<256x96xbf16>, vector<256x96xbf16> -> vector<512x96xbf16>
    %dot_general3A_364 = arith.constant dense<0.000000e+00> : vector<256x512xf32>
    %dot_general3A_365 = tpu.matmul %get3A_349, %concatenate3A_356, %dot_general3A_364 {dimension_numbers = #tpu.dot_dimension_numbers<[1], [1], [0], [0], [0, 0, 1, 0], [], []>, transpose_lhs_hint = false} : vector<256x96xbf16>, vector<512x96xbf16>, vector<256x512xf32> -> vector<256x512xf32>
    %mul3A_366 = arith.constant 0.102062076 : f32
    %mul3A_367 = vector.broadcast %mul3A_366 : f32 to vector<256x512xf32>
    %mul3A_368 = arith.mulf %dot_general3A_365, %mul3A_367 : vector<256x512xf32>
    %jit3A_369 = arith.constant -6.550400e+04 : f32
    %broadcast_in_dim3A_370 = vector.broadcast %jit3A_369 : f32 to vector<256x512xf32>
    %select_n3A_371 = arith.select %and3A_16, %mul3A_368, %broadcast_in_dim3A_370 : vector<256x512xi1>, vector<256x512xf32>
    %reduce_max3A_372 = arith.constant dense<0xFF800000> : vector<256xf32>
    %reduce_max3A_373 = vector.multi_reduction <maximumf>, %select_n3A_371, %reduce_max3A_372 [1] : vector<256x512xf32> to vector<256xf32>
    %broadcast_in_dim3A_374 = vector.shape_cast %reduce_max3A_373 : vector<256xf32> to vector<256x1xf32>
    %max3A_375 = vector.broadcast %get3A_2 : f32 to vector<256x1xf32>
    %max3A_376 = arith.maximumf %broadcast_in_dim3A_374, %max3A_375 : vector<256x1xf32>
    %sub3A_377 = vector.broadcast %max3A_376 : vector<256x1xf32> to vector<256x512xf32>
    %sub3A_378 = arith.subf %select_n3A_371, %sub3A_377 : vector<256x512xf32>
    %exp3A_379 = math.exp %sub3A_378 : vector<256x512xf32>
    %reduce_sum3A_380 = arith.constant dense<0.000000e+00> : vector<256xf32>
    %reduce_sum3A_381 = vector.multi_reduction <add>, %exp3A_379, %reduce_sum3A_380 [1] : vector<256x512xf32> to vector<256xf32>
    %broadcast_in_dim3A_382 = vector.shape_cast %reduce_sum3A_381 : vector<256xf32> to vector<256x1xf32>
    %sub3A_383 = vector.broadcast %get3A_2 : f32 to vector<256x1xf32>
    %sub3A_384 = arith.subf %sub3A_383, %max3A_376 : vector<256x1xf32>
    %exp3A_385 = math.exp %sub3A_384 : vector<256x1xf32>
    %add3A_386 = arith.addf %broadcast_in_dim3A_382, %exp3A_385 : vector<256x1xf32>
    %convert_element_type3A_387 = arith.truncf %exp3A_379 : vector<256x512xf32> to vector<256x512xbf16>
    %dot_general3A_388 = arith.constant dense<0.000000e+00> : vector<256x96xf32>
    %dot_general3A_389 = tpu.matmul %convert_element_type3A_387, %concatenate3A_363, %dot_general3A_388 {dimension_numbers = #tpu.dot_dimension_numbers<[1], [0], [0], [1], [0, 0, 1, 1], [], []>, transpose_lhs_hint = false} : vector<256x512xbf16>, vector<512x96xbf16>, vector<256x96xf32> -> vector<256x96xf32>
    %div3A_390 = vector.broadcast %add3A_386 : vector<256x1xf32> to vector<256x96xf32>
    %div3A_391 = arith.divf %dot_general3A_389, %div3A_390 : vector<256x96xf32>
    %convert_element_type3A_392 = arith.truncf %div3A_391 : vector<256x96xf32> to vector<256x96xbf16>
    %swap3A_393 = arith.constant 0 : index
    %swap3A_394 = arith.constant 672 : index
    %swap3A_395 = vector.load %arg7[%swap3A_393, %swap3A_394] : memref<256x768xbf16, #tpu.memory_space<vmem>>, vector<256x96xbf16>
    tpu.vector_store %arg7[%swap3A_393, %swap3A_394], %convert_element_type3A_392 {strides = array<i32>} : memref<256x768xbf16, #tpu.memory_space<vmem>>, vector<256x96xbf16>,
    return
  }
  func.func @transform_0(%arg0: i32) -> (i32, i32) {
    %c0_i32 = arith.constant 0 : i32
    %c0_i32_0 = arith.constant 0 : i32
    %c0_i32_1 = arith.constant 0 : i32
    return %c0_i32, %c0_i32_0 : i32, i32
  }
  func.func @transform_1(%arg0: i32) -> (i32, i32) {
    %c0_i32 = arith.constant 0 : i32
    %c0_i32_0 = arith.constant 0 : i32
    return %arg0, %c0_i32 : i32, i32
  }
  func.func @transform_2(%arg0: i32) -> (i32, i32) {
    %sub3A = arith.constant 1 : i32
    %sub3A_0 = arith.subi %arg0, %sub3A : i32
    %max3A = arith.constant 0 : i32
    %max3A_1 = arith.maxsi %sub3A_0, %max3A : i32
    %c0_i32 = arith.constant 0 : i32
    %c0_i32_2 = arith.constant 0 : i32
    return %max3A_1, %c0_i32 : i32, i32
  }
  func.func @transform_3(%arg0: i32) -> (i32, i32) {
    %c0_i32 = arith.constant 0 : i32
    %c0_i32_0 = arith.constant 0 : i32
    return %arg0, %c0_i32 : i32, i32
  }
  func.func @transform_4(%arg0: i32) -> (i32, i32) {
    %sub3A = arith.constant 1 : i32
    %sub3A_0 = arith.subi %arg0, %sub3A : i32
    %max3A = arith.constant 0 : i32
    %max3A_1 = arith.maxsi %sub3A_0, %max3A : i32
    %c0_i32 = arith.constant 0 : i32
    %c0_i32_2 = arith.constant 0 : i32
    return %max3A_1, %c0_i32 : i32, i32
  }
  func.func @transform_5(%arg0: i32) -> (i32, i32) {
    %c0_i32 = arith.constant 0 : i32
    %c0_i32_0 = arith.constant 0 : i32
    return %arg0, %c0_i32 : i32, i32
  }
  func.func @transform_6(%arg0: i32) -> (i32, i32) {
    %c0_i32 = arith.constant 0 : i32
    %c0_i32_0 = arith.constant 0 : i32
    return %arg0, %c0_i32 : i32, i32
  }
}

module attributes {stable_mosaic.version = 14 : i64} {
  func.func @_post_body(%arg0: i32, %arg1: memref<256x768xf32, #tpu.memory_space<vmem>>, %arg2: memref<256x768xbf16, #tpu.memory_space<vmem>>, %arg3: memref<768x768xbf16, #tpu.memory_space<vmem>>, %arg4: memref<1x768xf32, #tpu.memory_space<vmem>>, %arg5: memref<1x768xf32, #tpu.memory_space<vmem>>, %arg6: memref<768x16xf32, #tpu.memory_space<vmem>>, %arg7: memref<1x16xf32, #tpu.memory_space<vmem>>, %arg8: memref<256x768xf32, #tpu.memory_space<vmem>>, %arg9: memref<256x768xf32, #tpu.memory_space<vmem>>, %arg10: memref<1x1x256xi32, #tpu.memory_space<vmem>>, %arg11: memref<1x1x256xi32, #tpu.memory_space<vmem>>, %arg12: memref<1x1x256xi32, #tpu.memory_space<vmem>>, %arg13: memref<1x1x256xi32, #tpu.memory_space<vmem>>, %arg14: memref<1x1x256xf32, #tpu.memory_space<vmem>>, %arg15: memref<1x1x256xf32, #tpu.memory_space<vmem>>, %arg16: memref<1x1x16xf32, #tpu.memory_space<vmem>>, %arg17: memref<1x1x16xf32, #tpu.memory_space<vmem>>) attributes {dimension_semantics = [#tpu.dimension_semantics<arbitrary>], iteration_bounds = array<i64: 8>, scalar_prefetch = 0 : i64, scratch_operands = 0 : i64, tpu.core_type = #tpu.core_type<tc>, window_params = [{transform_indices = @transform_0, window_bounds = array<i64: 256, 768>}, {transform_indices = @transform_1, window_bounds = array<i64: 256, 768>}, {pipeline_mode = #tpu.pipeline_mode<synchronous>, transform_indices = @transform_2, window_bounds = array<i64: 768, 768>}, {pipeline_mode = #tpu.pipeline_mode<synchronous>, transform_indices = @transform_3, window_bounds = array<i64: 1, 768>}, {pipeline_mode = #tpu.pipeline_mode<synchronous>, transform_indices = @transform_4, window_bounds = array<i64: 1, 768>}, {pipeline_mode = #tpu.pipeline_mode<synchronous>, transform_indices = @transform_5, window_bounds = array<i64: 768, 16>}, {pipeline_mode = #tpu.pipeline_mode<synchronous>, transform_indices = @transform_6, window_bounds = array<i64: 1, 16>}, {transform_indices = @transform_7, window_bounds = array<i64: 256, 768>}, {transform_indices = @transform_8, window_bounds = array<i64: 256, 768>}, {transform_indices = @transform_9, window_bounds = array<i64: 1, 1, 256>}, {transform_indices = @transform_10, window_bounds = array<i64: 1, 1, 256>}, {transform_indices = @transform_11, window_bounds = array<i64: 1, 1, 256>}, {transform_indices = @transform_12, window_bounds = array<i64: 1, 1, 256>}, {transform_indices = @transform_13, window_bounds = array<i64: 1, 1, 256>}, {transform_indices = @transform_14, window_bounds = array<i64: 1, 1, 256>}, {pipeline_mode = #tpu.pipeline_mode<synchronous>, transform_indices = @transform_15, window_bounds = array<i64: 1, 1, 16>}, {pipeline_mode = #tpu.pipeline_mode<synchronous>, transform_indices = @transform_16, window_bounds = array<i64: 1, 1, 16>}]} {
    %eq3A = arith.constant 0 : i32
    %eq3A_0 = arith.cmpi eq, %arg0, %eq3A : i32
    %convert_element_type3A = arith.extui %eq3A_0 : i1 to i32
    %cond3A = arith.constant 0 : i32
    %cond3A_1 = arith.cmpi ne, %convert_element_type3A, %cond3A : i32
    scf.if %cond3A_1 {
      %broadcast_in_dim3A_179 = arith.constant 0.000000e+00 : f32
      %broadcast_in_dim3A_180 = vector.broadcast %broadcast_in_dim3A_179 : f32 to vector<1x1x16xf32>
      %swap3A_181 = arith.constant 0 : index
      %swap3A_182 = arith.constant 0 : index
      %swap3A_183 = arith.constant 0 : index
      %swap3A_184 = vector.load %arg16[%swap3A_181, %swap3A_182, %swap3A_183] : memref<1x1x16xf32, #tpu.memory_space<vmem>>, vector<1x1x16xf32>
      tpu.vector_store %arg16[%swap3A_181, %swap3A_182, %swap3A_183], %broadcast_in_dim3A_180 {strides = array<i32>} : memref<1x1x16xf32, #tpu.memory_space<vmem>>, vector<1x1x16xf32>,
      %broadcast_in_dim3A_185 = arith.constant 0.000000e+00 : f32
      %broadcast_in_dim3A_186 = vector.broadcast %broadcast_in_dim3A_185 : f32 to vector<1x1x16xf32>
      %swap3A_187 = arith.constant 0 : index
      %swap3A_188 = arith.constant 0 : index
      %swap3A_189 = arith.constant 0 : index
      %swap3A_190 = vector.load %arg17[%swap3A_187, %swap3A_188, %swap3A_189] : memref<1x1x16xf32, #tpu.memory_space<vmem>>, vector<1x1x16xf32>
      tpu.vector_store %arg17[%swap3A_187, %swap3A_188, %swap3A_189], %broadcast_in_dim3A_186 {strides = array<i32>} : memref<1x1x16xf32, #tpu.memory_space<vmem>>, vector<1x1x16xf32>,
    } else {
    }
    %get3A = arith.constant 0 : index
    %get3A_2 = arith.constant 0 : index
    %get3A_3 = vector.load %arg2[%get3A, %get3A_2] : memref<256x768xbf16, #tpu.memory_space<vmem>>, vector<256x768xbf16>
    %get3A_4 = arith.constant 0 : index
    %get3A_5 = arith.constant 0 : index
    %get3A_6 = vector.load %arg3[%get3A_4, %get3A_5] : memref<768x768xbf16, #tpu.memory_space<vmem>>, vector<768x768xbf16>
    %dot_general3A = arith.constant dense<0.000000e+00> : vector<256x768xf32>
    %dot_general3A_7 = tpu.matmul %get3A_3, %get3A_6, %dot_general3A {dimension_numbers = #tpu.dot_dimension_numbers<[1], [0], [0], [1], [0, 0, 1, 1], [], []>, transpose_lhs_hint = false} : vector<256x768xbf16>, vector<768x768xbf16>, vector<256x768xf32> -> vector<256x768xf32>
    %get3A_8 = arith.constant 0 : index
    %get3A_9 = arith.constant 0 : index
    %get3A_10 = vector.load %arg4[%get3A_8, %get3A_9] : memref<1x768xf32, #tpu.memory_space<vmem>>, vector<1x768xf32>
    %add3A = vector.broadcast %get3A_10 : vector<1x768xf32> to vector<256x768xf32>
    %add3A_11 = arith.addf %dot_general3A_7, %add3A : vector<256x768xf32>
    %get3A_12 = arith.constant 0 : index
    %get3A_13 = arith.constant 0 : index
    %get3A_14 = vector.load %arg1[%get3A_12, %get3A_13] : memref<256x768xf32, #tpu.memory_space<vmem>>, vector<256x768xf32>
    %add3A_15 = arith.addf %add3A_11, %get3A_14 : vector<256x768xf32>
    %swap3A = arith.constant 0 : index
    %swap3A_16 = arith.constant 0 : index
    %swap3A_17 = vector.load %arg8[%swap3A, %swap3A_16] : memref<256x768xf32, #tpu.memory_space<vmem>>, vector<256x768xf32>
    tpu.vector_store %arg8[%swap3A, %swap3A_16], %add3A_15 {strides = array<i32>} : memref<256x768xf32, #tpu.memory_space<vmem>>, vector<256x768xf32>,
    %mul3A = arith.mulf %add3A_15, %add3A_15 : vector<256x768xf32>
    %reduce_sum3A = arith.constant dense<0.000000e+00> : vector<256xf32>
    %reduce_sum3A_18 = vector.multi_reduction <add>, %mul3A, %reduce_sum3A [1] : vector<256x768xf32> to vector<256xf32>
    %broadcast_in_dim3A = vector.shape_cast %reduce_sum3A_18 : vector<256xf32> to vector<256x1xf32>
    %div3A = arith.constant 7.680000e+02 : f32
    %div3A_19 = vector.broadcast %div3A : f32 to vector<256x1xf32>
    %div3A_20 = arith.divf %broadcast_in_dim3A, %div3A_19 : vector<256x1xf32>
    %add3A_21 = arith.constant 9.99999997E-7 : f32
    %add3A_22 = vector.broadcast %add3A_21 : f32 to vector<256x1xf32>
    %add3A_23 = arith.addf %div3A_20, %add3A_22 : vector<256x1xf32>
    %rsqrt3A = math.rsqrt %add3A_23 : vector<256x1xf32>
    %mul3A_24 = vector.broadcast %rsqrt3A : vector<256x1xf32> to vector<256x768xf32>
    %mul3A_25 = arith.mulf %add3A_15, %mul3A_24 : vector<256x768xf32>
    %get3A_26 = arith.constant 0 : index
    %get3A_27 = arith.constant 0 : index
    %get3A_28 = vector.load %arg5[%get3A_26, %get3A_27] : memref<1x768xf32, #tpu.memory_space<vmem>>, vector<1x768xf32>
    %mul3A_29 = vector.broadcast %get3A_28 : vector<1x768xf32> to vector<256x768xf32>
    %mul3A_30 = arith.mulf %mul3A_25, %mul3A_29 : vector<256x768xf32>
    %swap3A_31 = arith.constant 0 : index
    %swap3A_32 = arith.constant 0 : index
    %swap3A_33 = vector.load %arg9[%swap3A_31, %swap3A_32] : memref<256x768xf32, #tpu.memory_space<vmem>>, vector<256x768xf32>
    tpu.vector_store %arg9[%swap3A_31, %swap3A_32], %mul3A_30 {strides = array<i32>} : memref<256x768xf32, #tpu.memory_space<vmem>>, vector<256x768xf32>,
    %get3A_34 = arith.constant 0 : index
    %get3A_35 = arith.constant 0 : index
    %get3A_36 = vector.load %arg6[%get3A_34, %get3A_35] : memref<768x16xf32, #tpu.memory_space<vmem>>, vector<768x16xf32>
    %dot_general3A_37 = arith.constant dense<0.000000e+00> : vector<256x16xf32>
    %dot_general3A_38 = tpu.matmul %mul3A_30, %get3A_36, %dot_general3A_37 {dimension_numbers = #tpu.dot_dimension_numbers<[1], [0], [0], [1], [0, 0, 1, 1], [], []>, transpose_lhs_hint = false} : vector<256x768xf32>, vector<768x16xf32>, vector<256x16xf32> -> vector<256x16xf32>
    %get3A_39 = arith.constant 0 : index
    %get3A_40 = arith.constant 0 : index
    %get3A_41 = vector.load %arg7[%get3A_39, %get3A_40] : memref<1x16xf32, #tpu.memory_space<vmem>>, vector<1x16xf32>
    %add3A_42 = vector.broadcast %get3A_41 : vector<1x16xf32> to vector<256x16xf32>
    %add3A_43 = arith.addf %dot_general3A_38, %add3A_42 : vector<256x16xf32>
    %mul3A_44 = arith.constant 1.000000e+01 : f32
    %mul3A_45 = vector.broadcast %mul3A_44 : f32 to vector<256x16xf32>
    %mul3A_46 = arith.mulf %add3A_43, %mul3A_45 : vector<256x16xf32>
    %iota3A = tpu.iota {dimensions = array<i32: 1>} : vector<256x16xi32>
    %reduce_max3A = arith.constant dense<0xFF800000> : vector<256xf32>
    %reduce_max3A_47 = vector.multi_reduction <maximumf>, %mul3A_46, %reduce_max3A [1] : vector<256x16xf32> to vector<256xf32>
    %broadcast_in_dim3A_48 = vector.shape_cast %reduce_max3A_47 : vector<256xf32> to vector<256x1xf32>
    %eq3A_49 = vector.broadcast %broadcast_in_dim3A_48 : vector<256x1xf32> to vector<256x16xf32>
    %eq3A_50 = arith.cmpf oeq, %mul3A_46, %eq3A_49 : vector<256x16xf32>
    %jit3A = arith.constant 17 : i32
    %broadcast_in_dim3A_51 = vector.broadcast %jit3A : i32 to vector<256x16xi32>
    %select_n3A = arith.select %eq3A_50, %iota3A, %broadcast_in_dim3A_51 : vector<256x16xi1>, vector<256x16xi32>
    %reduce_min3A = arith.constant dense<2147483647> : vector<256xi32>
    %reduce_min3A_52 = vector.multi_reduction <minsi>, %select_n3A, %reduce_min3A [1] : vector<256x16xi32> to vector<256xi32>
    %broadcast_in_dim3A_53 = vector.shape_cast %reduce_min3A_52 : vector<256xi32> to vector<256x1xi32>
    %eq3A_54 = vector.broadcast %broadcast_in_dim3A_53 : vector<256x1xi32> to vector<256x16xi32>
    %eq3A_55 = arith.cmpi eq, %iota3A, %eq3A_54 : vector<256x16xi32>
    %jit3A_56 = arith.constant 0xFF800000 : f32
    %broadcast_in_dim3A_57 = vector.broadcast %jit3A_56 : f32 to vector<256x16xf32>
    %select_n3A_58 = arith.select %eq3A_55, %broadcast_in_dim3A_57, %mul3A_46 : vector<256x16xi1>, vector<256x16xf32>
    %reduce_max3A_59 = arith.constant dense<0xFF800000> : vector<256xf32>
    %reduce_max3A_60 = vector.multi_reduction <maximumf>, %select_n3A_58, %reduce_max3A_59 [1] : vector<256x16xf32> to vector<256xf32>
    %broadcast_in_dim3A_61 = vector.shape_cast %reduce_max3A_60 : vector<256xf32> to vector<256x1xf32>
    %eq3A_62 = vector.broadcast %broadcast_in_dim3A_61 : vector<256x1xf32> to vector<256x16xf32>
    %eq3A_63 = arith.cmpf oeq, %select_n3A_58, %eq3A_62 : vector<256x16xf32>
    %jit3A_64 = arith.constant 17 : i32
    %broadcast_in_dim3A_65 = vector.broadcast %jit3A_64 : i32 to vector<256x16xi32>
    %select_n3A_66 = arith.select %eq3A_63, %iota3A, %broadcast_in_dim3A_65 : vector<256x16xi1>, vector<256x16xi32>
    %reduce_min3A_67 = arith.constant dense<2147483647> : vector<256xi32>
    %reduce_min3A_68 = vector.multi_reduction <minsi>, %select_n3A_66, %reduce_min3A_67 [1] : vector<256x16xi32> to vector<256xi32>
    %broadcast_in_dim3A_69 = vector.shape_cast %reduce_min3A_68 : vector<256xi32> to vector<256x1xi32>
    %sub3A = arith.subf %broadcast_in_dim3A_61, %broadcast_in_dim3A_48 : vector<256x1xf32>
    %exp3A = math.exp %sub3A : vector<256x1xf32>
    %add3A_70 = arith.constant 1.000000e+00 : f32
    %add3A_71 = vector.broadcast %add3A_70 : f32 to vector<256x1xf32>
    %add3A_72 = arith.addf %add3A_71, %exp3A : vector<256x1xf32>
    %div3A_73 = arith.constant 1.000000e+00 : f32
    %div3A_74 = vector.broadcast %div3A_73 : f32 to vector<256x1xf32>
    %div3A_75 = arith.divf %div3A_74, %add3A_72 : vector<256x1xf32>
    %mul3A_76 = arith.mulf %exp3A, %div3A_75 : vector<256x1xf32>
    %sub3A_77 = vector.broadcast %broadcast_in_dim3A_48 : vector<256x1xf32> to vector<256x16xf32>
    %sub3A_78 = arith.subf %mul3A_46, %sub3A_77 : vector<256x16xf32>
    %exp3A_79 = math.exp %sub3A_78 : vector<256x16xf32>
    %reduce_sum3A_80 = arith.constant dense<0.000000e+00> : vector<256xf32>
    %reduce_sum3A_81 = vector.multi_reduction <add>, %exp3A_79, %reduce_sum3A_80 [1] : vector<256x16xf32> to vector<256xf32>
    %broadcast_in_dim3A_82 = vector.shape_cast %reduce_sum3A_81 : vector<256xf32> to vector<256x1xf32>
    %div3A_83 = vector.broadcast %broadcast_in_dim3A_82 : vector<256x1xf32> to vector<256x16xf32>
    %div3A_84 = arith.divf %exp3A_79, %div3A_83 : vector<256x16xf32>
    %get3A_85 = arith.constant 0 : index
    %get3A_86 = arith.constant 0 : index
    %get3A_87 = arith.constant 0 : index
    %get3A_88 = vector.load %arg17[%get3A_85, %get3A_86, %get3A_87] : memref<1x1x16xf32, #tpu.memory_space<vmem>>, vector<1x1x16xf32>
    %get3A_89 = vector.shape_cast %get3A_88 : vector<1x1x16xf32> to vector<16xf32>
    %reduce_sum3A_90 = arith.constant dense<0.000000e+00> : vector<16xf32>
    %reduce_sum3A_91 = vector.multi_reduction <add>, %div3A_84, %reduce_sum3A_90 [0] : vector<256x16xf32> to vector<16xf32>
    %add3A_92 = arith.addf %get3A_89, %reduce_sum3A_91 : vector<16xf32>
    %swap3A_93 = arith.constant 0 : index
    %swap3A_94 = arith.constant 0 : index
    %swap3A_95 = arith.constant 0 : index
    %swap3A_96 = vector.load %arg17[%swap3A_93, %swap3A_94, %swap3A_95] : memref<1x1x16xf32, #tpu.memory_space<vmem>>, vector<1x1x16xf32>
    %swap3A_97 = vector.shape_cast %swap3A_96 : vector<1x1x16xf32> to vector<16xf32>
    %swap3A_98 = vector.shape_cast %add3A_92 : vector<16xf32> to vector<1x1x16xf32>
    tpu.vector_store %arg17[%swap3A_93, %swap3A_94, %swap3A_95], %swap3A_98 {strides = array<i32>} : memref<1x1x16xf32, #tpu.memory_space<vmem>>, vector<1x1x16xf32>,
    %eq3A_99 = vector.broadcast %broadcast_in_dim3A_53 : vector<256x1xi32> to vector<256x16xi32>
    %eq3A_100 = arith.cmpi eq, %iota3A, %eq3A_99 : vector<256x16xi32>
    %convert_element_type3A_101 = arith.extui %eq3A_100 : vector<256x16xi1> to vector<256x16xi32>
    %convert_element_type3A_102 = arith.sitofp %convert_element_type3A_101 : vector<256x16xi32> to vector<256x16xf32>
    %eq3A_103 = vector.broadcast %broadcast_in_dim3A_69 : vector<256x1xi32> to vector<256x16xi32>
    %eq3A_104 = arith.cmpi eq, %iota3A, %eq3A_103 : vector<256x16xi32>
    %convert_element_type3A_105 = arith.extui %eq3A_104 : vector<256x16xi1> to vector<256x16xi32>
    %convert_element_type3A_106 = arith.sitofp %convert_element_type3A_105 : vector<256x16xi32> to vector<256x16xf32>
    %add3A_107 = arith.addf %convert_element_type3A_102, %convert_element_type3A_106 : vector<256x16xf32>
    %iota3A_108 = tpu.iota {dimensions = array<i32: 0>} : vector<256x256xi32>
    %iota3A_109 = tpu.iota {dimensions = array<i32: 1>} : vector<256x256xi32>
    %lt3A = arith.cmpi slt, %iota3A_109, %iota3A_108 : vector<256x256xi32>
    %convert_element_type3A_110 = arith.extui %lt3A : vector<256x256xi1> to vector<256x256xi32>
    %convert_element_type3A_111 = arith.sitofp %convert_element_type3A_110 : vector<256x256xi32> to vector<256x256xf32>
    %get3A_112 = arith.constant 0 : index
    %get3A_113 = arith.constant 0 : index
    %get3A_114 = arith.constant 0 : index
    %get3A_115 = vector.load %arg16[%get3A_112, %get3A_113, %get3A_114] : memref<1x1x16xf32, #tpu.memory_space<vmem>>, vector<1x1x16xf32>
    %get3A_116 = vector.shape_cast %get3A_115 : vector<1x1x16xf32> to vector<16xf32>
    %broadcast_in_dim3A_117 = vector.shape_cast %get3A_116 : vector<16xf32> to vector<1x16xf32>
    %dot_general3A_118 = arith.constant dense<0.000000e+00> : vector<256x16xf32>
    %dot_general3A_119 = tpu.matmul %convert_element_type3A_111, %add3A_107, %dot_general3A_118 {dimension_numbers = #tpu.dot_dimension_numbers<[1], [0], [0], [1], [0, 0, 1, 1], [], []>, transpose_lhs_hint = false} : vector<256x256xf32>, vector<256x16xf32>, vector<256x16xf32> -> vector<256x16xf32>
    %add3A_120 = vector.broadcast %broadcast_in_dim3A_117 : vector<1x16xf32> to vector<256x16xf32>
    %add3A_121 = arith.addf %add3A_120, %dot_general3A_119 : vector<256x16xf32>
    %reduce_sum3A_122 = arith.constant dense<0.000000e+00> : vector<16xf32>
    %reduce_sum3A_123 = vector.multi_reduction <add>, %add3A_107, %reduce_sum3A_122 [0] : vector<256x16xf32> to vector<16xf32>
    %add3A_124 = arith.addf %get3A_116, %reduce_sum3A_123 : vector<16xf32>
    %swap3A_125 = arith.constant 0 : index
    %swap3A_126 = arith.constant 0 : index
    %swap3A_127 = arith.constant 0 : index
    %swap3A_128 = vector.load %arg16[%swap3A_125, %swap3A_126, %swap3A_127] : memref<1x1x16xf32, #tpu.memory_space<vmem>>, vector<1x1x16xf32>
    %swap3A_129 = vector.shape_cast %swap3A_128 : vector<1x1x16xf32> to vector<16xf32>
    %swap3A_130 = vector.shape_cast %add3A_124 : vector<16xf32> to vector<1x1x16xf32>
    tpu.vector_store %arg16[%swap3A_125, %swap3A_126, %swap3A_127], %swap3A_130 {strides = array<i32>} : memref<1x1x16xf32, #tpu.memory_space<vmem>>, vector<1x1x16xf32>,
    %eq3A_131 = vector.broadcast %broadcast_in_dim3A_53 : vector<256x1xi32> to vector<256x16xi32>
    %eq3A_132 = arith.cmpi eq, %iota3A, %eq3A_131 : vector<256x16xi32>
    %jit3A_133 = arith.constant 0.000000e+00 : f32
    %broadcast_in_dim3A_134 = vector.broadcast %jit3A_133 : f32 to vector<256x16xf32>
    %select_n3A_135 = arith.select %eq3A_132, %add3A_121, %broadcast_in_dim3A_134 : vector<256x16xi1>, vector<256x16xf32>
    %reduce_sum3A_136 = arith.constant dense<0.000000e+00> : vector<256xf32>
    %reduce_sum3A_137 = vector.multi_reduction <add>, %select_n3A_135, %reduce_sum3A_136 [1] : vector<256x16xf32> to vector<256xf32>
    %eq3A_138 = vector.broadcast %broadcast_in_dim3A_69 : vector<256x1xi32> to vector<256x16xi32>
    %eq3A_139 = arith.cmpi eq, %iota3A, %eq3A_138 : vector<256x16xi32>
    %jit3A_140 = arith.constant 0.000000e+00 : f32
    %broadcast_in_dim3A_141 = vector.broadcast %jit3A_140 : f32 to vector<256x16xf32>
    %select_n3A_142 = arith.select %eq3A_139, %add3A_121, %broadcast_in_dim3A_141 : vector<256x16xi1>, vector<256x16xf32>
    %reduce_sum3A_143 = arith.constant dense<0.000000e+00> : vector<256xf32>
    %reduce_sum3A_144 = vector.multi_reduction <add>, %select_n3A_142, %reduce_sum3A_143 [1] : vector<256x16xf32> to vector<256xf32>
    %squeeze3A = vector.shape_cast %broadcast_in_dim3A_53 : vector<256x1xi32> to vector<256xi32>
    %reshape3A = vector.shape_cast %squeeze3A : vector<256xi32> to vector<1x1x256xi32>
    %swap3A_145 = arith.constant 0 : index
    %swap3A_146 = arith.constant 0 : index
    %swap3A_147 = arith.constant 0 : index
    %swap3A_148 = vector.load %arg10[%swap3A_145, %swap3A_146, %swap3A_147] : memref<1x1x256xi32, #tpu.memory_space<vmem>>, vector<1x1x256xi32>
    tpu.vector_store %arg10[%swap3A_145, %swap3A_146, %swap3A_147], %reshape3A {strides = array<i32>} : memref<1x1x256xi32, #tpu.memory_space<vmem>>, vector<1x1x256xi32>,
    %squeeze3A_149 = vector.shape_cast %broadcast_in_dim3A_69 : vector<256x1xi32> to vector<256xi32>
    %reshape3A_150 = vector.shape_cast %squeeze3A_149 : vector<256xi32> to vector<1x1x256xi32>
    %swap3A_151 = arith.constant 0 : index
    %swap3A_152 = arith.constant 0 : index
    %swap3A_153 = arith.constant 0 : index
    %swap3A_154 = vector.load %arg11[%swap3A_151, %swap3A_152, %swap3A_153] : memref<1x1x256xi32, #tpu.memory_space<vmem>>, vector<1x1x256xi32>
    tpu.vector_store %arg11[%swap3A_151, %swap3A_152, %swap3A_153], %reshape3A_150 {strides = array<i32>} : memref<1x1x256xi32, #tpu.memory_space<vmem>>, vector<1x1x256xi32>,
    %convert_element_type3A_155 = arith.fptosi %reduce_sum3A_137 : vector<256xf32> to vector<256xi32>
    %reshape3A_156 = vector.shape_cast %convert_element_type3A_155 : vector<256xi32> to vector<1x1x256xi32>
    %swap3A_157 = arith.constant 0 : index
    %swap3A_158 = arith.constant 0 : index
    %swap3A_159 = arith.constant 0 : index
    %swap3A_160 = vector.load %arg12[%swap3A_157, %swap3A_158, %swap3A_159] : memref<1x1x256xi32, #tpu.memory_space<vmem>>, vector<1x1x256xi32>
    tpu.vector_store %arg12[%swap3A_157, %swap3A_158, %swap3A_159], %reshape3A_156 {strides = array<i32>} : memref<1x1x256xi32, #tpu.memory_space<vmem>>, vector<1x1x256xi32>,
    %convert_element_type3A_161 = arith.fptosi %reduce_sum3A_144 : vector<256xf32> to vector<256xi32>
    %reshape3A_162 = vector.shape_cast %convert_element_type3A_161 : vector<256xi32> to vector<1x1x256xi32>
    %swap3A_163 = arith.constant 0 : index
    %swap3A_164 = arith.constant 0 : index
    %swap3A_165 = arith.constant 0 : index
    %swap3A_166 = vector.load %arg13[%swap3A_163, %swap3A_164, %swap3A_165] : memref<1x1x256xi32, #tpu.memory_space<vmem>>, vector<1x1x256xi32>
    tpu.vector_store %arg13[%swap3A_163, %swap3A_164, %swap3A_165], %reshape3A_162 {strides = array<i32>} : memref<1x1x256xi32, #tpu.memory_space<vmem>>, vector<1x1x256xi32>,
    %squeeze3A_167 = vector.shape_cast %div3A_75 : vector<256x1xf32> to vector<256xf32>
    %reshape3A_168 = vector.shape_cast %squeeze3A_167 : vector<256xf32> to vector<1x1x256xf32>
    %swap3A_169 = arith.constant 0 : index
    %swap3A_170 = arith.constant 0 : index
    %swap3A_171 = arith.constant 0 : index
    %swap3A_172 = vector.load %arg14[%swap3A_169, %swap3A_170, %swap3A_171] : memref<1x1x256xf32, #tpu.memory_space<vmem>>, vector<1x1x256xf32>
    tpu.vector_store %arg14[%swap3A_169, %swap3A_170, %swap3A_171], %reshape3A_168 {strides = array<i32>} : memref<1x1x256xf32, #tpu.memory_space<vmem>>, vector<1x1x256xf32>,
    %squeeze3A_173 = vector.shape_cast %mul3A_76 : vector<256x1xf32> to vector<256xf32>
    %reshape3A_174 = vector.shape_cast %squeeze3A_173 : vector<256xf32> to vector<1x1x256xf32>
    %swap3A_175 = arith.constant 0 : index
    %swap3A_176 = arith.constant 0 : index
    %swap3A_177 = arith.constant 0 : index
    %swap3A_178 = vector.load %arg15[%swap3A_175, %swap3A_176, %swap3A_177] : memref<1x1x256xf32, #tpu.memory_space<vmem>>, vector<1x1x256xf32>
    tpu.vector_store %arg15[%swap3A_175, %swap3A_176, %swap3A_177], %reshape3A_174 {strides = array<i32>} : memref<1x1x256xf32, #tpu.memory_space<vmem>>, vector<1x1x256xf32>,
    return
  }
  func.func @transform_0(%arg0: i32) -> (i32, i32) {
    %c0_i32 = arith.constant 0 : i32
    %c0_i32_0 = arith.constant 0 : i32
    return %arg0, %c0_i32 : i32, i32
  }
  func.func @transform_1(%arg0: i32) -> (i32, i32) {
    %c0_i32 = arith.constant 0 : i32
    %c0_i32_0 = arith.constant 0 : i32
    return %arg0, %c0_i32 : i32, i32
  }
  func.func @transform_2(%arg0: i32) -> (i32, i32) {
    %c0_i32 = arith.constant 0 : i32
    %c0_i32_0 = arith.constant 0 : i32
    %c0_i32_1 = arith.constant 0 : i32
    return %c0_i32, %c0_i32_0 : i32, i32
  }
  func.func @transform_3(%arg0: i32) -> (i32, i32) {
    %c0_i32 = arith.constant 0 : i32
    %c0_i32_0 = arith.constant 0 : i32
    %c0_i32_1 = arith.constant 0 : i32
    return %c0_i32, %c0_i32_0 : i32, i32
  }
  func.func @transform_4(%arg0: i32) -> (i32, i32) {
    %c0_i32 = arith.constant 0 : i32
    %c0_i32_0 = arith.constant 0 : i32
    %c0_i32_1 = arith.constant 0 : i32
    return %c0_i32, %c0_i32_0 : i32, i32
  }
  func.func @transform_5(%arg0: i32) -> (i32, i32) {
    %c0_i32 = arith.constant 0 : i32
    %c0_i32_0 = arith.constant 0 : i32
    %c0_i32_1 = arith.constant 0 : i32
    return %c0_i32, %c0_i32_0 : i32, i32
  }
  func.func @transform_6(%arg0: i32) -> (i32, i32) {
    %c0_i32 = arith.constant 0 : i32
    %c0_i32_0 = arith.constant 0 : i32
    %c0_i32_1 = arith.constant 0 : i32
    return %c0_i32, %c0_i32_0 : i32, i32
  }
  func.func @transform_7(%arg0: i32) -> (i32, i32) {
    %c0_i32 = arith.constant 0 : i32
    %c0_i32_0 = arith.constant 0 : i32
    return %arg0, %c0_i32 : i32, i32
  }
  func.func @transform_8(%arg0: i32) -> (i32, i32) {
    %c0_i32 = arith.constant 0 : i32
    %c0_i32_0 = arith.constant 0 : i32
    return %arg0, %c0_i32 : i32, i32
  }
  func.func @transform_9(%arg0: i32) -> (i32, i32, i32) {
    %c0_i32 = arith.constant 0 : i32
    %c0_i32_0 = arith.constant 0 : i32
    %c0_i32_1 = arith.constant 0 : i32
    return %arg0, %c0_i32, %c0_i32_0 : i32, i32, i32
  }
  func.func @transform_10(%arg0: i32) -> (i32, i32, i32) {
    %c0_i32 = arith.constant 0 : i32
    %c0_i32_0 = arith.constant 0 : i32
    %c0_i32_1 = arith.constant 0 : i32
    return %arg0, %c0_i32, %c0_i32_0 : i32, i32, i32
  }
  func.func @transform_11(%arg0: i32) -> (i32, i32, i32) {
    %c0_i32 = arith.constant 0 : i32
    %c0_i32_0 = arith.constant 0 : i32
    %c0_i32_1 = arith.constant 0 : i32
    return %arg0, %c0_i32, %c0_i32_0 : i32, i32, i32
  }
  func.func @transform_12(%arg0: i32) -> (i32, i32, i32) {
    %c0_i32 = arith.constant 0 : i32
    %c0_i32_0 = arith.constant 0 : i32
    %c0_i32_1 = arith.constant 0 : i32
    return %arg0, %c0_i32, %c0_i32_0 : i32, i32, i32
  }
  func.func @transform_13(%arg0: i32) -> (i32, i32, i32) {
    %c0_i32 = arith.constant 0 : i32
    %c0_i32_0 = arith.constant 0 : i32
    %c0_i32_1 = arith.constant 0 : i32
    return %arg0, %c0_i32, %c0_i32_0 : i32, i32, i32
  }
  func.func @transform_14(%arg0: i32) -> (i32, i32, i32) {
    %c0_i32 = arith.constant 0 : i32
    %c0_i32_0 = arith.constant 0 : i32
    %c0_i32_1 = arith.constant 0 : i32
    return %arg0, %c0_i32, %c0_i32_0 : i32, i32, i32
  }
  func.func @transform_15(%arg0: i32) -> (i32, i32, i32) {
    %c0_i32 = arith.constant 0 : i32
    %c0_i32_0 = arith.constant 0 : i32
    %c0_i32_1 = arith.constant 0 : i32
    %c0_i32_2 = arith.constant 0 : i32
    return %c0_i32, %c0_i32_0, %c0_i32_1 : i32, i32, i32
  }
  func.func @transform_16(%arg0: i32) -> (i32, i32, i32) {
    %c0_i32 = arith.constant 0 : i32
    %c0_i32_0 = arith.constant 0 : i32
    %c0_i32_1 = arith.constant 0 : i32
    %c0_i32_2 = arith.constant 0 : i32
    return %c0_i32, %c0_i32_0, %c0_i32_1 : i32, i32, i32
  }
}

module attributes {stable_mosaic.version = 14 : i64} {
  func.func @_ffn_body(%arg0: i32, %arg1: memref<80xi32, #tpu.memory_space<smem>>, %arg2: memref<64x768xf32, #tpu.memory_space<vmem>>, %arg3: memref<1x768x512xf32, #tpu.memory_space<vmem>>, %arg4: memref<1x1x512xf32, #tpu.memory_space<vmem>>, %arg5: memref<1x512x768xf32, #tpu.memory_space<vmem>>, %arg6: memref<1x1x768xf32, #tpu.memory_space<vmem>>, %arg7: memref<64x768xf32, #tpu.memory_space<vmem>>, %arg8: memref<768x512xbf16, #tpu.memory_space<vmem>>, %arg9: memref<512x768xbf16, #tpu.memory_space<vmem>>) attributes {dimension_semantics = [#tpu.dimension_semantics<arbitrary>], iteration_bounds = array<i64: 80>, scalar_prefetch = 1 : i64, scratch_operands = 2 : i64, tpu.core_type = #tpu.core_type<tc>, window_params = [{transform_indices = @transform_0, window_bounds = array<i64: 64, 768>}, {transform_indices = @transform_1, window_bounds = array<i64: 1, 768, 512>}, {transform_indices = @transform_2, window_bounds = array<i64: 1, 1, 512>}, {transform_indices = @transform_3, window_bounds = array<i64: 1, 512, 768>}, {transform_indices = @transform_4, window_bounds = array<i64: 1, 1, 768>}, {transform_indices = @transform_5, window_bounds = array<i64: 64, 768>}]} {
    %eq3A = arith.constant 0 : i32
    %eq3A_0 = arith.cmpi eq, %arg0, %eq3A : i32
    %get3A = arith.index_cast %arg0 : i32 to index
    %get3A_1 = memref.load %arg1[%get3A] : memref<80xi32, #tpu.memory_space<smem>>
    %sub3A = arith.constant 1 : i32
    %sub3A_2 = arith.subi %arg0, %sub3A : i32
    %max3A = arith.constant 0 : i32
    %max3A_3 = arith.maxsi %sub3A_2, %max3A : i32
    %get3A_4 = arith.index_cast %max3A_3 : i32 to index
    %get3A_5 = memref.load %arg1[%get3A_4] : memref<80xi32, #tpu.memory_space<smem>>
    %ne3A = arith.cmpi ne, %get3A_1, %get3A_5 : i32
    %or3A = arith.ori %eq3A_0, %ne3A : i1
    %convert_element_type3A = arith.extui %or3A : i1 to i32
    %cond3A = arith.constant 0 : i32
    %cond3A_6 = arith.cmpi ne, %convert_element_type3A, %cond3A : i32
    scf.if %cond3A_6 {
      %get3A_41 = arith.constant 0 : index
      %get3A_42 = arith.constant 0 : index
      %get3A_43 = arith.constant 0 : index
      %get3A_44 = vector.load %arg3[%get3A_41, %get3A_42, %get3A_43] : memref<1x768x512xf32, #tpu.memory_space<vmem>>, vector<1x768x512xf32>
      %get3A_45 = vector.shape_cast %get3A_44 : vector<1x768x512xf32> to vector<768x512xf32>
      %convert_element_type3A_46 = arith.truncf %get3A_45 : vector<768x512xf32> to vector<768x512xbf16>
      %swap3A_47 = arith.constant 0 : index
      %swap3A_48 = arith.constant 0 : index
      %swap3A_49 = vector.load %arg8[%swap3A_47, %swap3A_48] : memref<768x512xbf16, #tpu.memory_space<vmem>>, vector<768x512xbf16>
      tpu.vector_store %arg8[%swap3A_47, %swap3A_48], %convert_element_type3A_46 {strides = array<i32>} : memref<768x512xbf16, #tpu.memory_space<vmem>>, vector<768x512xbf16>,
      %get3A_50 = arith.constant 0 : index
      %get3A_51 = arith.constant 0 : index
      %get3A_52 = arith.constant 0 : index
      %get3A_53 = vector.load %arg5[%get3A_50, %get3A_51, %get3A_52] : memref<1x512x768xf32, #tpu.memory_space<vmem>>, vector<1x512x768xf32>
      %get3A_54 = vector.shape_cast %get3A_53 : vector<1x512x768xf32> to vector<512x768xf32>
      %convert_element_type3A_55 = arith.truncf %get3A_54 : vector<512x768xf32> to vector<512x768xbf16>
      %swap3A_56 = arith.constant 0 : index
      %swap3A_57 = arith.constant 0 : index
      %swap3A_58 = vector.load %arg9[%swap3A_56, %swap3A_57] : memref<512x768xbf16, #tpu.memory_space<vmem>>, vector<512x768xbf16>
      tpu.vector_store %arg9[%swap3A_56, %swap3A_57], %convert_element_type3A_55 {strides = array<i32>} : memref<512x768xbf16, #tpu.memory_space<vmem>>, vector<512x768xbf16>,
    } else {
    }
    %get3A_7 = arith.constant 0 : index
    %get3A_8 = arith.constant 0 : index
    %get3A_9 = vector.load %arg2[%get3A_7, %get3A_8] : memref<64x768xf32, #tpu.memory_space<vmem>>, vector<64x768xf32>
    %convert_element_type3A_10 = arith.truncf %get3A_9 : vector<64x768xf32> to vector<64x768xbf16>
    %get3A_11 = arith.constant 0 : index
    %get3A_12 = arith.constant 0 : index
    %get3A_13 = vector.load %arg8[%get3A_11, %get3A_12] : memref<768x512xbf16, #tpu.memory_space<vmem>>, vector<768x512xbf16>
    %dot_general3A = arith.constant dense<0.000000e+00> : vector<64x512xf32>
    %dot_general3A_14 = tpu.matmul %convert_element_type3A_10, %get3A_13, %dot_general3A {dimension_numbers = #tpu.dot_dimension_numbers<[1], [0], [0], [1], [0, 0, 1, 1], [], []>, transpose_lhs_hint = false} : vector<64x768xbf16>, vector<768x512xbf16>, vector<64x512xf32> -> vector<64x512xf32>
    %get3A_15 = arith.constant 0 : index
    %get3A_16 = arith.constant 0 : index
    %get3A_17 = arith.constant 0 : index
    %get3A_18 = vector.load %arg4[%get3A_15, %get3A_16, %get3A_17] : memref<1x1x512xf32, #tpu.memory_space<vmem>>, vector<1x1x512xf32>
    %get3A_19 = vector.shape_cast %get3A_18 : vector<1x1x512xf32> to vector<1x512xf32>
    %add3A = vector.broadcast %get3A_19 : vector<1x512xf32> to vector<64x512xf32>
    %add3A_20 = arith.addf %dot_general3A_14, %add3A : vector<64x512xf32>
    %logistic3A = arith.negf %add3A_20 : vector<64x512xf32>
    %logistic3A_21 = math.exp %logistic3A : vector<64x512xf32>
    %logistic3A_22 = arith.constant 1.000000e+00 : f32
    %logistic3A_23 = vector.broadcast %logistic3A_22 : f32 to vector<64x512xf32>
    %logistic3A_24 = arith.addf %logistic3A_23, %logistic3A_21 : vector<64x512xf32>
    %logistic3A_25 = arith.divf %logistic3A_23, %logistic3A_24 : vector<64x512xf32>
    %mul3A = arith.mulf %add3A_20, %logistic3A_25 : vector<64x512xf32>
    %convert_element_type3A_26 = arith.truncf %mul3A : vector<64x512xf32> to vector<64x512xbf16>
    %get3A_27 = arith.constant 0 : index
    %get3A_28 = arith.constant 0 : index
    %get3A_29 = vector.load %arg9[%get3A_27, %get3A_28] : memref<512x768xbf16, #tpu.memory_space<vmem>>, vector<512x768xbf16>
    %dot_general3A_30 = arith.constant dense<0.000000e+00> : vector<64x768xf32>
    %dot_general3A_31 = tpu.matmul %convert_element_type3A_26, %get3A_29, %dot_general3A_30 {dimension_numbers = #tpu.dot_dimension_numbers<[1], [0], [0], [1], [0, 0, 1, 1], [], []>, transpose_lhs_hint = false} : vector<64x512xbf16>, vector<512x768xbf16>, vector<64x768xf32> -> vector<64x768xf32>
    %get3A_32 = arith.constant 0 : index
    %get3A_33 = arith.constant 0 : index
    %get3A_34 = arith.constant 0 : index
    %get3A_35 = vector.load %arg6[%get3A_32, %get3A_33, %get3A_34] : memref<1x1x768xf32, #tpu.memory_space<vmem>>, vector<1x1x768xf32>
    %get3A_36 = vector.shape_cast %get3A_35 : vector<1x1x768xf32> to vector<1x768xf32>
    %add3A_37 = vector.broadcast %get3A_36 : vector<1x768xf32> to vector<64x768xf32>
    %add3A_38 = arith.addf %dot_general3A_31, %add3A_37 : vector<64x768xf32>
    %swap3A = arith.constant 0 : index
    %swap3A_39 = arith.constant 0 : index
    %swap3A_40 = vector.load %arg7[%swap3A, %swap3A_39] : memref<64x768xf32, #tpu.memory_space<vmem>>, vector<64x768xf32>
    tpu.vector_store %arg7[%swap3A, %swap3A_39], %add3A_38 {strides = array<i32>} : memref<64x768xf32, #tpu.memory_space<vmem>>, vector<64x768xf32>,
    return
  }
  func.func @transform_0(%arg0: i32, %arg1: memref<80xi32, #tpu.memory_space<smem>>) -> (i32, i32) {
    %c0_i32 = arith.constant 0 : i32
    %c0_i32_0 = arith.constant 0 : i32
    return %arg0, %c0_i32 : i32, i32
  }
  func.func @transform_1(%arg0: i32, %arg1: memref<80xi32, #tpu.memory_space<smem>>) -> (i32, i32, i32) {
    %get3A = arith.index_cast %arg0 : i32 to index
    %get3A_0 = memref.load %arg1[%get3A] : memref<80xi32, #tpu.memory_space<smem>>
    %c0_i32 = arith.constant 0 : i32
    %c0_i32_1 = arith.constant 0 : i32
    %c0_i32_2 = arith.constant 0 : i32
    return %get3A_0, %c0_i32, %c0_i32_1 : i32, i32, i32
  }
  func.func @transform_2(%arg0: i32, %arg1: memref<80xi32, #tpu.memory_space<smem>>) -> (i32, i32, i32) {
    %get3A = arith.index_cast %arg0 : i32 to index
    %get3A_0 = memref.load %arg1[%get3A] : memref<80xi32, #tpu.memory_space<smem>>
    %c0_i32 = arith.constant 0 : i32
    %c0_i32_1 = arith.constant 0 : i32
    %c0_i32_2 = arith.constant 0 : i32
    return %get3A_0, %c0_i32, %c0_i32_1 : i32, i32, i32
  }
  func.func @transform_3(%arg0: i32, %arg1: memref<80xi32, #tpu.memory_space<smem>>) -> (i32, i32, i32) {
    %get3A = arith.index_cast %arg0 : i32 to index
    %get3A_0 = memref.load %arg1[%get3A] : memref<80xi32, #tpu.memory_space<smem>>
    %c0_i32 = arith.constant 0 : i32
    %c0_i32_1 = arith.constant 0 : i32
    %c0_i32_2 = arith.constant 0 : i32
    return %get3A_0, %c0_i32, %c0_i32_1 : i32, i32, i32
  }
  func.func @transform_4(%arg0: i32, %arg1: memref<80xi32, #tpu.memory_space<smem>>) -> (i32, i32, i32) {
    %get3A = arith.index_cast %arg0 : i32 to index
    %get3A_0 = memref.load %arg1[%get3A] : memref<80xi32, #tpu.memory_space<smem>>
    %c0_i32 = arith.constant 0 : i32
    %c0_i32_1 = arith.constant 0 : i32
    %c0_i32_2 = arith.constant 0 : i32
    return %get3A_0, %c0_i32, %c0_i32_1 : i32, i32, i32
  }
  func.func @transform_5(%arg0: i32, %arg1: memref<80xi32, #tpu.memory_space<smem>>) -> (i32, i32) {
    %c0_i32 = arith.constant 0 : i32
    %c0_i32_0 = arith.constant 0 : i32
    return %arg0, %c0_i32 : i32, i32
  }
}

</mosaic_0001>

<sc_bundles>
// kernel: kernel.11.cloned.1.call-start
scs
__scs_entry_jumppad:
0x0: {  	(pc) =	sbr.rel $0x88, $3  }
0x1: {  	(tag) =	ssettag $0x0;
	lr =	simm.s32 $0x1  }
0x2: {  	[smem:$0x3F8F] =	sst lr;
	_ =	strace $0xD0000000  }
0x3: {  	_ = 	snop  }
0x4: {  	_ = 	snop  }
0x5: {  	_ = 	snop  }
0x6: {  	_ = 	snop  }
0x7: {  	_ = 	snop  }
__scs_overlays_trampoline_lowered:
0x8: {  	[smem:$0x3F9E] =	sst s0  }
0x9: {  	[smem:$0x3F9F] =	sst s1  }
0xa: {  	[smem:$0x3FA0] =	sst s2  }
0xb: {  	[smem:$0x3FA1] =	sst s3  }
0xc: {  	[smem:$0x3FA2] =	sst s4  }
0xd: {  	[smem:$0x3FA3] =	sst s5  }
0xe: {  	[smem:$0x3FA4] =	sst s6  }
0xf: {  	[smem:$0x3FA5] =	sst s7  }
0x10: {  	[smem:$0x3FA6] =	sst s8  }
0x11: {  	[smem:$0x3FA7] =	sst s9;
	s0 =	simm.s32 @!p0 $0x0  }
0x12: {  	s1 =	sld [smem:$0x3F8D];
	s0 =	simm.s32 @p0 $0x1  }
0x13: {  	[smem:$0x3FA8] =	sst s0;
	s0 =	simm.s32 @!p1 $0x0  }
0x14: {  	s2 =	sld [smem:$0x3F8C];
	s0 =	simm.s32 @p1 $0x1  }
0x15: {  	[smem:$0x3FA9] =	sst s0;
	s0 =	simm.s32 @!p2 $0x0  }
0x16: {  	s3 =	sld [smem:$0x3FDB];
	s0 =	simm.s32 @p2 $0x1  }
0x17: {  	s4 =	simm.s32 $0x1BF5;
	[smem:$0x3FAB] =	sst s0  }
0x18: {  	s0 =	sld [smem:$0x3F8E];
	_ =	swait.ge [sflag:s4], $0x0  }
0x19: {  	s7 =	sld [smem:$0x3F8F]  }
0x1a: {  	s8 =	sadd.s32 $0xFFFFE003, lr  }
0x1b: {  	s9 =	sadd.s32 $0xFFFFFEF7, lr;
	s5 =	simm.s32 $0xFFFFFFFF;
	p2 =	slt.u32 s8, $0xFFFFF086  }
0x1c: {  	p1 =	slt.u32 s9, $0xF7A;
	s5 =	simm.s32 @!p2 $0x0  }
0x1d: {  	s5 =	simm.s32 @p1 $0x1;
	p0 =	seq.s32 s7, s2  }
0x1e: {  	s7 =	smul.u32 @!p0 $0xF7A, s2;
	p2 =	seq.s32 @!p0 s5, $0x0  }
0x1f: {  	s9 =	smul.u32 $0xF7A, s1;
	s8 =	simm.s32 @!p0 $0x1BF5;
	p2 =	por !p2, p0  }
0x20: {  	[sflag:s8] =	ssyncset.s32 @!p0 $0xFFFFF086;
	s6 =	sadd.s32 @!p0 s3, s7;
	s7 =	simm.s32 @!p0 $0x108  }
0x21: {  	s3 =	sadd.s32 s3, s9;
	s6 =	sadd.s32 @!p0 $0x88, s6;
	s7 =	simm.s32 @p2 $0x1082  }
0x22: {  	[simem:s7], [sflag:s8] =	dma.local @!p0 [hbm:s6], $0xF7A  }
0x23: {  	s9 =	sor.u32 $0xD0000000, s2;
	s6 =	simm.s32 $0x108;
	_ =	swait.ge @!p0 [sflag:s8], $0x0  }
0x24: {  	s3 =	sadd.s32 $0x88, s3;
	s6 =	simm.s32 @!p1 $0x1082;
	[sflag:s4] =	ssyncset.s32 $0xFFFFF086  }
0x25: {  	[simem:s6], [sflag:s4] =	dma.local [hbm:s3], $0xF7A  }
0x26: {  	[smem:$0x3F8F] =	sst s1;
	(tag) =	ssettag s2;
	_ =	strace s9  }
0x27: {  	s1 =	sld [smem:$0x3F9F]  }
0x28: {  	s2 =	sld [smem:$0x3FA0]  }
0x29: {  	s4 =	sld [smem:$0x3FA2]  }
0x2a: {  	p0 =	seq.s32 s5, $0x0;
	s5 =	sld [smem:$0x3FA3]  }
0x2b: {  	s6 =	sld [smem:$0x3FA4]  }
0x2c: {  	s7 =	sld [smem:$0x3FA5]  }
0x2d: {  	s3 =	simm.s32 $0x108;
	s8 =	sld [smem:$0x3FA6]  }
0x2e: {  	s3 =	simm.s32 @!p0 $0x1082;
	s9 =	sld [smem:$0x3FA7]  }
0x2f: {  	lr =	sadd.s32 s0, s3;
	s0 =	sld [smem:$0x3F9E]  }
0x30: {  	s3 =	sld [smem:$0x3FA1]  }
0x31: {  	[smem:$0x3FAA] =	sst s10  }
0x32: {  	s10 =	sld [smem:$0x3FA8];
	_ =	sdelay $0x3  }
0x33: {  	p0 =	seq.s32 s10, $0x1;
	s10 =	sld [smem:$0x3FAA];
	_ =	sdelay $0x3  }
0x34: {  	[smem:$0x3FAA] =	sst s10  }
0x35: {  	s10 =	sld [smem:$0x3FA9];
	_ =	sdelay $0x3  }
0x36: {  	p1 =	seq.s32 s10, $0x1;
	s10 =	sld [smem:$0x3FAA];
	_ =	sdelay $0x3  }
0x37: {  	[smem:$0x3FAA] =	sst s10  }
0x38: {  	s10 =	sld [smem:$0x3FAB]  }
0x39: {  	_ = 	snop;
	(pc) =	sbr.ind lr, $3  }
0x3a: {  	_ = 	snop  }
0x3b: {  	_ = 	snop  }
0x3c: {  	p2 =	seq.s32 s10, $0x1;
	s10 =	sld [smem:$0x3FAA]  }
0x3d: {  	_ =	shalt  }
0x3e: {  	_ =	shalt  }
0x3f: {  	_ =	shalt  }
0x40: {  	_ =	shalt  }
0x41: {  	_ =	shalt  }
0x42: {  	_ =	shalt  }
0x43: {  	_ =	shalt  }
0x44: {  	_ =	shalt  }
0x45: {  	_ =	shalt  }
0x46: {  	_ =	shalt  }
0x47: {  	_ =	shalt  }
0x48: {  	_ =	shalt  }
0x49: {  	_ =	shalt  }
0x4a: {  	_ =	shalt  }
0x4b: {  	_ =	shalt  }
0x4c: {  	_ =	shalt  }
0x4d: {  	_ =	shalt  }
0x4e: {  	_ =	shalt  }
0x4f: {  	_ =	shalt  }
0x50: {  	_ =	shalt  }
0x51: {  	_ =	shalt  }
0x52: {  	_ =	shalt  }
0x53: {  	_ =	shalt  }
0x54: {  	_ =	shalt  }
0x55: {  	_ =	shalt  }
0x56: {  	_ =	shalt  }
0x57: {  	_ =	shalt  }
0x58: {  	_ =	shalt  }
0x59: {  	_ =	shalt  }
0x5a: {  	_ =	shalt  }
0x5b: {  	_ =	shalt  }
0x5c: {  	_ =	shalt  }
0x5d: {  	_ =	shalt  }
0x5e: {  	_ =	shalt  }
0x5f: {  	_ =	shalt  }
0x60: {  	_ =	shalt  }
0x61: {  	_ =	shalt  }
0x62: {  	_ =	shalt  }
0x63: {  	_ =	shalt  }
0x64: {  	_ =	shalt  }
0x65: {  	_ =	shalt  }
0x66: {  	_ =	shalt  }
0x67: {  	_ =	shalt  }
0x68: {  	_ =	shalt  }
0x69: {  	_ =	shalt  }
0x6a: {  	_ =	shalt  }
0x6b: {  	_ =	shalt  }
0x6c: {  	_ =	shalt  }
0x6d: {  	_ =	shalt  }
0x6e: {  	_ =	shalt  }
0x6f: {  	_ =	shalt  }
0x70: {  	_ =	shalt  }
0x71: {  	_ =	shalt  }
0x72: {  	_ =	shalt  }
0x73: {  	_ =	shalt  }
0x74: {  	_ =	shalt  }
0x75: {  	_ =	shalt  }
0x76: {  	_ =	shalt  }
0x77: {  	_ =	shalt  }
0x78: {  	_ =	shalt  }
0x79: {  	_ =	shalt  }
0x7a: {  	_ =	shalt  }
0x7b: {  	_ =	shalt  }
0x7c: {  	_ =	shalt  }
0x7d: {  	_ =	shalt  }
0x7e: {  	_ =	shalt  }
0x7f: {  	_ =	shalt  }
0x80: {  	_ =	shalt  }
0x81: {  	_ =	shalt  }
0x82: {  	_ =	shalt  }
0x83: {  	_ =	shalt  }
0x84: {  	_ =	shalt  }
0x85: {  	_ =	shalt  }
0x86: {  	_ =	shalt  }
0x87: {  	_ =	shalt  }
.Lfunc_end0:
.L_simem_size_0:
called_computation.1_lowered:
.L_overlay_start_0:
0x88: {  	s2 =	sld [smem:$0x3FD9]  }
0x89: {  	s3 =	sld [smem:$0x3FFE];
	_ =	sdelay $0x1  }
0x8a: {  	s1 =	srdreg.scid  }
0x8b: {  	s0 =	sand.u32 $0x1, s1  }
0x8c: {  	s14 =	sshll.u32 s0, $0xA;
	s2 =	sadd.s32 s3, s2  }
0x8d: {  	s2 =	sadd.s32 s2, s14  }
0x8e: {  	[smem:$0x3FB6] =	sst s2  }
0x8f: {  	_ = 	snop  }
0x90: {  	s2 =	sld [smem:$0x3FD0];
	_ =	sdelay $0x2  }
0x91: {  	s15 =	simm.s32 $0xA;
	s4 =	simm.s32 $0x10  }
0x92: {  	[smem:s4], [sflag:s15] =	dma.local [hbm:s2], $0x1  }
0x93: {  	_ =	swait.eq [sflag:s15], $0x1  }
0x94: {  	[sflag:s15] =	ssyncset.done $0x0  }
0x95: {  	[sflag:s15] =	ssyncadd.s32 $0xFFFFFFFF  }
0x96: {  	s16 =	sld [smem:$0x10];
	(tm) =	ssettm $0x1  }
0x97: {  	s17 =	sld [smem:$0x3FFB];
	_ =	sdelay $0x3  }
0x98: {  	_ =	strace s17  }
0x99: {  	s3 =	sld [smem:$0x3FFC];
	_ =	sdelay $0x3  }
0x9a: {  	_ =	strace s3  }
0x9b: {  	s3 =	sld [smem:$0x3FFD];
	_ =	sdelay $0x3  }
0x9c: {  	_ =	strace s3  }
0x9d: {  	_ =	strace $0x8FFFFFFF  }
0x9e: {  	s18 =	sld [smem:$0x3FDB];
	_ =	sdelay $0x1  }
0x9f: {  	s19 =	simm.s32 $_scs_section_size  }
0xa0: {  	s5 =	simm.s32 $_size__tile_overlayer_lowered;
	s6 =	simm.s32 $_tile_overlayer_lowered  }
0xa1: {  	s22 =	simm.s32 $0x1BFF;
	s21 =	sshll.u32 s6, $0x1;
	s3 =	sadd.s32 s19, s18  }
0xa2: {  	s7 =	simm.s32 $0x0;
	s20 =	sshll.u32 s5, $0x1;
	s5 =	sadd.s32 s21, s3  }
0xa3: {  	[timem:s7], [sflag:s22] =	dma.local [hbm:s5], s20  }
0xa4: {  	_ =	swait.ge [sflag:s22], s20  }
0xa5: {  	s4 =	ssub.s32 $0x0, s20;
	[sflag:s22] =	ssyncset.done $0x0  }
0xa6: {  	[sflag:s22] =	ssyncadd.s32 s4;
	_ =	sdelay $0x1  }
0xa7: {  	s23 =	simm.s32 $0x1B8B  }
0xa8: {  	_ =	swait.ge [sflag:s23], $0x1  }
0xa9: {  	[sflag:s23] =	ssyncset.done $0x0  }
0xaa: {  	s25 =	simm.s32 $0x1B8E;
	s24 =	sld [smem:$0x3FFE];
	[sflag:s23] =	ssyncadd.s32 $0xFFFFFFFF  }
0xab: {  	s26 =	simm.s32 $execute0_lowered;
	[smem:$0x3FD2] =	sst s25  }
0xac: {  	s5 =	sshll.u32 s26, $0x1;
	_ =	strace $0x80000049;
	[dreg:$0x1] =	wrdreg $0xFFFFFFFF  }
0xad: {  	s28 =	simm.s32 $_size_execute0_lowered;
	s3 =	sadd.s32 s3, s5;
	[dreg:$0x0] =	wrdreg $0x0  }
0xae: {  	s5 =	sshll.u32 s28, $0x1;
	[dreg:$0x2] =	wrdreg s3  }
0xaf: {  	[dreg:$0x3] =	wrdreg s5  }
0xb0: {  	[dreg:$0x4] =	wrdreg $0xC0  }
0xb1: {  	_ =	task [dreg:s7], $0x5FFFF  }
0xb2: {  	[dreg:$0x1] =	wrdreg $0xFFFFFFFF  }
0xb3: {  	[dreg:$0x0] =	wrdreg $0x60  }
0xb4: {  	[dreg:$0x2] =	wrdreg s24  }
0xb5: {  	[dreg:$0x3] =	wrdreg s16  }
0xb6: {  	[dreg:$0x4] =	wrdreg $0x9  }
0xb7: {  	_ =	task.clear_ibuf [dreg:s7], $0x5FFFF;
	_ =	strace $0x90000049  }
0xb8: {  	s29 =	simm.s32 $0x9;
	_ =	strace $0x8000004B  }
0xb9: {  	_ =	swait.ge [sflag:s29], $0x1  }
0xba: {  	[sflag:s29] =	ssyncadd.s32 $0xFFFFFFFF  }
0xbb: {  	_ =	strace $0x9000004B  }
0xbc: {  	_ =	sfence  }
0xbd: {  	s30 =	sld [smem:$0x0];
	_ =	sdelay $0x2  }
0xbe: {  	s31 =	sshll.u32 s1, $0xD;
	s1 =	sshrl.u32 s1, $0x2  }
0xbf: {  	s3 =	sand.u32 $0x4000, s31;
	s1 =	sadd.s32 s1, s30  }
0xc0: {  	s0 =	sor.u32 s3, s0;
	s1 =	sshll.u32 s1, $0x11  }
0xc1: {  	s0 =	sor.u32 s1, s0  }
0xc2: {  	s0 =	sadd.s32 $0x8F2B, s0  }
0xc3: {  	[sflag:s0] =	ssyncadd.remote.s32 $0x1  }
0xc4: {  	_ =	sfence.sel $0xFFFF  }
0xc5: {  	[dreg:$0x0] =	wrdreg $0xFFFFFFFF;
	(pc) =	sbr.abs _section_cstart, $3  }
0xc6: {  	[dreg:$0x1] =	wrdreg $0xFFFFFFFF  }
0xc7: {  	_ =	task.clear_ibuf [dreg:s7], $0x2FFFF;
	_ =	strace $0x9FFFFFFF  }
0xc8: {  	(tm) =	ssettm $0x7FFFFFFF  }
0xc9: {  	_ =	shalt  }
tec
execute0_lowered:
.L_overlay_start_1:
0x0: {  	(tag) =	ssettag $0x1  }
0x1: {  	s0 =	rddreg [dreg:$0x0]  }
0x2: {  	s3 =	rddreg [dreg:$0x1];
	s1 =	simm.s32 $0x0;
	s7 =	srdreg.scid  }
0x3: {  	s9 =	stileid.u32;
	s19 =	simm.s32 $0x3;
	s21 =	simm.s32 $0x100  }
0x4: {  	s22 =	simm.s32 $0x180;
	s31 =	simm.s32 $0x9200;
	s20 =	simm.s32 $0xAA00  }
0x5: {  	s23 =	simm.s32 $0xBA00;
	s24 =	simm.s32 $0x1;
	[smem:$0x7FF] =	sst s1  }
0x6: {  	s4 =	sadd.s32 $0x3200, s0;
	s2 =	sadd.s32 $0x33600, s0;
	s5 =	sadd.s32 $0xAB800, s0  }
0x7: {  	s6 =	sadd.s32 $0xABA00, s0;
	s14 =	sadd.s32 $0x33200, s0;
	s7 =	sand.u32 $0x1, s7  }
0x8: {  	s9 =	sshll.u32 s9, $0x4;
	s8 =	ssub.s32 $0x2, s7;
	s7 =	sshll.u32 s7, $0x3  }
0x9: {  	s15 =	sadd.s32 $0x33400, s0;
	_ =	strace $0x8000004A;
	s7 =	sor.u32 s7, s9  }
0xa: {  	s10 =	sshrl.u32 s8, $0x1;
	s9 =	sadd.s32 $0x33800, s0;
	s25 =	sadd.s32 s5, s7  }
0xb: {  	s18 =	ssub.s32 s8, s10;
	s26 =	sadd.s32 s6, s7;
	[dreg:$0x3] =	wrdreg s25  }
0xc: {  	s28 =	sadd.s32 s14, s7;
	s29 =	sadd.s32 s15, s7;
	[dreg:$0x4] =	wrdreg s26  }
0xd: {  	s11 =	smul.u32 $0x300, s7;
	s8 =	sadd.s32 $0x33700, s0;
	[dreg:$0x5] =	wrdreg s28  }
0xe: {  	s30 =	sor.u32 $0x4, s7;
	s0 =	simm.s32 $0x9A00;
	[dreg:$0x6] =	wrdreg s29  }
0xf: {  	v0 =	vlaneseq.u32;
	s7 =	smul.u32 $0x300, s30;
	s12 =	sadd.s32 s5, s30;
	s13 =	sadd.s32 s6, s30  }
0x10: {  	v1 =	vand.u32 $0x7, v0;
	v63 =	vshrl.u32 v0, $0x3;
	s14 =	sadd.s32 s14, s30;
	s15 =	sadd.s32 s15, s30;
	s18 =	smax.u32 s18, $0x1  }
0x11: {  	v0 =	vor.u32 $0x8, v0;
	[tilespmem:$0x1FFD0] =	vst v1;
	v1 =	vmul.u32 $0x8, v63;
	s5 =	simm.s32 $0xC200;
	s6 =	simm.s32 $0x2;
	s25 =	simm.s32 $0x0  }
0x12: {  	[tilespmem:$0x1FFF0] =	vst v0;
	s10 =	sadd.s32 s4, s11;
	s11 =	sadd.s32 s3, s11;
	s16 =	sadd.s32 s4, s7  }
0x13: {  	vm0 =	vmmov $0xffff;
	[tilespmem:$0x1FFE0] =	vst v1;
	s17 =	sadd.s32 s3, s7;
	s3 =	simm.s32 $0xA200;
	s4 =	simm.s32 $0xB200  }
.LBB2_1:
0x14: {  	s7 =	rddreg [dreg:$0x3]  }
0x15: {  	[tilespmem:s1], [sflag:$0x3] =	stream.linear.gather [hbm4b:s7+s1], $0x20, $0x38;
	[tilespmem:$0x12200] =	vst v63  }
0x16: {  	_ =	swait.ge [sflag:s19], $0x20  }
0x17: {  	[sflag:s19] =	ssyncset.done $0x0  }
0x18: {  	s26 =	simm.s32 $0x80;
	s29 =	rddreg [dreg:$0x4];
	[sflag:s19] =	ssyncadd.s32 $0xFFFFFFE0  }
0x19: {  	[tilespmem:s26], [sflag:$0x3] =	stream.linear.gather [hbm4b:s29+s1], $0x20, $0x38;
	[tilespmem:$0x12200] =	vst v63  }
0x1a: {  	_ =	swait.ge [sflag:s19], $0x20  }
0x1b: {  	[sflag:s19] =	ssyncset.done $0x0  }
0x1c: {  	s30 =	rddreg [dreg:$0x5];
	[sflag:s19] =	ssyncadd.s32 $0xFFFFFFE0  }
0x1d: {  	[tilespmem:s21], [sflag:$0x3] =	stream.linear.gather [hbm4b:s30+s1], $0x20, $0x38;
	[tilespmem:$0x12200] =	vst v63  }
0x1e: {  	_ =	swait.ge [sflag:s19], $0x20  }
0x1f: {  	[sflag:s19] =	ssyncset.done $0x0  }
0x20: {  	s26 =	rddreg [dreg:$0x6];
	[sflag:s19] =	ssyncadd.s32 $0xFFFFFFE0  }
0x21: {  	[tilespmem:s22], [sflag:$0x3] =	stream.linear.gather [hbm4b:s26+s1], $0x20, $0x38;
	[tilespmem:$0x12200] =	vst v63  }
0x22: {  	_ =	swait.ge [sflag:s19], $0x20  }
0x23: {  	[sflag:s19] =	ssyncset.done $0x0  }
0x24: {  	[sflag:s19] =	ssyncadd.s32 $0xFFFFFFE0  }
0x25: {  	v0 =	vld [tilespmem:$0x0];
	_ =	sdelay $0x3  }
0x26: {  	v2 =	vld [tilespmem:$0x1FFD0]  }
0x27: {  	v1 =	vshrl.u32 v0, $0x3  }
0x28: {  	v3 =	vld [tilespmem:$0x1FFE0];
	v1 =	vmul.u32 $0x30, v1  }
0x29: {  	v0 =	vand.u32 $0x7, v0  }
0x2a: {  	v0 =	vor.u32 v0, v1  }
0x2b: {  	v1 =	vperm.xlane v0, v2  }
0x2c: {  	v4 =	vld [tilespmem:$0x1FFF0]  }
0x2d: {  	v1 =	vadd.s32 v3, v1;
	_ =	sdelay $0x3  }
0x2e: {  	s29 =	simm.s32 $0x200;
	v0 =	vperm.xlane v0, v4  }
0x2f: {  	[tilespmem:s29], [sflag:$0x1] =	stream.indirect_vreg.gather [hbm4b:s2+s1], $0x80, v1, vm0, $0xb8;
	[tilespmem:$0x12200] =	vst v63  }
0x30: {  	s30 =	simm.s32 $0xA00;
	v0 =	vadd.s32 v3, v0  }
0x31: {  	[tilespmem:s30], [sflag:$0x1] =	stream.indirect_vreg.gather [hbm4b:s8+s1], $0x80, v1, vm0, $0xb8;
	[tilespmem:$0x12200] =	vst v63  }
0x32: {  	s26 =	simm.s32 $0x1200  }
0x33: {  	[tilespmem:s26], [sflag:$0x1] =	stream.indirect_vreg.gather [hbm4b:s9+s1], $0x80, v1, vm0, $0xb8;
	[tilespmem:$0x12200] =	vst v63  }
0x34: {  	s29 =	simm.s32 $0x1A00  }
0x35: {  	[tilespmem:s29], [sflag:$0x1] =	stream.indirect_vreg.gather [hbm4b:s2+s1], $0x80, v0, vm0, $0xb8;
	[tilespmem:$0x12200] =	vst v63  }
0x36: {  	s30 =	simm.s32 $0x2200  }
0x37: {  	[tilespmem:s30], [sflag:$0x1] =	stream.indirect_vreg.gather [hbm4b:s8+s1], $0x80, v0, vm0, $0xb8;
	[tilespmem:$0x12200] =	vst v63  }
0x38: {  	s26 =	simm.s32 $0x2A00  }
0x39: {  	[tilespmem:s26], [sflag:$0x1] =	stream.indirect_vreg.gather [hbm4b:s9+s1], $0x80, v0, vm0, $0xb8;
	[tilespmem:$0x12200] =	vst v63  }
0x3a: {  	v0 =	vld [tilespmem:$0x10];
	_ =	sdelay $0x4  }
0x3b: {  	v1 =	vshrl.u32 v0, $0x3  }
0x3c: {  	v1 =	vmul.u32 $0x30, v1  }
0x3d: {  	v0 =	vand.u32 $0x7, v0  }
0x3e: {  	v0 =	vor.u32 v0, v1  }
0x3f: {  	v1 =	vperm.xlane v0, v2;
	_ =	sdelay $0x1  }
0x40: {  	v1 =	vadd.s32 v3, v1;
	_ =	sdelay $0x3  }
0x41: {  	s29 =	simm.s32 $0x3200;
	v0 =	vperm.xlane v0, v4  }
0x42: {  	[tilespmem:s29], [sflag:$0x1] =	stream.indirect_vreg.gather [hbm4b:s2+s1], $0x80, v1, vm0, $0xb8;
	[tilespmem:$0x12200] =	vst v63  }
0x43: {  	s30 =	simm.s32 $0x3A00;
	v0 =	vadd.s32 v3, v0  }
0x44: {  	[tilespmem:s30], [sflag:$0x1] =	stream.indirect_vreg.gather [hbm4b:s8+s1], $0x80, v1, vm0, $0xb8;
	[tilespmem:$0x12200] =	vst v63  }
0x45: {  	s26 =	simm.s32 $0x4200  }
0x46: {  	[tilespmem:s26], [sflag:$0x1] =	stream.indirect_vreg.gather [hbm4b:s9+s1], $0x80, v1, vm0, $0xb8;
	[tilespmem:$0x12200] =	vst v63  }
0x47: {  	s29 =	simm.s32 $0x4A00  }
0x48: {  	[tilespmem:s29], [sflag:$0x1] =	stream.indirect_vreg.gather [hbm4b:s2+s1], $0x80, v0, vm0, $0xb8;
	[tilespmem:$0x12200] =	vst v63  }
0x49: {  	s30 =	simm.s32 $0x5200  }
0x4a: {  	[tilespmem:s30], [sflag:$0x1] =	stream.indirect_vreg.gather [hbm4b:s8+s1], $0x80, v0, vm0, $0xb8;
	[tilespmem:$0x12200] =	vst v63  }
0x4b: {  	s26 =	simm.s32 $0x5A00  }
0x4c: {  	[tilespmem:s26], [sflag:$0x1] =	stream.indirect_vreg.gather [hbm4b:s9+s1], $0x80, v0, vm0, $0xb8;
	[tilespmem:$0x12200] =	vst v63  }
0x4d: {  	v0 =	vld [tilespmem:$0x80];
	_ =	sdelay $0x4  }
0x4e: {  	v1 =	vshrl.u32 v0, $0x3  }
0x4f: {  	v1 =	vmul.u32 $0x30, v1  }
0x50: {  	v0 =	vand.u32 $0x7, v0  }
0x51: {  	v0 =	vor.u32 v0, v1  }
0x52: {  	v1 =	vperm.xlane v0, v2;
	_ =	sdelay $0x1  }
0x53: {  	v1 =	vadd.s32 v3, v1;
	_ =	sdelay $0x3  }
0x54: {  	s29 =	simm.s32 $0x6200;
	v0 =	vperm.xlane v0, v4  }
0x55: {  	[tilespmem:s29], [sflag:$0x2] =	stream.indirect_vreg.gather [hbm4b:s2+s1], $0x80, v1, vm0, $0xb8;
	[tilespmem:$0x12200] =	vst v63  }
0x56: {  	s30 =	simm.s32 $0x6A00;
	v0 =	vadd.s32 v3, v0  }
0x57: {  	[tilespmem:s30], [sflag:$0x2] =	stream.indirect_vreg.gather [hbm4b:s8+s1], $0x80, v1, vm0, $0xb8;
	[tilespmem:$0x12200] =	vst v63  }
0x58: {  	s26 =	simm.s32 $0x7200  }
0x59: {  	[tilespmem:s26], [sflag:$0x2] =	stream.indirect_vreg.gather [hbm4b:s9+s1], $0x80, v1, vm0, $0xb8;
	[tilespmem:$0x12200] =	vst v63  }
0x5a: {  	s29 =	simm.s32 $0x7A00  }
0x5b: {  	[tilespmem:s29], [sflag:$0x2] =	stream.indirect_vreg.gather [hbm4b:s2+s1], $0x80, v0, vm0, $0xb8;
	[tilespmem:$0x12200] =	vst v63  }
0x5c: {  	s30 =	simm.s32 $0x8200  }
0x5d: {  	[tilespmem:s30], [sflag:$0x2] =	stream.indirect_vreg.gather [hbm4b:s8+s1], $0x80, v0, vm0, $0xb8;
	[tilespmem:$0x12200] =	vst v63  }
0x5e: {  	s26 =	simm.s32 $0x8A00  }
0x5f: {  	[tilespmem:s26], [sflag:$0x2] =	stream.indirect_vreg.gather [hbm4b:s9+s1], $0x80, v0, vm0, $0xb8;
	[tilespmem:$0x12200] =	vst v63  }
0x60: {  	v0 =	vld [tilespmem:$0x90];
	_ =	sdelay $0x4  }
0x61: {  	v1 =	vshrl.u32 v0, $0x3  }
0x62: {  	v1 =	vmul.u32 $0x30, v1  }
0x63: {  	v0 =	vand.u32 $0x7, v0  }
0x64: {  	v0 =	vor.u32 v0, v1  }
0x65: {  	v1 =	vperm.xlane v0, v2;
	_ =	sdelay $0x1  }
0x66: {  	v1 =	vadd.s32 v3, v1;
	_ =	sdelay $0x3  }
0x67: {  	v0 =	vperm.xlane v0, v4  }
0x68: {  	[tilespmem:s31], [sflag:$0x2] =	stream.indirect_vreg.gather [hbm4b:s2+s1], $0x80, v1, vm0, $0xb8;
	[tilespmem:$0x12200] =	vst v63  }
0x69: {  	v0 =	vadd.s32 v3, v0  }
0x6a: {  	[tilespmem:s0], [sflag:$0x2] =	stream.indirect_vreg.gather [hbm4b:s8+s1], $0x80, v1, vm0, $0xb8;
	[tilespmem:$0x12200] =	vst v63  }
0x6b: {  	_ = 	snop  }
0x6c: {  	[tilespmem:s3], [sflag:$0x2] =	stream.indirect_vreg.gather [hbm4b:s9+s1], $0x80, v1, vm0, $0xb8;
	[tilespmem:$0x12200] =	vst v63  }
0x6d: {  	_ = 	snop  }
0x6e: {  	[tilespmem:s20], [sflag:$0x2] =	stream.indirect_vreg.gather [hbm4b:s2+s1], $0x80, v0, vm0, $0xb8;
	[tilespmem:$0x12200] =	vst v63  }
0x6f: {  	_ = 	snop  }
0x70: {  	[tilespmem:s4], [sflag:$0x2] =	stream.indirect_vreg.gather [hbm4b:s8+s1], $0x80, v0, vm0, $0xb8;
	[tilespmem:$0x12200] =	vst v63  }
0x71: {  	_ = 	snop  }
0x72: {  	[tilespmem:s23], [sflag:$0x2] =	stream.indirect_vreg.gather [hbm4b:s9+s1], $0x80, v0, vm0, $0xb8;
	[tilespmem:$0x12200] =	vst v63  }
0x73: {  	_ = 	snop  }
0x74: {  	[tilespmem:s5], [sflag:$0x3] =	stream.linear.gather [hbm4b:s10+s1], $0x6000, $0x38;
	[tilespmem:$0x12200] =	vst v63  }
0x75: {  	_ =	swait.ge [sflag:s19], $0x6000  }
0x76: {  	[sflag:s19] =	ssyncset.done $0x0  }
0x77: {  	[sflag:s19] =	ssyncadd.s32 $0xFFFFA000  }
0x78: {  	_ =	swait.ge [sflag:s24], $0x6000  }
0x79: {  	[sflag:s24] =	ssyncset.done $0x0  }
0x7a: {  	s29 =	simm.s32 $0x0;
	[sflag:s24] =	ssyncadd.s32 $0xFFFFA000  }
0x7b: {  	s7 =	smul.u32 $0x1800, s29;
	_ =	swait.ge [sflag:s6], $0x6000  }
0x7c: {  	s30 =	sand.u32 $0x380, s1;
	[sflag:s6] =	ssyncset.done $0x0  }
0x7d: {  	s7 =	sor.u32 s30, s7;
	[sflag:s6] =	ssyncadd.s32 $0xFFFFA000  }
0x7e: {  	v0 =	vld [tilespmem:s7+$0x6200];
	_ =	sdelay $0x4  }
0x7f: {  	[tilespmem:$0x1FE40] =	vst v0;
	v0 =	vld [tilespmem:s7+$0xC210];
	_ =	sdelay $0x4  }
0x80: {  	[tilespmem:$0x1FE50] =	vst v0;
	v0 =	vld [tilespmem:s7+$0x6210];
	_ =	sdelay $0x4  }
0x81: {  	[tilespmem:$0x1FE60] =	vst v0;
	v0 =	vld [tilespmem:s7+$0xC220];
	_ =	sdelay $0x4  }
0x82: {  	[tilespmem:$0x1FE70] =	vst v0;
	v0 =	vld [tilespmem:s7+$0x6220];
	_ =	sdelay $0x4  }
0x83: {  	[tilespmem:$0x1FE80] =	vst v0;
	v0 =	vld [tilespmem:s7+$0xC230];
	_ =	sdelay $0x4  }
0x84: {  	[tilespmem:$0x1FE90] =	vst v0;
	v0 =	vld [tilespmem:s7+$0x6230];
	_ =	sdelay $0x4  }
0x85: {  	[tilespmem:$0x1FEA0] =	vst v0;
	v0 =	vld [tilespmem:s7+$0xC240];
	_ =	sdelay $0x4  }
0x86: {  	[tilespmem:$0x1FEB0] =	vst v0;
	v0 =	vld [tilespmem:s7+$0x6240];
	_ =	sdelay $0x4  }
0x87: {  	[tilespmem:$0x1FEC0] =	vst v0;
	v0 =	vld [tilespmem:s7+$0xC250];
	_ =	sdelay $0x4  }
0x88: {  	[tilespmem:$0x1FED0] =	vst v0;
	v0 =	vld [tilespmem:s7+$0x6250];
	_ =	sdelay $0x4  }
0x89: {  	[tilespmem:$0x1FEE0] =	vst v0;
	v0 =	vld [tilespmem:s7+$0xC260];
	_ =	sdelay $0x4  }
0x8a: {  	[tilespmem:$0x1FEF0] =	vst v0;
	v0 =	vld [tilespmem:s7+$0x6260];
	_ =	sdelay $0x2  }
0x8b: {  	v28 =	vld [tilespmem:s7+$0xC650]  }
0x8c: {  	v29 =	vld [tilespmem:s7+$0x6650]  }
0x8d: {  	[tilespmem:$0x1FF00] =	vst v0;
	v0 =	vld [tilespmem:s7+$0xC270]  }
0x8e: {  	v30 =	vld [tilespmem:s7+$0xC660]  }
0x8f: {  	v31 =	vld [tilespmem:s7+$0x6660]  }
0x90: {  	v32 =	vld [tilespmem:s7+$0xC670]  }
0x91: {  	v33 =	vld [tilespmem:s7+$0x6670]  }
0x92: {  	[tilespmem:$0x1FF10] =	vst v0;
	v0 =	vld [tilespmem:s7+$0x6270]  }
0x93: {  	v34 =	vld [tilespmem:s7+$0xCA00]  }
0x94: {  	v35 =	vld [tilespmem:s7+$0x6A00]  }
0x95: {  	v36 =	vld [tilespmem:s7+$0xCA10]  }
0x96: {  	v37 =	vld [tilespmem:s7+$0x6A10]  }
0x97: {  	[tilespmem:$0x1FF20] =	vst v0;
	v0 =	vld [tilespmem:s7+$0xC600]  }
0x98: {  	v38 =	vld [tilespmem:s7+$0xCA20]  }
0x99: {  	v39 =	vld [tilespmem:s7+$0x6A20]  }
0x9a: {  	v40 =	vld [tilespmem:s7+$0x6A30]  }
0x9b: {  	v41 =	vld [tilespmem:s7+$0xCA40]  }
0x9c: {  	[tilespmem:$0x1FF30] =	vst v0;
	v0 =	vld [tilespmem:s7+$0x6600]  }
0x9d: {  	v42 =	vld [tilespmem:s7+$0x6A40]  }
0x9e: {  	v43 =	vld [tilespmem:s7+$0xCA50]  }
0x9f: {  	v44 =	vld [tilespmem:s7+$0x6A50]  }
0xa0: {  	v45 =	vld [tilespmem:s7+$0xCA60]  }
0xa1: {  	[tilespmem:$0x1FF40] =	vst v0;
	v0 =	vld [tilespmem:s7+$0xC610]  }
0xa2: {  	v46 =	vld [tilespmem:s7+$0x6A60]  }
0xa3: {  	v47 =	vld [tilespmem:s7+$0x6A70]  }
0xa4: {  	v48 =	vld [tilespmem:s7+$0xCE00]  }
0xa5: {  	v49 =	vld [tilespmem:s7+$0x6E00]  }
0xa6: {  	[tilespmem:$0x1FF50] =	vst v0;
	v0 =	vld [tilespmem:s7+$0x6610]  }
0xa7: {  	v50 =	vld [tilespmem:s7+$0x6E10]  }
0xa8: {  	v51 =	vld [tilespmem:s7+$0xCE20]  }
0xa9: {  	v55 =	vld [tilespmem:s7+$0x6E20]  }
0xaa: {  	v54 =	vld [tilespmem:s7+$0xCE30]  }
0xab: {  	[tilespmem:$0x1FF60] =	vst v0;
	v0 =	vld [tilespmem:s7+$0xC620]  }
0xac: {  	v56 =	vld [tilespmem:s7+$0x6E30]  }
0xad: {  	v57 =	vld [tilespmem:s7+$0xCE40]  }
0xae: {  	v58 =	vld [tilespmem:s7+$0x6E40]  }
0xaf: {  	v59 =	vld [tilespmem:s7+$0x6E50]  }
0xb0: {  	[tilespmem:$0x1FF70] =	vst v0;
	v0 =	vld [tilespmem:s7+$0x6620]  }
0xb1: {  	v60 =	vld [tilespmem:s7+$0xCE60]  }
0xb2: {  	v61 =	vld [tilespmem:s7+$0x6E60]  }
0xb3: {  	v62 =	vld [tilespmem:s7+$0x6E70]  }
0xb4: {  	v63 =	vld [tilespmem:s7+$0xD200]  }
0xb5: {  	[tilespmem:$0x1FF80] =	vst v0;
	v0 =	vld [tilespmem:s7+$0xC630]  }
0xb6: {  	v2 =	vld [tilespmem:s7+$0xD210]  }
0xb7: {  	v1 =	vld [tilespmem:s7+$0x7210]  }
0xb8: {  	v3 =	vld [tilespmem:s7+$0xD220]  }
0xb9: {  	v4 =	vld [tilespmem:s7+$0x7220]  }
0xba: {  	[tilespmem:$0x1FF90] =	vst v0;
	v0 =	vld [tilespmem:s7+$0x6630]  }
0xbb: {  	v5 =	vld [tilespmem:s7+$0x7230]  }
0xbc: {  	v6 =	vld [tilespmem:s7+$0xD240]  }
0xbd: {  	v7 =	vld [tilespmem:s7+$0x7240]  }
0xbe: {  	v8 =	vld [tilespmem:s7+$0x7250]  }
0xbf: {  	[tilespmem:$0x1FFA0] =	vst v0;
	v0 =	vld [tilespmem:s7+$0xC640]  }
0xc0: {  	v9 =	vld [tilespmem:s7+$0xD260]  }
0xc1: {  	v10 =	vld [tilespmem:s7+$0x7260]  }
0xc2: {  	v11 =	vld [tilespmem:s7+$0xD270]  }
0xc3: {  	v12 =	vld [tilespmem:s7+$0x7270]  }
0xc4: {  	[tilespmem:$0x1FFB0] =	vst v0;
	v0 =	vld [tilespmem:s7+$0x6640]  }
0xc5: {  	v13 =	vld [tilespmem:s7+$0xD600]  }
0xc6: {  	v15 =	vld [tilespmem:s7+$0xD610]  }
0xc7: {  	v14 =	vld [tilespmem:s7+$0x7610]  }
0xc8: {  	v16 =	vld [tilespmem:s7+$0x7630]  }
0xc9: {  	s28 =	simm.s32 $0x0;
	v53 =	vmov s1;
	s26 =	simm.s32 $0x1;
	[tilespmem:$0x1FFC0] =	vst v0;
	v0 =	vld [tilespmem:s7+$0x7200]  }
.LBB2_2:
0xca: {  	v17 =	vld [tilespmem:s7+$0x1600]  }
0xcb: {  	v18 =	vld [tilespmem:s7+$0x1610]  }
0xcc: {  	v19 =	vld [tilespmem:s7+$0x1620]  }
0xcd: {  	v20 =	vld [tilespmem:s7+$0x1630]  }
0xce: {  	v52 =	vld.idx.msk [tilespmem:v53+s21+$0x0], $0xffff  }
0xcf: {  	v21 =	vld [tilespmem:s7+$0xD630]  }
0xd0: {  	v53 =	vld.idx.msk [tilespmem:v53+s22+$0x0], $0xffff  }
0xd1: {  	v25 =	vld [tilespmem:s7+$0x1270]  }
0xd2: {  	v22 =	vld [tilespmem:s7+$0xD620]  }
0xd3: {  	v23 =	vld [tilespmem:s7+$0x7620];
	v19 =	vmul.f32 v19, v52  }
0xd4: {  	v24 =	vld [tilespmem:s7+$0x7600];
	v20 =	vmul.f32 v20, v52;
	v17 =	vmul.f32 v17, v52  }
0xd5: {  	v26 =	vld [tilespmem:s7+$0x1260];
	v18 =	vmul.f32 v18, v52;
	v16 =	vmul.f32 v16, v53  }
0xd6: {  	v27 =	vld [tilespmem:s7+$0x1250];
	v14 =	vmul.f32 v14, v53;
	v25 =	vmul.f32 v25, v52  }
0xd7: {  	v12 =	vmul.f32 v12, v53;
	v19 =	vadd.f32 v19, v22;
	v20 =	vadd.f32 v20, v21;
	v21 =	vld [tilespmem:s7+$0x1240]  }
0xd8: {  	v15 =	vadd.f32 v18, v15;
	v18 =	vmul.f32 v23, v53;
	v22 =	vld [tilespmem:s7+$0xD250];
	v13 =	vadd.f32 v17, v13  }
0xd9: {  	v17 =	vmul.f32 v24, v53;
	v24 =	vld [tilespmem:s7+$0x1230];
	v11 =	vadd.f32 v25, v11;
	v16 =	vadd.f32 v16, v20  }
0xda: {  	v14 =	vadd.f32 v14, v15;
	v15 =	vadd.f32 v18, v19;
	v18 =	vld [tilespmem:s7+$0x1220]  }
0xdb: {  	v11 =	vadd.f32 v12, v11;
	v12 =	vld [tilespmem:s7+$0xE70]  }
0xdc: {  	[tilespmem:s7+$0xD630] =	vst v16;
	v16 =	vld [tilespmem:s7+$0xD230]  }
0xdd: {  	v19 =	vmul.f32 v26, v52;
	[tilespmem:s7+$0xD620] =	vst v15;
	v15 =	vld [tilespmem:s7+$0x1210]  }
0xde: {  	v10 =	vmul.f32 v10, v53;
	v13 =	vadd.f32 v17, v13;
	v17 =	vmul.f32 v27, v52;
	[tilespmem:s7+$0xD610] =	vst v14;
	v14 =	vld [tilespmem:s7+$0x1200]  }
0xdf: {  	v8 =	vmul.f32 v8, v53;
	v9 =	vadd.f32 v19, v9;
	[tilespmem:s7+$0xD270] =	vst v11;
	v11 =	vld [tilespmem:s7+$0xCE70];
	v21 =	vmul.f32 v21, v52  }
0xe0: {  	v7 =	vmul.f32 v7, v53;
	v5 =	vmul.f32 v5, v53;
	v19 =	vld [tilespmem:$0x1FE50];
	v17 =	vadd.f32 v17, v22  }
0xe1: {  	[tilespmem:s7+$0xD600] =	vst v13;
	v13 =	vmul.f32 v24, v52;
	v9 =	vadd.f32 v10, v9;
	v10 =	vld [tilespmem:s7+$0xE60];
	v6 =	vadd.f32 v21, v6  }
0xe2: {  	v4 =	vmul.f32 v4, v53;
	v18 =	vmul.f32 v18, v52;
	v8 =	vadd.f32 v8, v17;
	v17 =	vld [tilespmem:$0x1FF30]  }
0xe3: {  	v12 =	vmul.f32 v12, v52;
	[tilespmem:s7+$0xD260] =	vst v9;
	v13 =	vadd.f32 v13, v16;
	v6 =	vadd.f32 v7, v6;
	v7 =	vld [tilespmem:s7+$0xE50]  }
0xe4: {  	v1 =	vmul.f32 v1, v53;
	v9 =	vmul.f32 v15, v52;
	v3 =	vadd.f32 v18, v3;
	[tilespmem:s7+$0xD250] =	vst v8;
	v8 =	vld [tilespmem:s7+$0xE40]  }
0xe5: {  	v14 =	vmul.f32 v14, v52;
	v11 =	vadd.f32 v12, v11;
	v15 =	vld [tilespmem:$0x1FFC0];
	v5 =	vadd.f32 v5, v13  }
0xe6: {  	v0 =	vmul.f32 v0, v53;
	[tilespmem:s7+$0xD240] =	vst v6;
	v6 =	vld [tilespmem:s7+$0xCE50];
	v2 =	vadd.f32 v9, v2;
	v3 =	vadd.f32 v4, v3  }
0xe7: {  	v4 =	vld [tilespmem:s7+$0xE30];
	v9 =	vmul.f32 v10, v52;
	v10 =	vmul.f32 v62, v53;
	v13 =	vadd.f32 v14, v63  }
0xe8: {  	v12 =	vmul.f32 v59, v53;
	[tilespmem:s7+$0xD230] =	vst v5;
	v5 =	vld [tilespmem:s7+$0xE20];
	v1 =	vadd.f32 v1, v2  }
0xe9: {  	v14 =	vmul.f32 v61, v53;
	v2 =	vld [tilespmem:s7+$0xE10];
	v0 =	vadd.f32 v0, v13;
	v10 =	vadd.f32 v10, v11  }
0xea: {  	[tilespmem:s7+$0xD220] =	vst v3;
	v11 =	vmul.f32 v58, v53;
	v3 =	vmul.f32 v7, v52;
	v7 =	vadd.f32 v9, v60;
	v9 =	vld [tilespmem:s7+$0xE00]  }
0xeb: {  	v13 =	vmul.f32 v55, v53;
	v8 =	vmul.f32 v8, v52;
	[tilespmem:s7+$0xD210] =	vst v1;
	v1 =	vld [tilespmem:s7+$0xCE10]  }
0xec: {  	[tilespmem:s7+$0xD200] =	vst v0;
	v0 =	vld [tilespmem:s7+$0xA70];
	v3 =	vadd.f32 v3, v6;
	v6 =	vadd.f32 v14, v7;
	v4 =	vmul.f32 v4, v52  }
0xed: {  	[tilespmem:s7+$0xCE70] =	vst v10;
	v10 =	vld [tilespmem:s7+$0xA60];
	v7 =	vmul.f32 v56, v53;
	v8 =	vadd.f32 v8, v57;
	v14 =	vmul.f32 v49, v53  }
0xee: {  	v5 =	vmul.f32 v5, v52;
	v3 =	vadd.f32 v12, v3;
	[tilespmem:s7+$0xCE60] =	vst v6;
	v6 =	vld [tilespmem:s7+$0xCA70];
	v2 =	vmul.f32 v2, v52  }
0xef: {  	v4 =	vadd.f32 v4, v54;
	v8 =	vadd.f32 v11, v8;
	v11 =	vld [tilespmem:s7+$0xA50];
	v9 =	vmul.f32 v9, v52  }
0xf0: {  	v12 =	vmul.f32 v50, v53;
	v5 =	vadd.f32 v5, v51;
	[tilespmem:s7+$0xCE50] =	vst v3;
	v3 =	vld [tilespmem:s7+$0xA40];
	v1 =	vadd.f32 v2, v1  }
0xf1: {  	v2 =	vadd.f32 v7, v4;
	v4 =	vld [tilespmem:s7+$0xA30];
	v0 =	vmul.f32 v0, v52;
	v7 =	vadd.f32 v9, v48  }
0xf2: {  	[tilespmem:s7+$0xCE40] =	vst v8;
	v8 =	vld [tilespmem:s7+$0xA20];
	v9 =	vmul.f32 v10, v52;
	v10 =	vmul.f32 v47, v53;
	v5 =	vadd.f32 v13, v5  }
0xf3: {  	v1 =	vadd.f32 v12, v1;
	[tilespmem:s7+$0xCE30] =	vst v2;
	v2 =	vld [tilespmem:s7+$0xCA30];
	v12 =	vmul.f32 v46, v53;
	v0 =	vadd.f32 v0, v6  }
0xf4: {  	v6 =	vadd.f32 v14, v7;
	v7 =	vmul.f32 v11, v52;
	v9 =	vadd.f32 v9, v45;
	[tilespmem:s7+$0xCE20] =	vst v5;
	v5 =	vld [tilespmem:s7+$0xA10]  }
0xf5: {  	v11 =	vmul.f32 v44, v53;
	[tilespmem:s7+$0xCE10] =	vst v1;
	v1 =	vld [tilespmem:s7+$0xA00];
	v3 =	vmul.f32 v3, v52;
	v10 =	vadd.f32 v10, v0  }
0xf6: {  	[tilespmem:s7+$0xCE00] =	vst v6;
	v4 =	vmul.f32 v4, v52;
	v6 =	vadd.f32 v7, v43;
	v7 =	vadd.f32 v12, v9;
	v9 =	vld [tilespmem:s7+$0x670]  }
0xf7: {  	v8 =	vmul.f32 v8, v52;
	v3 =	vadd.f32 v3, v41;
	[tilespmem:s7+$0xCA70] =	vst v10;
	v10 =	vld [tilespmem:s7+$0x660]  }
0xf8: {  	v13 =	vmul.f32 v42, v53;
	v2 =	vadd.f32 v4, v2;
	v4 =	vadd.f32 v11, v6;
	v6 =	vld [tilespmem:s7+$0x650]  }
0xf9: {  	v16 =	vld [tilespmem:$0x1FF70];
	v14 =	vmul.f32 v39, v53;
	v12 =	vmul.f32 v40, v53;
	[tilespmem:s7+$0xCA60] =	vst v7;
	v7 =	vadd.f32 v8, v38  }
0xfa: {  	v18 =	vld [tilespmem:$0x1FF10];
	v5 =	vmul.f32 v5, v52;
	v3 =	vadd.f32 v13, v3;
	v11 =	vmul.f32 v1, v52  }
0xfb: {  	v0 =	vld [tilespmem:s7+$0x7640];
	v13 =	vmul.f32 v37, v53;
	v7 =	vadd.f32 v14, v7;
	v9 =	vmul.f32 v9, v52  }
0xfc: {  	v8 =	vld [tilespmem:s7+$0x640];
	v2 =	vadd.f32 v12, v2;
	v5 =	vadd.f32 v5, v36;
	[tilespmem:s7+$0xCA40] =	vst v3;
	v10 =	vmul.f32 v10, v52  }
0xfd: {  	v12 =	vmul.f32 v33, v53;
	v3 =	vld [tilespmem:s7+$0x630];
	[tilespmem:s7+$0xCA20] =	vst v7;
	v6 =	vmul.f32 v6, v52;
	v7 =	vadd.f32 v9, v32  }
0xfe: {  	v14 =	vmul.f32 v31, v53;
	[tilespmem:s7+$0xCA30] =	vst v2;
	v2 =	vld [tilespmem:s7+$0x620];
	v5 =	vadd.f32 v13, v5;
	v10 =	vadd.f32 v10, v30  }
0xff: {  	v13 =	vmul.f32 v29, v53;
	v6 =	vadd.f32 v6, v28;
	v7 =	vadd.f32 v12, v7;
	v12 =	vld [tilespmem:$0x1FFB0]  }
0x100: {  	[tilespmem:s7+$0xCA50] =	vst v4;
	v4 =	vmul.f32 v35, v53;
	v11 =	vadd.f32 v11, v34;
	v10 =	vadd.f32 v14, v10;
	v14 =	vld [tilespmem:$0x1FFA0]  }
0x101: {  	v6 =	vadd.f32 v13, v6;
	v13 =	vld [tilespmem:$0x1FF90]  }
0x102: {  	v4 =	vadd.f32 v4, v11;
	v11 =	vld [tilespmem:s7+$0x610]  }
0x103: {  	v8 =	vmul.f32 v8, v52;
	[tilespmem:s7+$0xCA10] =	vst v5;
	v5 =	vld [tilespmem:s7+$0x600]  }
0x104: {  	[tilespmem:s7+$0xCA00] =	vst v4;
	v4 =	vld [tilespmem:s7+$0x270];
	v3 =	vmul.f32 v3, v52;
	v2 =	vmul.f32 v2, v52  }
0x105: {  	v15 =	vmul.f32 v15, v53;
	[tilespmem:s7+$0xC670] =	vst v7;
	v7 =	vld [tilespmem:$0x1FF80];
	v8 =	vadd.f32 v8, v12  }
0x106: {  	v2 =	vadd.f32 v2, v16;
	v16 =	vld [tilespmem:$0x1FF40];
	v14 =	vmul.f32 v14, v53;
	v3 =	vadd.f32 v3, v13  }
0x107: {  	v8 =	vadd.f32 v15, v8;
	v15 =	vld [tilespmem:$0x1FF60]  }
0x108: {  	v3 =	vadd.f32 v14, v3;
	v14 =	vld [tilespmem:$0x1FF50]  }
0x109: {  	v5 =	vmul.f32 v5, v52;
	v13 =	vld [tilespmem:s7+$0x250]  }
0x10a: {  	[tilespmem:s7+$0xC650] =	vst v6;
	v6 =	vld [tilespmem:s7+$0x240];
	v7 =	vmul.f32 v7, v53  }
0x10b: {  	v11 =	vmul.f32 v11, v52;
	v12 =	vld [tilespmem:s7+$0x260];
	v5 =	vadd.f32 v5, v17;
	v16 =	vmul.f32 v16, v53  }
0x10c: {  	v17 =	vld [tilespmem:$0x1FF00];
	v2 =	vadd.f32 v7, v2  }
0x10d: {  	v5 =	vadd.f32 v16, v5;
	v16 =	vld [tilespmem:$0x1FED0];
	v15 =	vmul.f32 v15, v53;
	v11 =	vadd.f32 v11, v14  }
0x10e: {  	v4 =	vmul.f32 v4, v52;
	[tilespmem:s7+$0xC620] =	vst v2;
	v2 =	vmul.f32 v13, v52;
	v13 =	vld [tilespmem:$0x1FEF0]  }
0x10f: {  	v11 =	vadd.f32 v15, v11;
	v15 =	vld [tilespmem:$0x1FEE0]  }
0x110: {  	v4 =	vadd.f32 v4, v18;
	v18 =	vld [tilespmem:$0x1FE70]  }
0x111: {  	v12 =	vmul.f32 v12, v52;
	v14 =	vld [tilespmem:$0x1FF20]  }
0x112: {  	[tilespmem:s7+$0xC640] =	vst v8;
	v8 =	vld [tilespmem:s7+$0x210]  }
0x113: {  	v7 =	vld [tilespmem:s7+$0x230];
	v17 =	vmul.f32 v17, v53;
	v12 =	vadd.f32 v12, v13  }
0x114: {  	[tilespmem:s7+$0xC630] =	vst v3;
	v3 =	vld [tilespmem:s7+$0x220];
	v2 =	vadd.f32 v2, v16;
	v15 =	vmul.f32 v15, v53  }
0x115: {  	v12 =	vadd.f32 v17, v12;
	v17 =	vld [tilespmem:$0x1FEB0]  }
0x116: {  	v14 =	vmul.f32 v14, v53;
	v2 =	vadd.f32 v15, v2;
	v15 =	vld [tilespmem:$0x1FE90]  }
0x117: {  	v16 =	vld [tilespmem:$0x1FEA0]  }
0x118: {  	v6 =	vmul.f32 v6, v52;
	v4 =	vadd.f32 v14, v4;
	v14 =	vld [tilespmem:$0x1FEC0]  }
0x119: {  	v7 =	vmul.f32 v7, v52;
	v13 =	vld [tilespmem:s7+$0x1640]  }
0x11a: {  	v6 =	vadd.f32 v6, v17;
	v17 =	vld [tilespmem:$0x1FE80]  }
0x11b: {  	[tilespmem:s7+$0xC660] =	vst v10;
	v7 =	vadd.f32 v7, v15;
	v15 =	vld [tilespmem:$0x1FE60]  }
0x11c: {  	v3 =	vmul.f32 v3, v52;
	[tilespmem:s7+$0xC270] =	vst v4;
	v4 =	vld [tilespmem:s7+$0xD640]  }
0x11d: {  	[tilespmem:s7+$0xC610] =	vst v11;
	v11 =	vld [tilespmem:s7+$0x1650];
	v14 =	vmul.f32 v14, v53  }
0x11e: {  	v1 =	vld [tilespmem:s7+$0x7650];
	[tilespmem:s7+$0xC600] =	vst v5;
	v8 =	vmul.f32 v8, v52;
	v3 =	vadd.f32 v3, v18;
	v16 =	vmul.f32 v16, v53  }
0x11f: {  	[tilespmem:s7+$0xC250] =	vst v2;
	v2 =	vmul.f32 v13, v52;
	v6 =	vadd.f32 v14, v6;
	v14 =	vld [tilespmem:s7+$0xD650];
	v17 =	vmul.f32 v17, v53  }
0x120: {  	s29 =	sshrl.u32 s26, $0x3;
	v9 =	vld [tilespmem:s7+$0x7660];
	v8 =	vadd.f32 v8, v19;
	[tilespmem:s7+$0xC260] =	vst v12;
	v7 =	vadd.f32 v16, v7;
	v15 =	vmul.f32 v15, v53  }
0x121: {  	s28 =	sadd.s32 $0x80, s28;
	s29 =	smul.u32 $0x1800, s29;
	v0 =	vmul.f32 v0, v53;
	v2 =	vadd.f32 v2, v4;
	[tilespmem:s7+$0xC240] =	vst v6;
	v3 =	vadd.f32 v17, v3  }
0x122: {  	s30 =	sand.u32 $0x380, s28;
	v5 =	vld [tilespmem:s7+$0x1660];
	v4 =	vmul.f32 v11, v52;
	[tilespmem:s7+$0xC230] =	vst v7;
	v8 =	vadd.f32 v15, v8  }
0x123: {  	s29 =	sor.u32 s30, s29;
	v13 =	vld [tilespmem:s7+$0xD660];
	v0 =	vadd.f32 v0, v2;
	[tilespmem:s7+$0xC220] =	vst v3  }
0x124: {  	v1 =	vmul.f32 v1, v53;
	v2 =	vadd.f32 v4, v14;
	v4 =	vld [tilespmem:s29+$0x6200];
	[tilespmem:s7+$0xC210] =	vst v8  }
0x125: {  	v3 =	vmul.f32 v9, v53;
	v9 =	vld [tilespmem:s29+$0xC210];
	[tilespmem:s7+$0xD640] =	vst v0  }
0x126: {  	v0 =	vadd.f32 v1, v2;
	v1 =	vld [tilespmem:s29+$0x6210];
	_ =	sdelay $0x1  }
0x127: {  	v5 =	vmul.f32 v5, v52  }
0x128: {  	v12 =	vld [tilespmem:s7+$0x1670]  }
0x129: {  	v10 =	vld [tilespmem:s7+$0x7670];
	v5 =	vadd.f32 v5, v13  }
0x12a: {  	v6 =	vld [tilespmem:s7+$0xD670];
	[tilespmem:$0x1FE60] =	vst v1  }
0x12b: {  	v1 =	vadd.f32 v3, v5;
	v3 =	vld [tilespmem:s29+$0xC220];
	[tilespmem:s7+$0xD650] =	vst v0  }
0x12c: {  	v0 =	vld [tilespmem:s29+$0x6220]  }
0x12d: {  	v18 =	vld [tilespmem:s7+$0x200];
	v7 =	vmul.f32 v12, v52  }
0x12e: {  	v11 =	vld [tilespmem:s7+$0xC200];
	v2 =	vmov v4  }
0x12f: {  	v8 =	vmul.f32 v10, v53;
	v10 =	vld [tilespmem:$0x1FE40];
	[tilespmem:$0x1FE40] =	vst v2;
	v5 =	vadd.f32 v7, v6  }
0x130: {  	[tilespmem:s7+$0xD660] =	vst v1  }
0x131: {  	v1 =	vld [tilespmem:s29+$0xC230];
	[tilespmem:$0x1FE80] =	vst v0;
	v0 =	vadd.f32 v8, v5  }
0x132: {  	[tilespmem:$0x1FE50] =	vst v9;
	v9 =	vmul.f32 v18, v52  }
0x133: {  	v2 =	vld [tilespmem:s29+$0x6230];
	[tilespmem:s7+$0xD670] =	vst v0  }
0x134: {  	v10 =	vmul.f32 v10, v53;
	[tilespmem:$0x1FE70] =	vst v3;
	v3 =	vadd.f32 v9, v11;
	v0 =	vld [tilespmem:s29+$0xC240];
	_ =	sdelay $0x1  }
0x135: {  	[tilespmem:$0x1FE90] =	vst v1;
	v1 =	vadd.f32 v10, v3;
	_ =	sdelay $0x1  }
0x136: {  	[tilespmem:s7+$0xC200] =	vst v1;
	s7 =	smov.u32 s29  }
0x137: {  	[tilespmem:$0x1FEB0] =	vst v0;
	v0 =	vld [tilespmem:s7+$0x6240];
	_ =	sdelay $0x4  }
0x138: {  	[tilespmem:$0x1FEC0] =	vst v0;
	v0 =	vld [tilespmem:s7+$0xC250];
	_ =	sdelay $0x4  }
0x139: {  	[tilespmem:$0x1FED0] =	vst v0;
	v0 =	vld [tilespmem:s7+$0x6250];
	_ =	sdelay $0x4  }
0x13a: {  	[tilespmem:$0x1FEE0] =	vst v0;
	v0 =	vld [tilespmem:s7+$0xC260];
	_ =	sdelay $0x4  }
0x13b: {  	[tilespmem:$0x1FEF0] =	vst v0;
	v0 =	vld [tilespmem:s7+$0x6260];
	_ =	sdelay $0x2  }
0x13c: {  	v28 =	vld [tilespmem:s7+$0xC650]  }
0x13d: {  	v29 =	vld [tilespmem:s7+$0x6650]  }
0x13e: {  	[tilespmem:$0x1FF00] =	vst v0;
	v0 =	vld [tilespmem:s7+$0xC270]  }
0x13f: {  	v30 =	vld [tilespmem:s7+$0xC660]  }
0x140: {  	v31 =	vld [tilespmem:s7+$0x6660]  }
0x141: {  	v32 =	vld [tilespmem:s7+$0xC670]  }
0x142: {  	v33 =	vld [tilespmem:s7+$0x6670]  }
0x143: {  	[tilespmem:$0x1FF10] =	vst v0;
	v0 =	vld [tilespmem:s7+$0x6270]  }
0x144: {  	v34 =	vld [tilespmem:s7+$0xCA00]  }
0x145: {  	v35 =	vld [tilespmem:s7+$0x6A00]  }
0x146: {  	v36 =	vld [tilespmem:s7+$0xCA10]  }
0x147: {  	v37 =	vld [tilespmem:s7+$0x6A10]  }
0x148: {  	[tilespmem:$0x1FF20] =	vst v0;
	v0 =	vld [tilespmem:s7+$0xC600]  }
0x149: {  	v38 =	vld [tilespmem:s7+$0xCA20]  }
0x14a: {  	v39 =	vld [tilespmem:s7+$0x6A20]  }
0x14b: {  	v40 =	vld [tilespmem:s7+$0x6A30]  }
0x14c: {  	v41 =	vld [tilespmem:s7+$0xCA40]  }
0x14d: {  	[tilespmem:$0x1FF30] =	vst v0;
	v0 =	vld [tilespmem:s7+$0x6600]  }
0x14e: {  	v42 =	vld [tilespmem:s7+$0x6A40]  }
0x14f: {  	v43 =	vld [tilespmem:s7+$0xCA50]  }
0x150: {  	v44 =	vld [tilespmem:s7+$0x6A50]  }
0x151: {  	v45 =	vld [tilespmem:s7+$0xCA60]  }
0x152: {  	[tilespmem:$0x1FF40] =	vst v0;
	v0 =	vld [tilespmem:s7+$0xC610]  }
0x153: {  	v46 =	vld [tilespmem:s7+$0x6A60]  }
0x154: {  	v47 =	vld [tilespmem:s7+$0x6A70]  }
0x155: {  	v48 =	vld [tilespmem:s7+$0xCE00]  }
0x156: {  	v49 =	vld [tilespmem:s7+$0x6E00]  }
0x157: {  	[tilespmem:$0x1FF50] =	vst v0;
	v0 =	vld [tilespmem:s7+$0x6610]  }
0x158: {  	v50 =	vld [tilespmem:s7+$0x6E10]  }
0x159: {  	v51 =	vld [tilespmem:s7+$0xCE20]  }
0x15a: {  	v55 =	vld [tilespmem:s7+$0x6E20]  }
0x15b: {  	v54 =	vld [tilespmem:s7+$0xCE30]  }
0x15c: {  	[tilespmem:$0x1FF60] =	vst v0;
	v0 =	vld [tilespmem:s7+$0xC620]  }
0x15d: {  	v56 =	vld [tilespmem:s7+$0x6E30]  }
0x15e: {  	v57 =	vld [tilespmem:s7+$0xCE40]  }
0x15f: {  	v58 =	vld [tilespmem:s7+$0x6E40]  }
0x160: {  	v59 =	vld [tilespmem:s7+$0x6E50]  }
0x161: {  	[tilespmem:$0x1FF70] =	vst v0;
	v0 =	vld [tilespmem:s7+$0x6620]  }
0x162: {  	v60 =	vld [tilespmem:s7+$0xCE60]  }
0x163: {  	v61 =	vld [tilespmem:s7+$0x6E60]  }
0x164: {  	v62 =	vld [tilespmem:s7+$0x6E70]  }
0x165: {  	v63 =	vld [tilespmem:s7+$0xD200]  }
0x166: {  	[tilespmem:$0x1FF80] =	vst v0;
	v0 =	vld [tilespmem:s7+$0xC630]  }
0x167: {  	[tilespmem:$0x1FEA0] =	vst v2;
	v2 =	vld [tilespmem:s7+$0xD210]  }
0x168: {  	v1 =	vld [tilespmem:s7+$0x7210]  }
0x169: {  	v3 =	vld [tilespmem:s7+$0xD220]  }
0x16a: {  	v4 =	vld [tilespmem:s7+$0x7220]  }
0x16b: {  	[tilespmem:$0x1FF90] =	vst v0;
	v0 =	vld [tilespmem:s7+$0x6630]  }
0x16c: {  	v5 =	vld [tilespmem:s7+$0x7230]  }
0x16d: {  	v6 =	vld [tilespmem:s7+$0xD240]  }
0x16e: {  	v7 =	vld [tilespmem:s7+$0x7240]  }
0x16f: {  	v8 =	vld [tilespmem:s7+$0x7250]  }
0x170: {  	[tilespmem:$0x1FFA0] =	vst v0;
	v0 =	vld [tilespmem:s7+$0xC640]  }
0x171: {  	v9 =	vld [tilespmem:s7+$0xD260]  }
0x172: {  	v10 =	vld [tilespmem:s7+$0x7260]  }
0x173: {  	v11 =	vld [tilespmem:s7+$0xD270]  }
0x174: {  	v12 =	vld [tilespmem:s7+$0x7270]  }
0x175: {  	p0 =	sne.s32 s26, $0x1F;
	[tilespmem:$0x1FFB0] =	vst v0;
	v0 =	vld [tilespmem:s7+$0x6640]  }
.Ltmp0:
0x176: {  	v13 =	vld [tilespmem:s7+$0xD600];
	(pc) =	sbr.rel @p0 .LBB2_2-.Ltmp0, $4  }
0x177: {  	v15 =	vld [tilespmem:s7+$0xD610]  }
0x178: {  	v14 =	vld [tilespmem:s7+$0x7610]  }
0x179: {  	v16 =	vld [tilespmem:s7+$0x7630]  }
0x17a: {  	v53 =	vmov s26;
	s26 =	sadd.s32 $0x1, s26;
	[tilespmem:$0x1FFC0] =	vst v0;
	v0 =	vld [tilespmem:s7+$0x7200]  }
0x17b: {  	_ =	sdelay $0x3  }
0x17c: {  	v52 =	vld.idx.msk [tilespmem:v53+s21+$0x0], $0xffff  }
0x17d: {  	v53 =	vld.idx.msk [tilespmem:v53+s22+$0x0], $0xffff  }
0x17e: {  	v20 =	vld [tilespmem:s7+$0x1630]  }
0x17f: {  	v18 =	vld [tilespmem:s7+$0x1610]  }
0x180: {  	v21 =	vld [tilespmem:s7+$0xD630];
	_ =	sdelay $0x2  }
0x181: {  	v20 =	vmul.f32 v20, v52  }
0x182: {  	v17 =	vld [tilespmem:s7+$0x1600];
	v18 =	vmul.f32 v18, v52  }
0x183: {  	v26 =	vld [tilespmem:s7+$0x1260];
	v16 =	vmul.f32 v16, v53;
	v20 =	vadd.f32 v20, v21  }
0x184: {  	v19 =	vld [tilespmem:s7+$0x1620];
	v14 =	vmul.f32 v14, v53;
	v15 =	vadd.f32 v18, v15  }
0x185: {  	v24 =	vld [tilespmem:s7+$0x7600];
	v16 =	vadd.f32 v16, v20  }
0x186: {  	v21 =	vld [tilespmem:s7+$0x1240];
	v14 =	vadd.f32 v14, v15  }
0x187: {  	v22 =	vld [tilespmem:s7+$0xD620];
	[tilespmem:s7+$0xD630] =	vst v16  }
0x188: {  	v23 =	vld [tilespmem:s7+$0x7620];
	v16 =	vmul.f32 v17, v52;
	[tilespmem:s7+$0xD610] =	vst v14;
	v14 =	vmul.f32 v26, v52  }
0x189: {  	v27 =	vld [tilespmem:s7+$0x1250];
	v10 =	vmul.f32 v10, v53  }
0x18a: {  	v25 =	vld [tilespmem:s7+$0x1270];
	v15 =	vmul.f32 v24, v53;
	v13 =	vadd.f32 v16, v13;
	v9 =	vadd.f32 v14, v9  }
0x18b: {  	[tilespmem:$0x1FCA0] =	vst v21;
	v21 =	vld [tilespmem:s7+$0xD250]  }
0x18c: {  	v19 =	vmul.f32 v19, v52;
	v13 =	vadd.f32 v15, v13;
	v9 =	vadd.f32 v10, v9;
	v10 =	vld [tilespmem:$0x1FCA0];
	_ =	sdelay $0x1  }
0x18d: {  	v19 =	vadd.f32 v19, v22;
	v22 =	vld [tilespmem:s7+$0x1230];
	v20 =	vmul.f32 v23, v53;
	[tilespmem:s7+$0xD600] =	vst v13;
	v13 =	vmul.f32 v27, v52  }
0x18e: {  	v8 =	vmul.f32 v8, v53;
	v18 =	vld [tilespmem:s7+$0x1220]  }
0x18f: {  	v19 =	vadd.f32 v20, v19;
	v17 =	vld [tilespmem:s7+$0xD230];
	v16 =	vmul.f32 v25, v52;
	v13 =	vadd.f32 v13, v21  }
0x190: {  	v10 =	vmul.f32 v10, v52  }
0x191: {  	v12 =	vmul.f32 v12, v53;
	[tilespmem:s7+$0xD620] =	vst v19;
	v19 =	vld [tilespmem:s7+$0x1210];
	v11 =	vadd.f32 v16, v11;
	v8 =	vadd.f32 v8, v13  }
0x192: {  	v7 =	vmul.f32 v7, v53;
	[tilespmem:s7+$0xD260] =	vst v9;
	v9 =	vmul.f32 v22, v52;
	v6 =	vadd.f32 v10, v6  }
0x193: {  	v15 =	vld [tilespmem:s7+$0x1200];
	v11 =	vadd.f32 v12, v11;
	[tilespmem:s7+$0xD250] =	vst v8;
	v8 =	vmul.f32 v18, v52  }
0x194: {  	v5 =	vmul.f32 v5, v53;
	v12 =	vld [tilespmem:s7+$0xE70];
	v6 =	vadd.f32 v7, v6;
	v7 =	vadd.f32 v9, v17  }
0x195: {  	v4 =	vmul.f32 v4, v53;
	v3 =	vadd.f32 v8, v3  }
0x196: {  	[tilespmem:s7+$0xD270] =	vst v11;
	v11 =	vld [tilespmem:s7+$0xCE70];
	v5 =	vadd.f32 v5, v7;
	v7 =	vmul.f32 v19, v52  }
0x197: {  	v14 =	vld [tilespmem:s7+$0xE60];
	v3 =	vadd.f32 v4, v3  }
0x198: {  	v1 =	vmul.f32 v1, v53;
	v4 =	vmul.f32 v15, v52;
	v2 =	vadd.f32 v7, v2  }
0x199: {  	[tilespmem:s7+$0xD220] =	vst v3;
	v3 =	vmul.f32 v12, v52  }
0x19a: {  	v0 =	vmul.f32 v0, v53;
	v4 =	vadd.f32 v4, v63;
	v1 =	vadd.f32 v1, v2  }
0x19b: {  	v9 =	vld [tilespmem:s7+$0xE40];
	v3 =	vadd.f32 v3, v11  }
0x19c: {  	v0 =	vadd.f32 v0, v4;
	v4 =	vmul.f32 v62, v53;
	[tilespmem:s7+$0xD210] =	vst v1;
	v1 =	vmul.f32 v14, v52  }
0x19d: {  	[tilespmem:s7+$0xD240] =	vst v6  }
0x19e: {  	v10 =	vld [tilespmem:s7+$0xE50];
	v3 =	vadd.f32 v4, v3;
	[tilespmem:s7+$0xD200] =	vst v0;
	v0 =	vmul.f32 v61, v53;
	v1 =	vadd.f32 v1, v60  }
0x19f: {  	[tilespmem:s7+$0xD230] =	vst v5;
	v5 =	vld [tilespmem:s7+$0xE20]  }
0x1a0: {  	v6 =	vld [tilespmem:s7+$0xCE50];
	[tilespmem:s7+$0xCE70] =	vst v3;
	v3 =	vmul.f32 v9, v52;
	v0 =	vadd.f32 v0, v1  }
0x1a1: {  	v2 =	vld [tilespmem:s7+$0xE10]  }
0x1a2: {  	v8 =	vld [tilespmem:s7+$0xE30];
	[tilespmem:s7+$0xCE60] =	vst v0;
	v0 =	vadd.f32 v3, v57;
	v3 =	vmul.f32 v58, v53  }
0x1a3: {  	v11 =	vld [tilespmem:s7+$0xCE10];
	v4 =	vmul.f32 v10, v52  }
0x1a4: {  	v7 =	vld [tilespmem:s7+$0xE00];
	v0 =	vadd.f32 v3, v0;
	v3 =	vmul.f32 v5, v52  }
0x1a5: {  	v10 =	vld [tilespmem:s7+$0xA70];
	v1 =	vadd.f32 v4, v6;
	v4 =	vmul.f32 v59, v53  }
0x1a6: {  	v12 =	vmul.f32 v55, v53;
	v6 =	vld [tilespmem:s7+$0xA60];
	[tilespmem:s7+$0xCE40] =	vst v0;
	v0 =	vmul.f32 v2, v52;
	v2 =	vadd.f32 v3, v51  }
0x1a7: {  	v8 =	vmul.f32 v8, v52;
	v1 =	vadd.f32 v4, v1;
	v4 =	vld [tilespmem:s7+$0xCA70]  }
0x1a8: {  	v13 =	vmul.f32 v50, v53;
	v0 =	vadd.f32 v0, v11;
	v2 =	vadd.f32 v12, v2  }
0x1a9: {  	v9 =	vld [tilespmem:s7+$0xA50];
	[tilespmem:s7+$0xCE50] =	vst v1;
	v1 =	vmul.f32 v56, v53;
	v5 =	vadd.f32 v8, v54  }
0x1aa: {  	v8 =	vld [tilespmem:s7+$0xA40];
	v0 =	vadd.f32 v13, v0;
	[tilespmem:s7+$0xCE20] =	vst v2;
	v2 =	vmul.f32 v10, v52  }
0x1ab: {  	v1 =	vadd.f32 v1, v5;
	v3 =	vld [tilespmem:s7+$0xA30];
	v5 =	vmul.f32 v7, v52  }
0x1ac: {  	v7 =	vld [tilespmem:s7+$0xA20];
	[tilespmem:s7+$0xCE10] =	vst v0;
	v0 =	vmul.f32 v6, v52;
	v6 =	vmul.f32 v47, v53;
	v2 =	vadd.f32 v2, v4  }
0x1ad: {  	[tilespmem:s7+$0xCE30] =	vst v1;
	v1 =	vld [tilespmem:s7+$0xCA30];
	v11 =	vmul.f32 v49, v53;
	v5 =	vadd.f32 v5, v48  }
0x1ae: {  	v2 =	vadd.f32 v6, v2;
	v6 =	vmul.f32 v9, v52  }
0x1af: {  	v8 =	vmul.f32 v8, v52;
	v5 =	vadd.f32 v11, v5  }
0x1b0: {  	v10 =	vld [tilespmem:s7+$0xA10];
	v3 =	vmul.f32 v3, v52;
	[tilespmem:s7+$0xCA70] =	vst v2;
	v2 =	vmul.f32 v44, v53;
	v6 =	vadd.f32 v6, v43  }
0x1b1: {  	v12 =	vmul.f32 v42, v53;
	v8 =	vadd.f32 v8, v41;
	v7 =	vmul.f32 v7, v52  }
0x1b2: {  	v4 =	vld [tilespmem:s7+$0xA00];
	[tilespmem:s7+$0xCE00] =	vst v5;
	v5 =	vmul.f32 v46, v53;
	v1 =	vadd.f32 v3, v1;
	v2 =	vadd.f32 v2, v6  }
0x1b3: {  	v11 =	vadd.f32 v0, v45;
	v9 =	vld [tilespmem:s7+$0x670];
	v6 =	vadd.f32 v12, v8;
	v12 =	vmul.f32 v40, v53  }
0x1b4: {  	v3 =	vadd.f32 v7, v38;
	[tilespmem:s7+$0xCA50] =	vst v2;
	v2 =	vmul.f32 v39, v53  }
0x1b5: {  	v7 =	vmul.f32 v10, v52;
	v5 =	vadd.f32 v5, v11;
	v11 =	vld [tilespmem:s7+$0x660];
	v1 =	vadd.f32 v12, v1  }
0x1b6: {  	v2 =	vadd.f32 v2, v3  }
0x1b7: {  	[tilespmem:s7+$0xCA30] =	vst v1;
	v1 =	vmul.f32 v4, v52;
	v3 =	vmul.f32 v37, v53;
	v4 =	vadd.f32 v7, v36  }
0x1b8: {  	[tilespmem:s7+$0xCA60] =	vst v5;
	v9 =	vmul.f32 v9, v52  }
0x1b9: {  	v5 =	vld [tilespmem:s7+$0x650];
	[tilespmem:s7+$0xCA20] =	vst v2;
	v2 =	vmul.f32 v35, v53;
	v1 =	vadd.f32 v1, v34;
	v3 =	vadd.f32 v3, v4  }
0x1ba: {  	v11 =	vmul.f32 v11, v52  }
0x1bb: {  	v1 =	vadd.f32 v2, v1;
	[tilespmem:s7+$0xCA10] =	vst v3;
	v2 =	vmul.f32 v33, v53;
	v3 =	vadd.f32 v9, v32  }
0x1bc: {  	v13 =	vmul.f32 v31, v53;
	v11 =	vadd.f32 v11, v30  }
0x1bd: {  	v2 =	vadd.f32 v2, v3  }
0x1be: {  	v8 =	vld [tilespmem:s7+$0x640];
	[tilespmem:s7+$0xCA00] =	vst v1;
	v1 =	vmul.f32 v5, v52;
	v5 =	vadd.f32 v13, v11  }
0x1bf: {  	[tilespmem:s7+$0xC670] =	vst v2;
	v2 =	vld [tilespmem:$0x1FFC0]  }
0x1c0: {  	[tilespmem:s7+$0xC660] =	vst v5;
	v5 =	vld [tilespmem:$0x1FFB0];
	_ =	sdelay $0x1  }
0x1c1: {  	v7 =	vld [tilespmem:s7+$0x620]  }
0x1c2: {  	v8 =	vmul.f32 v8, v52;
	v13 =	vmul.f32 v29, v53;
	v1 =	vadd.f32 v1, v28  }
0x1c3: {  	v12 =	vld [tilespmem:s7+$0x610]  }
0x1c4: {  	v16 =	vld [tilespmem:$0x1FF50];
	v1 =	vadd.f32 v13, v1;
	v2 =	vmul.f32 v2, v53;
	v5 =	vadd.f32 v8, v5  }
0x1c5: {  	v10 =	vld [tilespmem:s7+$0x630]  }
0x1c6: {  	[tilespmem:s7+$0xC650] =	vst v1;
	v1 =	vmul.f32 v7, v52;
	v7 =	vld [tilespmem:$0x1FF90];
	v2 =	vadd.f32 v2, v5  }
0x1c7: {  	v5 =	vld [tilespmem:$0x1FFA0]  }
0x1c8: {  	[tilespmem:s7+$0xC640] =	vst v2;
	v2 =	vmul.f32 v12, v52;
	v12 =	vld [tilespmem:$0x1FF70];
	_ =	sdelay $0x1  }
0x1c9: {  	v10 =	vmul.f32 v10, v52;
	v9 =	vld [tilespmem:s7+$0x600];
	_ =	sdelay $0x1  }
0x1ca: {  	v7 =	vadd.f32 v10, v7;
	v2 =	vadd.f32 v2, v16;
	v16 =	vld [tilespmem:$0x1FF30];
	v5 =	vmul.f32 v5, v53  }
0x1cb: {  	v1 =	vadd.f32 v1, v12;
	v12 =	vld [tilespmem:$0x1FF60]  }
0x1cc: {  	v14 =	vld [tilespmem:$0x1FF80];
	v5 =	vadd.f32 v5, v7  }
0x1cd: {  	v3 =	vld [tilespmem:s7+$0x270];
	v9 =	vmul.f32 v9, v52  }
0x1ce: {  	[tilespmem:s7+$0xC630] =	vst v5;
	v5 =	vld [tilespmem:$0x1FF40]  }
0x1cf: {  	v9 =	vadd.f32 v9, v16;
	v16 =	vld [tilespmem:$0x1FF10]  }
0x1d0: {  	v17 =	vld [tilespmem:$0x1FE90];
	v12 =	vmul.f32 v12, v53  }
0x1d1: {  	v15 =	vld [tilespmem:s7+$0x230]  }
0x1d2: {  	v3 =	vmul.f32 v3, v52;
	v2 =	vadd.f32 v12, v2;
	v12 =	vld [tilespmem:$0x1FF20]  }
0x1d3: {  	v11 =	vld [tilespmem:s7+$0x260];
	v5 =	vmul.f32 v5, v53  }
0x1d4: {  	v14 =	vmul.f32 v14, v53;
	v3 =	vadd.f32 v3, v16;
	v16 =	vld [tilespmem:$0x1FEF0]  }
0x1d5: {  	v5 =	vadd.f32 v5, v9;
	v9 =	vld [tilespmem:$0x1FF00]  }
0x1d6: {  	v18 =	vld [tilespmem:$0x1FE60];
	v15 =	vmul.f32 v15, v52;
	v1 =	vadd.f32 v14, v1  }
0x1d7: {  	v19 =	vld [tilespmem:$0x1FE70];
	v12 =	vmul.f32 v12, v53  }
0x1d8: {  	v15 =	vadd.f32 v15, v17;
	v17 =	vld [tilespmem:s7+$0x200];
	[tilespmem:s7+$0xC620] =	vst v1;
	v1 =	vmul.f32 v11, v52  }
0x1d9: {  	v0 =	vld [tilespmem:s7+$0x7640];
	v3 =	vadd.f32 v12, v3  }
0x1da: {  	v13 =	vld [tilespmem:s7+$0x250];
	v1 =	vadd.f32 v1, v16;
	v9 =	vmul.f32 v9, v53  }
0x1db: {  	[tilespmem:s7+$0xC270] =	vst v3;
	v3 =	vld [tilespmem:$0x1FEE0]  }
0x1dc: {  	v1 =	vadd.f32 v9, v1;
	v9 =	vld [tilespmem:$0x1FED0]  }
0x1dd: {  	[tilespmem:s7+$0xCA40] =	vst v6;
	v6 =	vld [tilespmem:s7+$0x7650]  }
0x1de: {  	v4 =	vld [tilespmem:s7+$0x7660]  }
0x1df: {  	v8 =	vld [tilespmem:s7+$0x7670];
	[tilespmem:s7+$0xC600] =	vst v5;
	v5 =	vmul.f32 v13, v52  }
0x1e0: {  	v10 =	vld [tilespmem:s7+$0x240]  }
0x1e1: {  	v7 =	vld [tilespmem:s7+$0x210];
	v3 =	vmul.f32 v3, v53;
	v5 =	vadd.f32 v5, v9  }
0x1e2: {  	v13 =	vld [tilespmem:$0x1FEB0]  }
0x1e3: {  	[tilespmem:s7+$0xC260] =	vst v1;
	v1 =	vadd.f32 v3, v5;
	v5 =	vld [tilespmem:$0x1FEC0]  }
0x1e4: {  	v14 =	vld [tilespmem:s7+$0x220]  }
0x1e5: {  	[tilespmem:s7+$0xC250] =	vst v1;
	v1 =	vld [tilespmem:$0x1FEA0]  }
0x1e6: {  	v10 =	vmul.f32 v10, v52;
	v11 =	vld [tilespmem:s7+$0x1640]  }
0x1e7: {  	[tilespmem:s7+$0xC610] =	vst v2;
	v2 =	vld [tilespmem:s7+$0x1650]  }
0x1e8: {  	v16 =	vld [tilespmem:$0x1FE80];
	v10 =	vadd.f32 v10, v13;
	v5 =	vmul.f32 v5, v53  }
0x1e9: {  	v13 =	vld [tilespmem:s7+$0xD650]  }
0x1ea: {  	v9 =	vld [tilespmem:s7+$0xD640];
	v1 =	vmul.f32 v1, v53;
	v5 =	vadd.f32 v5, v10  }
0x1eb: {  	v12 =	vld [tilespmem:s7+$0x1660]  }
0x1ec: {  	v2 =	vmul.f32 v2, v52;
	[tilespmem:s7+$0xC240] =	vst v5;
	v5 =	vld [tilespmem:$0x1FE50];
	v1 =	vadd.f32 v1, v15  }
0x1ed: {  	v11 =	vmul.f32 v11, v52;
	v3 =	vld [tilespmem:s7+$0x1670]  }
0x1ee: {  	v6 =	vmul.f32 v6, v53;
	v14 =	vmul.f32 v14, v52;
	v10 =	vld [tilespmem:s7+$0xD660];
	[tilespmem:s7+$0xC230] =	vst v1;
	v1 =	vadd.f32 v2, v13  }
0x1ef: {  	v0 =	vmul.f32 v0, v53;
	v7 =	vmul.f32 v7, v52;
	v9 =	vadd.f32 v11, v9;
	v11 =	vld [tilespmem:s7+$0xC200]  }
0x1f0: {  	v14 =	vadd.f32 v14, v19;
	v16 =	vmul.f32 v16, v53;
	v1 =	vadd.f32 v6, v1;
	v6 =	vld [tilespmem:$0x1FE40]  }
0x1f1: {  	v18 =	vmul.f32 v18, v53;
	v12 =	vmul.f32 v12, v52;
	v5 =	vadd.f32 v7, v5;
	v7 =	vld [tilespmem:s7+$0xD670]  }
0x1f2: {  	v14 =	vadd.f32 v16, v14;
	v0 =	vadd.f32 v0, v9;
	v9 =	vmul.f32 v17, v52  }
0x1f3: {  	v2 =	vmul.f32 v3, v52;
	v3 =	vmul.f32 v4, v53;
	v4 =	vadd.f32 v12, v10  }
0x1f4: {  	[tilespmem:s7+$0xC220] =	vst v14;
	v5 =	vadd.f32 v18, v5  }
0x1f5: {  	[tilespmem:s7+$0xD640] =	vst v0;
	v0 =	vadd.f32 v3, v4;
	v3 =	vadd.f32 v9, v11;
	v6 =	vmul.f32 v6, v53  }
0x1f6: {  	[tilespmem:s7+$0xC210] =	vst v5;
	v5 =	vmul.f32 v8, v53;
	v2 =	vadd.f32 v2, v7  }
0x1f7: {  	[tilespmem:s7+$0xD660] =	vst v0;
	v0 =	vadd.f32 v6, v3  }
0x1f8: {  	[tilespmem:s7+$0xD650] =	vst v1;
	v1 =	vadd.f32 v5, v2  }
0x1f9: {  	[tilespmem:s7+$0xC200] =	vst v0  }
0x1fa: {  	s26 =	simm.s32 $0x0;
	[tilespmem:s7+$0xD670] =	vst v1  }
0x1fb: {  	[hbm4b:s11+s26] =	stream.linear.scatter [tilespmem:s5], [sflag:$0x3], $0x6000, $0x38;
	[tilespmem:$0x12200] =	vst v63  }
0x1fc: {  	_ =	swait.ge [sflag:s19], $0x6000  }
0x1fd: {  	[sflag:s19] =	ssyncset.done $0x0  }
0x1fe: {  	[sflag:s19] =	ssyncadd.s32 $0xFFFFA000  }
0x1ff: {  	[tilespmem:s26], [sflag:$0x3] =	stream.linear.gather [hbm4b:s12+s26], $0x20, $0x38;
	[tilespmem:$0x12200] =	vst v63  }
0x200: {  	_ =	swait.ge [sflag:s19], $0x20  }
0x201: {  	[sflag:s19] =	ssyncset.done $0x0  }
0x202: {  	s29 =	simm.s32 $0x80;
	[sflag:s19] =	ssyncadd.s32 $0xFFFFFFE0  }
0x203: {  	[tilespmem:s29], [sflag:$0x3] =	stream.linear.gather [hbm4b:s13+s26], $0x20, $0x38;
	[tilespmem:$0x12200] =	vst v63  }
0x204: {  	_ =	swait.ge [sflag:s19], $0x20  }
0x205: {  	[sflag:s19] =	ssyncset.done $0x0  }
0x206: {  	[sflag:s19] =	ssyncadd.s32 $0xFFFFFFE0  }
0x207: {  	[tilespmem:s21], [sflag:$0x3] =	stream.linear.gather [hbm4b:s14+s26], $0x20, $0x38;
	[tilespmem:$0x12200] =	vst v63  }
0x208: {  	_ =	swait.ge [sflag:s19], $0x20  }
0x209: {  	[sflag:s19] =	ssyncset.done $0x0  }
0x20a: {  	[sflag:s19] =	ssyncadd.s32 $0xFFFFFFE0  }
0x20b: {  	[tilespmem:s22], [sflag:$0x3] =	stream.linear.gather [hbm4b:s15+s26], $0x20, $0x38;
	[tilespmem:$0x12200] =	vst v63  }
0x20c: {  	_ =	swait.ge [sflag:s19], $0x20  }
0x20d: {  	[sflag:s19] =	ssyncset.done $0x0  }
0x20e: {  	[sflag:s19] =	ssyncadd.s32 $0xFFFFFFE0  }
0x20f: {  	v0 =	vld [tilespmem:$0x0];
	_ =	sdelay $0x3  }
0x210: {  	v2 =	vld [tilespmem:$0x1FFD0]  }
0x211: {  	v1 =	vshrl.u32 v0, $0x3  }
0x212: {  	v3 =	vld [tilespmem:$0x1FFE0];
	v1 =	vmul.u32 $0x30, v1  }
0x213: {  	v0 =	vand.u32 $0x7, v0  }
0x214: {  	v0 =	vor.u32 v0, v1  }
0x215: {  	v1 =	vperm.xlane v0, v2  }
0x216: {  	v4 =	vld [tilespmem:$0x1FFF0]  }
0x217: {  	v1 =	vadd.s32 v3, v1;
	_ =	sdelay $0x3  }
0x218: {  	s30 =	simm.s32 $0x200;
	v0 =	vperm.xlane v0, v4  }
0x219: {  	[tilespmem:s30], [sflag:$0x1] =	stream.indirect_vreg.gather [hbm4b:s2+s26], $0x80, v1, vm0, $0xb8;
	[tilespmem:$0x12200] =	vst v63  }
0x21a: {  	s29 =	simm.s32 $0xA00;
	v0 =	vadd.s32 v3, v0  }
0x21b: {  	[tilespmem:s29], [sflag:$0x1] =	stream.indirect_vreg.gather [hbm4b:s8+s26], $0x80, v1, vm0, $0xb8;
	[tilespmem:$0x12200] =	vst v63  }
0x21c: {  	s30 =	simm.s32 $0x1200  }
0x21d: {  	[tilespmem:s30], [sflag:$0x1] =	stream.indirect_vreg.gather [hbm4b:s9+s26], $0x80, v1, vm0, $0xb8;
	[tilespmem:$0x12200] =	vst v63  }
0x21e: {  	s29 =	simm.s32 $0x1A00  }
0x21f: {  	[tilespmem:s29], [sflag:$0x1] =	stream.indirect_vreg.gather [hbm4b:s2+s26], $0x80, v0, vm0, $0xb8;
	[tilespmem:$0x12200] =	vst v63  }
0x220: {  	s30 =	simm.s32 $0x2200  }
0x221: {  	[tilespmem:s30], [sflag:$0x1] =	stream.indirect_vreg.gather [hbm4b:s8+s26], $0x80, v0, vm0, $0xb8;
	[tilespmem:$0x12200] =	vst v63  }
0x222: {  	s29 =	simm.s32 $0x2A00  }
0x223: {  	[tilespmem:s29], [sflag:$0x1] =	stream.indirect_vreg.gather [hbm4b:s9+s26], $0x80, v0, vm0, $0xb8;
	[tilespmem:$0x12200] =	vst v63  }
0x224: {  	v0 =	vld [tilespmem:$0x10];
	_ =	sdelay $0x4  }
0x225: {  	v1 =	vshrl.u32 v0, $0x3  }
0x226: {  	v1 =	vmul.u32 $0x30, v1  }
0x227: {  	v0 =	vand.u32 $0x7, v0  }
0x228: {  	v0 =	vor.u32 v0, v1  }
0x229: {  	v1 =	vperm.xlane v0, v2;
	_ =	sdelay $0x1  }
0x22a: {  	v1 =	vadd.s32 v3, v1;
	_ =	sdelay $0x3  }
0x22b: {  	s30 =	simm.s32 $0x3200;
	v0 =	vperm.xlane v0, v4  }
0x22c: {  	[tilespmem:s30], [sflag:$0x1] =	stream.indirect_vreg.gather [hbm4b:s2+s26], $0x80, v1, vm0, $0xb8;
	[tilespmem:$0x12200] =	vst v63  }
0x22d: {  	s29 =	simm.s32 $0x3A00;
	v0 =	vadd.s32 v3, v0  }
0x22e: {  	[tilespmem:s29], [sflag:$0x1] =	stream.indirect_vreg.gather [hbm4b:s8+s26], $0x80, v1, vm0, $0xb8;
	[tilespmem:$0x12200] =	vst v63  }
0x22f: {  	s30 =	simm.s32 $0x4200  }
0x230: {  	[tilespmem:s30], [sflag:$0x1] =	stream.indirect_vreg.gather [hbm4b:s9+s26], $0x80, v1, vm0, $0xb8;
	[tilespmem:$0x12200] =	vst v63  }
0x231: {  	s29 =	simm.s32 $0x4A00  }
0x232: {  	[tilespmem:s29], [sflag:$0x1] =	stream.indirect_vreg.gather [hbm4b:s2+s26], $0x80, v0, vm0, $0xb8;
	[tilespmem:$0x12200] =	vst v63  }
0x233: {  	s30 =	simm.s32 $0x5200  }
0x234: {  	[tilespmem:s30], [sflag:$0x1] =	stream.indirect_vreg.gather [hbm4b:s8+s26], $0x80, v0, vm0, $0xb8;
	[tilespmem:$0x12200] =	vst v63  }
0x235: {  	s29 =	simm.s32 $0x5A00  }
0x236: {  	[tilespmem:s29], [sflag:$0x1] =	stream.indirect_vreg.gather [hbm4b:s9+s26], $0x80, v0, vm0, $0xb8;
	[tilespmem:$0x12200] =	vst v63  }
0x237: {  	v0 =	vld [tilespmem:$0x80];
	_ =	sdelay $0x4  }
0x238: {  	v1 =	vshrl.u32 v0, $0x3  }
0x239: {  	v1 =	vmul.u32 $0x30, v1  }
0x23a: {  	v0 =	vand.u32 $0x7, v0  }
0x23b: {  	v0 =	vor.u32 v0, v1  }
0x23c: {  	v1 =	vperm.xlane v0, v2;
	_ =	sdelay $0x1  }
0x23d: {  	v1 =	vadd.s32 v3, v1;
	_ =	sdelay $0x3  }
0x23e: {  	s30 =	simm.s32 $0x6200;
	v0 =	vperm.xlane v0, v4  }
0x23f: {  	[tilespmem:s30], [sflag:$0x2] =	stream.indirect_vreg.gather [hbm4b:s2+s26], $0x80, v1, vm0, $0xb8;
	[tilespmem:$0x12200] =	vst v63  }
0x240: {  	s29 =	simm.s32 $0x6A00;
	v0 =	vadd.s32 v3, v0  }
0x241: {  	[tilespmem:s29], [sflag:$0x2] =	stream.indirect_vreg.gather [hbm4b:s8+s26], $0x80, v1, vm0, $0xb8;
	[tilespmem:$0x12200] =	vst v63  }
0x242: {  	s30 =	simm.s32 $0x7200  }
0x243: {  	[tilespmem:s30], [sflag:$0x2] =	stream.indirect_vreg.gather [hbm4b:s9+s26], $0x80, v1, vm0, $0xb8;
	[tilespmem:$0x12200] =	vst v63  }
0x244: {  	s29 =	simm.s32 $0x7A00  }
0x245: {  	[tilespmem:s29], [sflag:$0x2] =	stream.indirect_vreg.gather [hbm4b:s2+s26], $0x80, v0, vm0, $0xb8;
	[tilespmem:$0x12200] =	vst v63  }
0x246: {  	s30 =	simm.s32 $0x8200  }
0x247: {  	[tilespmem:s30], [sflag:$0x2] =	stream.indirect_vreg.gather [hbm4b:s8+s26], $0x80, v0, vm0, $0xb8;
	[tilespmem:$0x12200] =	vst v63  }
0x248: {  	s29 =	simm.s32 $0x8A00  }
0x249: {  	[tilespmem:s29], [sflag:$0x2] =	stream.indirect_vreg.gather [hbm4b:s9+s26], $0x80, v0, vm0, $0xb8;
	[tilespmem:$0x12200] =	vst v63  }
0x24a: {  	v0 =	vld [tilespmem:$0x90];
	_ =	sdelay $0x4  }
0x24b: {  	v1 =	vshrl.u32 v0, $0x3  }
0x24c: {  	v1 =	vmul.u32 $0x30, v1  }
0x24d: {  	v0 =	vand.u32 $0x7, v0  }
0x24e: {  	v0 =	vor.u32 v0, v1  }
0x24f: {  	v1 =	vperm.xlane v0, v2;
	_ =	sdelay $0x1  }
0x250: {  	v1 =	vadd.s32 v3, v1;
	_ =	sdelay $0x3  }
0x251: {  	v0 =	vperm.xlane v0, v4  }
0x252: {  	[tilespmem:s31], [sflag:$0x2] =	stream.indirect_vreg.gather [hbm4b:s2+s26], $0x80, v1, vm0, $0xb8;
	[tilespmem:$0x12200] =	vst v63  }
0x253: {  	v0 =	vadd.s32 v3, v0  }
0x254: {  	[tilespmem:s0], [sflag:$0x2] =	stream.indirect_vreg.gather [hbm4b:s8+s26], $0x80, v1, vm0, $0xb8;
	[tilespmem:$0x12200] =	vst v63  }
0x255: {  	_ = 	snop  }
0x256: {  	[tilespmem:s3], [sflag:$0x2] =	stream.indirect_vreg.gather [hbm4b:s9+s26], $0x80, v1, vm0, $0xb8;
	[tilespmem:$0x12200] =	vst v63  }
0x257: {  	_ = 	snop  }
0x258: {  	[tilespmem:s20], [sflag:$0x2] =	stream.indirect_vreg.gather [hbm4b:s2+s26], $0x80, v0, vm0, $0xb8;
	[tilespmem:$0x12200] =	vst v63  }
0x259: {  	_ = 	snop  }
0x25a: {  	[tilespmem:s4], [sflag:$0x2] =	stream.indirect_vreg.gather [hbm4b:s8+s26], $0x80, v0, vm0, $0xb8;
	[tilespmem:$0x12200] =	vst v63  }
0x25b: {  	_ = 	snop  }
0x25c: {  	[tilespmem:s23], [sflag:$0x2] =	stream.indirect_vreg.gather [hbm4b:s9+s26], $0x80, v0, vm0, $0xb8;
	[tilespmem:$0x12200] =	vst v63  }
0x25d: {  	_ = 	snop  }
0x25e: {  	[tilespmem:s5], [sflag:$0x3] =	stream.linear.gather [hbm4b:s16+s26], $0x6000, $0x38;
	[tilespmem:$0x12200] =	vst v63  }
0x25f: {  	_ =	swait.ge [sflag:s19], $0x6000  }
0x260: {  	[sflag:s19] =	ssyncset.done $0x0  }
0x261: {  	[sflag:s19] =	ssyncadd.s32 $0xFFFFA000  }
0x262: {  	_ =	swait.ge [sflag:s24], $0x6000  }
0x263: {  	[sflag:s24] =	ssyncset.done $0x0  }
0x264: {  	s30 =	simm.s32 $0x0;
	[sflag:s24] =	ssyncadd.s32 $0xFFFFA000  }
0x265: {  	s7 =	smul.u32 $0x1800, s30;
	_ =	swait.ge [sflag:s6], $0x6000  }
0x266: {  	s28 =	sand.u32 $0x380, s26;
	[sflag:s6] =	ssyncset.done $0x0  }
0x267: {  	s7 =	sor.u32 s28, s7;
	[sflag:s6] =	ssyncadd.s32 $0xFFFFA000  }
0x268: {  	v0 =	vld [tilespmem:s7+$0x6200];
	_ =	sdelay $0x4  }
0x269: {  	[tilespmem:$0x1FCB0] =	vst v0;
	v0 =	vld [tilespmem:s7+$0xC210];
	_ =	sdelay $0x4  }
0x26a: {  	[tilespmem:$0x1FCC0] =	vst v0;
	v0 =	vld [tilespmem:s7+$0x6210];
	_ =	sdelay $0x4  }
0x26b: {  	[tilespmem:$0x1FCD0] =	vst v0;
	v0 =	vld [tilespmem:s7+$0xC220];
	_ =	sdelay $0x4  }
0x26c: {  	[tilespmem:$0x1FCE0] =	vst v0;
	v0 =	vld [tilespmem:s7+$0x6220];
	_ =	sdelay $0x4  }
0x26d: {  	[tilespmem:$0x1FCF0] =	vst v0;
	v0 =	vld [tilespmem:s7+$0xC230];
	_ =	sdelay $0x4  }
0x26e: {  	[tilespmem:$0x1FD00] =	vst v0;
	v0 =	vld [tilespmem:s7+$0x6230];
	_ =	sdelay $0x4  }
0x26f: {  	[tilespmem:$0x1FD10] =	vst v0;
	v0 =	vld [tilespmem:s7+$0xC240];
	_ =	sdelay $0x4  }
0x270: {  	[tilespmem:$0x1FD20] =	vst v0;
	v0 =	vld [tilespmem:s7+$0x6240];
	_ =	sdelay $0x4  }
0x271: {  	[tilespmem:$0x1FD30] =	vst v0;
	v0 =	vld [tilespmem:s7+$0xC250];
	_ =	sdelay $0x4  }
0x272: {  	[tilespmem:$0x1FD40] =	vst v0;
	v0 =	vld [tilespmem:s7+$0x6250];
	_ =	sdelay $0x4  }
0x273: {  	[tilespmem:$0x1FD50] =	vst v0;
	v0 =	vld [tilespmem:s7+$0xC260];
	_ =	sdelay $0x4  }
0x274: {  	[tilespmem:$0x1FD60] =	vst v0;
	v0 =	vld [tilespmem:s7+$0x6260];
	_ =	sdelay $0x2  }
0x275: {  	v28 =	vld [tilespmem:s7+$0xC650]  }
0x276: {  	v29 =	vld [tilespmem:s7+$0x6650]  }
0x277: {  	[tilespmem:$0x1FD70] =	vst v0;
	v0 =	vld [tilespmem:s7+$0xC270]  }
0x278: {  	v30 =	vld [tilespmem:s7+$0xC660]  }
0x279: {  	v31 =	vld [tilespmem:s7+$0x6660]  }
0x27a: {  	v32 =	vld [tilespmem:s7+$0xC670]  }
0x27b: {  	v33 =	vld [tilespmem:s7+$0x6670]  }
0x27c: {  	[tilespmem:$0x1FD80] =	vst v0;
	v0 =	vld [tilespmem:s7+$0x6270]  }
0x27d: {  	v34 =	vld [tilespmem:s7+$0xCA00]  }
0x27e: {  	v35 =	vld [tilespmem:s7+$0x6A00]  }
0x27f: {  	v36 =	vld [tilespmem:s7+$0xCA10]  }
0x280: {  	v37 =	vld [tilespmem:s7+$0x6A10]  }
0x281: {  	[tilespmem:$0x1FD90] =	vst v0;
	v0 =	vld [tilespmem:s7+$0xC600]  }
0x282: {  	v38 =	vld [tilespmem:s7+$0xCA20]  }
0x283: {  	v39 =	vld [tilespmem:s7+$0x6A20]  }
0x284: {  	v40 =	vld [tilespmem:s7+$0x6A30]  }
0x285: {  	v41 =	vld [tilespmem:s7+$0xCA40]  }
0x286: {  	[tilespmem:$0x1FDA0] =	vst v0;
	v0 =	vld [tilespmem:s7+$0x6600]  }
0x287: {  	v42 =	vld [tilespmem:s7+$0x6A40]  }
0x288: {  	v43 =	vld [tilespmem:s7+$0xCA50]  }
0x289: {  	v44 =	vld [tilespmem:s7+$0x6A50]  }
0x28a: {  	v45 =	vld [tilespmem:s7+$0xCA60]  }
0x28b: {  	[tilespmem:$0x1FDB0] =	vst v0;
	v0 =	vld [tilespmem:s7+$0xC610]  }
0x28c: {  	v46 =	vld [tilespmem:s7+$0x6A60]  }
0x28d: {  	v47 =	vld [tilespmem:s7+$0x6A70]  }
0x28e: {  	v48 =	vld [tilespmem:s7+$0xCE00]  }
0x28f: {  	v49 =	vld [tilespmem:s7+$0x6E00]  }
0x290: {  	[tilespmem:$0x1FDC0] =	vst v0;
	v0 =	vld [tilespmem:s7+$0x6610]  }
0x291: {  	v50 =	vld [tilespmem:s7+$0x6E10]  }
0x292: {  	v51 =	vld [tilespmem:s7+$0xCE20]  }
0x293: {  	v54 =	vld [tilespmem:s7+$0x6E20]  }
0x294: {  	v55 =	vld [tilespmem:s7+$0xCE30]  }
0x295: {  	[tilespmem:$0x1FDD0] =	vst v0;
	v0 =	vld [tilespmem:s7+$0xC620]  }
0x296: {  	v56 =	vld [tilespmem:s7+$0x6E30]  }
0x297: {  	v57 =	vld [tilespmem:s7+$0xCE40]  }
0x298: {  	v58 =	vld [tilespmem:s7+$0x6E40]  }
0x299: {  	v59 =	vld [tilespmem:s7+$0x6E50]  }
0x29a: {  	[tilespmem:$0x1FDE0] =	vst v0;
	v0 =	vld [tilespmem:s7+$0x6620]  }
0x29b: {  	v60 =	vld [tilespmem:s7+$0xCE60]  }
0x29c: {  	v61 =	vld [tilespmem:s7+$0x6E60]  }
0x29d: {  	v62 =	vld [tilespmem:s7+$0x6E70]  }
0x29e: {  	v63 =	vld [tilespmem:s7+$0xD200]  }
0x29f: {  	[tilespmem:$0x1FDF0] =	vst v0;
	v0 =	vld [tilespmem:s7+$0xC630]  }
0x2a0: {  	v2 =	vld [tilespmem:s7+$0xD210]  }
0x2a1: {  	v1 =	vld [tilespmem:s7+$0x7210]  }
0x2a2: {  	v3 =	vld [tilespmem:s7+$0xD220]  }
0x2a3: {  	v4 =	vld [tilespmem:s7+$0x7220]  }
0x2a4: {  	[tilespmem:$0x1FE00] =	vst v0;
	v0 =	vld [tilespmem:s7+$0x6630]  }
0x2a5: {  	v5 =	vld [tilespmem:s7+$0x7230]  }
0x2a6: {  	v6 =	vld [tilespmem:s7+$0xD240]  }
0x2a7: {  	v7 =	vld [tilespmem:s7+$0x7240]  }
0x2a8: {  	v8 =	vld [tilespmem:s7+$0x7250]  }
0x2a9: {  	[tilespmem:$0x1FE10] =	vst v0;
	v0 =	vld [tilespmem:s7+$0xC640]  }
0x2aa: {  	v9 =	vld [tilespmem:s7+$0xD260]  }
0x2ab: {  	v10 =	vld [tilespmem:s7+$0x7260]  }
0x2ac: {  	v11 =	vld [tilespmem:s7+$0xD270]  }
0x2ad: {  	v12 =	vld [tilespmem:s7+$0x7270]  }
0x2ae: {  	[tilespmem:$0x1FE20] =	vst v0;
	v0 =	vld [tilespmem:s7+$0x6640]  }
0x2af: {  	v13 =	vld [tilespmem:s7+$0xD600]  }
0x2b0: {  	v15 =	vld [tilespmem:s7+$0xD610]  }
0x2b1: {  	v14 =	vld [tilespmem:s7+$0x7610]  }
0x2b2: {  	v16 =	vld [tilespmem:s7+$0x7630]  }
0x2b3: {  	v53 =	vmov s26;
	s28 =	simm.s32 $0x1;
	[tilespmem:$0x1FE30] =	vst v0;
	v0 =	vld [tilespmem:s7+$0x7200]  }
.LBB2_4:
0x2b4: {  	v17 =	vld [tilespmem:s7+$0x1600]  }
0x2b5: {  	v18 =	vld [tilespmem:s7+$0x1610]  }
0x2b6: {  	v19 =	vld [tilespmem:s7+$0x1620]  }
0x2b7: {  	v20 =	vld [tilespmem:s7+$0x1630]  }
0x2b8: {  	v52 =	vld.idx.msk [tilespmem:v53+s21+$0x0], $0xffff  }
0x2b9: {  	v21 =	vld [tilespmem:s7+$0xD630]  }
0x2ba: {  	v53 =	vld.idx.msk [tilespmem:v53+s22+$0x0], $0xffff  }
0x2bb: {  	v25 =	vld [tilespmem:s7+$0x1270]  }
0x2bc: {  	v22 =	vld [tilespmem:s7+$0xD620]  }
0x2bd: {  	v23 =	vld [tilespmem:s7+$0x7620];
	v19 =	vmul.f32 v19, v52  }
0x2be: {  	v24 =	vld [tilespmem:s7+$0x7600];
	v20 =	vmul.f32 v20, v52;
	v17 =	vmul.f32 v17, v52  }
0x2bf: {  	v26 =	vld [tilespmem:s7+$0x1260];
	v18 =	vmul.f32 v18, v52;
	v16 =	vmul.f32 v16, v53  }
0x2c0: {  	v27 =	vld [tilespmem:s7+$0x1250];
	v14 =	vmul.f32 v14, v53;
	v25 =	vmul.f32 v25, v52  }
0x2c1: {  	v12 =	vmul.f32 v12, v53;
	v19 =	vadd.f32 v19, v22;
	v20 =	vadd.f32 v20, v21;
	v21 =	vld [tilespmem:s7+$0x1240]  }
0x2c2: {  	v15 =	vadd.f32 v18, v15;
	v18 =	vmul.f32 v23, v53;
	v22 =	vld [tilespmem:s7+$0xD250];
	v13 =	vadd.f32 v17, v13  }
0x2c3: {  	v17 =	vmul.f32 v24, v53;
	v24 =	vld [tilespmem:s7+$0x1230];
	v11 =	vadd.f32 v25, v11;
	v16 =	vadd.f32 v16, v20  }
0x2c4: {  	v14 =	vadd.f32 v14, v15;
	v15 =	vadd.f32 v18, v19;
	v18 =	vld [tilespmem:s7+$0x1220]  }
0x2c5: {  	v11 =	vadd.f32 v12, v11;
	v12 =	vld [tilespmem:s7+$0xE70]  }
0x2c6: {  	[tilespmem:s7+$0xD630] =	vst v16;
	v16 =	vld [tilespmem:s7+$0xD230]  }
0x2c7: {  	v19 =	vmul.f32 v26, v52;
	[tilespmem:s7+$0xD620] =	vst v15;
	v15 =	vld [tilespmem:s7+$0x1210]  }
0x2c8: {  	v10 =	vmul.f32 v10, v53;
	v13 =	vadd.f32 v17, v13;
	v17 =	vmul.f32 v27, v52;
	[tilespmem:s7+$0xD610] =	vst v14;
	v14 =	vld [tilespmem:s7+$0x1200]  }
0x2c9: {  	v8 =	vmul.f32 v8, v53;
	v9 =	vadd.f32 v19, v9;
	[tilespmem:s7+$0xD270] =	vst v11;
	v11 =	vld [tilespmem:s7+$0xCE70];
	v21 =	vmul.f32 v21, v52  }
0x2ca: {  	v7 =	vmul.f32 v7, v53;
	v5 =	vmul.f32 v5, v53;
	v19 =	vld [tilespmem:$0x1FCC0];
	v17 =	vadd.f32 v17, v22  }
0x2cb: {  	[tilespmem:s7+$0xD600] =	vst v13;
	v13 =	vmul.f32 v24, v52;
	v9 =	vadd.f32 v10, v9;
	v10 =	vld [tilespmem:s7+$0xE60];
	v6 =	vadd.f32 v21, v6  }
0x2cc: {  	v4 =	vmul.f32 v4, v53;
	v18 =	vmul.f32 v18, v52;
	v8 =	vadd.f32 v8, v17;
	v17 =	vld [tilespmem:$0x1FDA0]  }
0x2cd: {  	v12 =	vmul.f32 v12, v52;
	[tilespmem:s7+$0xD260] =	vst v9;
	v13 =	vadd.f32 v13, v16;
	v6 =	vadd.f32 v7, v6;
	v7 =	vld [tilespmem:s7+$0xE50]  }
0x2ce: {  	v1 =	vmul.f32 v1, v53;
	v9 =	vmul.f32 v15, v52;
	v3 =	vadd.f32 v18, v3;
	[tilespmem:s7+$0xD250] =	vst v8;
	v8 =	vld [tilespmem:s7+$0xE40]  }
0x2cf: {  	v14 =	vmul.f32 v14, v52;
	v11 =	vadd.f32 v12, v11;
	v15 =	vld [tilespmem:$0x1FE30];
	v5 =	vadd.f32 v5, v13  }
0x2d0: {  	v0 =	vmul.f32 v0, v53;
	[tilespmem:s7+$0xD240] =	vst v6;
	v6 =	vld [tilespmem:s7+$0xCE50];
	v2 =	vadd.f32 v9, v2;
	v3 =	vadd.f32 v4, v3  }
0x2d1: {  	v4 =	vld [tilespmem:s7+$0xE30];
	v9 =	vmul.f32 v10, v52;
	v10 =	vmul.f32 v62, v53;
	v13 =	vadd.f32 v14, v63  }
0x2d2: {  	v12 =	vmul.f32 v59, v53;
	[tilespmem:s7+$0xD230] =	vst v5;
	v5 =	vld [tilespmem:s7+$0xE20];
	v1 =	vadd.f32 v1, v2  }
0x2d3: {  	v14 =	vmul.f32 v61, v53;
	v2 =	vld [tilespmem:s7+$0xE10];
	v0 =	vadd.f32 v0, v13;
	v10 =	vadd.f32 v10, v11  }
0x2d4: {  	[tilespmem:s7+$0xD220] =	vst v3;
	v11 =	vmul.f32 v58, v53;
	v3 =	vmul.f32 v7, v52;
	v7 =	vadd.f32 v9, v60;
	v9 =	vld [tilespmem:s7+$0xE00]  }
0x2d5: {  	v13 =	vmul.f32 v54, v53;
	v8 =	vmul.f32 v8, v52;
	[tilespmem:s7+$0xD210] =	vst v1;
	v1 =	vld [tilespmem:s7+$0xCE10]  }
0x2d6: {  	[tilespmem:s7+$0xD200] =	vst v0;
	v0 =	vld [tilespmem:s7+$0xA70];
	v3 =	vadd.f32 v3, v6;
	v6 =	vadd.f32 v14, v7;
	v4 =	vmul.f32 v4, v52  }
0x2d7: {  	[tilespmem:s7+$0xCE70] =	vst v10;
	v10 =	vld [tilespmem:s7+$0xA60];
	v7 =	vmul.f32 v56, v53;
	v8 =	vadd.f32 v8, v57;
	v14 =	vmul.f32 v49, v53  }
0x2d8: {  	v5 =	vmul.f32 v5, v52;
	v3 =	vadd.f32 v12, v3;
	[tilespmem:s7+$0xCE60] =	vst v6;
	v6 =	vld [tilespmem:s7+$0xCA70];
	v2 =	vmul.f32 v2, v52  }
0x2d9: {  	v4 =	vadd.f32 v4, v55;
	v8 =	vadd.f32 v11, v8;
	v11 =	vld [tilespmem:s7+$0xA50];
	v9 =	vmul.f32 v9, v52  }
0x2da: {  	v12 =	vmul.f32 v50, v53;
	v5 =	vadd.f32 v5, v51;
	[tilespmem:s7+$0xCE50] =	vst v3;
	v3 =	vld [tilespmem:s7+$0xA40];
	v1 =	vadd.f32 v2, v1  }
0x2db: {  	v2 =	vadd.f32 v7, v4;
	v4 =	vld [tilespmem:s7+$0xA30];
	v0 =	vmul.f32 v0, v52;
	v7 =	vadd.f32 v9, v48  }
0x2dc: {  	[tilespmem:s7+$0xCE40] =	vst v8;
	v8 =	vld [tilespmem:s7+$0xA20];
	v9 =	vmul.f32 v10, v52;
	v10 =	vmul.f32 v47, v53;
	v5 =	vadd.f32 v13, v5  }
0x2dd: {  	v1 =	vadd.f32 v12, v1;
	[tilespmem:s7+$0xCE30] =	vst v2;
	v2 =	vld [tilespmem:s7+$0xCA30];
	v12 =	vmul.f32 v46, v53;
	v0 =	vadd.f32 v0, v6  }
0x2de: {  	v6 =	vadd.f32 v14, v7;
	v7 =	vmul.f32 v11, v52;
	v9 =	vadd.f32 v9, v45;
	[tilespmem:s7+$0xCE20] =	vst v5;
	v5 =	vld [tilespmem:s7+$0xA10]  }
0x2df: {  	v11 =	vmul.f32 v44, v53;
	[tilespmem:s7+$0xCE10] =	vst v1;
	v1 =	vld [tilespmem:s7+$0xA00];
	v3 =	vmul.f32 v3, v52;
	v10 =	vadd.f32 v10, v0  }
0x2e0: {  	[tilespmem:s7+$0xCE00] =	vst v6;
	v4 =	vmul.f32 v4, v52;
	v6 =	vadd.f32 v7, v43;
	v7 =	vadd.f32 v12, v9;
	v9 =	vld [tilespmem:s7+$0x670]  }
0x2e1: {  	v8 =	vmul.f32 v8, v52;
	v3 =	vadd.f32 v3, v41;
	[tilespmem:s7+$0xCA70] =	vst v10;
	v10 =	vld [tilespmem:s7+$0x660]  }
0x2e2: {  	v13 =	vmul.f32 v42, v53;
	v2 =	vadd.f32 v4, v2;
	v4 =	vadd.f32 v11, v6;
	v6 =	vld [tilespmem:s7+$0x650]  }
0x2e3: {  	v16 =	vld [tilespmem:$0x1FDE0];
	v14 =	vmul.f32 v39, v53;
	v12 =	vmul.f32 v40, v53;
	[tilespmem:s7+$0xCA60] =	vst v7;
	v7 =	vadd.f32 v8, v38  }
0x2e4: {  	v18 =	vld [tilespmem:$0x1FD80];
	v5 =	vmul.f32 v5, v52;
	v3 =	vadd.f32 v13, v3;
	v11 =	vmul.f32 v1, v52  }
0x2e5: {  	v0 =	vld [tilespmem:s7+$0x7640];
	v13 =	vmul.f32 v37, v53;
	v7 =	vadd.f32 v14, v7;
	v9 =	vmul.f32 v9, v52  }
0x2e6: {  	v8 =	vld [tilespmem:s7+$0x640];
	v2 =	vadd.f32 v12, v2;
	v5 =	vadd.f32 v5, v36;
	[tilespmem:s7+$0xCA40] =	vst v3;
	v10 =	vmul.f32 v10, v52  }
0x2e7: {  	v12 =	vmul.f32 v33, v53;
	v3 =	vld [tilespmem:s7+$0x630];
	[tilespmem:s7+$0xCA20] =	vst v7;
	v6 =	vmul.f32 v6, v52;
	v7 =	vadd.f32 v9, v32  }
0x2e8: {  	v14 =	vmul.f32 v31, v53;
	[tilespmem:s7+$0xCA30] =	vst v2;
	v2 =	vld [tilespmem:s7+$0x620];
	v5 =	vadd.f32 v13, v5;
	v10 =	vadd.f32 v10, v30  }
0x2e9: {  	v13 =	vmul.f32 v29, v53;
	v6 =	vadd.f32 v6, v28;
	v7 =	vadd.f32 v12, v7;
	v12 =	vld [tilespmem:$0x1FE20]  }
0x2ea: {  	[tilespmem:s7+$0xCA50] =	vst v4;
	v4 =	vmul.f32 v35, v53;
	v11 =	vadd.f32 v11, v34;
	v10 =	vadd.f32 v14, v10;
	v14 =	vld [tilespmem:$0x1FE10]  }
0x2eb: {  	v6 =	vadd.f32 v13, v6;
	v13 =	vld [tilespmem:$0x1FE00]  }
0x2ec: {  	v4 =	vadd.f32 v4, v11;
	v11 =	vld [tilespmem:s7+$0x610]  }
0x2ed: {  	v8 =	vmul.f32 v8, v52;
	[tilespmem:s7+$0xCA10] =	vst v5;
	v5 =	vld [tilespmem:s7+$0x600]  }
0x2ee: {  	[tilespmem:s7+$0xCA00] =	vst v4;
	v4 =	vld [tilespmem:s7+$0x270];
	v3 =	vmul.f32 v3, v52;
	v2 =	vmul.f32 v2, v52  }
0x2ef: {  	v15 =	vmul.f32 v15, v53;
	[tilespmem:s7+$0xC670] =	vst v7;
	v7 =	vld [tilespmem:$0x1FDF0];
	v8 =	vadd.f32 v8, v12  }
0x2f0: {  	v2 =	vadd.f32 v2, v16;
	v16 =	vld [tilespmem:$0x1FDB0];
	v14 =	vmul.f32 v14, v53;
	v3 =	vadd.f32 v3, v13  }
0x2f1: {  	v8 =	vadd.f32 v15, v8;
	v15 =	vld [tilespmem:$0x1FDD0]  }
0x2f2: {  	v3 =	vadd.f32 v14, v3;
	v14 =	vld [tilespmem:$0x1FDC0]  }
0x2f3: {  	v5 =	vmul.f32 v5, v52;
	v13 =	vld [tilespmem:s7+$0x250]  }
0x2f4: {  	[tilespmem:s7+$0xC650] =	vst v6;
	v6 =	vld [tilespmem:s7+$0x240];
	v7 =	vmul.f32 v7, v53  }
0x2f5: {  	v11 =	vmul.f32 v11, v52;
	v12 =	vld [tilespmem:s7+$0x260];
	v5 =	vadd.f32 v5, v17;
	v16 =	vmul.f32 v16, v53  }
0x2f6: {  	v17 =	vld [tilespmem:$0x1FD70];
	v2 =	vadd.f32 v7, v2  }
0x2f7: {  	v5 =	vadd.f32 v16, v5;
	v16 =	vld [tilespmem:$0x1FD40];
	v15 =	vmul.f32 v15, v53;
	v11 =	vadd.f32 v11, v14  }
0x2f8: {  	v4 =	vmul.f32 v4, v52;
	[tilespmem:s7+$0xC620] =	vst v2;
	v2 =	vmul.f32 v13, v52;
	v13 =	vld [tilespmem:$0x1FD60]  }
0x2f9: {  	v11 =	vadd.f32 v15, v11;
	v15 =	vld [tilespmem:$0x1FD50]  }
0x2fa: {  	v4 =	vadd.f32 v4, v18;
	v18 =	vld [tilespmem:$0x1FCE0]  }
0x2fb: {  	v12 =	vmul.f32 v12, v52;
	v14 =	vld [tilespmem:$0x1FD90]  }
0x2fc: {  	[tilespmem:s7+$0xC640] =	vst v8;
	v8 =	vld [tilespmem:s7+$0x210]  }
0x2fd: {  	v7 =	vld [tilespmem:s7+$0x230];
	v17 =	vmul.f32 v17, v53;
	v12 =	vadd.f32 v12, v13  }
0x2fe: {  	[tilespmem:s7+$0xC630] =	vst v3;
	v3 =	vld [tilespmem:s7+$0x220];
	v2 =	vadd.f32 v2, v16;
	v15 =	vmul.f32 v15, v53  }
0x2ff: {  	v12 =	vadd.f32 v17, v12;
	v17 =	vld [tilespmem:$0x1FD20]  }
0x300: {  	v14 =	vmul.f32 v14, v53;
	v2 =	vadd.f32 v15, v2;
	v15 =	vld [tilespmem:$0x1FD00]  }
0x301: {  	v16 =	vld [tilespmem:$0x1FD10]  }
0x302: {  	v6 =	vmul.f32 v6, v52;
	v4 =	vadd.f32 v14, v4;
	v14 =	vld [tilespmem:$0x1FD30]  }
0x303: {  	v7 =	vmul.f32 v7, v52;
	v13 =	vld [tilespmem:s7+$0x1640]  }
0x304: {  	v6 =	vadd.f32 v6, v17;
	v17 =	vld [tilespmem:$0x1FCF0]  }
0x305: {  	[tilespmem:s7+$0xC660] =	vst v10;
	v7 =	vadd.f32 v7, v15;
	v15 =	vld [tilespmem:$0x1FCD0]  }
0x306: {  	v3 =	vmul.f32 v3, v52;
	[tilespmem:s7+$0xC270] =	vst v4;
	v4 =	vld [tilespmem:s7+$0xD640]  }
0x307: {  	[tilespmem:s7+$0xC610] =	vst v11;
	v11 =	vld [tilespmem:s7+$0x1650];
	v14 =	vmul.f32 v14, v53  }
0x308: {  	v1 =	vld [tilespmem:s7+$0x7650];
	[tilespmem:s7+$0xC600] =	vst v5;
	v8 =	vmul.f32 v8, v52;
	v3 =	vadd.f32 v3, v18;
	v16 =	vmul.f32 v16, v53  }
0x309: {  	[tilespmem:s7+$0xC250] =	vst v2;
	v2 =	vmul.f32 v13, v52;
	v6 =	vadd.f32 v14, v6;
	v14 =	vld [tilespmem:s7+$0xD650];
	v17 =	vmul.f32 v17, v53  }
0x30a: {  	s29 =	sshrl.u32 s28, $0x3;
	v9 =	vld [tilespmem:s7+$0x7660];
	v8 =	vadd.f32 v8, v19;
	[tilespmem:s7+$0xC260] =	vst v12;
	v7 =	vadd.f32 v16, v7;
	v15 =	vmul.f32 v15, v53  }
0x30b: {  	s26 =	sadd.s32 $0x80, s26;
	s29 =	smul.u32 $0x1800, s29;
	v0 =	vmul.f32 v0, v53;
	v2 =	vadd.f32 v2, v4;
	[tilespmem:s7+$0xC240] =	vst v6;
	v3 =	vadd.f32 v17, v3  }
0x30c: {  	s30 =	sand.u32 $0x380, s26;
	v5 =	vld [tilespmem:s7+$0x1660];
	v4 =	vmul.f32 v11, v52;
	[tilespmem:s7+$0xC230] =	vst v7;
	v8 =	vadd.f32 v15, v8  }
0x30d: {  	s29 =	sor.u32 s30, s29;
	v13 =	vld [tilespmem:s7+$0xD660];
	v0 =	vadd.f32 v0, v2;
	[tilespmem:s7+$0xC220] =	vst v3  }
0x30e: {  	v1 =	vmul.f32 v1, v53;
	v2 =	vadd.f32 v4, v14;
	v4 =	vld [tilespmem:s29+$0x6200];
	[tilespmem:s7+$0xC210] =	vst v8  }
0x30f: {  	v3 =	vmul.f32 v9, v53;
	v9 =	vld [tilespmem:s29+$0xC210];
	[tilespmem:s7+$0xD640] =	vst v0  }
0x310: {  	v0 =	vadd.f32 v1, v2;
	v1 =	vld [tilespmem:s29+$0x6210];
	_ =	sdelay $0x1  }
0x311: {  	v5 =	vmul.f32 v5, v52  }
0x312: {  	v12 =	vld [tilespmem:s7+$0x1670]  }
0x313: {  	v10 =	vld [tilespmem:s7+$0x7670];
	v5 =	vadd.f32 v5, v13  }
0x314: {  	v6 =	vld [tilespmem:s7+$0xD670];
	[tilespmem:$0x1FCD0] =	vst v1  }
0x315: {  	v1 =	vadd.f32 v3, v5;
	v3 =	vld [tilespmem:s29+$0xC220];
	[tilespmem:s7+$0xD650] =	vst v0  }
0x316: {  	v0 =	vld [tilespmem:s29+$0x6220]  }
0x317: {  	v18 =	vld [tilespmem:s7+$0x200];
	v7 =	vmul.f32 v12, v52  }
0x318: {  	v11 =	vld [tilespmem:s7+$0xC200];
	v2 =	vmov v4  }
0x319: {  	v8 =	vmul.f32 v10, v53;
	v10 =	vld [tilespmem:$0x1FCB0];
	[tilespmem:$0x1FCB0] =	vst v2;
	v5 =	vadd.f32 v7, v6  }
0x31a: {  	[tilespmem:s7+$0xD660] =	vst v1  }
0x31b: {  	v1 =	vld [tilespmem:s29+$0xC230];
	[tilespmem:$0x1FCF0] =	vst v0;
	v0 =	vadd.f32 v8, v5  }
0x31c: {  	[tilespmem:$0x1FCC0] =	vst v9;
	v9 =	vmul.f32 v18, v52  }
0x31d: {  	v2 =	vld [tilespmem:s29+$0x6230];
	[tilespmem:s7+$0xD670] =	vst v0  }
0x31e: {  	v10 =	vmul.f32 v10, v53;
	[tilespmem:$0x1FCE0] =	vst v3;
	v3 =	vadd.f32 v9, v11;
	v0 =	vld [tilespmem:s29+$0xC240];
	_ =	sdelay $0x1  }
0x31f: {  	[tilespmem:$0x1FD00] =	vst v1;
	v1 =	vadd.f32 v10, v3;
	_ =	sdelay $0x1  }
0x320: {  	[tilespmem:s7+$0xC200] =	vst v1;
	s7 =	smov.u32 s29  }
0x321: {  	[tilespmem:$0x1FD20] =	vst v0;
	v0 =	vld [tilespmem:s7+$0x6240];
	_ =	sdelay $0x4  }
0x322: {  	[tilespmem:$0x1FD30] =	vst v0;
	v0 =	vld [tilespmem:s7+$0xC250];
	_ =	sdelay $0x4  }
0x323: {  	[tilespmem:$0x1FD40] =	vst v0;
	v0 =	vld [tilespmem:s7+$0x6250];
	_ =	sdelay $0x4  }
0x324: {  	[tilespmem:$0x1FD50] =	vst v0;
	v0 =	vld [tilespmem:s7+$0xC260];
	_ =	sdelay $0x4  }
0x325: {  	[tilespmem:$0x1FD60] =	vst v0;
	v0 =	vld [tilespmem:s7+$0x6260];
	_ =	sdelay $0x2  }
0x326: {  	v28 =	vld [tilespmem:s7+$0xC650]  }
0x327: {  	v29 =	vld [tilespmem:s7+$0x6650]  }
0x328: {  	[tilespmem:$0x1FD70] =	vst v0;
	v0 =	vld [tilespmem:s7+$0xC270]  }
0x329: {  	v30 =	vld [tilespmem:s7+$0xC660]  }
0x32a: {  	v31 =	vld [tilespmem:s7+$0x6660]  }
0x32b: {  	v32 =	vld [tilespmem:s7+$0xC670]  }
0x32c: {  	v33 =	vld [tilespmem:s7+$0x6670]  }
0x32d: {  	[tilespmem:$0x1FD80] =	vst v0;
	v0 =	vld [tilespmem:s7+$0x6270]  }
0x32e: {  	v34 =	vld [tilespmem:s7+$0xCA00]  }
0x32f: {  	v35 =	vld [tilespmem:s7+$0x6A00]  }
0x330: {  	v36 =	vld [tilespmem:s7+$0xCA10]  }
0x331: {  	v37 =	vld [tilespmem:s7+$0x6A10]  }
0x332: {  	[tilespmem:$0x1FD90] =	vst v0;
	v0 =	vld [tilespmem:s7+$0xC600]  }
0x333: {  	v38 =	vld [tilespmem:s7+$0xCA20]  }
0x334: {  	v39 =	vld [tilespmem:s7+$0x6A20]  }
0x335: {  	v40 =	vld [tilespmem:s7+$0x6A30]  }
0x336: {  	v41 =	vld [tilespmem:s7+$0xCA40]  }
0x337: {  	[tilespmem:$0x1FDA0] =	vst v0;
	v0 =	vld [tilespmem:s7+$0x6600]  }
0x338: {  	v42 =	vld [tilespmem:s7+$0x6A40]  }
0x339: {  	v43 =	vld [tilespmem:s7+$0xCA50]  }
0x33a: {  	v44 =	vld [tilespmem:s7+$0x6A50]  }
0x33b: {  	v45 =	vld [tilespmem:s7+$0xCA60]  }
0x33c: {  	[tilespmem:$0x1FDB0] =	vst v0;
	v0 =	vld [tilespmem:s7+$0xC610]  }
0x33d: {  	v46 =	vld [tilespmem:s7+$0x6A60]  }
0x33e: {  	v47 =	vld [tilespmem:s7+$0x6A70]  }
0x33f: {  	v48 =	vld [tilespmem:s7+$0xCE00]  }
0x340: {  	v49 =	vld [tilespmem:s7+$0x6E00]  }
0x341: {  	[tilespmem:$0x1FDC0] =	vst v0;
	v0 =	vld [tilespmem:s7+$0x6610]  }
0x342: {  	v50 =	vld [tilespmem:s7+$0x6E10]  }
0x343: {  	v51 =	vld [tilespmem:s7+$0xCE20]  }
0x344: {  	v54 =	vld [tilespmem:s7+$0x6E20]  }
0x345: {  	v55 =	vld [tilespmem:s7+$0xCE30]  }
0x346: {  	[tilespmem:$0x1FDD0] =	vst v0;
	v0 =	vld [tilespmem:s7+$0xC620]  }
0x347: {  	v56 =	vld [tilespmem:s7+$0x6E30]  }
0x348: {  	v57 =	vld [tilespmem:s7+$0xCE40]  }
0x349: {  	v58 =	vld [tilespmem:s7+$0x6E40]  }
0x34a: {  	v59 =	vld [tilespmem:s7+$0x6E50]  }
0x34b: {  	[tilespmem:$0x1FDE0] =	vst v0;
	v0 =	vld [tilespmem:s7+$0x6620]  }
0x34c: {  	v60 =	vld [tilespmem:s7+$0xCE60]  }
0x34d: {  	v61 =	vld [tilespmem:s7+$0x6E60]  }
0x34e: {  	v62 =	vld [tilespmem:s7+$0x6E70]  }
0x34f: {  	v63 =	vld [tilespmem:s7+$0xD200]  }
0x350: {  	[tilespmem:$0x1FDF0] =	vst v0;
	v0 =	vld [tilespmem:s7+$0xC630]  }
0x351: {  	[tilespmem:$0x1FD10] =	vst v2;
	v2 =	vld [tilespmem:s7+$0xD210]  }
0x352: {  	v1 =	vld [tilespmem:s7+$0x7210]  }
0x353: {  	v3 =	vld [tilespmem:s7+$0xD220]  }
0x354: {  	v4 =	vld [tilespmem:s7+$0x7220]  }
0x355: {  	[tilespmem:$0x1FE00] =	vst v0;
	v0 =	vld [tilespmem:s7+$0x6630]  }
0x356: {  	v5 =	vld [tilespmem:s7+$0x7230]  }
0x357: {  	v6 =	vld [tilespmem:s7+$0xD240]  }
0x358: {  	v7 =	vld [tilespmem:s7+$0x7240]  }
0x359: {  	v8 =	vld [tilespmem:s7+$0x7250]  }
0x35a: {  	[tilespmem:$0x1FE10] =	vst v0;
	v0 =	vld [tilespmem:s7+$0xC640]  }
0x35b: {  	v9 =	vld [tilespmem:s7+$0xD260]  }
0x35c: {  	v10 =	vld [tilespmem:s7+$0x7260]  }
0x35d: {  	v11 =	vld [tilespmem:s7+$0xD270]  }
0x35e: {  	v12 =	vld [tilespmem:s7+$0x7270]  }
0x35f: {  	p0 =	sne.s32 s28, $0x1F;
	[tilespmem:$0x1FE20] =	vst v0;
	v0 =	vld [tilespmem:s7+$0x6640]  }
.Ltmp1:
0x360: {  	v13 =	vld [tilespmem:s7+$0xD600];
	(pc) =	sbr.rel @p0 .LBB2_4-.Ltmp1, $4  }
0x361: {  	v15 =	vld [tilespmem:s7+$0xD610]  }
0x362: {  	v14 =	vld [tilespmem:s7+$0x7610]  }
0x363: {  	v16 =	vld [tilespmem:s7+$0x7630]  }
0x364: {  	v53 =	vmov s28;
	s28 =	sadd.s32 $0x1, s28;
	[tilespmem:$0x1FE30] =	vst v0;
	v0 =	vld [tilespmem:s7+$0x7200]  }
0x365: {  	_ =	sdelay $0x3  }
0x366: {  	v52 =	vld.idx.msk [tilespmem:v53+s21+$0x0], $0xffff  }
0x367: {  	v53 =	vld.idx.msk [tilespmem:v53+s22+$0x0], $0xffff  }
0x368: {  	v17 =	vld [tilespmem:s7+$0x1600]  }
0x369: {  	v18 =	vld [tilespmem:s7+$0x1610]  }
0x36a: {  	v19 =	vld [tilespmem:s7+$0x1620]  }
0x36b: {  	v20 =	vld [tilespmem:s7+$0x1630]  }
0x36c: {  	v21 =	vld [tilespmem:s7+$0xD630]  }
0x36d: {  	v22 =	vld [tilespmem:s7+$0xD620]  }
0x36e: {  	v25 =	vld [tilespmem:s7+$0x1270]  }
0x36f: {  	v23 =	vld [tilespmem:s7+$0x7620]  }
0x370: {  	v24 =	vld [tilespmem:s7+$0x7600]  }
0x371: {  	v26 =	vld [tilespmem:s7+$0x1260];
	v20 =	vmul.f32 v20, v52  }
0x372: {  	v27 =	vld [tilespmem:s7+$0x1250];
	v19 =	vmul.f32 v19, v52  }
0x373: {  	v18 =	vmul.f32 v18, v52;
	v25 =	vmul.f32 v25, v52;
	v20 =	vadd.f32 v20, v21;
	v21 =	vld [tilespmem:s7+$0x1240]  }
0x374: {  	v16 =	vmul.f32 v16, v53;
	v14 =	vmul.f32 v14, v53;
	v19 =	vadd.f32 v19, v22;
	v22 =	vld [tilespmem:s7+$0x1230]  }
0x375: {  	v12 =	vmul.f32 v12, v53;
	v15 =	vadd.f32 v18, v15;
	v18 =	vld [tilespmem:s7+$0x1220];
	v11 =	vadd.f32 v25, v11  }
0x376: {  	v16 =	vadd.f32 v16, v20;
	v20 =	vmul.f32 v23, v53;
	v23 =	vmul.f32 v17, v52;
	v17 =	vld [tilespmem:s7+$0xD230]  }
0x377: {  	v14 =	vadd.f32 v14, v15;
	v15 =	vld [tilespmem:s7+$0x1200]  }
0x378: {  	v11 =	vadd.f32 v12, v11;
	v12 =	vld [tilespmem:s7+$0xA70]  }
0x379: {  	[tilespmem:s7+$0xD610] =	vst v14;
	v14 =	vld [tilespmem:s7+$0xE60]  }
0x37a: {  	v19 =	vadd.f32 v20, v19;
	v20 =	vmul.f32 v26, v52;
	v26 =	vld [tilespmem:s7+$0xCE70]  }
0x37b: {  	[tilespmem:s7+$0xD270] =	vst v11;
	v11 =	vld [tilespmem:s7+$0xCE10]  }
0x37c: {  	[tilespmem:$0x1FC90] =	vst v21;
	v21 =	vld [tilespmem:s7+$0xD250]  }
0x37d: {  	v24 =	vmul.f32 v24, v53;
	[tilespmem:s7+$0xD630] =	vst v16;
	v13 =	vadd.f32 v23, v13;
	v16 =	vmul.f32 v18, v52;
	v18 =	vld [tilespmem:s7+$0xCE50]  }
0x37e: {  	[tilespmem:s7+$0xD620] =	vst v19;
	v19 =	vld [tilespmem:s7+$0x1210]  }
0x37f: {  	v13 =	vadd.f32 v24, v13;
	v24 =	vld [tilespmem:s7+$0xE70]  }
0x380: {  	v23 =	vmul.f32 v27, v52;
	v27 =	vmul.f32 v22, v52;
	v25 =	vld [tilespmem:$0x1FC90]  }
0x381: {  	v3 =	vadd.f32 v16, v3;
	v22 =	vmul.f32 v15, v52;
	v15 =	vmul.f32 v59, v53;
	v16 =	vld [tilespmem:s7+$0xA60]  }
0x382: {  	v59 =	vmul.f32 v12, v52;
	v12 =	vmul.f32 v46, v53;
	v46 =	vld [tilespmem:s7+$0x270]  }
0x383: {  	v10 =	vmul.f32 v10, v53;
	v9 =	vadd.f32 v20, v9;
	[tilespmem:s7+$0xD600] =	vst v13;
	v13 =	vadd.f32 v23, v21;
	v21 =	vld [tilespmem:s7+$0xE30]  }
0x384: {  	v8 =	vmul.f32 v8, v53;
	v7 =	vmul.f32 v7, v53;
	v23 =	vld [tilespmem:s7+$0xE20]  }
0x385: {  	v4 =	vmul.f32 v4, v53;
	v9 =	vadd.f32 v10, v9;
	v10 =	vmul.f32 v25, v52;
	v25 =	vld [tilespmem:s7+$0xE10]  }
0x386: {  	v1 =	vmul.f32 v1, v53;
	v20 =	vmul.f32 v19, v52;
	v19 =	vld [tilespmem:s7+$0xCA70]  }
0x387: {  	v0 =	vmul.f32 v0, v53;
	v8 =	vadd.f32 v8, v13;
	v13 =	vadd.f32 v27, v17;
	v17 =	vld [tilespmem:s7+$0xE40]  }
0x388: {  	v3 =	vadd.f32 v4, v3;
	v24 =	vmul.f32 v24, v52;
	v6 =	vadd.f32 v10, v6;
	v10 =	vld [tilespmem:s7+$0xE50]  }
0x389: {  	v4 =	vadd.f32 v22, v63;
	v27 =	vmul.f32 v62, v53;
	v2 =	vadd.f32 v20, v2;
	v20 =	vld [tilespmem:s7+$0xA50]  }
0x38a: {  	[tilespmem:s7+$0xD220] =	vst v3;
	v62 =	vmul.f32 v61, v53;
	v3 =	vadd.f32 v24, v26;
	v26 =	vmul.f32 v14, v52;
	v24 =	vld [tilespmem:s7+$0xA40]  }
0x38b: {  	[tilespmem:s7+$0xD250] =	vst v8;
	v6 =	vadd.f32 v7, v6;
	v1 =	vadd.f32 v1, v2;
	v7 =	vld [tilespmem:s7+$0xE00];
	v8 =	vmul.f32 v21, v52  }
0x38c: {  	v3 =	vadd.f32 v27, v3;
	v22 =	vmul.f32 v23, v52;
	v27 =	vmul.f32 v54, v53;
	v54 =	vld [tilespmem:s7+$0xA20]  }
0x38d: {  	v21 =	vmul.f32 v56, v53;
	v56 =	vmul.f32 v50, v53;
	v50 =	vld [tilespmem:$0x1FE20]  }
0x38e: {  	v61 =	vmul.f32 v16, v52;
	[tilespmem:s7+$0xD210] =	vst v1;
	v1 =	vadd.f32 v26, v60;
	v26 =	vadd.f32 v22, v51;
	v51 =	vld [tilespmem:s7+$0xA30]  }
0x38f: {  	v14 =	vmul.f32 v17, v52;
	v60 =	vld [tilespmem:s7+$0xA10];
	v16 =	vmul.f32 v24, v52  }
0x390: {  	v24 =	vmul.f32 v39, v53;
	v39 =	vmul.f32 v35, v53;
	v35 =	vld [tilespmem:s7+$0x1670]  }
0x391: {  	v5 =	vmul.f32 v5, v53;
	v0 =	vadd.f32 v0, v4;
	v17 =	vadd.f32 v14, v57;
	v57 =	vld [tilespmem:s7+$0xCA30]  }
0x392: {  	v63 =	vmul.f32 v10, v52;
	v14 =	vmul.f32 v20, v52;
	v20 =	vld [tilespmem:s7+$0x650]  }
0x393: {  	[tilespmem:s7+$0xD200] =	vst v0;
	v5 =	vadd.f32 v5, v13;
	v0 =	vadd.f32 v62, v1;
	v62 =	vmul.f32 v47, v53;
	v47 =	vld [tilespmem:s7+$0x260]  }
0x394: {  	v2 =	vadd.f32 v27, v26;
	v13 =	vadd.f32 v63, v18;
	v63 =	vld [tilespmem:s7+$0xA00]  }
0x395: {  	v18 =	vmul.f32 v58, v53;
	v58 =	vmul.f32 v49, v53;
	v49 =	vld [tilespmem:$0x1FE30]  }
0x396: {  	[tilespmem:s7+$0xCE20] =	vst v2;
	v2 =	vadd.f32 v59, v19;
	v59 =	vld [tilespmem:$0x1FDE0]  }
0x397: {  	v19 =	vmul.f32 v42, v53;
	v42 =	vmul.f32 v33, v53;
	v33 =	vld [tilespmem:s7+$0xD640]  }
0x398: {  	v1 =	vadd.f32 v15, v13;
	v15 =	vld [tilespmem:s7+$0x670]  }
0x399: {  	[tilespmem:s7+$0xCE60] =	vst v0;
	v0 =	vadd.f32 v18, v17;
	v18 =	vld [tilespmem:s7+$0x660]  }
0x39a: {  	v23 =	vadd.f32 v8, v55;
	v55 =	vmul.f32 v7, v52;
	v17 =	vmul.f32 v44, v53;
	v44 =	vld [tilespmem:s7+$0x600]  }
0x39b: {  	[tilespmem:s7+$0xD230] =	vst v5;
	v5 =	vmul.f32 v51, v52;
	v51 =	vld [tilespmem:s7+$0x250]  }
0x39c: {  	[tilespmem:s7+$0xCE70] =	vst v3;
	v3 =	vadd.f32 v55, v48;
	v55 =	vld [tilespmem:$0x1FE10]  }
0x39d: {  	v10 =	vmul.f32 v60, v52;
	v60 =	vld [tilespmem:$0x1FDF0]  }
0x39e: {  	v13 =	vadd.f32 v61, v45;
	v61 =	vld [tilespmem:s7+$0x210]  }
0x39f: {  	v45 =	vmul.f32 v31, v53;
	v31 =	vld [tilespmem:$0x1FD50]  }
0x3a0: {  	v25 =	vmul.f32 v25, v52;
	v2 =	vadd.f32 v62, v2;
	v62 =	vld [tilespmem:$0x1FDC0]  }
0x3a1: {  	[tilespmem:s7+$0xCE50] =	vst v1;
	v1 =	vadd.f32 v21, v23;
	v21 =	vld [tilespmem:s7+$0x640]  }
0x3a2: {  	[tilespmem:s7+$0xCE40] =	vst v0;
	v0 =	vadd.f32 v25, v11;
	v25 =	vld [tilespmem:s7+$0x630]  }
0x3a3: {  	[tilespmem:s7+$0xD240] =	vst v6;
	v6 =	vadd.f32 v14, v43;
	v23 =	vmul.f32 v40, v53;
	v40 =	vld [tilespmem:s7+$0x610]  }
0x3a4: {  	v7 =	vmul.f32 v20, v52;
	v20 =	vld [tilespmem:s7+$0x220]  }
0x3a5: {  	v27 =	vmul.f32 v37, v53;
	v6 =	vadd.f32 v17, v6;
	v37 =	vadd.f32 v10, v36;
	v36 =	vld [tilespmem:$0x1FD30]  }
0x3a6: {  	v22 =	vmul.f32 v54, v52;
	v26 =	vmul.f32 v63, v52;
	v63 =	vld [tilespmem:s7+$0x230]  }
0x3a7: {  	[tilespmem:s7+$0xCA50] =	vst v6;
	v6 =	vld [tilespmem:s7+$0x7650]  }
0x3a8: {  	[tilespmem:s7+$0xCE30] =	vst v1;
	v1 =	vadd.f32 v5, v57;
	v5 =	vadd.f32 v22, v38;
	v38 =	vld [tilespmem:s7+$0x620]  }
0x3a9: {  	v0 =	vadd.f32 v56, v0;
	v56 =	vld [tilespmem:$0x1FE00]  }
0x3aa: {  	v57 =	vld [tilespmem:s7+$0x240]  }
0x3ab: {  	v22 =	vld [tilespmem:$0x1FDB0]  }
0x3ac: {  	v3 =	vadd.f32 v58, v3;
	v4 =	vadd.f32 v27, v37;
	v27 =	vld [tilespmem:$0x1FD60]  }
0x3ad: {  	[tilespmem:s7+$0xCA70] =	vst v2;
	v2 =	vadd.f32 v16, v41;
	v7 =	vadd.f32 v7, v28;
	v28 =	vld [tilespmem:$0x1FD70]  }
0x3ae: {  	[tilespmem:s7+$0xD260] =	vst v9;
	v37 =	vld [tilespmem:$0x1FD20]  }
0x3af: {  	[tilespmem:s7+$0xCE00] =	vst v3;
	v2 =	vadd.f32 v19, v2;
	v41 =	vmul.f32 v18, v52;
	v18 =	vld [tilespmem:$0x1FDD0]  }
0x3b0: {  	v19 =	vmul.f32 v46, v52;
	v46 =	vld [tilespmem:$0x1FCF0];
	[tilespmem:s7+$0xCE10] =	vst v0;
	v1 =	vadd.f32 v23, v1  }
0x3b1: {  	v48 =	vmul.f32 v29, v53;
	v3 =	vadd.f32 v12, v13;
	v9 =	vmul.f32 v15, v52;
	v0 =	vld [tilespmem:s7+$0x7640];
	[tilespmem:s7+$0xCA40] =	vst v2  }
0x3b2: {  	v12 =	vmul.f32 v60, v53;
	v23 =	vld [tilespmem:$0x1FD80];
	v2 =	vadd.f32 v24, v5;
	[tilespmem:s7+$0xCA30] =	vst v1;
	v1 =	vadd.f32 v26, v34  }
0x3b3: {  	v29 =	vmul.f32 v51, v52;
	[tilespmem:s7+$0xCA60] =	vst v3;
	v5 =	vld [tilespmem:s7+$0x7660];
	v43 =	vadd.f32 v9, v32;
	v3 =	vmul.f32 v21, v52  }
0x3b4: {  	v11 =	vmul.f32 v25, v52;
	v21 =	vld [tilespmem:$0x1FDA0];
	[tilespmem:s7+$0xCA20] =	vst v2;
	v2 =	vadd.f32 v41, v30;
	v1 =	vadd.f32 v39, v1  }
0x3b5: {  	[tilespmem:s7+$0xCA10] =	vst v4;
	v58 =	vmul.f32 v40, v52;
	v9 =	vmul.f32 v44, v52;
	v25 =	vld [tilespmem:$0x1FD90];
	v4 =	vadd.f32 v42, v43  }
0x3b6: {  	v8 =	vmul.f32 v20, v52;
	v3 =	vadd.f32 v3, v50;
	v30 =	vld [tilespmem:s7+$0x1660];
	[tilespmem:s7+$0xCA00] =	vst v1;
	v1 =	vadd.f32 v45, v2  }
0x3b7: {  	v54 =	vmul.f32 v38, v52;
	v34 =	vmul.f32 v57, v52;
	v42 =	vld [tilespmem:$0x1FCE0];
	[tilespmem:s7+$0xC670] =	vst v4;
	v4 =	vadd.f32 v48, v7  }
0x3b8: {  	v32 =	vld [tilespmem:$0x1FD40];
	v10 =	vadd.f32 v11, v56;
	v11 =	vmul.f32 v36, v53;
	[tilespmem:s7+$0xC660] =	vst v1;
	v1 =	vmul.f32 v49, v53  }
0x3b9: {  	v40 =	vld [tilespmem:s7+$0xD660];
	v39 =	vmul.f32 v63, v52;
	[tilespmem:s7+$0xC650] =	vst v4;
	v4 =	vmul.f32 v55, v53  }
0x3ba: {  	v44 =	vld [tilespmem:$0x1FCC0];
	v16 =	vmul.f32 v46, v53;
	v1 =	vadd.f32 v1, v3;
	v3 =	vadd.f32 v54, v59  }
0x3bb: {  	v43 =	vld [tilespmem:s7+$0x200];
	v9 =	vadd.f32 v9, v21;
	v2 =	vmul.f32 v47, v52;
	v4 =	vadd.f32 v4, v10  }
0x3bc: {  	v50 =	vld [tilespmem:s7+$0xC200];
	v8 =	vadd.f32 v8, v42;
	v51 =	vmul.f32 v30, v52;
	v3 =	vadd.f32 v12, v3  }
0x3bd: {  	v47 =	vld [tilespmem:$0x1FCD0];
	v5 =	vmul.f32 v5, v53;
	v2 =	vadd.f32 v2, v27;
	v10 =	vmul.f32 v61, v52;
	[tilespmem:s7+$0xC630] =	vst v4  }
0x3be: {  	v7 =	vld [tilespmem:s7+$0x7670];
	v49 =	vadd.f32 v16, v8;
	v55 =	vadd.f32 v51, v40;
	[tilespmem:s7+$0xC620] =	vst v3;
	v3 =	vmul.f32 v22, v53  }
0x3bf: {  	v59 =	vld [tilespmem:$0x1FCB0];
	v4 =	vadd.f32 v19, v23;
	[tilespmem:s7+$0xC640] =	vst v1;
	v1 =	vadd.f32 v58, v62;
	v12 =	vmul.f32 v18, v53  }
0x3c0: {  	v26 =	vld [tilespmem:s7+$0x1650];
	v60 =	vadd.f32 v5, v55;
	v3 =	vadd.f32 v3, v9;
	v9 =	vmul.f32 v25, v53  }
0x3c1: {  	v24 =	vld [tilespmem:s7+$0x1640];
	v56 =	vmul.f32 v43, v52;
	v10 =	vadd.f32 v10, v44;
	[tilespmem:s7+$0xC220] =	vst v49;
	v1 =	vadd.f32 v12, v1  }
0x3c2: {  	v38 =	vld [tilespmem:s7+$0xD650];
	v17 =	vmul.f32 v47, v53;
	[tilespmem:s7+$0xD660] =	vst v60;
	v4 =	vadd.f32 v9, v4;
	v9 =	vmul.f32 v28, v53  }
0x3c3: {  	v41 =	vld [tilespmem:$0x1FD00];
	v54 =	vmul.f32 v6, v53;
	v61 =	vadd.f32 v56, v50;
	v58 =	vmul.f32 v7, v53;
	[tilespmem:s7+$0xC610] =	vst v1  }
0x3c4: {  	v48 =	vld [tilespmem:s7+$0xD670];
	v10 =	vadd.f32 v17, v10;
	v7 =	vmul.f32 v59, v53;
	[tilespmem:s7+$0xC600] =	vst v3;
	v2 =	vadd.f32 v9, v2  }
0x3c5: {  	v45 =	vld [tilespmem:$0x1FD10];
	v1 =	vmul.f32 v26, v52;
	v3 =	vadd.f32 v29, v32;
	[tilespmem:s7+$0xC270] =	vst v4;
	v4 =	vmul.f32 v31, v53  }
0x3c6: {  	v12 =	vmul.f32 v24, v52;
	v63 =	vadd.f32 v7, v61;
	[tilespmem:s7+$0xC260] =	vst v2;
	v2 =	vadd.f32 v34, v37  }
0x3c7: {  	[tilespmem:s7+$0xC210] =	vst v10;
	v1 =	vadd.f32 v1, v38;
	v3 =	vadd.f32 v4, v3;
	v4 =	vmul.f32 v35, v52  }
0x3c8: {  	v0 =	vmul.f32 v0, v53;
	[tilespmem:s7+$0xC200] =	vst v63;
	v9 =	vadd.f32 v12, v33;
	v2 =	vadd.f32 v11, v2  }
0x3c9: {  	v1 =	vadd.f32 v54, v1;
	[tilespmem:s7+$0xC250] =	vst v3;
	v57 =	vadd.f32 v4, v48  }
0x3ca: {  	v0 =	vadd.f32 v0, v9;
	v3 =	vadd.f32 v39, v41;
	[tilespmem:s7+$0xC240] =	vst v2;
	v2 =	vmul.f32 v45, v53  }
0x3cb: {  	[tilespmem:s7+$0xD650] =	vst v1;
	v62 =	vadd.f32 v58, v57  }
0x3cc: {  	s25 =	sadd.s32 $0x1, s25;
	[tilespmem:s7+$0xD640] =	vst v0;
	v2 =	vadd.f32 v2, v3  }
0x3cd: {  	p0 =	sne.s32 s25, s18;
	[tilespmem:s7+$0xD670] =	vst v62  }
.Ltmp2:
0x3ce: {  	[tilespmem:s7+$0xC230] =	vst v2;
	(pc) =	sbr.rel @p0 .LBB2_1-.Ltmp2, $4  }
0x3cf: {  	[hbm4b:s17+s1] =	stream.linear.scatter [tilespmem:s5], [sflag:$0x3], $0x6000, $0x38;
	[tilespmem:$0x12200] =	vst v63  }
0x3d0: {  	_ =	swait.ge [sflag:s19], $0x6000  }
0x3d1: {  	[sflag:s19] =	ssyncset.done $0x0  }
0x3d2: {  	[sflag:s19] =	ssyncadd.s32 $0xFFFFA000  }
0x3d3: {  	_ =	sfence.sel $0x180000  }
0x3d4: {  	[bflag:$0x0] =	sbarrier.arrive $0xFFFF  }
0x3d5: {  	_ =	strace $0x9000004A  }
0x3d6: {  	s0 =	stileid.u32;
	[bflag:$0x2] =	sbarrier.arrive $0xFFFF  }
0x3d7: {  	p0 =	sne.s32 s0, $0x0;
	s0 =	rddreg [dreg:$0x2]  }
0x3d8: {  	s0 =	sadd.s32 @!p0 $0x100000, s0  }
0x3d9: {  	[sflag:s0] =	ssyncadd.tile.s32 @!p0 $0x1;
	_ =	shalt  }
.Lfunc_end2:
_tile_overlayer_lowered:
.L_overlay_start_2:
0x3da: {  	(tag) =	ssettag $0x2  }
0x3db: {  	s0 =	rddreg [dreg:$0x0];
	s2 =	stileid.u32  }
0x3dc: {  	s1 =	rddreg [dreg:$0x1];
	p0 =	sne.s32 s2, $0x0  }
0x3dd: {  	s3 =	rddreg [dreg:$0x2];
	[bflag:$0x3] =	sbarrier.arrive $0xFFFF;
	s2 =	simm.s32 @!p0 $0x1C03  }
0x3de: {  	[timem:s3], [sflag:s2] =	dma.local @!p0 [hbm:s0], s1  }
0x3df: {  	s0 =	simm.s32 @!p0 $0x3  }
0x3e0: {  	_ =	swait.ge @!p0 [sflag:s0], s1  }
0x3e1: {  	s1 =	ssub.s32 @!p0 $0x0, s1;
	[sflag:s0] =	ssyncset.done @!p0 $0x0  }
0x3e2: {  	[sflag:s0] =	ssyncadd.s32 @!p0 s1  }
0x3e3: {  	[bflag:$0x3] =	sbarrier.arrive $0xFFFF  }
0x3e4: {  	_ =	shalt  }

// kernel: kernel.8.cloned.1.call-start
scs
__scs_entry_jumppad:
0x0: {  	(pc) =	sbr.rel $0x88, $3  }
0x1: {  	(tag) =	ssettag $0x0;
	lr =	simm.s32 $0x1  }
0x2: {  	[smem:$0x3F8F] =	sst lr;
	_ =	strace $0xD0000000  }
0x3: {  	_ = 	snop  }
0x4: {  	_ = 	snop  }
0x5: {  	_ = 	snop  }
0x6: {  	_ = 	snop  }
0x7: {  	_ = 	snop  }
__scs_overlays_trampoline_lowered:
0x8: {  	[smem:$0x3F9E] =	sst s0  }
0x9: {  	[smem:$0x3F9F] =	sst s1  }
0xa: {  	[smem:$0x3FA0] =	sst s2  }
0xb: {  	[smem:$0x3FA1] =	sst s3  }
0xc: {  	[smem:$0x3FA2] =	sst s4  }
0xd: {  	[smem:$0x3FA3] =	sst s5  }
0xe: {  	[smem:$0x3FA4] =	sst s6  }
0xf: {  	[smem:$0x3FA5] =	sst s7  }
0x10: {  	[smem:$0x3FA6] =	sst s8  }
0x11: {  	[smem:$0x3FA7] =	sst s9;
	s0 =	simm.s32 @!p0 $0x0  }
0x12: {  	s1 =	sld [smem:$0x3F8D];
	s0 =	simm.s32 @p0 $0x1  }
0x13: {  	[smem:$0x3FA8] =	sst s0;
	s0 =	simm.s32 @!p1 $0x0  }
0x14: {  	s2 =	sld [smem:$0x3F8C];
	s0 =	simm.s32 @p1 $0x1  }
0x15: {  	[smem:$0x3FA9] =	sst s0;
	s0 =	simm.s32 @!p2 $0x0  }
0x16: {  	s3 =	sld [smem:$0x3FDB];
	s0 =	simm.s32 @p2 $0x1  }
0x17: {  	s4 =	simm.s32 $0x1BF5;
	[smem:$0x3FAB] =	sst s0  }
0x18: {  	s0 =	sld [smem:$0x3F8E];
	_ =	swait.ge [sflag:s4], $0x0  }
0x19: {  	s7 =	sld [smem:$0x3F8F]  }
0x1a: {  	s8 =	sadd.s32 $0xFFFFE003, lr  }
0x1b: {  	s9 =	sadd.s32 $0xFFFFFEF7, lr;
	s5 =	simm.s32 $0xFFFFFFFF;
	p2 =	slt.u32 s8, $0xFFFFF086  }
0x1c: {  	p1 =	slt.u32 s9, $0xF7A;
	s5 =	simm.s32 @!p2 $0x0  }
0x1d: {  	s5 =	simm.s32 @p1 $0x1;
	p0 =	seq.s32 s7, s2  }
0x1e: {  	s7 =	smul.u32 @!p0 $0xF7A, s2;
	p2 =	seq.s32 @!p0 s5, $0x0  }
0x1f: {  	s9 =	smul.u32 $0xF7A, s1;
	s8 =	simm.s32 @!p0 $0x1BF5;
	p2 =	por !p2, p0  }
0x20: {  	[sflag:s8] =	ssyncset.s32 @!p0 $0xFFFFF086;
	s6 =	sadd.s32 @!p0 s3, s7;
	s7 =	simm.s32 @!p0 $0x108  }
0x21: {  	s3 =	sadd.s32 s3, s9;
	s6 =	sadd.s32 @!p0 $0x88, s6;
	s7 =	simm.s32 @p2 $0x1082  }
0x22: {  	[simem:s7], [sflag:s8] =	dma.local @!p0 [hbm:s6], $0xF7A  }
0x23: {  	s9 =	sor.u32 $0xD0000000, s2;
	s6 =	simm.s32 $0x108;
	_ =	swait.ge @!p0 [sflag:s8], $0x0  }
0x24: {  	s3 =	sadd.s32 $0x88, s3;
	s6 =	simm.s32 @!p1 $0x1082;
	[sflag:s4] =	ssyncset.s32 $0xFFFFF086  }
0x25: {  	[simem:s6], [sflag:s4] =	dma.local [hbm:s3], $0xF7A  }
0x26: {  	[smem:$0x3F8F] =	sst s1;
	(tag) =	ssettag s2;
	_ =	strace s9  }
0x27: {  	s1 =	sld [smem:$0x3F9F]  }
0x28: {  	s2 =	sld [smem:$0x3FA0]  }
0x29: {  	s4 =	sld [smem:$0x3FA2]  }
0x2a: {  	p0 =	seq.s32 s5, $0x0;
	s5 =	sld [smem:$0x3FA3]  }
0x2b: {  	s6 =	sld [smem:$0x3FA4]  }
0x2c: {  	s7 =	sld [smem:$0x3FA5]  }
0x2d: {  	s3 =	simm.s32 $0x108;
	s8 =	sld [smem:$0x3FA6]  }
0x2e: {  	s3 =	simm.s32 @!p0 $0x1082;
	s9 =	sld [smem:$0x3FA7]  }
0x2f: {  	lr =	sadd.s32 s0, s3;
	s0 =	sld [smem:$0x3F9E]  }
0x30: {  	s3 =	sld [smem:$0x3FA1]  }
0x31: {  	[smem:$0x3FAA] =	sst s10  }
0x32: {  	s10 =	sld [smem:$0x3FA8];
	_ =	sdelay $0x3  }
0x33: {  	p0 =	seq.s32 s10, $0x1;
	s10 =	sld [smem:$0x3FAA];
	_ =	sdelay $0x3  }
0x34: {  	[smem:$0x3FAA] =	sst s10  }
0x35: {  	s10 =	sld [smem:$0x3FA9];
	_ =	sdelay $0x3  }
0x36: {  	p1 =	seq.s32 s10, $0x1;
	s10 =	sld [smem:$0x3FAA];
	_ =	sdelay $0x3  }
0x37: {  	[smem:$0x3FAA] =	sst s10  }
0x38: {  	s10 =	sld [smem:$0x3FAB]  }
0x39: {  	_ = 	snop;
	(pc) =	sbr.ind lr, $3  }
0x3a: {  	_ = 	snop  }
0x3b: {  	_ = 	snop  }
0x3c: {  	p2 =	seq.s32 s10, $0x1;
	s10 =	sld [smem:$0x3FAA]  }
0x3d: {  	_ =	shalt  }
0x3e: {  	_ =	shalt  }
0x3f: {  	_ =	shalt  }
0x40: {  	_ =	shalt  }
0x41: {  	_ =	shalt  }
0x42: {  	_ =	shalt  }
0x43: {  	_ =	shalt  }
0x44: {  	_ =	shalt  }
0x45: {  	_ =	shalt  }
0x46: {  	_ =	shalt  }
0x47: {  	_ =	shalt  }
0x48: {  	_ =	shalt  }
0x49: {  	_ =	shalt  }
0x4a: {  	_ =	shalt  }
0x4b: {  	_ =	shalt  }
0x4c: {  	_ =	shalt  }
0x4d: {  	_ =	shalt  }
0x4e: {  	_ =	shalt  }
0x4f: {  	_ =	shalt  }
0x50: {  	_ =	shalt  }
0x51: {  	_ =	shalt  }
0x52: {  	_ =	shalt  }
0x53: {  	_ =	shalt  }
0x54: {  	_ =	shalt  }
0x55: {  	_ =	shalt  }
0x56: {  	_ =	shalt  }
0x57: {  	_ =	shalt  }
0x58: {  	_ =	shalt  }
0x59: {  	_ =	shalt  }
0x5a: {  	_ =	shalt  }
0x5b: {  	_ =	shalt  }
0x5c: {  	_ =	shalt  }
0x5d: {  	_ =	shalt  }
0x5e: {  	_ =	shalt  }
0x5f: {  	_ =	shalt  }
0x60: {  	_ =	shalt  }
0x61: {  	_ =	shalt  }
0x62: {  	_ =	shalt  }
0x63: {  	_ =	shalt  }
0x64: {  	_ =	shalt  }
0x65: {  	_ =	shalt  }
0x66: {  	_ =	shalt  }
0x67: {  	_ =	shalt  }
0x68: {  	_ =	shalt  }
0x69: {  	_ =	shalt  }
0x6a: {  	_ =	shalt  }
0x6b: {  	_ =	shalt  }
0x6c: {  	_ =	shalt  }
0x6d: {  	_ =	shalt  }
0x6e: {  	_ =	shalt  }
0x6f: {  	_ =	shalt  }
0x70: {  	_ =	shalt  }
0x71: {  	_ =	shalt  }
0x72: {  	_ =	shalt  }
0x73: {  	_ =	shalt  }
0x74: {  	_ =	shalt  }
0x75: {  	_ =	shalt  }
0x76: {  	_ =	shalt  }
0x77: {  	_ =	shalt  }
0x78: {  	_ =	shalt  }
0x79: {  	_ =	shalt  }
0x7a: {  	_ =	shalt  }
0x7b: {  	_ =	shalt  }
0x7c: {  	_ =	shalt  }
0x7d: {  	_ =	shalt  }
0x7e: {  	_ =	shalt  }
0x7f: {  	_ =	shalt  }
0x80: {  	_ =	shalt  }
0x81: {  	_ =	shalt  }
0x82: {  	_ =	shalt  }
0x83: {  	_ =	shalt  }
0x84: {  	_ =	shalt  }
0x85: {  	_ =	shalt  }
0x86: {  	_ =	shalt  }
0x87: {  	_ =	shalt  }
.Lfunc_end0:
.L_simem_size_0:
called_computation_lowered:
.L_overlay_start_0:
0x88: {  	s2 =	sld [smem:$0x3FD9]  }
0x89: {  	s3 =	sld [smem:$0x3FFE];
	_ =	sdelay $0x1  }
0x8a: {  	s1 =	srdreg.scid  }
0x8b: {  	s0 =	sand.u32 $0x1, s1  }
0x8c: {  	s14 =	sshll.u32 s0, $0xA;
	s2 =	sadd.s32 s3, s2  }
0x8d: {  	s2 =	sadd.s32 s2, s14  }
0x8e: {  	[smem:$0x3FB6] =	sst s2  }
0x8f: {  	_ = 	snop  }
0x90: {  	s2 =	sld [smem:$0x3FD0];
	_ =	sdelay $0x2  }
0x91: {  	s15 =	simm.s32 $0xA;
	s4 =	simm.s32 $0x10  }
0x92: {  	[smem:s4], [sflag:s15] =	dma.local [hbm:s2], $0x1  }
0x93: {  	_ =	swait.eq [sflag:s15], $0x1  }
0x94: {  	[sflag:s15] =	ssyncset.done $0x0  }
0x95: {  	s16 =	sld [smem:$0x10];
	[sflag:s15] =	ssyncadd.s32 $0xFFFFFFFF  }
0x96: {  	s17 =	sld [smem:$0x11];
	(tm) =	ssettm $0x1  }
0x97: {  	s18 =	sld [smem:$0x3FFB];
	_ =	sdelay $0x3  }
0x98: {  	_ =	strace s18  }
0x99: {  	s4 =	sld [smem:$0x3FFC];
	_ =	sdelay $0x3  }
0x9a: {  	_ =	strace s4  }
0x9b: {  	s4 =	sld [smem:$0x3FFD];
	_ =	sdelay $0x3  }
0x9c: {  	_ =	strace s4  }
0x9d: {  	_ =	strace $0x8FFFFFFF  }
0x9e: {  	s19 =	sld [smem:$0x3FDB];
	_ =	sdelay $0x1  }
0x9f: {  	s5 =	simm.s32 $_scs_section_size  }
0xa0: {  	s6 =	simm.s32 $_size__tile_overlayer_lowered;
	s7 =	simm.s32 $_tile_overlayer_lowered  }
0xa1: {  	s22 =	simm.s32 $0x1BFF;
	s21 =	sshll.u32 s7, $0x1;
	s4 =	sadd.s32 s5, s19  }
0xa2: {  	s8 =	simm.s32 $0x0;
	s20 =	sshll.u32 s6, $0x1;
	s6 =	sadd.s32 s21, s4  }
0xa3: {  	[timem:s8], [sflag:s22] =	dma.local [hbm:s6], s20  }
0xa4: {  	_ =	swait.ge [sflag:s22], s20  }
0xa5: {  	s5 =	ssub.s32 $0x0, s20;
	[sflag:s22] =	ssyncset.done $0x0  }
0xa6: {  	[sflag:s22] =	ssyncadd.s32 s5;
	_ =	sdelay $0x1  }
0xa7: {  	s23 =	simm.s32 $0x1B8B  }
0xa8: {  	_ =	swait.ge [sflag:s23], $0x1  }
0xa9: {  	[sflag:s23] =	ssyncset.done $0x0  }
0xaa: {  	s25 =	simm.s32 $0x1B8E;
	s24 =	sld [smem:$0x3FFE];
	[sflag:s23] =	ssyncadd.s32 $0xFFFFFFFF  }
0xab: {  	s26 =	simm.s32 $execute0_lowered;
	[smem:$0x3FD2] =	sst s25  }
0xac: {  	s6 =	sshll.u32 s26, $0x1;
	_ =	strace $0x80000046;
	[dreg:$0x1] =	wrdreg $0xFFFFFFFF  }
0xad: {  	s28 =	simm.s32 $_size_execute0_lowered;
	s4 =	sadd.s32 s4, s6;
	[dreg:$0x0] =	wrdreg $0x0  }
0xae: {  	s6 =	sshll.u32 s28, $0x1;
	[dreg:$0x2] =	wrdreg s4  }
0xaf: {  	[dreg:$0x3] =	wrdreg s6  }
0xb0: {  	[dreg:$0x4] =	wrdreg $0xC0  }
0xb1: {  	_ =	task [dreg:s8], $0x5FFFF  }
0xb2: {  	[dreg:$0x1] =	wrdreg $0xFFFFFFFF  }
0xb3: {  	[dreg:$0x0] =	wrdreg $0x60  }
0xb4: {  	[dreg:$0x2] =	wrdreg s16  }
0xb5: {  	[dreg:$0x3] =	wrdreg s24  }
0xb6: {  	[dreg:$0x4] =	wrdreg s17  }
0xb7: {  	[dreg:$0x5] =	wrdreg $0x9  }
0xb8: {  	_ =	task.clear_ibuf [dreg:s8], $0x6FFFF;
	_ =	strace $0x90000046  }
0xb9: {  	s29 =	simm.s32 $0x9;
	_ =	strace $0x80000048  }
0xba: {  	_ =	swait.ge [sflag:s29], $0x1  }
0xbb: {  	[sflag:s29] =	ssyncadd.s32 $0xFFFFFFFF  }
0xbc: {  	_ =	strace $0x90000048  }
0xbd: {  	_ =	sfence  }
0xbe: {  	s30 =	sld [smem:$0x0];
	_ =	sdelay $0x2  }
0xbf: {  	s31 =	sshll.u32 s1, $0xD;
	s1 =	sshrl.u32 s1, $0x2  }
0xc0: {  	s3 =	sand.u32 $0x4000, s31;
	s1 =	sadd.s32 s1, s30  }
0xc1: {  	s0 =	sor.u32 s3, s0;
	s1 =	sshll.u32 s1, $0x11  }
0xc2: {  	s0 =	sor.u32 s1, s0  }
0xc3: {  	s0 =	sadd.s32 $0x8F2B, s0  }
0xc4: {  	[sflag:s0] =	ssyncadd.remote.s32 $0x1  }
0xc5: {  	_ =	sfence.sel $0xFFFF  }
0xc6: {  	[dreg:$0x0] =	wrdreg $0xFFFFFFFF;
	(pc) =	sbr.abs _section_cstart, $3  }
0xc7: {  	[dreg:$0x1] =	wrdreg $0xFFFFFFFF  }
0xc8: {  	_ =	task.clear_ibuf [dreg:s8], $0x2FFFF;
	_ =	strace $0x9FFFFFFF  }
0xc9: {  	(tm) =	ssettm $0x7FFFFFFF  }
tec
execute0_lowered:
.L_overlay_start_1:
0x0: {  	(tag) =	ssettag $0x1  }
0x1: {  	v0 =	vimm.s32 $0xEDCBA987;
	v1 =	vimm.s32 $0x65432100;
	v2 =	vimm.s32 $0xDCBA9876  }
0x2: {  	s0 =	rddreg [dreg:$0x0];
	v3 =	vimm.s32 $0x54321000;
	v4 =	vimm.s32 $0xE40000;
	v5 =	vimm.s32 $0x32100000  }
0x3: {  	s1 =	rddreg [dreg:$0x1];
	s3 =	simm.s32 $0x0;
	s2 =	srdreg.scid;
	vm0 =	vmmov $0xffff;
	vm1 =	vmmov $0x3;
	vm2 =	vmmov $0xf  }
0x4: {  	s4 =	stileid.u32;
	s16 =	simm.s32 $0x3;
	s17 =	simm.s32 $0x80;
	vm3 =	vcmask $0x3F30;
	v9 =	vimm.s32 $0x1;
	v11 =	vimm.s32 $0x0  }
0x5: {  	v12 =	vimm.s32 $0x2;
	v13 =	vimm.s32 $0x3;
	s30 =	simm.s32 $0x1C00;
	s31 =	simm.s32 $0x2400;
	s18 =	simm.s32 $0x4C00;
	v0 =	vunpack.c.l.s4.s8 v0  }
0x6: {  	v14 =	vimm.s32 $0x4;
	v15 =	vimm.s32 $0x5;
	s19 =	simm.s32 $0x5400;
	s20 =	simm.s32 $0x5C00;
	s21 =	simm.s32 $0x6400;
	v1 =	vunpack.c.l.s4.s8 v1  }
0x7: {  	v16 =	vimm.s32 $0x6;
	v17 =	vimm.s32 $0x7;
	s22 =	simm.s32 $0x6C00;
	s9 =	simm.s32 $0x9400;
	s10 =	simm.s32 $0x9C00;
	v0 =	vunpack.c.0.s8.s32 v0  }
0x8: {  	v18 =	vimm.s32 $0x8;
	v19 =	vimm.s32 $0x9;
	s11 =	simm.s32 $0xA400;
	s12 =	simm.s32 $0xAC00;
	[smem:$0x7FF] =	sst s3;
	v1 =	vunpack.c.0.s8.s32 v1  }
0x9: {  	s2 =	sand.u32 $0x1, s2;
	s4 =	sshll.u32 s4, $0x1;
	v2 =	vunpack.c.l.s4.s8 v2;
	s7 =	sadd.s32 $0x33600, s1;
	v4 =	vunpack.c.l.s2.s4 v4;
	v0 =	vand.u32 $0xF, v0  }
0xa: {  	s13 =	sadd.s32 $0x33900, s1;
	s14 =	sadd.s32 $0x33A00, s1;
	_ =	strace $0x80000047;
	v0 =	vcombine.low v1, v0;
	v1 =	vunpack.c.l.s4.s8 v3;
	v3 =	vimm.s32 $0xBA987654  }
0xb: {  	v20 =	vimm.s32 $0xA;
	v21 =	vimm.s32 $0xB;
	s5 =	sor.u32 s2, s4;
	s4 =	sadd.s32 $0x33800, s1;
	s2 =	ssub.s32 $0x2, s2;
	v3 =	vunpack.c.l.s4.s8 v3  }
0xc: {  	v5 =	vunpack.c.l.s4.s8 v5;
	[dreg:$0x4] =	wrdreg s7;
	s7 =	simm.s32 $0x8400;
	s6 =	sshll.u32 s5, $0x3;
	v2 =	vunpack.c.0.s8.s32 v2;
	v4 =	vunpack.c.l.s4.s8 v4  }
0xd: {  	v22 =	vimm.s32 $0xC;
	s23 =	sshrl.u32 s2, $0x1;
	s25 =	smul.u32 $0x1800, s5;
	s6 =	sadd.s32 s6, s1;
	v6 =	vunpack.c.0.s8.s32 v1;
	v3 =	vunpack.c.0.s8.s32 v3  }
0xe: {  	v5 =	vunpack.c.0.s8.s32 v5;
	p0 =	sne.s32 s5, $0x0;
	s5 =	simm.s32 $0x3C00;
	s24 =	sadd.s32 $0x2A00, s6;
	v2 =	vand.u32 $0xF, v2;
	v4 =	vunpack.c.0.s8.s32 v4  }
0xf: {  	s2 =	ssub.s32 s2, s23;
	s8 =	sadd.s32 $0x2E00, s6;
	[dreg:$0x5] =	wrdreg s24;
	v2 =	vcombine.low v6, v2;
	v6 =	vimm.s32 $0x7060504;
	v3 =	vand.u32 $0xF, v3  }
0x10: {  	v23 =	vimm.s32 $0xD;
	s1 =	simm.s32 $0x4400;
	s26 =	sadd.s32 $0x2C00, s6;
	[dreg:$0x6] =	wrdreg s8;
	v3 =	vcombine.low v5, v3;
	v5 =	vunpack.c.0.s8.s32 v6  }
0x11: {  	v24 =	vimm.s32 $0xE;
	s23 =	simm.s32 $0x7400;
	s28 =	sadd.s32 $0x3000, s6;
	[dreg:$0x7] =	wrdreg s26;
	v4 =	vand.u32 $0x3, v4;
	v1 =	vlaneseq.u32  }
.Ltmp0:
0x12: {  	s29 =	sadd.s32 $0xAB800, s6;
	[dreg:$0x8] =	wrdreg s28;
	v7 =	vshrl.u32 v1, $0x3;
	v4 =	vsel vm3, v5, v4;
	v5 =	vmul.u32 $0x40, v1;
	(pc) =	sbr.rel .LBB2_1-.Ltmp0, $4  }
0x13: {  	v25 =	vimm.s32 $0xF;
	s6 =	sadd.s32 $0xABA00, s6;
	s0 =	sadd.s32 s0, s25;
	[dreg:$0x9] =	wrdreg s29;
	v8 =	vor.u32 $0x8, v1;
	v7 =	vmul.u32 $0x8, v7  }
0x14: {  	s15 =	smax.u32 s2, $0x1;
	s25 =	simm.s32 $0x400;
	[dreg:$0xa] =	wrdreg s6;
	v6 =	vand.u32 $0x7, v1;
	vm3 =	vmmov $0xff;
	v10 =	vor.u32 $0x1, v5  }
0x15: {  	s2 =	simm.s32 $0x3400;
	[dreg:$0xb] =	wrdreg s0;
	s6 =	simm.s32 $0x7C00;
	v26 =	vor.u32 $0x400, v5;
	v27 =	vor.u32 $0x401, v5;
	v28 =	vor.u32 $0x800, v5  }
0x16: {  	s8 =	simm.s32 $0x8C00;
	s24 =	simm.s32 $0xB400;
	s26 =	simm.s32 $0xBC00;
	v29 =	vor.u32 $0x801, v5;
	v30 =	vor.u32 $0xC00, v5;
	v31 =	vor.u32 $0xC01, v5  }
.LBB2_3:
0x17: {  	s0 =	simm.s32 $0x1;
	s15 =	sadd.s32 $0xFFFFFFFF, s15  }
0x18: {  	_ =	swait.ge [sflag:s0], $0xC000;
	p1 =	sne.s32 s15, $0x0  }
.Ltmp1:
0x19: {  	[sflag:s0] =	ssyncset.done $0x0;
	(pc) =	sbr.rel @!p1 .LBB2_4-.Ltmp1, $4  }
0x1a: {  	s29 =	simm.s32 $0x2;
	[sflag:s0] =	ssyncadd.s32 $0xFFFF4000  }
0x1b: {  	_ =	swait.ge [sflag:s29], $0xC000  }
0x1c: {  	[sflag:s29] =	ssyncset.done $0x0  }
0x1d: {  	[sflag:s29] =	ssyncadd.s32 $0xFFFF4000  }
.LBB2_1:
0x1e: {  	s28 =	rddreg [dreg:$0x2]  }
0x1f: {  	[tilespmem:s3], [sflag:$0x3] =	stream.linear.gather [hbm4b:s28+s3], $0x80, $0x38;
	[tilespmem:$0xC480] =	vst v63  }
0x20: {  	_ =	swait.ge [sflag:s16], $0x80  }
0x21: {  	[sflag:s16] =	ssyncset.done $0x0  }
0x22: {  	[sflag:s16] =	ssyncadd.s32 $0xFFFFFF80  }
0x23: {  	v32 =	vld [tilespmem:$0x0];
	_ =	sdelay $0x4  }
0x24: {  	v32 =	vadd.s32 $0x3F, v32  }
0x25: {  	v32 =	vand.u32 $0xFFFFFFC0, v32  }
0x26: {  	[tilespmem:$0x80] =	vst v32  }
0x27: {  	v33 =	vld.idx.msk [tilespmem:v0+s17+$0x0], $0xffff;
	_ =	sdelay $0x3  }
0x28: {  	vm4 =	veq.s32 v1, $0x0  }
0x29: {  	v33 =	vsel vm4, $0x0, v33  }
0x2a: {  	v33 =	vadd.s32 v32, v33  }
0x2b: {  	[tilespmem:$0x80] =	vst v33  }
0x2c: {  	v34 =	vld.idx.msk [tilespmem:v2+s17+$0x0], $0xffff;
	_ =	sdelay $0x4  }
0x2d: {  	v34 =	vsel vm1, $0x0, v34  }
0x2e: {  	v33 =	vadd.s32 v33, v34  }
0x2f: {  	[tilespmem:$0x80] =	vst v33  }
0x30: {  	v37 =	vld.idx.msk [tilespmem:v3+s17+$0x0], $0xffff;
	_ =	sdelay $0x4  }
0x31: {  	v34 =	vsel vm2, $0x0, v37  }
0x32: {  	v33 =	vadd.s32 v33, v34  }
0x33: {  	[tilespmem:$0x80] =	vst v33  }
0x34: {  	v38 =	vld.idx.msk [tilespmem:v4+s17+$0x0], $0xffff;
	_ =	sdelay $0x4  }
0x35: {  	v32 =	vsub.s32 v33, v32;
	v34 =	vsel vm3, $0x0, v38  }
0x36: {  	v32 =	vadd.s32 v34, v32  }
0x37: {  	s29 =	simm.s32 $0x100;
	s0 =	rddreg [dreg:$0x5];
	[tilespmem:$0x80] =	vst v32  }
0x38: {  	[tilespmem:s29], [sflag:$0x3] =	stream.linear.gather [hbm4b:s0+s3], $0x40, $0x38;
	[tilespmem:$0xC480] =	vst v63  }
0x39: {  	_ =	swait.ge [sflag:s16], $0x40  }
0x3a: {  	[sflag:s16] =	ssyncset.done $0x0  }
0x3b: {  	s0 =	simm.s32 $0x180;
	s28 =	rddreg [dreg:$0x6];
	[sflag:s16] =	ssyncadd.s32 $0xFFFFFFC0  }
0x3c: {  	[tilespmem:s0], [sflag:$0x3] =	stream.linear.gather [hbm4b:s28+s3], $0x40, $0x38;
	[tilespmem:$0xC480] =	vst v63  }
0x3d: {  	_ =	swait.ge [sflag:s16], $0x40  }
0x3e: {  	[sflag:s16] =	ssyncset.done $0x0  }
0x3f: {  	s0 =	simm.s32 $0x200;
	s28 =	rddreg [dreg:$0x7];
	[sflag:s16] =	ssyncadd.s32 $0xFFFFFFC0  }
0x40: {  	[tilespmem:s0], [sflag:$0x3] =	stream.linear.gather [hbm4b:s28+s3], $0x40, $0x38;
	[tilespmem:$0xC480] =	vst v63  }
0x41: {  	_ =	swait.ge [sflag:s16], $0x40  }
0x42: {  	[sflag:s16] =	ssyncset.done $0x0  }
0x43: {  	s0 =	simm.s32 $0x280;
	s28 =	rddreg [dreg:$0x8];
	[sflag:s16] =	ssyncadd.s32 $0xFFFFFFC0  }
0x44: {  	[tilespmem:s0], [sflag:$0x3] =	stream.linear.gather [hbm4b:s28+s3], $0x40, $0x38;
	[tilespmem:$0xC480] =	vst v63  }
0x45: {  	_ =	swait.ge [sflag:s16], $0x40  }
0x46: {  	[sflag:s16] =	ssyncset.done $0x0  }
0x47: {  	[sflag:s16] =	ssyncadd.s32 $0xFFFFFFC0  }
0x48: {  	v39 =	vld [tilespmem:$0x100];
	_ =	sdelay $0x5  }
0x49: {  	v40 =	vld [tilespmem:$0x200]  }
0x4a: {  	v41 =	vld [tilespmem:$0x180]  }
0x4b: {  	v32 =	vld.idx.msk [tilespmem:v39+s17+$0x0], $0xffff;
	_ =	sdelay $0x4  }
0x4c: {  	v42 =	vld [tilespmem:$0x110];
	v32 =	vadd.s32 v32, v41  }
0x4d: {  	v43 =	vld [tilespmem:$0x280];
	[tilespmem:$0x300] =	vst v32  }
0x4e: {  	v32 =	vld.idx.msk [tilespmem:v40+s17+$0x0], $0xffff;
	_ =	sdelay $0x4  }
0x4f: {  	v44 =	vld [tilespmem:$0x210];
	v32 =	vadd.s32 v32, v43  }
0x50: {  	v45 =	vld [tilespmem:$0x190];
	[tilespmem:$0x380] =	vst v32  }
0x51: {  	v32 =	vld.idx.msk [tilespmem:v42+s17+$0x0], $0xffff;
	_ =	sdelay $0x4  }
0x52: {  	v46 =	vld [tilespmem:$0x120];
	v32 =	vadd.s32 v32, v45  }
0x53: {  	v47 =	vld [tilespmem:$0x290];
	[tilespmem:$0x310] =	vst v32  }
0x54: {  	v32 =	vld.idx.msk [tilespmem:v44+s17+$0x0], $0xffff;
	_ =	sdelay $0x4  }
0x55: {  	v48 =	vld [tilespmem:$0x220];
	v32 =	vadd.s32 v32, v47  }
0x56: {  	v49 =	vld [tilespmem:$0x1A0];
	[tilespmem:$0x390] =	vst v32  }
0x57: {  	v32 =	vld.idx.msk [tilespmem:v46+s17+$0x0], $0xffff;
	_ =	sdelay $0x4  }
0x58: {  	v50 =	vld [tilespmem:$0x130];
	v32 =	vadd.s32 v32, v49  }
0x59: {  	v51 =	vld [tilespmem:$0x2A0];
	[tilespmem:$0x320] =	vst v32  }
0x5a: {  	v32 =	vld.idx.msk [tilespmem:v48+s17+$0x0], $0xffff;
	_ =	sdelay $0x4  }
0x5b: {  	v52 =	vld [tilespmem:$0x230];
	v32 =	vadd.s32 v32, v51  }
0x5c: {  	v53 =	vld [tilespmem:$0x1B0];
	[tilespmem:$0x3A0] =	vst v32  }
0x5d: {  	v32 =	vld.idx.msk [tilespmem:v50+s17+$0x0], $0xffff;
	_ =	sdelay $0x4  }
0x5e: {  	v32 =	vadd.s32 v32, v53  }
0x5f: {  	v54 =	vld [tilespmem:$0x2B0];
	[tilespmem:$0x330] =	vst v32  }
0x60: {  	v32 =	vld.idx.msk [tilespmem:v52+s17+$0x0], $0xffff;
	_ =	sdelay $0x4  }
0x61: {  	v32 =	vadd.s32 v32, v54  }
0x62: {  	s0 =	simm.s32 $0x300;
	s28 =	rddreg [dreg:$0x9];
	[tilespmem:$0x3B0] =	vst v32  }
0x63: {  	[hbm4b:s28+s3] =	stream.linear.scatter [tilespmem:s0], [sflag:$0x3], $0x40, $0x38;
	[tilespmem:$0xC480] =	vst v63  }
0x64: {  	_ =	swait.ge [sflag:s16], $0x40  }
0x65: {  	[sflag:s16] =	ssyncset.done $0x0  }
0x66: {  	s0 =	simm.s32 $0x380;
	s28 =	rddreg [dreg:$0xa];
	[sflag:s16] =	ssyncadd.s32 $0xFFFFFFC0  }
0x67: {  	[hbm4b:s28+s3] =	stream.linear.scatter [tilespmem:s0], [sflag:$0x3], $0x40, $0x38;
	[tilespmem:$0xC480] =	vst v63  }
0x68: {  	_ =	swait.ge [sflag:s16], $0x40  }
0x69: {  	[sflag:s16] =	ssyncset.done $0x0  }
0x6a: {  	s29 =	rddreg [dreg:$0xb];
	[sflag:s16] =	ssyncadd.s32 $0xFFFFFFC0  }
0x6b: {  	[tilespmem:s25], [sflag:$0x3] =	stream.linear.gather [hbm4b:s29+s3], $0xC000, $0x38;
	[tilespmem:$0xC480] =	vst v63  }
0x6c: {  	_ =	swait.ge [sflag:s16], $0xC000  }
0x6d: {  	[sflag:s16] =	ssyncset.done $0x0  }
0x6e: {  	[sflag:s16] =	ssyncadd.s32 $0xFFFF4000  }
0x6f: {  	v55 =	vld [tilespmem:$0x300];
	_ =	sdelay $0x4  }
0x70: {  	v56 =	vshrl.u32 v55, $0x3  }
0x71: {  	v33 =	vmul.u32 $0x30, v56  }
0x72: {  	v32 =	vand.u32 $0x7, v55  }
0x73: {  	v32 =	vor.u32 v32, v33  }
0x74: {  	v33 =	vperm.xlane v32, v6;
	_ =	sdelay $0x1  }
0x75: {  	v33 =	vadd.s32 v7, v33;
	_ =	sdelay $0x3  }
0x76: {  	v32 =	vperm.xlane v32, v8  }
0x77: {  	[hbm4b:s4+s3] =	stream.indirect_vreg.scatter [tilespmem:s25], [sflag:$0x1], $0x80, v33, vm0, $0xb8;
	[tilespmem:$0xC480] =	vst v63  }
0x78: {  	s28 =	simm.s32 $0xC00;
	v32 =	vadd.s32 v7, v32  }
0x79: {  	[hbm4b:s13+s3] =	stream.indirect_vreg.scatter [tilespmem:s28], [sflag:$0x1], $0x80, v33, vm0, $0xb8;
	[tilespmem:$0xC480] =	vst v63  }
0x7a: {  	s29 =	simm.s32 $0x1400  }
0x7b: {  	[hbm4b:s14+s3] =	stream.indirect_vreg.scatter [tilespmem:s29], [sflag:$0x1], $0x80, v33, vm0, $0xb8;
	[tilespmem:$0xC480] =	vst v63  }
0x7c: {  	_ = 	snop  }
0x7d: {  	[hbm4b:s4+s3] =	stream.indirect_vreg.scatter [tilespmem:s30], [sflag:$0x1], $0x80, v32, vm0, $0xb8;
	[tilespmem:$0xC480] =	vst v63  }
0x7e: {  	_ = 	snop  }
0x7f: {  	[hbm4b:s13+s3] =	stream.indirect_vreg.scatter [tilespmem:s31], [sflag:$0x1], $0x80, v32, vm0, $0xb8;
	[tilespmem:$0xC480] =	vst v63  }
0x80: {  	s0 =	simm.s32 $0x2C00  }
0x81: {  	[hbm4b:s14+s3] =	stream.indirect_vreg.scatter [tilespmem:s0], [sflag:$0x1], $0x80, v32, vm0, $0xb8;
	[tilespmem:$0xC480] =	vst v63  }
0x82: {  	v32 =	vld [tilespmem:$0x310];
	_ =	sdelay $0x4  }
0x83: {  	v57 =	vshrl.u32 v32, $0x3  }
0x84: {  	v33 =	vmul.u32 $0x30, v57  }
0x85: {  	v32 =	vand.u32 $0x7, v32  }
0x86: {  	v32 =	vor.u32 v32, v33  }
0x87: {  	v33 =	vperm.xlane v32, v6;
	_ =	sdelay $0x1  }
0x88: {  	v33 =	vadd.s32 v7, v33;
	_ =	sdelay $0x3  }
0x89: {  	v32 =	vperm.xlane v32, v8  }
0x8a: {  	[hbm4b:s4+s3] =	stream.indirect_vreg.scatter [tilespmem:s2], [sflag:$0x1], $0x80, v33, vm0, $0xb8;
	[tilespmem:$0xC480] =	vst v63  }
0x8b: {  	v32 =	vadd.s32 v7, v32  }
0x8c: {  	[hbm4b:s13+s3] =	stream.indirect_vreg.scatter [tilespmem:s5], [sflag:$0x1], $0x80, v33, vm0, $0xb8;
	[tilespmem:$0xC480] =	vst v63  }
0x8d: {  	_ = 	snop  }
0x8e: {  	[hbm4b:s14+s3] =	stream.indirect_vreg.scatter [tilespmem:s1], [sflag:$0x1], $0x80, v33, vm0, $0xb8;
	[tilespmem:$0xC480] =	vst v63  }
0x8f: {  	_ = 	snop  }
0x90: {  	[hbm4b:s4+s3] =	stream.indirect_vreg.scatter [tilespmem:s18], [sflag:$0x1], $0x80, v32, vm0, $0xb8;
	[tilespmem:$0xC480] =	vst v63  }
0x91: {  	_ = 	snop  }
0x92: {  	[hbm4b:s13+s3] =	stream.indirect_vreg.scatter [tilespmem:s19], [sflag:$0x1], $0x80, v32, vm0, $0xb8;
	[tilespmem:$0xC480] =	vst v63  }
0x93: {  	_ = 	snop  }
0x94: {  	[hbm4b:s14+s3] =	stream.indirect_vreg.scatter [tilespmem:s20], [sflag:$0x1], $0x80, v32, vm0, $0xb8;
	[tilespmem:$0xC480] =	vst v63  }
0x95: {  	v32 =	vld [tilespmem:$0x320];
	_ =	sdelay $0x4  }
0x96: {  	v58 =	vshrl.u32 v32, $0x3  }
0x97: {  	v33 =	vmul.u32 $0x30, v58  }
0x98: {  	v32 =	vand.u32 $0x7, v32  }
0x99: {  	v32 =	vor.u32 v32, v33  }
0x9a: {  	v33 =	vperm.xlane v32, v6;
	_ =	sdelay $0x1  }
0x9b: {  	v33 =	vadd.s32 v7, v33;
	_ =	sdelay $0x3  }
0x9c: {  	v32 =	vperm.xlane v32, v8  }
0x9d: {  	[hbm4b:s4+s3] =	stream.indirect_vreg.scatter [tilespmem:s21], [sflag:$0x1], $0x80, v33, vm0, $0xb8;
	[tilespmem:$0xC480] =	vst v63  }
0x9e: {  	v32 =	vadd.s32 v7, v32  }
0x9f: {  	[hbm4b:s13+s3] =	stream.indirect_vreg.scatter [tilespmem:s22], [sflag:$0x1], $0x80, v33, vm0, $0xb8;
	[tilespmem:$0xC480] =	vst v63  }
0xa0: {  	_ = 	snop  }
0xa1: {  	[hbm4b:s14+s3] =	stream.indirect_vreg.scatter [tilespmem:s23], [sflag:$0x1], $0x80, v33, vm0, $0xb8;
	[tilespmem:$0xC480] =	vst v63  }
0xa2: {  	_ = 	snop  }
0xa3: {  	[hbm4b:s4+s3] =	stream.indirect_vreg.scatter [tilespmem:s6], [sflag:$0x1], $0x80, v32, vm0, $0xb8;
	[tilespmem:$0xC480] =	vst v63  }
0xa4: {  	_ = 	snop  }
0xa5: {  	[hbm4b:s13+s3] =	stream.indirect_vreg.scatter [tilespmem:s7], [sflag:$0x1], $0x80, v32, vm0, $0xb8;
	[tilespmem:$0xC480] =	vst v63  }
0xa6: {  	_ = 	snop  }
0xa7: {  	[hbm4b:s14+s3] =	stream.indirect_vreg.scatter [tilespmem:s8], [sflag:$0x1], $0x80, v32, vm0, $0xb8;
	[tilespmem:$0xC480] =	vst v63  }
0xa8: {  	v32 =	vld [tilespmem:$0x330];
	_ =	sdelay $0x4  }
0xa9: {  	v59 =	vshrl.u32 v32, $0x3  }
0xaa: {  	v33 =	vmul.u32 $0x30, v59  }
0xab: {  	v32 =	vand.u32 $0x7, v32  }
0xac: {  	v32 =	vor.u32 v32, v33  }
0xad: {  	v33 =	vperm.xlane v32, v6;
	_ =	sdelay $0x1  }
0xae: {  	v33 =	vadd.s32 v7, v33;
	_ =	sdelay $0x3  }
0xaf: {  	v32 =	vperm.xlane v32, v8  }
0xb0: {  	[hbm4b:s4+s3] =	stream.indirect_vreg.scatter [tilespmem:s9], [sflag:$0x1], $0x80, v33, vm0, $0xb8;
	[tilespmem:$0xC480] =	vst v63  }
0xb1: {  	v32 =	vadd.s32 v7, v32  }
0xb2: {  	[hbm4b:s13+s3] =	stream.indirect_vreg.scatter [tilespmem:s10], [sflag:$0x1], $0x80, v33, vm0, $0xb8;
	[tilespmem:$0xC480] =	vst v63  }
0xb3: {  	_ = 	snop  }
0xb4: {  	[hbm4b:s14+s3] =	stream.indirect_vreg.scatter [tilespmem:s11], [sflag:$0x1], $0x80, v33, vm0, $0xb8;
	[tilespmem:$0xC480] =	vst v63  }
0xb5: {  	_ = 	snop  }
0xb6: {  	[hbm4b:s4+s3] =	stream.indirect_vreg.scatter [tilespmem:s12], [sflag:$0x1], $0x80, v32, vm0, $0xb8;
	[tilespmem:$0xC480] =	vst v63  }
0xb7: {  	_ = 	snop  }
0xb8: {  	[hbm4b:s13+s3] =	stream.indirect_vreg.scatter [tilespmem:s24], [sflag:$0x1], $0x80, v32, vm0, $0xb8;
	[tilespmem:$0xC480] =	vst v63  }
0xb9: {  	_ = 	snop  }
0xba: {  	[hbm4b:s14+s3] =	stream.indirect_vreg.scatter [tilespmem:s26], [sflag:$0x1], $0x80, v32, vm0, $0xb8;
	[tilespmem:$0xC480] =	vst v63  }
0xbb: {  	v32 =	vld [tilespmem:$0x380];
	_ =	sdelay $0x4  }
0xbc: {  	v60 =	vshrl.u32 v32, $0x3  }
0xbd: {  	v33 =	vmul.u32 $0x30, v60  }
0xbe: {  	v32 =	vand.u32 $0x7, v32  }
0xbf: {  	v32 =	vor.u32 v32, v33  }
0xc0: {  	v33 =	vperm.xlane v32, v6;
	_ =	sdelay $0x1  }
0xc1: {  	v33 =	vadd.s32 v7, v33;
	_ =	sdelay $0x3  }
0xc2: {  	v32 =	vperm.xlane v32, v8  }
0xc3: {  	[hbm4b:s4+s3] =	stream.indirect_vreg.scatter [tilespmem:s25], [sflag:$0x2], $0x80, v33, vm0, $0xb8;
	[tilespmem:$0xC480] =	vst v63  }
0xc4: {  	v32 =	vadd.s32 v7, v32  }
0xc5: {  	[hbm4b:s13+s3] =	stream.indirect_vreg.scatter [tilespmem:s28], [sflag:$0x2], $0x80, v33, vm0, $0xb8;
	[tilespmem:$0xC480] =	vst v63  }
0xc6: {  	_ = 	snop  }
0xc7: {  	[hbm4b:s14+s3] =	stream.indirect_vreg.scatter [tilespmem:s29], [sflag:$0x2], $0x80, v33, vm0, $0xb8;
	[tilespmem:$0xC480] =	vst v63  }
0xc8: {  	_ = 	snop  }
0xc9: {  	[hbm4b:s4+s3] =	stream.indirect_vreg.scatter [tilespmem:s30], [sflag:$0x2], $0x80, v32, vm0, $0xb8;
	[tilespmem:$0xC480] =	vst v63  }
0xca: {  	_ = 	snop  }
0xcb: {  	[hbm4b:s13+s3] =	stream.indirect_vreg.scatter [tilespmem:s31], [sflag:$0x2], $0x80, v32, vm0, $0xb8;
	[tilespmem:$0xC480] =	vst v63  }
0xcc: {  	_ = 	snop  }
0xcd: {  	[hbm4b:s14+s3] =	stream.indirect_vreg.scatter [tilespmem:s0], [sflag:$0x2], $0x80, v32, vm0, $0xb8;
	[tilespmem:$0xC480] =	vst v63  }
0xce: {  	v32 =	vld [tilespmem:$0x390];
	_ =	sdelay $0x4  }
0xcf: {  	v61 =	vshrl.u32 v32, $0x3  }
0xd0: {  	v33 =	vmul.u32 $0x30, v61  }
0xd1: {  	v32 =	vand.u32 $0x7, v32  }
0xd2: {  	v32 =	vor.u32 v32, v33  }
0xd3: {  	v33 =	vperm.xlane v32, v6;
	_ =	sdelay $0x1  }
0xd4: {  	v33 =	vadd.s32 v7, v33;
	_ =	sdelay $0x3  }
0xd5: {  	v32 =	vperm.xlane v32, v8  }
0xd6: {  	[hbm4b:s4+s3] =	stream.indirect_vreg.scatter [tilespmem:s2], [sflag:$0x2], $0x80, v33, vm0, $0xb8;
	[tilespmem:$0xC480] =	vst v63  }
0xd7: {  	v32 =	vadd.s32 v7, v32  }
0xd8: {  	[hbm4b:s13+s3] =	stream.indirect_vreg.scatter [tilespmem:s5], [sflag:$0x2], $0x80, v33, vm0, $0xb8;
	[tilespmem:$0xC480] =	vst v63  }
0xd9: {  	_ = 	snop  }
0xda: {  	[hbm4b:s14+s3] =	stream.indirect_vreg.scatter [tilespmem:s1], [sflag:$0x2], $0x80, v33, vm0, $0xb8;
	[tilespmem:$0xC480] =	vst v63  }
0xdb: {  	_ = 	snop  }
0xdc: {  	[hbm4b:s4+s3] =	stream.indirect_vreg.scatter [tilespmem:s18], [sflag:$0x2], $0x80, v32, vm0, $0xb8;
	[tilespmem:$0xC480] =	vst v63  }
0xdd: {  	_ = 	snop  }
0xde: {  	[hbm4b:s13+s3] =	stream.indirect_vreg.scatter [tilespmem:s19], [sflag:$0x2], $0x80, v32, vm0, $0xb8;
	[tilespmem:$0xC480] =	vst v63  }
0xdf: {  	_ = 	snop  }
0xe0: {  	[hbm4b:s14+s3] =	stream.indirect_vreg.scatter [tilespmem:s20], [sflag:$0x2], $0x80, v32, vm0, $0xb8;
	[tilespmem:$0xC480] =	vst v63  }
0xe1: {  	v32 =	vld [tilespmem:$0x3A0];
	_ =	sdelay $0x4  }
0xe2: {  	v62 =	vshrl.u32 v32, $0x3  }
0xe3: {  	v33 =	vmul.u32 $0x30, v62  }
0xe4: {  	v32 =	vand.u32 $0x7, v32  }
0xe5: {  	v32 =	vor.u32 v32, v33  }
0xe6: {  	v33 =	vperm.xlane v32, v6;
	_ =	sdelay $0x1  }
0xe7: {  	v33 =	vadd.s32 v7, v33;
	_ =	sdelay $0x3  }
0xe8: {  	v32 =	vperm.xlane v32, v8  }
0xe9: {  	[hbm4b:s4+s3] =	stream.indirect_vreg.scatter [tilespmem:s21], [sflag:$0x2], $0x80, v33, vm0, $0xb8;
	[tilespmem:$0xC480] =	vst v63  }
0xea: {  	v32 =	vadd.s32 v7, v32  }
0xeb: {  	[hbm4b:s13+s3] =	stream.indirect_vreg.scatter [tilespmem:s22], [sflag:$0x2], $0x80, v33, vm0, $0xb8;
	[tilespmem:$0xC480] =	vst v63  }
0xec: {  	_ = 	snop  }
0xed: {  	[hbm4b:s14+s3] =	stream.indirect_vreg.scatter [tilespmem:s23], [sflag:$0x2], $0x80, v33, vm0, $0xb8;
	[tilespmem:$0xC480] =	vst v63  }
0xee: {  	_ = 	snop  }
0xef: {  	[hbm4b:s4+s3] =	stream.indirect_vreg.scatter [tilespmem:s6], [sflag:$0x2], $0x80, v32, vm0, $0xb8;
	[tilespmem:$0xC480] =	vst v63  }
0xf0: {  	_ = 	snop  }
0xf1: {  	[hbm4b:s13+s3] =	stream.indirect_vreg.scatter [tilespmem:s7], [sflag:$0x2], $0x80, v32, vm0, $0xb8;
	[tilespmem:$0xC480] =	vst v63  }
0xf2: {  	_ = 	snop  }
0xf3: {  	[hbm4b:s14+s3] =	stream.indirect_vreg.scatter [tilespmem:s8], [sflag:$0x2], $0x80, v32, vm0, $0xb8;
	[tilespmem:$0xC480] =	vst v63  }
0xf4: {  	v32 =	vld [tilespmem:$0x3B0];
	_ =	sdelay $0x4  }
0xf5: {  	v63 =	vshrl.u32 v32, $0x3  }
0xf6: {  	v33 =	vmul.u32 $0x30, v63  }
0xf7: {  	v32 =	vand.u32 $0x7, v32  }
0xf8: {  	v32 =	vor.u32 v32, v33  }
0xf9: {  	v33 =	vperm.xlane v32, v6;
	_ =	sdelay $0x1  }
0xfa: {  	v33 =	vadd.s32 v7, v33;
	_ =	sdelay $0x3  }
0xfb: {  	v32 =	vperm.xlane v32, v8  }
0xfc: {  	[hbm4b:s4+s3] =	stream.indirect_vreg.scatter [tilespmem:s9], [sflag:$0x2], $0x80, v33, vm0, $0xb8;
	[tilespmem:$0xC480] =	vst v63  }
0xfd: {  	v32 =	vadd.s32 v7, v32  }
0xfe: {  	[hbm4b:s13+s3] =	stream.indirect_vreg.scatter [tilespmem:s10], [sflag:$0x2], $0x80, v33, vm0, $0xb8;
	[tilespmem:$0xC480] =	vst v63  }
0xff: {  	_ = 	snop  }
0x100: {  	[hbm4b:s14+s3] =	stream.indirect_vreg.scatter [tilespmem:s11], [sflag:$0x2], $0x80, v33, vm0, $0xb8;
	[tilespmem:$0xC480] =	vst v63  }
0x101: {  	_ = 	snop  }
0x102: {  	[hbm4b:s4+s3] =	stream.indirect_vreg.scatter [tilespmem:s12], [sflag:$0x2], $0x80, v32, vm0, $0xb8;
	[tilespmem:$0xC480] =	vst v63  }
.Ltmp2:
0x103: {  	_ = 	snop;
	(pc) =	sbr.rel @p0 .LBB2_3-.Ltmp2, $4  }
0x104: {  	_ = 	snop  }
0x105: {  	[hbm4b:s13+s3] =	stream.indirect_vreg.scatter [tilespmem:s24], [sflag:$0x2], $0x80, v32, vm0, $0xb8;
	[tilespmem:$0xC480] =	vst v63  }
0x106: {  	_ = 	snop  }
0x107: {  	[hbm4b:s14+s3] =	stream.indirect_vreg.scatter [tilespmem:s26], [sflag:$0x2], $0x80, v32, vm0, $0xb8;
	[tilespmem:$0xC480] =	vst v63  }
0x108: {  	_ =	sdelay $0x2  }
0x109: {  	v32 =	vld.msk [tilespmem:s17+$0x0], $0xffff  }
0x10a: {  	v33 =	vld.idx.msk [tilespmem:v9+s17+$0x0], $0xffff  }
0x10b: {  	v34 =	vld.idx.msk [tilespmem:v12+s17+$0x0], $0xffff  }
0x10c: {  	v35 =	vld.idx.msk [tilespmem:v13+s17+$0x0], $0xffff  }
0x10d: {  	v36 =	vld.idx.msk [tilespmem:v14+s17+$0x0], $0xffff  }
0x10e: {  	v37 =	vld.idx.msk [tilespmem:v15+s17+$0x0], $0xffff  }
0x10f: {  	v52 =	vld.idx.msk [tilespmem:v16+s17+$0x0], $0xffff;
	vm4 =	vgt.s32 v32, v5;
	vm5 =	vlt.s32 v33, v10  }
0x110: {  	v53 =	vld.idx.msk [tilespmem:v17+s17+$0x0], $0xffff;
	v33 =	vsel vm5, $0x1, v11;
	vm5 =	vlt.s32 v34, v10;
	v38 =	vsel vm4, $0xFFFFFFFF, v11  }
0x111: {  	v54 =	vld.idx.msk [tilespmem:v18+s17+$0x0], $0xffff;
	vm4 =	vlt.s32 v35, v10;
	v39 =	vsel vm5, $0x1, v11;
	v33 =	vadd.s32 v33, v38  }
0x112: {  	v56 =	vld.idx.msk [tilespmem:v19+s17+$0x0], $0xffff;
	v55 =	vsel vm4, $0x1, v11;
	vm4 =	vlt.s32 v36, v10;
	v33 =	vadd.s32 v39, v33  }
0x113: {  	v58 =	vld.idx.msk [tilespmem:v20+s17+$0x0], $0xffff;
	v57 =	vsel vm4, $0x1, v11;
	vm4 =	vlt.s32 v37, v10;
	v33 =	vadd.s32 v55, v33  }
0x114: {  	v60 =	vld.idx.msk [tilespmem:v21+s17+$0x0], $0xffff;
	v59 =	vsel vm4, $0x1, v11;
	vm4 =	vlt.s32 v52, v10;
	v33 =	vadd.s32 v57, v33  }
0x115: {  	v62 =	vld.idx.msk [tilespmem:v22+s17+$0x0], $0xffff;
	v61 =	vsel vm4, $0x1, v11;
	vm4 =	vlt.s32 v53, v10;
	v33 =	vadd.s32 v59, v33  }
0x116: {  	v42 =	vld.idx.msk [tilespmem:v23+s17+$0x0], $0xffff;
	v63 =	vsel vm4, $0x1, v11;
	vm4 =	vlt.s32 v54, v10;
	v33 =	vadd.s32 v61, v33  }
0x117: {  	v44 =	vld.idx.msk [tilespmem:v24+s17+$0x0], $0xffff;
	v43 =	vsel vm4, $0x1, v11;
	vm4 =	vlt.s32 v56, v10;
	v33 =	vadd.s32 v63, v33  }
0x118: {  	v46 =	vld.idx.msk [tilespmem:v25+s17+$0x0], $0xffff;
	v45 =	vsel vm4, $0x1, v11;
	vm4 =	vlt.s32 v58, v10;
	v33 =	vadd.s32 v43, v33  }
0x119: {  	v47 =	vsel vm4, $0x1, v11;
	vm4 =	vlt.s32 v60, v10;
	v48 =	vadd.s32 v45, v33  }
0x11a: {  	v49 =	vsel vm4, $0x1, v11;
	vm4 =	vlt.s32 v62, v10;
	v32 =	vadd.s32 v47, v48  }
0x11b: {  	v34 =	vsel vm4, $0x1, v11;
	vm4 =	vlt.s32 v42, v10;
	v32 =	vadd.s32 v49, v32  }
0x11c: {  	v50 =	vsel vm4, $0x1, v11;
	vm4 =	vlt.s32 v44, v10;
	v32 =	vadd.s32 v34, v32  }
0x11d: {  	v51 =	vsel vm4, $0x1, v11;
	vm4 =	vlt.s32 v46, v10;
	v32 =	vadd.s32 v50, v32  }
0x11e: {  	v52 =	vsel vm4, $0x1, v11;
	v32 =	vadd.s32 v51, v32  }
0x11f: {  	v32 =	vadd.s32 v52, v32  }
0x120: {  	[tilespmem:$0xC400] =	vst v32  }
0x121: {  	v32 =	vld.msk [tilespmem:s17+$0x0], $0xffff  }
0x122: {  	v53 =	vld.idx.msk [tilespmem:v9+s17+$0x0], $0xffff  }
0x123: {  	v54 =	vld.idx.msk [tilespmem:v12+s17+$0x0], $0xffff  }
0x124: {  	v55 =	vld.idx.msk [tilespmem:v13+s17+$0x0], $0xffff  }
0x125: {  	v56 =	vld.idx.msk [tilespmem:v14+s17+$0x0], $0xffff  }
0x126: {  	v57 =	vld.idx.msk [tilespmem:v15+s17+$0x0], $0xffff  }
0x127: {  	v58 =	vld.idx.msk [tilespmem:v16+s17+$0x0], $0xffff;
	vm4 =	vgt.s32 v32, v26;
	vm5 =	vlt.s32 v53, v27  }
0x128: {  	v59 =	vld.idx.msk [tilespmem:v17+s17+$0x0], $0xffff;
	v33 =	vsel vm5, $0x1, v11;
	vm5 =	vlt.s32 v54, v27;
	v60 =	vsel vm4, $0xFFFFFFFF, v11  }
0x129: {  	v62 =	vld.idx.msk [tilespmem:v18+s17+$0x0], $0xffff;
	vm4 =	vlt.s32 v55, v27;
	v61 =	vsel vm5, $0x1, v11;
	v33 =	vadd.s32 v33, v60  }
0x12a: {  	v42 =	vld.idx.msk [tilespmem:v19+s17+$0x0], $0xffff;
	v63 =	vsel vm4, $0x1, v11;
	vm4 =	vlt.s32 v56, v27;
	v33 =	vadd.s32 v61, v33  }
0x12b: {  	v44 =	vld.idx.msk [tilespmem:v20+s17+$0x0], $0xffff;
	v43 =	vsel vm4, $0x1, v11;
	vm4 =	vlt.s32 v57, v27;
	v33 =	vadd.s32 v63, v33  }
0x12c: {  	v46 =	vld.idx.msk [tilespmem:v21+s17+$0x0], $0xffff;
	v45 =	vsel vm4, $0x1, v11;
	vm4 =	vlt.s32 v58, v27;
	v33 =	vadd.s32 v43, v33  }
0x12d: {  	v48 =	vld.idx.msk [tilespmem:v22+s17+$0x0], $0xffff;
	v47 =	vsel vm4, $0x1, v11;
	vm4 =	vlt.s32 v59, v27;
	v33 =	vadd.s32 v45, v33  }
0x12e: {  	v50 =	vld.idx.msk [tilespmem:v23+s17+$0x0], $0xffff;
	v49 =	vsel vm4, $0x1, v11;
	vm4 =	vlt.s32 v62, v27;
	v33 =	vadd.s32 v47, v33  }
0x12f: {  	v52 =	vld.idx.msk [tilespmem:v24+s17+$0x0], $0xffff;
	v51 =	vsel vm4, $0x1, v11;
	vm4 =	vlt.s32 v42, v27;
	v33 =	vadd.s32 v49, v33  }
0x130: {  	v54 =	vld.idx.msk [tilespmem:v25+s17+$0x0], $0xffff;
	v53 =	vsel vm4, $0x1, v11;
	vm4 =	vlt.s32 v44, v27;
	v33 =	vadd.s32 v51, v33  }
0x131: {  	v55 =	vsel vm4, $0x1, v11;
	vm4 =	vlt.s32 v46, v27;
	v56 =	vadd.s32 v53, v33  }
0x132: {  	v57 =	vsel vm4, $0x1, v11;
	vm4 =	vlt.s32 v48, v27;
	v32 =	vadd.s32 v55, v56  }
0x133: {  	v34 =	vsel vm4, $0x1, v11;
	vm4 =	vlt.s32 v50, v27;
	v32 =	vadd.s32 v57, v32  }
0x134: {  	v58 =	vsel vm4, $0x1, v11;
	vm4 =	vlt.s32 v52, v27;
	v32 =	vadd.s32 v34, v32  }
0x135: {  	v59 =	vsel vm4, $0x1, v11;
	vm4 =	vlt.s32 v54, v27;
	v32 =	vadd.s32 v58, v32  }
0x136: {  	v60 =	vsel vm4, $0x1, v11;
	v32 =	vadd.s32 v59, v32  }
0x137: {  	v32 =	vadd.s32 v60, v32  }
0x138: {  	[tilespmem:$0xC410] =	vst v32  }
0x139: {  	v32 =	vld.msk [tilespmem:s17+$0x0], $0xffff  }
0x13a: {  	v61 =	vld.idx.msk [tilespmem:v9+s17+$0x0], $0xffff  }
0x13b: {  	v62 =	vld.idx.msk [tilespmem:v12+s17+$0x0], $0xffff  }
0x13c: {  	v63 =	vld.idx.msk [tilespmem:v13+s17+$0x0], $0xffff  }
0x13d: {  	v42 =	vld.idx.msk [tilespmem:v14+s17+$0x0], $0xffff  }
0x13e: {  	v43 =	vld.idx.msk [tilespmem:v15+s17+$0x0], $0xffff  }
0x13f: {  	v44 =	vld.idx.msk [tilespmem:v16+s17+$0x0], $0xffff;
	vm4 =	vgt.s32 v32, v28;
	vm5 =	vlt.s32 v61, v29  }
0x140: {  	v45 =	vld.idx.msk [tilespmem:v17+s17+$0x0], $0xffff;
	v33 =	vsel vm5, $0x1, v11;
	vm5 =	vlt.s32 v62, v29;
	v46 =	vsel vm4, $0xFFFFFFFF, v11  }
0x141: {  	v48 =	vld.idx.msk [tilespmem:v18+s17+$0x0], $0xffff;
	vm4 =	vlt.s32 v63, v29;
	v47 =	vsel vm5, $0x1, v11;
	v33 =	vadd.s32 v33, v46  }
0x142: {  	v50 =	vld.idx.msk [tilespmem:v19+s17+$0x0], $0xffff;
	v49 =	vsel vm4, $0x1, v11;
	vm4 =	vlt.s32 v42, v29;
	v33 =	vadd.s32 v47, v33  }
0x143: {  	v52 =	vld.idx.msk [tilespmem:v20+s17+$0x0], $0xffff;
	v51 =	vsel vm4, $0x1, v11;
	vm4 =	vlt.s32 v43, v29;
	v33 =	vadd.s32 v49, v33  }
0x144: {  	v54 =	vld.idx.msk [tilespmem:v21+s17+$0x0], $0xffff;
	v53 =	vsel vm4, $0x1, v11;
	vm4 =	vlt.s32 v44, v29;
	v33 =	vadd.s32 v51, v33  }
0x145: {  	v56 =	vld.idx.msk [tilespmem:v22+s17+$0x0], $0xffff;
	v55 =	vsel vm4, $0x1, v11;
	vm4 =	vlt.s32 v45, v29;
	v33 =	vadd.s32 v53, v33  }
0x146: {  	v58 =	vld.idx.msk [tilespmem:v23+s17+$0x0], $0xffff;
	v57 =	vsel vm4, $0x1, v11;
	vm4 =	vlt.s32 v48, v29;
	v33 =	vadd.s32 v55, v33  }
0x147: {  	v60 =	vld.idx.msk [tilespmem:v24+s17+$0x0], $0xffff;
	v59 =	vsel vm4, $0x1, v11;
	vm4 =	vlt.s32 v50, v29;
	v33 =	vadd.s32 v57, v33  }
0x148: {  	v62 =	vld.idx.msk [tilespmem:v25+s17+$0x0], $0xffff;
	v61 =	vsel vm4, $0x1, v11;
	vm4 =	vlt.s32 v52, v29;
	v33 =	vadd.s32 v59, v33  }
0x149: {  	v63 =	vsel vm4, $0x1, v11;
	vm4 =	vlt.s32 v54, v29;
	v42 =	vadd.s32 v61, v33  }
0x14a: {  	v43 =	vsel vm4, $0x1, v11;
	vm4 =	vlt.s32 v56, v29;
	v32 =	vadd.s32 v63, v42  }
0x14b: {  	v34 =	vsel vm4, $0x1, v11;
	vm4 =	vlt.s32 v58, v29;
	v32 =	vadd.s32 v43, v32  }
0x14c: {  	v44 =	vsel vm4, $0x1, v11;
	vm4 =	vlt.s32 v60, v29;
	v32 =	vadd.s32 v34, v32  }
0x14d: {  	v45 =	vsel vm4, $0x1, v11;
	vm4 =	vlt.s32 v62, v29;
	v32 =	vadd.s32 v44, v32  }
0x14e: {  	v46 =	vsel vm4, $0x1, v11;
	v32 =	vadd.s32 v45, v32  }
0x14f: {  	v32 =	vadd.s32 v46, v32  }
0x150: {  	[tilespmem:$0xC420] =	vst v32  }
0x151: {  	v32 =	vld.msk [tilespmem:s17+$0x0], $0xffff  }
0x152: {  	v47 =	vld.idx.msk [tilespmem:v9+s17+$0x0], $0xffff  }
0x153: {  	v48 =	vld.idx.msk [tilespmem:v12+s17+$0x0], $0xffff  }
0x154: {  	v49 =	vld.idx.msk [tilespmem:v13+s17+$0x0], $0xffff  }
0x155: {  	v50 =	vld.idx.msk [tilespmem:v14+s17+$0x0], $0xffff  }
0x156: {  	v51 =	vld.idx.msk [tilespmem:v15+s17+$0x0], $0xffff  }
0x157: {  	v52 =	vld.idx.msk [tilespmem:v16+s17+$0x0], $0xffff;
	vm4 =	vgt.s32 v32, v30;
	vm5 =	vlt.s32 v47, v31  }
0x158: {  	v53 =	vld.idx.msk [tilespmem:v17+s17+$0x0], $0xffff;
	v33 =	vsel vm5, $0x1, v11;
	vm5 =	vlt.s32 v48, v31;
	v54 =	vsel vm4, $0xFFFFFFFF, v11  }
0x159: {  	v56 =	vld.idx.msk [tilespmem:v18+s17+$0x0], $0xffff;
	vm4 =	vlt.s32 v49, v31;
	v55 =	vsel vm5, $0x1, v11;
	v33 =	vadd.s32 v33, v54  }
0x15a: {  	v58 =	vld.idx.msk [tilespmem:v19+s17+$0x0], $0xffff;
	v57 =	vsel vm4, $0x1, v11;
	vm4 =	vlt.s32 v50, v31;
	v33 =	vadd.s32 v55, v33  }
0x15b: {  	v60 =	vld.idx.msk [tilespmem:v20+s17+$0x0], $0xffff;
	v59 =	vsel vm4, $0x1, v11;
	vm4 =	vlt.s32 v51, v31;
	v33 =	vadd.s32 v57, v33  }
0x15c: {  	v62 =	vld.idx.msk [tilespmem:v21+s17+$0x0], $0xffff;
	v61 =	vsel vm4, $0x1, v11;
	vm4 =	vlt.s32 v52, v31;
	v33 =	vadd.s32 v59, v33  }
0x15d: {  	v42 =	vld.idx.msk [tilespmem:v22+s17+$0x0], $0xffff;
	v63 =	vsel vm4, $0x1, v11;
	vm4 =	vlt.s32 v53, v31;
	v33 =	vadd.s32 v61, v33  }
0x15e: {  	v44 =	vld.idx.msk [tilespmem:v23+s17+$0x0], $0xffff;
	v43 =	vsel vm4, $0x1, v11;
	vm4 =	vlt.s32 v56, v31;
	v33 =	vadd.s32 v63, v33  }
0x15f: {  	v46 =	vld.idx.msk [tilespmem:v24+s17+$0x0], $0xffff;
	v45 =	vsel vm4, $0x1, v11;
	vm4 =	vlt.s32 v58, v31;
	v33 =	vadd.s32 v43, v33  }
0x160: {  	v48 =	vld.idx.msk [tilespmem:v25+s17+$0x0], $0xffff;
	v47 =	vsel vm4, $0x1, v11;
	vm4 =	vlt.s32 v60, v31;
	v33 =	vadd.s32 v45, v33  }
0x161: {  	v49 =	vsel vm4, $0x1, v11;
	vm4 =	vlt.s32 v62, v31;
	v50 =	vadd.s32 v47, v33  }
0x162: {  	v51 =	vsel vm4, $0x1, v11;
	vm4 =	vlt.s32 v42, v31;
	v32 =	vadd.s32 v49, v50  }
0x163: {  	v34 =	vsel vm4, $0x1, v11;
	vm4 =	vlt.s32 v44, v31;
	v32 =	vadd.s32 v51, v32  }
0x164: {  	v52 =	vsel vm4, $0x1, v11;
	vm4 =	vlt.s32 v46, v31;
	v32 =	vadd.s32 v34, v32  }
0x165: {  	v53 =	vsel vm4, $0x1, v11;
	vm4 =	vlt.s32 v48, v31;
	v32 =	vadd.s32 v52, v32  }
0x166: {  	v54 =	vsel vm4, $0x1, v11;
	v32 =	vadd.s32 v53, v32  }
0x167: {  	v32 =	vadd.s32 v54, v32  }
0x168: {  	[tilespmem:$0xC430] =	vst v32  }
0x169: {  	v32 =	vld.msk [tilespmem:s17+$0x0], $0xffff  }
0x16a: {  	v55 =	vld.idx.msk [tilespmem:v9+s17+$0x0], $0xffff  }
0x16b: {  	v56 =	vld.idx.msk [tilespmem:v12+s17+$0x0], $0xffff  }
0x16c: {  	v57 =	vld.idx.msk [tilespmem:v13+s17+$0x0], $0xffff  }
0x16d: {  	v58 =	vld.idx.msk [tilespmem:v14+s17+$0x0], $0xffff  }
0x16e: {  	v38 =	vor.u32 $0x1001, v5;
	v59 =	vor.u32 $0x1000, v5;
	v60 =	vld.idx.msk [tilespmem:v15+s17+$0x0], $0xffff  }
0x16f: {  	v61 =	vld.idx.msk [tilespmem:v16+s17+$0x0], $0xffff;
	vm4 =	vgt.s32 v32, v59;
	vm5 =	vlt.s32 v55, v38  }
0x170: {  	v62 =	vld.idx.msk [tilespmem:v17+s17+$0x0], $0xffff;
	v33 =	vsel vm5, $0x1, v11;
	vm5 =	vlt.s32 v56, v38;
	v37 =	vsel vm4, $0xFFFFFFFF, v11  }
0x171: {  	v63 =	vld.idx.msk [tilespmem:v18+s17+$0x0], $0xffff;
	vm4 =	vlt.s32 v57, v38;
	v40 =	vsel vm5, $0x1, v11;
	v33 =	vadd.s32 v33, v37  }
0x172: {  	v45 =	vld.idx.msk [tilespmem:v19+s17+$0x0], $0xffff;
	v44 =	vsel vm4, $0x1, v11;
	vm4 =	vlt.s32 v58, v38;
	v33 =	vadd.s32 v40, v33  }
0x173: {  	v47 =	vld.idx.msk [tilespmem:v20+s17+$0x0], $0xffff;
	v46 =	vsel vm4, $0x1, v11;
	vm4 =	vlt.s32 v60, v38;
	v33 =	vadd.s32 v44, v33  }
0x174: {  	v49 =	vld.idx.msk [tilespmem:v21+s17+$0x0], $0xffff;
	v48 =	vsel vm4, $0x1, v11;
	vm4 =	vlt.s32 v61, v38;
	v33 =	vadd.s32 v46, v33  }
0x175: {  	v51 =	vld.idx.msk [tilespmem:v22+s17+$0x0], $0xffff;
	v50 =	vsel vm4, $0x1, v11;
	vm4 =	vlt.s32 v62, v38;
	v33 =	vadd.s32 v48, v33  }
0x176: {  	v53 =	vld.idx.msk [tilespmem:v23+s17+$0x0], $0xffff;
	v52 =	vsel vm4, $0x1, v11;
	vm4 =	vlt.s32 v63, v38;
	v33 =	vadd.s32 v50, v33  }
0x177: {  	v55 =	vld.idx.msk [tilespmem:v24+s17+$0x0], $0xffff;
	v54 =	vsel vm4, $0x1, v11;
	vm4 =	vlt.s32 v45, v38;
	v33 =	vadd.s32 v52, v33  }
0x178: {  	v57 =	vld.idx.msk [tilespmem:v25+s17+$0x0], $0xffff;
	v56 =	vsel vm4, $0x1, v11;
	vm4 =	vlt.s32 v47, v38;
	v33 =	vadd.s32 v54, v33  }
0x179: {  	v58 =	vsel vm4, $0x1, v11;
	vm4 =	vlt.s32 v49, v38;
	v59 =	vadd.s32 v56, v33  }
0x17a: {  	v60 =	vsel vm4, $0x1, v11;
	vm4 =	vlt.s32 v51, v38;
	v32 =	vadd.s32 v58, v59  }
0x17b: {  	v34 =	vsel vm4, $0x1, v11;
	vm4 =	vlt.s32 v53, v38;
	v32 =	vadd.s32 v60, v32  }
0x17c: {  	v61 =	vsel vm4, $0x1, v11;
	vm4 =	vlt.s32 v55, v38;
	v32 =	vadd.s32 v34, v32  }
0x17d: {  	v62 =	vsel vm4, $0x1, v11;
	vm4 =	vlt.s32 v57, v38;
	v32 =	vadd.s32 v61, v32  }
0x17e: {  	v63 =	vsel vm4, $0x1, v11;
	v32 =	vadd.s32 v62, v32  }
0x17f: {  	v32 =	vadd.s32 v63, v32  }
.Ltmp3:
0x180: {  	s28 =	rddreg [dreg:$0x4];
	s0 =	simm.s32 $0xC400;
	[tilespmem:$0xC440] =	vst v32;
	(pc) =	sbr.rel .LBB2_3-.Ltmp3, $4  }
0x181: {  	[hbm4b:s28+s3] =	stream.linear.scatter [tilespmem:s0], [sflag:$0x3], $0x80, $0x38;
	[tilespmem:$0xC480] =	vst v63  }
0x182: {  	_ =	swait.ge [sflag:s16], $0x80  }
0x183: {  	[sflag:s16] =	ssyncset.done $0x0  }
0x184: {  	[sflag:s16] =	ssyncadd.s32 $0xFFFFFF80  }
.LBB2_4:
0x185: {  	_ =	sfence.sel $0x180000  }
0x186: {  	[bflag:$0x0] =	sbarrier.arrive $0xFFFF  }
0x187: {  	_ =	strace $0x90000047  }
0x188: {  	s0 =	stileid.u32;
	[bflag:$0x2] =	sbarrier.arrive $0xFFFF  }
0x189: {  	p0 =	sne.s32 s0, $0x0;
	s0 =	rddreg [dreg:$0x3]  }
0x18a: {  	s0 =	sadd.s32 @!p0 $0x100000, s0  }
0x18b: {  	[sflag:s0] =	ssyncadd.tile.s32 @!p0 $0x1;
	_ =	shalt  }
.Lfunc_end2:
_tile_overlayer_lowered:
.L_overlay_start_2:
0x18c: {  	(tag) =	ssettag $0x2  }
0x18d: {  	s0 =	rddreg [dreg:$0x0];
	s2 =	stileid.u32  }
0x18e: {  	s1 =	rddreg [dreg:$0x1];
	p0 =	sne.s32 s2, $0x0  }
0x18f: {  	s3 =	rddreg [dreg:$0x2];
	[bflag:$0x3] =	sbarrier.arrive $0xFFFF;
	s2 =	simm.s32 @!p0 $0x1C03  }
0x190: {  	[timem:s3], [sflag:s2] =	dma.local @!p0 [hbm:s0], s1  }
0x191: {  	s0 =	simm.s32 @!p0 $0x3  }
0x192: {  	_ =	swait.ge @!p0 [sflag:s0], s1  }
0x193: {  	s1 =	ssub.s32 @!p0 $0x0, s1;
	[sflag:s0] =	ssyncset.done @!p0 $0x0  }
0x194: {  	[sflag:s0] =	ssyncadd.s32 @!p0 s1  }
0x195: {  	[bflag:$0x3] =	sbarrier.arrive $0xFFFF  }
0x196: {  	_ =	shalt  }

</sc_bundles>
